<compile_context>
chip_gen: v7x
topology: tpu7x:2x2x1
jax: 0.10.2.dev20260603
libtpu: 0.0.44.dev20260713+nightly
codegen_flags: <defaults>
</compile_context>

<pallas_src>
import functools

import jax
import jax.numpy as jnp
from jax import lax
from jax.experimental import pallas as pl
from jax.experimental.pallas import tpu as pltpu
from jax.experimental.pallas import tpu_sc as plsc

D_MODEL = 32


@jax.jit
def _embed_impl(xt, wt):
    S, BT = xt.shape
    D, V = wt.shape
    info = plsc.get_sparse_core_info()
    NC = info.num_cores
    NW = NC * info.num_subcores
    NBT = BT // 128
    BTW = NBT // NW
    NFT = D // 8
    NH = 2 * S
    HB = 256

    NVB = V // 128
    VTAIL = V - NVB * 128
    NBW = NVB // NW
    NREM = NVB - NBW * NW

    mesh = plsc.VectorSubcoreMesh(core_axis_name="c", subcore_axis_name="s")

    @functools.partial(
        pl.kernel,
        mesh=mesh,
        out_type=jax.ShapeDtypeStruct((S, NBT, 128), jnp.int32),
        scratch_types=[pltpu.VMEM((8, 128), jnp.int32)],
        compiler_params=pltpu.CompilerParams(use_tc_tiling_on_sc=True),
    )
    def untile(xt_hbm, idx_hbm, tile_v):
        wid = lax.axis_index("s") * NC + lax.axis_index("c")
        for c in range(BTW):
            bt = wid * BTW + c
            for r in range((S + 7) // 8):
                h = min(8, S - r * 8)
                pltpu.sync_copy(
                    xt_hbm.at[pl.ds(r * 8, h), pl.ds(bt * 128, 128)],
                    tile_v.at[pl.ds(0, h)],
                )
                pltpu.sync_copy(
                    tile_v.at[pl.ds(0, h)],
                    idx_hbm.at[pl.ds(r * 8, h), bt],
                )

    @functools.partial(
        pl.kernel,
        mesh=mesh,
        out_type=jax.ShapeDtypeStruct((V * D,), jnp.float32),
        scratch_types=[
            pltpu.VMEM((D, 128), jnp.float32),
            pltpu.VMEM((D, 128), jnp.float32),
            pltpu.VMEM((128 * D,), jnp.float32),
            pltpu.VMEM((128 * D,), jnp.float32),
            pltpu.VMEM((D, VTAIL), jnp.float32),
            pltpu.SemaphoreType.DMA,
            pltpu.SemaphoreType.DMA,
            pltpu.SemaphoreType.DMA,
            pltpu.SemaphoreType.DMA,
        ],
        compiler_params=pltpu.CompilerParams(
            use_tc_tiling_on_sc=True, needs_layout_passes=False,
            disable_bounds_checks=True,
        ),
    )
    def retile(wt_hbm, wf_hbm, in0, in1, st0, st1, in_t, is0, is1, os0, os1):
        wid = lax.axis_index("s") * NC + lax.axis_index("c")
        c0 = wid * NBW
        iota = lax.iota(jnp.int32, 16)

        def fire_in(j, ibuf, isem):
            pltpu.async_copy(
                wt_hbm.at[:, pl.ds((c0 + j) * 128, 128)], ibuf, isem
            )

        def drain_in(ibuf, isem):
            pltpu.make_async_copy(
                wt_hbm.at[:, pl.ds(0, 128)], ibuf, isem
            ).wait()

        def transpose_block(ibuf, st, width):
            @plsc.parallel_loop(0, width * 2, unroll=4)
            def tbody(k2):
                rowv = iota + ((k2 & 1) << 4)
                colv = jnp.full((16,), 0, jnp.int32) + (k2 >> 1)
                val = plsc.load_gather(ibuf, [rowv, colv])
                st[pl.ds(k2 * 16, 16)] = val

        def fire_out(j, st, osem):
            pltpu.async_copy(
                st, wf_hbm.at[pl.ds((c0 + j) * 128 * D, 128 * D)], osem
            )

        def drain_out(st, osem):
            pltpu.make_async_copy(
                st, wf_hbm.at[pl.ds(0, 128 * D)], osem
            ).wait()

        fire_in(0, in0, is0)
        fire_in(1, in1, is1)

        def kbody(k, carry):
            j0 = k * 2
            for p, (ibuf, st, isem, osem) in enumerate(
                ((in0, st0, is0, os0), (in1, st1, is1, os1))
            ):
                j = j0 + p
                drain_in(ibuf, isem)

                @pl.when(k > 0)
                def _(st=st, osem=osem):
                    drain_out(st, osem)

                transpose_block(ibuf, st, 128)
                fire_out(j, st, osem)

                @pl.when(j + 2 < NBW)
                def _(j=j, ibuf=ibuf, isem=isem):
                    fire_in(j + 2, ibuf, isem)

            return carry

        lax.fori_loop(0, NBW // 2, kbody, 0)
        drain_out(st0, os0)
        drain_out(st1, os1)

        @pl.when(wid < NREM)
        def _():
            c = NVB - NREM + wid
            pltpu.sync_copy(wt_hbm.at[:, pl.ds(c * 128, 128)], in0)
            transpose_block(in0, st0, 128)
            pltpu.sync_copy(st0, wf_hbm.at[pl.ds(c * 128 * D, 128 * D)])

        @pl.when(wid == NREM)
        def _():
            pltpu.sync_copy(wt_hbm.at[:, pl.ds(NVB * 128, VTAIL)], in_t)
            transpose_block(in_t, st0, VTAIL)
            pltpu.sync_copy(
                st0.at[pl.ds(0, VTAIL * D)],
                wf_hbm.at[pl.ds(NVB * 128 * D, VTAIL * D)],
            )

    @functools.partial(
        pl.kernel,
        mesh=mesh,
        out_type=jax.ShapeDtypeStruct((S, NFT, NBT * 8, 128), jnp.float32),
        scratch_types=[
            pltpu.VMEM((S, BTW, 128), jnp.int32),
            pltpu.VMEM((HB, D), jnp.float32),
            pltpu.VMEM((HB, D), jnp.float32),
            pltpu.VMEM((64, 137), jnp.float32),
            pltpu.VMEM((64, 137), jnp.float32),
            pltpu.SemaphoreType.DMA,
            pltpu.SemaphoreType.DMA,
            pltpu.SemaphoreType.DMA,
            pltpu.SemaphoreType.DMA,
        ],
        compiler_params=pltpu.CompilerParams(
            use_tc_tiling_on_sc=False, needs_layout_passes=False,
            disable_bounds_checks=True,
        ),
    )
    def gat(idx_hbm, tab_hbm, out_hbm, idx_all, blk0, blk1,
            t0, t1, gsem0, gsem1, osem0, osem1):
        wid = lax.axis_index("s") * NC + lax.axis_index("c")
        bt0 = wid * BTW
        iota = lax.iota(jnp.int32, 16)

        pltpu.sync_copy(idx_hbm.at[:, pl.ds(bt0, BTW)], idx_all)

        def fire_gather(hs, blk, gsem):
            s = hs >> 1
            h = hs & 1
            for q in range(2):
                pltpu.async_copy(
                    tab_hbm.at[idx_all.at[s, h * 2 + q]],
                    blk.at[pl.ds(q * 128, 128)],
                    gsem,
                )

        def drain_gather(gsem):
            for _ in range(2):
                pltpu.make_async_copy(
                    tab_hbm.at[idx_all.at[0, 0]],
                    blk0.at[pl.ds(0, 128)],
                    gsem,
                ).wait()

        r0c = lax.shift_right_logical(iota, 3) * 16 + (iota & 7)

        def transpose(blk, t):
            @plsc.parallel_loop(0, HB, unroll=2)
            def bbody(b):
                btl = lax.shift_right_logical(b, 7)
                bs = b & 127
                v0 = blk[b, pl.ds(0, 16)]
                v1 = blk[b, pl.ds(16, 16)]
                row0 = r0c + btl * 8
                col = jnp.full((16,), 0, jnp.int32) + bs
                plsc.store_scatter(t, [row0, col], v0)
                plsc.store_scatter(t, [row0 + 32, col], v1)

        def fire_wb(hs, t, osem):
            s = hs >> 1
            r0 = (bt0 + (hs & 1) * 2) * 8
            for ft in range(NFT):
                pltpu.async_copy(
                    t.at[pl.ds(ft * 16, 16), pl.ds(0, 128)],
                    out_hbm.at[s, ft, pl.ds(r0, 16)],
                    osem,
                )

        def drain_wb(osem):
            for _ in range(NFT):
                pltpu.make_async_copy(
                    t0.at[pl.ds(0, 16), pl.ds(0, 128)],
                    out_hbm.at[0, 0, pl.ds(0, 16)],
                    osem,
                ).wait()

        fire_gather(0, blk0, gsem0)
        fire_gather(1, blk1, gsem1)

        def kbody(k, carry):
            hs0 = k * 2
            for p, (blk, t, gsem, osem) in enumerate(
                ((blk0, t0, gsem0, osem0), (blk1, t1, gsem1, osem1))
            ):
                hs = hs0 + p
                drain_gather(gsem)

                @pl.when(k > 0)
                def _(osem=osem):
                    drain_wb(osem)

                transpose(blk, t)
                fire_wb(hs, t, osem)

                @pl.when(hs + 2 < NH)
                def _(hs=hs, blk=blk, gsem=gsem):
                    fire_gather(hs + 2, blk, gsem)

            return carry

        lax.fori_loop(0, NH // 2, kbody, 0)
        drain_wb(osem0)
        drain_wb(osem1)

    idx3 = untile(xt)
    wflat = retile(wt)
    tab = wflat.reshape(V, D)
    out_lin = gat(idx3, tab)
    return out_lin


def kernel(x, weight):
    out_lin = _embed_impl(x.T, weight.T)
    B, S = x.shape
    return (
        out_lin.reshape(S, 4, 128, 8, 128)
        .transpose(2, 4, 0, 1, 3)
        .reshape(B, S, D_MODEL)
    )

# --- scband reference (transcript-rebuilt; emitter-appended) ---
"""Pipeline reference for scband-embedding-73323681677774 (READ-ONLY COPY).

The authoritative reference and input builder live on the scoring server;
editing this copy changes nothing except your own understanding.
"""

import jax, jax.numpy as jnp
import numpy as np

N_CLASSES = 1000000
D_MODEL = 32

def setup_inputs(seed: int = 0) -> dict:
    key = jax.random.key(seed)
    k1, k2 = jax.random.split(key)
    x = jax.random.randint(k1, (16384, 50), 0, N_CLASSES, dtype=jnp.int64 if jax.config.jax_enable_x64 else jnp.int32)
    weight = 0.01 * jax.random.normal(k2, (N_CLASSES, D_MODEL), dtype=jnp.float32)
    return {"x": x, "weight": weight}

def reference(x, weight):
    flat = x.reshape(-1)
    out = jnp.take(weight, flat, axis=0)
    return out.reshape(x.shape + (weight.shape[1],))

if __name__ == "__main__":
    import jax
    _d = setup_inputs()
    print(jax.jit(kernel)(*tuple(_d.values())))

</pallas_src>

<mosaic_0001>
#map = affine_map<(d0, d1) -> (0, 0)>
#map1 = affine_map<(d0, d1) -> (0, 0, 0)>
module attributes {stable_mosaic.version = 14 : i64} {
  func.func @untile(%arg0: i32, %arg1: i32, %arg2: memref<50x16384xi32, #tpu.memory_space<hbm>>, %arg3: memref<50x128x128xi32, #tpu.memory_space<hbm>>, %arg4: memref<8x128xi32, #tpu.memory_space<vmem>>) attributes {dimension_semantics = [#tpu.dimension_semantics<core_parallel>, #tpu.dimension_semantics<subcore_parallel>], iteration_bounds = array<i64: 2, 16>, scalar_prefetch = 0 : i64, scratch_operands = 1 : i64, tpu.core_type = #tpu.core_type<sc_vector_subcore>, window_params = [{transform_indices = #map}, {transform_indices = #map1}]} {
    %mul3A = arith.constant 2 : i32
    %mul3A_0 = arith.muli %arg1, %mul3A : i32
    %add3A = arith.addi %mul3A_0, %arg0 : i32
    %mul3A_1 = arith.constant 4 : i32
    %mul3A_2 = arith.muli %add3A, %mul3A_1 : i32
    %add3A_3 = arith.constant 0 : i32
    %add3A_4 = arith.addi %mul3A_2, %add3A_3 : i32
    %mul3A_5 = arith.constant 128 : i32
    %mul3A_6 = arith.muli %add3A_4, %mul3A_5 : i32
    "tpu.region"() ({
      %run_scoped3A = tpu.sem_alloc : memref<!tpu.dma_semaphore, #tpu.memory_space<semaphore_mem>>
      %dma_start3A = arith.constant 0 : i32
      %dma_start3A_73 = arith.constant 0 : i32
      %dma_start3A_74 = tpu.memref_slice %arg4[%dma_start3A, %dma_start3A_73] : memref<8x128xi32, #tpu.memory_space<vmem>> -> memref<8x128xi32, #tpu.memory_space<vmem>>
      %dma_start3A_75 = arith.constant 0 : i32
      %dma_start3A_76 = tpu.memref_slice %arg2[%dma_start3A_75, %mul3A_6] : memref<50x16384xi32, #tpu.memory_space<hbm>> -> memref<8x128xi32, #tpu.memory_space<hbm>>
      %dma_start3A_77 = arith.constant 0 : i32
      %dma_start3A_78 = arith.constant 0 : i32
      %dma_start3A_79 = tpu.memref_slice %arg4[%dma_start3A_77, %dma_start3A_78] : memref<8x128xi32, #tpu.memory_space<vmem>> -> memref<8x128xi32, #tpu.memory_space<vmem>>
      %dma_start3A_80 = arith.constant 0 : i32
      %dma_start3A_81 = tpu.memref_slice %arg2[%dma_start3A_80, %mul3A_6] : memref<50x16384xi32, #tpu.memory_space<hbm>> -> memref<8x128xi32, #tpu.memory_space<hbm>>
      tpu.enqueue_dma source(%dma_start3A_81 : memref<8x128xi32, #tpu.memory_space<hbm>>) target(%dma_start3A_79 : memref<8x128xi32, #tpu.memory_space<vmem>>) target_semaphore(%run_scoped3A : memref<!tpu.dma_semaphore, #tpu.memory_space<semaphore_mem>>)
      %dma_wait3A = arith.constant 0 : i32
      %dma_wait3A_82 = arith.constant 0 : i32
      %dma_wait3A_83 = tpu.memref_slice %arg4[%dma_wait3A, %dma_wait3A_82] : memref<8x128xi32, #tpu.memory_space<vmem>> -> memref<8x128xi32, #tpu.memory_space<vmem>>
      %dma_wait3A_84 = arith.constant 0 : i32
      %dma_wait3A_85 = tpu.memref_slice %arg2[%dma_wait3A_84, %mul3A_6] : memref<50x16384xi32, #tpu.memory_space<hbm>> -> memref<8x128xi32, #tpu.memory_space<hbm>>
      %dma_wait3A_86 = arith.constant 0 : i32
      %dma_wait3A_87 = arith.constant 0 : i32
      %dma_wait3A_88 = tpu.memref_slice %arg4[%dma_wait3A_86, %dma_wait3A_87] : memref<8x128xi32, #tpu.memory_space<vmem>> -> memref<8x128xi32, #tpu.memory_space<vmem>>
      %dma_wait3A_89 = arith.constant 0 : i32
      %dma_wait3A_90 = tpu.memref_slice %arg2[%dma_wait3A_89, %mul3A_6] : memref<50x16384xi32, #tpu.memory_space<hbm>> -> memref<8x128xi32, #tpu.memory_space<hbm>>
      tpu.wait_dma2 semaphore(%run_scoped3A : memref<!tpu.dma_semaphore, #tpu.memory_space<semaphore_mem>>) src(%dma_wait3A_90 : memref<8x128xi32, #tpu.memory_space<hbm>>) dst(%dma_wait3A_88 : memref<8x128xi32, #tpu.memory_space<vmem>>)
      tpu.yield
    }) : () -> ()
    "tpu.region"() ({
      %run_scoped3A = tpu.sem_alloc : memref<!tpu.dma_semaphore, #tpu.memory_space<semaphore_mem>>
      %dma_start3A = arith.constant 0 : i32
      %dma_start3A_73 = arith.constant 0 : i32
      %dma_start3A_74 = tpu.memref_slice %arg4[%dma_start3A, %dma_start3A_73] : memref<8x128xi32, #tpu.memory_space<vmem>> -> memref<8x128xi32, #tpu.memory_space<vmem>>
      %dma_start3A_75 = arith.constant 0 : i32
      %dma_start3A_76 = arith.constant 0 : i32
      %dma_start3A_77 = tpu.memref_slice %arg3[%dma_start3A_75, %add3A_4, %dma_start3A_76] : memref<50x128x128xi32, #tpu.memory_space<hbm>> -> memref<8x1x128xi32, #tpu.memory_space<hbm>>
      %dma_start3A_78 = tpu.memref_squeeze %dma_start3A_77 : memref<8x1x128xi32, #tpu.memory_space<hbm>> -> memref<8x128xi32, #tpu.memory_space<hbm>>
      %dma_start3A_79 = arith.constant 0 : i32
      %dma_start3A_80 = arith.constant 0 : i32
      %dma_start3A_81 = tpu.memref_slice %arg3[%dma_start3A_79, %add3A_4, %dma_start3A_80] : memref<50x128x128xi32, #tpu.memory_space<hbm>> -> memref<8x1x128xi32, #tpu.memory_space<hbm>>
      %dma_start3A_82 = tpu.memref_squeeze %dma_start3A_81 : memref<8x1x128xi32, #tpu.memory_space<hbm>> -> memref<8x128xi32, #tpu.memory_space<hbm>>
      %dma_start3A_83 = arith.constant 0 : i32
      %dma_start3A_84 = arith.constant 0 : i32
      %dma_start3A_85 = tpu.memref_slice %arg4[%dma_start3A_83, %dma_start3A_84] : memref<8x128xi32, #tpu.memory_space<vmem>> -> memref<8x128xi32, #tpu.memory_space<vmem>>
      tpu.enqueue_dma source(%dma_start3A_85 : memref<8x128xi32, #tpu.memory_space<vmem>>) target(%dma_start3A_82 : memref<8x128xi32, #tpu.memory_space<hbm>>) target_semaphore(%run_scoped3A : memref<!tpu.dma_semaphore, #tpu.memory_space<semaphore_mem>>)
      %dma_wait3A = arith.constant 0 : i32
      %dma_wait3A_86 = arith.constant 0 : i32
      %dma_wait3A_87 = tpu.memref_slice %arg4[%dma_wait3A, %dma_wait3A_86] : memref<8x128xi32, #tpu.memory_space<vmem>> -> memref<8x128xi32, #tpu.memory_space<vmem>>
      %dma_wait3A_88 = arith.constant 0 : i32
      %dma_wait3A_89 = arith.constant 0 : i32
      %dma_wait3A_90 = tpu.memref_slice %arg3[%dma_wait3A_88, %add3A_4, %dma_wait3A_89] : memref<50x128x128xi32, #tpu.memory_space<hbm>> -> memref<8x1x128xi32, #tpu.memory_space<hbm>>
      %dma_wait3A_91 = tpu.memref_squeeze %dma_wait3A_90 : memref<8x1x128xi32, #tpu.memory_space<hbm>> -> memref<8x128xi32, #tpu.memory_space<hbm>>
      %dma_wait3A_92 = arith.constant 0 : i32
      %dma_wait3A_93 = arith.constant 0 : i32
      %dma_wait3A_94 = tpu.memref_slice %arg3[%dma_wait3A_92, %add3A_4, %dma_wait3A_93] : memref<50x128x128xi32, #tpu.memory_space<hbm>> -> memref<8x1x128xi32, #tpu.memory_space<hbm>>
      %dma_wait3A_95 = tpu.memref_squeeze %dma_wait3A_94 : memref<8x1x128xi32, #tpu.memory_space<hbm>> -> memref<8x128xi32, #tpu.memory_space<hbm>>
      %dma_wait3A_96 = arith.constant 0 : i32
      %dma_wait3A_97 = arith.constant 0 : i32
      %dma_wait3A_98 = tpu.memref_slice %arg4[%dma_wait3A_96, %dma_wait3A_97] : memref<8x128xi32, #tpu.memory_space<vmem>> -> memref<8x128xi32, #tpu.memory_space<vmem>>
      tpu.wait_dma2 semaphore(%run_scoped3A : memref<!tpu.dma_semaphore, #tpu.memory_space<semaphore_mem>>) src(%dma_wait3A_98 : memref<8x128xi32, #tpu.memory_space<vmem>>) dst(%dma_wait3A_95 : memref<8x128xi32, #tpu.memory_space<hbm>>)
      tpu.yield
    }) : () -> ()
    %mul3A_7 = arith.constant 128 : i32
    %mul3A_8 = arith.muli %add3A_4, %mul3A_7 : i32
    "tpu.region"() ({
      %run_scoped3A = tpu.sem_alloc : memref<!tpu.dma_semaphore, #tpu.memory_space<semaphore_mem>>
      %dma_start3A = arith.constant 0 : i32
      %dma_start3A_73 = arith.constant 0 : i32
      %dma_start3A_74 = tpu.memref_slice %arg4[%dma_start3A, %dma_start3A_73] : memref<8x128xi32, #tpu.memory_space<vmem>> -> memref<8x128xi32, #tpu.memory_space<vmem>>
      %dma_start3A_75 = arith.constant 8 : i32
      %dma_start3A_76 = tpu.memref_slice %arg2[%dma_start3A_75, %mul3A_8] : memref<50x16384xi32, #tpu.memory_space<hbm>> -> memref<8x128xi32, #tpu.memory_space<hbm>>
      %dma_start3A_77 = arith.constant 0 : i32
      %dma_start3A_78 = arith.constant 0 : i32
      %dma_start3A_79 = tpu.memref_slice %arg4[%dma_start3A_77, %dma_start3A_78] : memref<8x128xi32, #tpu.memory_space<vmem>> -> memref<8x128xi32, #tpu.memory_space<vmem>>
      %dma_start3A_80 = arith.constant 8 : i32
      %dma_start3A_81 = tpu.memref_slice %arg2[%dma_start3A_80, %mul3A_8] : memref<50x16384xi32, #tpu.memory_space<hbm>> -> memref<8x128xi32, #tpu.memory_space<hbm>>
      tpu.enqueue_dma source(%dma_start3A_81 : memref<8x128xi32, #tpu.memory_space<hbm>>) target(%dma_start3A_79 : memref<8x128xi32, #tpu.memory_space<vmem>>) target_semaphore(%run_scoped3A : memref<!tpu.dma_semaphore, #tpu.memory_space<semaphore_mem>>)
      %dma_wait3A = arith.constant 0 : i32
      %dma_wait3A_82 = arith.constant 0 : i32
      %dma_wait3A_83 = tpu.memref_slice %arg4[%dma_wait3A, %dma_wait3A_82] : memref<8x128xi32, #tpu.memory_space<vmem>> -> memref<8x128xi32, #tpu.memory_space<vmem>>
      %dma_wait3A_84 = arith.constant 8 : i32
      %dma_wait3A_85 = tpu.memref_slice %arg2[%dma_wait3A_84, %mul3A_8] : memref<50x16384xi32, #tpu.memory_space<hbm>> -> memref<8x128xi32, #tpu.memory_space<hbm>>
      %dma_wait3A_86 = arith.constant 0 : i32
      %dma_wait3A_87 = arith.constant 0 : i32
      %dma_wait3A_88 = tpu.memref_slice %arg4[%dma_wait3A_86, %dma_wait3A_87] : memref<8x128xi32, #tpu.memory_space<vmem>> -> memref<8x128xi32, #tpu.memory_space<vmem>>
      %dma_wait3A_89 = arith.constant 8 : i32
      %dma_wait3A_90 = tpu.memref_slice %arg2[%dma_wait3A_89, %mul3A_8] : memref<50x16384xi32, #tpu.memory_space<hbm>> -> memref<8x128xi32, #tpu.memory_space<hbm>>
      tpu.wait_dma2 semaphore(%run_scoped3A : memref<!tpu.dma_semaphore, #tpu.memory_space<semaphore_mem>>) src(%dma_wait3A_90 : memref<8x128xi32, #tpu.memory_space<hbm>>) dst(%dma_wait3A_88 : memref<8x128xi32, #tpu.memory_space<vmem>>)
      tpu.yield
    }) : () -> ()
    "tpu.region"() ({
      %run_scoped3A = tpu.sem_alloc : memref<!tpu.dma_semaphore, #tpu.memory_space<semaphore_mem>>
      %dma_start3A = arith.constant 0 : i32
      %dma_start3A_73 = arith.constant 0 : i32
      %dma_start3A_74 = tpu.memref_slice %arg4[%dma_start3A, %dma_start3A_73] : memref<8x128xi32, #tpu.memory_space<vmem>> -> memref<8x128xi32, #tpu.memory_space<vmem>>
      %dma_start3A_75 = arith.constant 8 : i32
      %dma_start3A_76 = arith.constant 0 : i32
      %dma_start3A_77 = tpu.memref_slice %arg3[%dma_start3A_75, %add3A_4, %dma_start3A_76] : memref<50x128x128xi32, #tpu.memory_space<hbm>> -> memref<8x1x128xi32, #tpu.memory_space<hbm>>
      %dma_start3A_78 = tpu.memref_squeeze %dma_start3A_77 : memref<8x1x128xi32, #tpu.memory_space<hbm>> -> memref<8x128xi32, #tpu.memory_space<hbm>>
      %dma_start3A_79 = arith.constant 8 : i32
      %dma_start3A_80 = arith.constant 0 : i32
      %dma_start3A_81 = tpu.memref_slice %arg3[%dma_start3A_79, %add3A_4, %dma_start3A_80] : memref<50x128x128xi32, #tpu.memory_space<hbm>> -> memref<8x1x128xi32, #tpu.memory_space<hbm>>
      %dma_start3A_82 = tpu.memref_squeeze %dma_start3A_81 : memref<8x1x128xi32, #tpu.memory_space<hbm>> -> memref<8x128xi32, #tpu.memory_space<hbm>>
      %dma_start3A_83 = arith.constant 0 : i32
      %dma_start3A_84 = arith.constant 0 : i32
      %dma_start3A_85 = tpu.memref_slice %arg4[%dma_start3A_83, %dma_start3A_84] : memref<8x128xi32, #tpu.memory_space<vmem>> -> memref<8x128xi32, #tpu.memory_space<vmem>>
      tpu.enqueue_dma source(%dma_start3A_85 : memref<8x128xi32, #tpu.memory_space<vmem>>) target(%dma_start3A_82 : memref<8x128xi32, #tpu.memory_space<hbm>>) target_semaphore(%run_scoped3A : memref<!tpu.dma_semaphore, #tpu.memory_space<semaphore_mem>>)
      %dma_wait3A = arith.constant 0 : i32
      %dma_wait3A_86 = arith.constant 0 : i32
      %dma_wait3A_87 = tpu.memref_slice %arg4[%dma_wait3A, %dma_wait3A_86] : memref<8x128xi32, #tpu.memory_space<vmem>> -> memref<8x128xi32, #tpu.memory_space<vmem>>
      %dma_wait3A_88 = arith.constant 8 : i32
      %dma_wait3A_89 = arith.constant 0 : i32
      %dma_wait3A_90 = tpu.memref_slice %arg3[%dma_wait3A_88, %add3A_4, %dma_wait3A_89] : memref<50x128x128xi32, #tpu.memory_space<hbm>> -> memref<8x1x128xi32, #tpu.memory_space<hbm>>
      %dma_wait3A_91 = tpu.memref_squeeze %dma_wait3A_90 : memref<8x1x128xi32, #tpu.memory_space<hbm>> -> memref<8x128xi32, #tpu.memory_space<hbm>>
      %dma_wait3A_92 = arith.constant 8 : i32
      %dma_wait3A_93 = arith.constant 0 : i32
      %dma_wait3A_94 = tpu.memref_slice %arg3[%dma_wait3A_92, %add3A_4, %dma_wait3A_93] : memref<50x128x128xi32, #tpu.memory_space<hbm>> -> memref<8x1x128xi32, #tpu.memory_space<hbm>>
      %dma_wait3A_95 = tpu.memref_squeeze %dma_wait3A_94 : memref<8x1x128xi32, #tpu.memory_space<hbm>> -> memref<8x128xi32, #tpu.memory_space<hbm>>
      %dma_wait3A_96 = arith.constant 0 : i32
      %dma_wait3A_97 = arith.constant 0 : i32
      %dma_wait3A_98 = tpu.memref_slice %arg4[%dma_wait3A_96, %dma_wait3A_97] : memref<8x128xi32, #tpu.memory_space<vmem>> -> memref<8x128xi32, #tpu.memory_space<vmem>>
      tpu.wait_dma2 semaphore(%run_scoped3A : memref<!tpu.dma_semaphore, #tpu.memory_space<semaphore_mem>>) src(%dma_wait3A_98 : memref<8x128xi32, #tpu.memory_space<vmem>>) dst(%dma_wait3A_95 : memref<8x128xi32, #tpu.memory_space<hbm>>)
      tpu.yield
    }) : () -> ()
    %mul3A_9 = arith.constant 128 : i32
    %mul3A_10 = arith.muli %add3A_4, %mul3A_9 : i32
    "tpu.region"() ({
      %run_scoped3A = tpu.sem_alloc : memref<!tpu.dma_semaphore, #tpu.memory_space<semaphore_mem>>
      %dma_start3A = arith.constant 0 : i32
      %dma_start3A_73 = arith.constant 0 : i32
      %dma_start3A_74 = tpu.memref_slice %arg4[%dma_start3A, %dma_start3A_73] : memref<8x128xi32, #tpu.memory_space<vmem>> -> memref<8x128xi32, #tpu.memory_space<vmem>>
      %dma_start3A_75 = arith.constant 16 : i32
      %dma_start3A_76 = tpu.memref_slice %arg2[%dma_start3A_75, %mul3A_10] : memref<50x16384xi32, #tpu.memory_space<hbm>> -> memref<8x128xi32, #tpu.memory_space<hbm>>
      %dma_start3A_77 = arith.constant 0 : i32
      %dma_start3A_78 = arith.constant 0 : i32
      %dma_start3A_79 = tpu.memref_slice %arg4[%dma_start3A_77, %dma_start3A_78] : memref<8x128xi32, #tpu.memory_space<vmem>> -> memref<8x128xi32, #tpu.memory_space<vmem>>
      %dma_start3A_80 = arith.constant 16 : i32
      %dma_start3A_81 = tpu.memref_slice %arg2[%dma_start3A_80, %mul3A_10] : memref<50x16384xi32, #tpu.memory_space<hbm>> -> memref<8x128xi32, #tpu.memory_space<hbm>>
      tpu.enqueue_dma source(%dma_start3A_81 : memref<8x128xi32, #tpu.memory_space<hbm>>) target(%dma_start3A_79 : memref<8x128xi32, #tpu.memory_space<vmem>>) target_semaphore(%run_scoped3A : memref<!tpu.dma_semaphore, #tpu.memory_space<semaphore_mem>>)
      %dma_wait3A = arith.constant 0 : i32
      %dma_wait3A_82 = arith.constant 0 : i32
      %dma_wait3A_83 = tpu.memref_slice %arg4[%dma_wait3A, %dma_wait3A_82] : memref<8x128xi32, #tpu.memory_space<vmem>> -> memref<8x128xi32, #tpu.memory_space<vmem>>
      %dma_wait3A_84 = arith.constant 16 : i32
      %dma_wait3A_85 = tpu.memref_slice %arg2[%dma_wait3A_84, %mul3A_10] : memref<50x16384xi32, #tpu.memory_space<hbm>> -> memref<8x128xi32, #tpu.memory_space<hbm>>
      %dma_wait3A_86 = arith.constant 0 : i32
      %dma_wait3A_87 = arith.constant 0 : i32
      %dma_wait3A_88 = tpu.memref_slice %arg4[%dma_wait3A_86, %dma_wait3A_87] : memref<8x128xi32, #tpu.memory_space<vmem>> -> memref<8x128xi32, #tpu.memory_space<vmem>>
      %dma_wait3A_89 = arith.constant 16 : i32
      %dma_wait3A_90 = tpu.memref_slice %arg2[%dma_wait3A_89, %mul3A_10] : memref<50x16384xi32, #tpu.memory_space<hbm>> -> memref<8x128xi32, #tpu.memory_space<hbm>>
      tpu.wait_dma2 semaphore(%run_scoped3A : memref<!tpu.dma_semaphore, #tpu.memory_space<semaphore_mem>>) src(%dma_wait3A_90 : memref<8x128xi32, #tpu.memory_space<hbm>>) dst(%dma_wait3A_88 : memref<8x128xi32, #tpu.memory_space<vmem>>)
      tpu.yield
    }) : () -> ()
    "tpu.region"() ({
      %run_scoped3A = tpu.sem_alloc : memref<!tpu.dma_semaphore, #tpu.memory_space<semaphore_mem>>
      %dma_start3A = arith.constant 0 : i32
      %dma_start3A_73 = arith.constant 0 : i32
      %dma_start3A_74 = tpu.memref_slice %arg4[%dma_start3A, %dma_start3A_73] : memref<8x128xi32, #tpu.memory_space<vmem>> -> memref<8x128xi32, #tpu.memory_space<vmem>>
      %dma_start3A_75 = arith.constant 16 : i32
      %dma_start3A_76 = arith.constant 0 : i32
      %dma_start3A_77 = tpu.memref_slice %arg3[%dma_start3A_75, %add3A_4, %dma_start3A_76] : memref<50x128x128xi32, #tpu.memory_space<hbm>> -> memref<8x1x128xi32, #tpu.memory_space<hbm>>
      %dma_start3A_78 = tpu.memref_squeeze %dma_start3A_77 : memref<8x1x128xi32, #tpu.memory_space<hbm>> -> memref<8x128xi32, #tpu.memory_space<hbm>>
      %dma_start3A_79 = arith.constant 16 : i32
      %dma_start3A_80 = arith.constant 0 : i32
      %dma_start3A_81 = tpu.memref_slice %arg3[%dma_start3A_79, %add3A_4, %dma_start3A_80] : memref<50x128x128xi32, #tpu.memory_space<hbm>> -> memref<8x1x128xi32, #tpu.memory_space<hbm>>
      %dma_start3A_82 = tpu.memref_squeeze %dma_start3A_81 : memref<8x1x128xi32, #tpu.memory_space<hbm>> -> memref<8x128xi32, #tpu.memory_space<hbm>>
      %dma_start3A_83 = arith.constant 0 : i32
      %dma_start3A_84 = arith.constant 0 : i32
      %dma_start3A_85 = tpu.memref_slice %arg4[%dma_start3A_83, %dma_start3A_84] : memref<8x128xi32, #tpu.memory_space<vmem>> -> memref<8x128xi32, #tpu.memory_space<vmem>>
      tpu.enqueue_dma source(%dma_start3A_85 : memref<8x128xi32, #tpu.memory_space<vmem>>) target(%dma_start3A_82 : memref<8x128xi32, #tpu.memory_space<hbm>>) target_semaphore(%run_scoped3A : memref<!tpu.dma_semaphore, #tpu.memory_space<semaphore_mem>>)
      %dma_wait3A = arith.constant 0 : i32
      %dma_wait3A_86 = arith.constant 0 : i32
      %dma_wait3A_87 = tpu.memref_slice %arg4[%dma_wait3A, %dma_wait3A_86] : memref<8x128xi32, #tpu.memory_space<vmem>> -> memref<8x128xi32, #tpu.memory_space<vmem>>
      %dma_wait3A_88 = arith.constant 16 : i32
      %dma_wait3A_89 = arith.constant 0 : i32
      %dma_wait3A_90 = tpu.memref_slice %arg3[%dma_wait3A_88, %add3A_4, %dma_wait3A_89] : memref<50x128x128xi32, #tpu.memory_space<hbm>> -> memref<8x1x128xi32, #tpu.memory_space<hbm>>
      %dma_wait3A_91 = tpu.memref_squeeze %dma_wait3A_90 : memref<8x1x128xi32, #tpu.memory_space<hbm>> -> memref<8x128xi32, #tpu.memory_space<hbm>>
      %dma_wait3A_92 = arith.constant 16 : i32
      %dma_wait3A_93 = arith.constant 0 : i32
      %dma_wait3A_94 = tpu.memref_slice %arg3[%dma_wait3A_92, %add3A_4, %dma_wait3A_93] : memref<50x128x128xi32, #tpu.memory_space<hbm>> -> memref<8x1x128xi32, #tpu.memory_space<hbm>>
      %dma_wait3A_95 = tpu.memref_squeeze %dma_wait3A_94 : memref<8x1x128xi32, #tpu.memory_space<hbm>> -> memref<8x128xi32, #tpu.memory_space<hbm>>
      %dma_wait3A_96 = arith.constant 0 : i32
      %dma_wait3A_97 = arith.constant 0 : i32
      %dma_wait3A_98 = tpu.memref_slice %arg4[%dma_wait3A_96, %dma_wait3A_97] : memref<8x128xi32, #tpu.memory_space<vmem>> -> memref<8x128xi32, #tpu.memory_space<vmem>>
      tpu.wait_dma2 semaphore(%run_scoped3A : memref<!tpu.dma_semaphore, #tpu.memory_space<semaphore_mem>>) src(%dma_wait3A_98 : memref<8x128xi32, #tpu.memory_space<vmem>>) dst(%dma_wait3A_95 : memref<8x128xi32, #tpu.memory_space<hbm>>)
      tpu.yield
    }) : () -> ()
    %mul3A_11 = arith.constant 128 : i32
    %mul3A_12 = arith.muli %add3A_4, %mul3A_11 : i32
    "tpu.region"() ({
      %run_scoped3A = tpu.sem_alloc : memref<!tpu.dma_semaphore, #tpu.memory_space<semaphore_mem>>
      %dma_start3A = arith.constant 0 : i32
      %dma_start3A_73 = arith.constant 0 : i32
      %dma_start3A_74 = tpu.memref_slice %arg4[%dma_start3A, %dma_start3A_73] : memref<8x128xi32, #tpu.memory_space<vmem>> -> memref<8x128xi32, #tpu.memory_space<vmem>>
      %dma_start3A_75 = arith.constant 24 : i32
      %dma_start3A_76 = tpu.memref_slice %arg2[%dma_start3A_75, %mul3A_12] : memref<50x16384xi32, #tpu.memory_space<hbm>> -> memref<8x128xi32, #tpu.memory_space<hbm>>
      %dma_start3A_77 = arith.constant 0 : i32
      %dma_start3A_78 = arith.constant 0 : i32
      %dma_start3A_79 = tpu.memref_slice %arg4[%dma_start3A_77, %dma_start3A_78] : memref<8x128xi32, #tpu.memory_space<vmem>> -> memref<8x128xi32, #tpu.memory_space<vmem>>
      %dma_start3A_80 = arith.constant 24 : i32
      %dma_start3A_81 = tpu.memref_slice %arg2[%dma_start3A_80, %mul3A_12] : memref<50x16384xi32, #tpu.memory_space<hbm>> -> memref<8x128xi32, #tpu.memory_space<hbm>>
      tpu.enqueue_dma source(%dma_start3A_81 : memref<8x128xi32, #tpu.memory_space<hbm>>) target(%dma_start3A_79 : memref<8x128xi32, #tpu.memory_space<vmem>>) target_semaphore(%run_scoped3A : memref<!tpu.dma_semaphore, #tpu.memory_space<semaphore_mem>>)
      %dma_wait3A = arith.constant 0 : i32
      %dma_wait3A_82 = arith.constant 0 : i32
      %dma_wait3A_83 = tpu.memref_slice %arg4[%dma_wait3A, %dma_wait3A_82] : memref<8x128xi32, #tpu.memory_space<vmem>> -> memref<8x128xi32, #tpu.memory_space<vmem>>
      %dma_wait3A_84 = arith.constant 24 : i32
      %dma_wait3A_85 = tpu.memref_slice %arg2[%dma_wait3A_84, %mul3A_12] : memref<50x16384xi32, #tpu.memory_space<hbm>> -> memref<8x128xi32, #tpu.memory_space<hbm>>
      %dma_wait3A_86 = arith.constant 0 : i32
      %dma_wait3A_87 = arith.constant 0 : i32
      %dma_wait3A_88 = tpu.memref_slice %arg4[%dma_wait3A_86, %dma_wait3A_87] : memref<8x128xi32, #tpu.memory_space<vmem>> -> memref<8x128xi32, #tpu.memory_space<vmem>>
      %dma_wait3A_89 = arith.constant 24 : i32
      %dma_wait3A_90 = tpu.memref_slice %arg2[%dma_wait3A_89, %mul3A_12] : memref<50x16384xi32, #tpu.memory_space<hbm>> -> memref<8x128xi32, #tpu.memory_space<hbm>>
      tpu.wait_dma2 semaphore(%run_scoped3A : memref<!tpu.dma_semaphore, #tpu.memory_space<semaphore_mem>>) src(%dma_wait3A_90 : memref<8x128xi32, #tpu.memory_space<hbm>>) dst(%dma_wait3A_88 : memref<8x128xi32, #tpu.memory_space<vmem>>)
      tpu.yield
    }) : () -> ()
    "tpu.region"() ({
      %run_scoped3A = tpu.sem_alloc : memref<!tpu.dma_semaphore, #tpu.memory_space<semaphore_mem>>
      %dma_start3A = arith.constant 0 : i32
      %dma_start3A_73 = arith.constant 0 : i32
      %dma_start3A_74 = tpu.memref_slice %arg4[%dma_start3A, %dma_start3A_73] : memref<8x128xi32, #tpu.memory_space<vmem>> -> memref<8x128xi32, #tpu.memory_space<vmem>>
      %dma_start3A_75 = arith.constant 24 : i32
      %dma_start3A_76 = arith.constant 0 : i32
      %dma_start3A_77 = tpu.memref_slice %arg3[%dma_start3A_75, %add3A_4, %dma_start3A_76] : memref<50x128x128xi32, #tpu.memory_space<hbm>> -> memref<8x1x128xi32, #tpu.memory_space<hbm>>
      %dma_start3A_78 = tpu.memref_squeeze %dma_start3A_77 : memref<8x1x128xi32, #tpu.memory_space<hbm>> -> memref<8x128xi32, #tpu.memory_space<hbm>>
      %dma_start3A_79 = arith.constant 24 : i32
      %dma_start3A_80 = arith.constant 0 : i32
      %dma_start3A_81 = tpu.memref_slice %arg3[%dma_start3A_79, %add3A_4, %dma_start3A_80] : memref<50x128x128xi32, #tpu.memory_space<hbm>> -> memref<8x1x128xi32, #tpu.memory_space<hbm>>
      %dma_start3A_82 = tpu.memref_squeeze %dma_start3A_81 : memref<8x1x128xi32, #tpu.memory_space<hbm>> -> memref<8x128xi32, #tpu.memory_space<hbm>>
      %dma_start3A_83 = arith.constant 0 : i32
      %dma_start3A_84 = arith.constant 0 : i32
      %dma_start3A_85 = tpu.memref_slice %arg4[%dma_start3A_83, %dma_start3A_84] : memref<8x128xi32, #tpu.memory_space<vmem>> -> memref<8x128xi32, #tpu.memory_space<vmem>>
      tpu.enqueue_dma source(%dma_start3A_85 : memref<8x128xi32, #tpu.memory_space<vmem>>) target(%dma_start3A_82 : memref<8x128xi32, #tpu.memory_space<hbm>>) target_semaphore(%run_scoped3A : memref<!tpu.dma_semaphore, #tpu.memory_space<semaphore_mem>>)
      %dma_wait3A = arith.constant 0 : i32
      %dma_wait3A_86 = arith.constant 0 : i32
      %dma_wait3A_87 = tpu.memref_slice %arg4[%dma_wait3A, %dma_wait3A_86] : memref<8x128xi32, #tpu.memory_space<vmem>> -> memref<8x128xi32, #tpu.memory_space<vmem>>
      %dma_wait3A_88 = arith.constant 24 : i32
      %dma_wait3A_89 = arith.constant 0 : i32
      %dma_wait3A_90 = tpu.memref_slice %arg3[%dma_wait3A_88, %add3A_4, %dma_wait3A_89] : memref<50x128x128xi32, #tpu.memory_space<hbm>> -> memref<8x1x128xi32, #tpu.memory_space<hbm>>
      %dma_wait3A_91 = tpu.memref_squeeze %dma_wait3A_90 : memref<8x1x128xi32, #tpu.memory_space<hbm>> -> memref<8x128xi32, #tpu.memory_space<hbm>>
      %dma_wait3A_92 = arith.constant 24 : i32
      %dma_wait3A_93 = arith.constant 0 : i32
      %dma_wait3A_94 = tpu.memref_slice %arg3[%dma_wait3A_92, %add3A_4, %dma_wait3A_93] : memref<50x128x128xi32, #tpu.memory_space<hbm>> -> memref<8x1x128xi32, #tpu.memory_space<hbm>>
      %dma_wait3A_95 = tpu.memref_squeeze %dma_wait3A_94 : memref<8x1x128xi32, #tpu.memory_space<hbm>> -> memref<8x128xi32, #tpu.memory_space<hbm>>
      %dma_wait3A_96 = arith.constant 0 : i32
      %dma_wait3A_97 = arith.constant 0 : i32
      %dma_wait3A_98 = tpu.memref_slice %arg4[%dma_wait3A_96, %dma_wait3A_97] : memref<8x128xi32, #tpu.memory_space<vmem>> -> memref<8x128xi32, #tpu.memory_space<vmem>>
      tpu.wait_dma2 semaphore(%run_scoped3A : memref<!tpu.dma_semaphore, #tpu.memory_space<semaphore_mem>>) src(%dma_wait3A_98 : memref<8x128xi32, #tpu.memory_space<vmem>>) dst(%dma_wait3A_95 : memref<8x128xi32, #tpu.memory_space<hbm>>)
      tpu.yield
    }) : () -> ()
    %mul3A_13 = arith.constant 128 : i32
    %mul3A_14 = arith.muli %add3A_4, %mul3A_13 : i32
    "tpu.region"() ({
      %run_scoped3A = tpu.sem_alloc : memref<!tpu.dma_semaphore, #tpu.memory_space<semaphore_mem>>
      %dma_start3A = arith.constant 0 : i32
      %dma_start3A_73 = arith.constant 0 : i32
      %dma_start3A_74 = tpu.memref_slice %arg4[%dma_start3A, %dma_start3A_73] : memref<8x128xi32, #tpu.memory_space<vmem>> -> memref<8x128xi32, #tpu.memory_space<vmem>>
      %dma_start3A_75 = arith.constant 32 : i32
      %dma_start3A_76 = tpu.memref_slice %arg2[%dma_start3A_75, %mul3A_14] : memref<50x16384xi32, #tpu.memory_space<hbm>> -> memref<8x128xi32, #tpu.memory_space<hbm>>
      %dma_start3A_77 = arith.constant 0 : i32
      %dma_start3A_78 = arith.constant 0 : i32
      %dma_start3A_79 = tpu.memref_slice %arg4[%dma_start3A_77, %dma_start3A_78] : memref<8x128xi32, #tpu.memory_space<vmem>> -> memref<8x128xi32, #tpu.memory_space<vmem>>
      %dma_start3A_80 = arith.constant 32 : i32
      %dma_start3A_81 = tpu.memref_slice %arg2[%dma_start3A_80, %mul3A_14] : memref<50x16384xi32, #tpu.memory_space<hbm>> -> memref<8x128xi32, #tpu.memory_space<hbm>>
      tpu.enqueue_dma source(%dma_start3A_81 : memref<8x128xi32, #tpu.memory_space<hbm>>) target(%dma_start3A_79 : memref<8x128xi32, #tpu.memory_space<vmem>>) target_semaphore(%run_scoped3A : memref<!tpu.dma_semaphore, #tpu.memory_space<semaphore_mem>>)
      %dma_wait3A = arith.constant 0 : i32
      %dma_wait3A_82 = arith.constant 0 : i32
      %dma_wait3A_83 = tpu.memref_slice %arg4[%dma_wait3A, %dma_wait3A_82] : memref<8x128xi32, #tpu.memory_space<vmem>> -> memref<8x128xi32, #tpu.memory_space<vmem>>
      %dma_wait3A_84 = arith.constant 32 : i32
      %dma_wait3A_85 = tpu.memref_slice %arg2[%dma_wait3A_84, %mul3A_14] : memref<50x16384xi32, #tpu.memory_space<hbm>> -> memref<8x128xi32, #tpu.memory_space<hbm>>
      %dma_wait3A_86 = arith.constant 0 : i32
      %dma_wait3A_87 = arith.constant 0 : i32
      %dma_wait3A_88 = tpu.memref_slice %arg4[%dma_wait3A_86, %dma_wait3A_87] : memref<8x128xi32, #tpu.memory_space<vmem>> -> memref<8x128xi32, #tpu.memory_space<vmem>>
      %dma_wait3A_89 = arith.constant 32 : i32
      %dma_wait3A_90 = tpu.memref_slice %arg2[%dma_wait3A_89, %mul3A_14] : memref<50x16384xi32, #tpu.memory_space<hbm>> -> memref<8x128xi32, #tpu.memory_space<hbm>>
      tpu.wait_dma2 semaphore(%run_scoped3A : memref<!tpu.dma_semaphore, #tpu.memory_space<semaphore_mem>>) src(%dma_wait3A_90 : memref<8x128xi32, #tpu.memory_space<hbm>>) dst(%dma_wait3A_88 : memref<8x128xi32, #tpu.memory_space<vmem>>)
      tpu.yield
    }) : () -> ()
    "tpu.region"() ({
      %run_scoped3A = tpu.sem_alloc : memref<!tpu.dma_semaphore, #tpu.memory_space<semaphore_mem>>
      %dma_start3A = arith.constant 0 : i32
      %dma_start3A_73 = arith.constant 0 : i32
      %dma_start3A_74 = tpu.memref_slice %arg4[%dma_start3A, %dma_start3A_73] : memref<8x128xi32, #tpu.memory_space<vmem>> -> memref<8x128xi32, #tpu.memory_space<vmem>>
      %dma_start3A_75 = arith.constant 32 : i32
      %dma_start3A_76 = arith.constant 0 : i32
      %dma_start3A_77 = tpu.memref_slice %arg3[%dma_start3A_75, %add3A_4, %dma_start3A_76] : memref<50x128x128xi32, #tpu.memory_space<hbm>> -> memref<8x1x128xi32, #tpu.memory_space<hbm>>
      %dma_start3A_78 = tpu.memref_squeeze %dma_start3A_77 : memref<8x1x128xi32, #tpu.memory_space<hbm>> -> memref<8x128xi32, #tpu.memory_space<hbm>>
      %dma_start3A_79 = arith.constant 32 : i32
      %dma_start3A_80 = arith.constant 0 : i32
      %dma_start3A_81 = tpu.memref_slice %arg3[%dma_start3A_79, %add3A_4, %dma_start3A_80] : memref<50x128x128xi32, #tpu.memory_space<hbm>> -> memref<8x1x128xi32, #tpu.memory_space<hbm>>
      %dma_start3A_82 = tpu.memref_squeeze %dma_start3A_81 : memref<8x1x128xi32, #tpu.memory_space<hbm>> -> memref<8x128xi32, #tpu.memory_space<hbm>>
      %dma_start3A_83 = arith.constant 0 : i32
      %dma_start3A_84 = arith.constant 0 : i32
      %dma_start3A_85 = tpu.memref_slice %arg4[%dma_start3A_83, %dma_start3A_84] : memref<8x128xi32, #tpu.memory_space<vmem>> -> memref<8x128xi32, #tpu.memory_space<vmem>>
      tpu.enqueue_dma source(%dma_start3A_85 : memref<8x128xi32, #tpu.memory_space<vmem>>) target(%dma_start3A_82 : memref<8x128xi32, #tpu.memory_space<hbm>>) target_semaphore(%run_scoped3A : memref<!tpu.dma_semaphore, #tpu.memory_space<semaphore_mem>>)
      %dma_wait3A = arith.constant 0 : i32
      %dma_wait3A_86 = arith.constant 0 : i32
      %dma_wait3A_87 = tpu.memref_slice %arg4[%dma_wait3A, %dma_wait3A_86] : memref<8x128xi32, #tpu.memory_space<vmem>> -> memref<8x128xi32, #tpu.memory_space<vmem>>
      %dma_wait3A_88 = arith.constant 32 : i32
      %dma_wait3A_89 = arith.constant 0 : i32
      %dma_wait3A_90 = tpu.memref_slice %arg3[%dma_wait3A_88, %add3A_4, %dma_wait3A_89] : memref<50x128x128xi32, #tpu.memory_space<hbm>> -> memref<8x1x128xi32, #tpu.memory_space<hbm>>
      %dma_wait3A_91 = tpu.memref_squeeze %dma_wait3A_90 : memref<8x1x128xi32, #tpu.memory_space<hbm>> -> memref<8x128xi32, #tpu.memory_space<hbm>>
      %dma_wait3A_92 = arith.constant 32 : i32
      %dma_wait3A_93 = arith.constant 0 : i32
      %dma_wait3A_94 = tpu.memref_slice %arg3[%dma_wait3A_92, %add3A_4, %dma_wait3A_93] : memref<50x128x128xi32, #tpu.memory_space<hbm>> -> memref<8x1x128xi32, #tpu.memory_space<hbm>>
      %dma_wait3A_95 = tpu.memref_squeeze %dma_wait3A_94 : memref<8x1x128xi32, #tpu.memory_space<hbm>> -> memref<8x128xi32, #tpu.memory_space<hbm>>
      %dma_wait3A_96 = arith.constant 0 : i32
      %dma_wait3A_97 = arith.constant 0 : i32
      %dma_wait3A_98 = tpu.memref_slice %arg4[%dma_wait3A_96, %dma_wait3A_97] : memref<8x128xi32, #tpu.memory_space<vmem>> -> memref<8x128xi32, #tpu.memory_space<vmem>>
      tpu.wait_dma2 semaphore(%run_scoped3A : memref<!tpu.dma_semaphore, #tpu.memory_space<semaphore_mem>>) src(%dma_wait3A_98 : memref<8x128xi32, #tpu.memory_space<vmem>>) dst(%dma_wait3A_95 : memref<8x128xi32, #tpu.memory_space<hbm>>)
      tpu.yield
    }) : () -> ()
    %mul3A_15 = arith.constant 128 : i32
    %mul3A_16 = arith.muli %add3A_4, %mul3A_15 : i32
    "tpu.region"() ({
      %run_scoped3A = tpu.sem_alloc : memref<!tpu.dma_semaphore, #tpu.memory_space<semaphore_mem>>
      %dma_start3A = arith.constant 0 : i32
      %dma_start3A_73 = arith.constant 0 : i32
      %dma_start3A_74 = tpu.memref_slice %arg4[%dma_start3A, %dma_start3A_73] : memref<8x128xi32, #tpu.memory_space<vmem>> -> memref<8x128xi32, #tpu.memory_space<vmem>>
      %dma_start3A_75 = arith.constant 40 : i32
      %dma_start3A_76 = tpu.memref_slice %arg2[%dma_start3A_75, %mul3A_16] : memref<50x16384xi32, #tpu.memory_space<hbm>> -> memref<8x128xi32, #tpu.memory_space<hbm>>
      %dma_start3A_77 = arith.constant 0 : i32
      %dma_start3A_78 = arith.constant 0 : i32
      %dma_start3A_79 = tpu.memref_slice %arg4[%dma_start3A_77, %dma_start3A_78] : memref<8x128xi32, #tpu.memory_space<vmem>> -> memref<8x128xi32, #tpu.memory_space<vmem>>
      %dma_start3A_80 = arith.constant 40 : i32
      %dma_start3A_81 = tpu.memref_slice %arg2[%dma_start3A_80, %mul3A_16] : memref<50x16384xi32, #tpu.memory_space<hbm>> -> memref<8x128xi32, #tpu.memory_space<hbm>>
      tpu.enqueue_dma source(%dma_start3A_81 : memref<8x128xi32, #tpu.memory_space<hbm>>) target(%dma_start3A_79 : memref<8x128xi32, #tpu.memory_space<vmem>>) target_semaphore(%run_scoped3A : memref<!tpu.dma_semaphore, #tpu.memory_space<semaphore_mem>>)
      %dma_wait3A = arith.constant 0 : i32
      %dma_wait3A_82 = arith.constant 0 : i32
      %dma_wait3A_83 = tpu.memref_slice %arg4[%dma_wait3A, %dma_wait3A_82] : memref<8x128xi32, #tpu.memory_space<vmem>> -> memref<8x128xi32, #tpu.memory_space<vmem>>
      %dma_wait3A_84 = arith.constant 40 : i32
      %dma_wait3A_85 = tpu.memref_slice %arg2[%dma_wait3A_84, %mul3A_16] : memref<50x16384xi32, #tpu.memory_space<hbm>> -> memref<8x128xi32, #tpu.memory_space<hbm>>
      %dma_wait3A_86 = arith.constant 0 : i32
      %dma_wait3A_87 = arith.constant 0 : i32
      %dma_wait3A_88 = tpu.memref_slice %arg4[%dma_wait3A_86, %dma_wait3A_87] : memref<8x128xi32, #tpu.memory_space<vmem>> -> memref<8x128xi32, #tpu.memory_space<vmem>>
      %dma_wait3A_89 = arith.constant 40 : i32
      %dma_wait3A_90 = tpu.memref_slice %arg2[%dma_wait3A_89, %mul3A_16] : memref<50x16384xi32, #tpu.memory_space<hbm>> -> memref<8x128xi32, #tpu.memory_space<hbm>>
      tpu.wait_dma2 semaphore(%run_scoped3A : memref<!tpu.dma_semaphore, #tpu.memory_space<semaphore_mem>>) src(%dma_wait3A_90 : memref<8x128xi32, #tpu.memory_space<hbm>>) dst(%dma_wait3A_88 : memref<8x128xi32, #tpu.memory_space<vmem>>)
      tpu.yield
    }) : () -> ()
    "tpu.region"() ({
      %run_scoped3A = tpu.sem_alloc : memref<!tpu.dma_semaphore, #tpu.memory_space<semaphore_mem>>
      %dma_start3A = arith.constant 0 : i32
      %dma_start3A_73 = arith.constant 0 : i32
      %dma_start3A_74 = tpu.memref_slice %arg4[%dma_start3A, %dma_start3A_73] : memref<8x128xi32, #tpu.memory_space<vmem>> -> memref<8x128xi32, #tpu.memory_space<vmem>>
      %dma_start3A_75 = arith.constant 40 : i32
      %dma_start3A_76 = arith.constant 0 : i32
      %dma_start3A_77 = tpu.memref_slice %arg3[%dma_start3A_75, %add3A_4, %dma_start3A_76] : memref<50x128x128xi32, #tpu.memory_space<hbm>> -> memref<8x1x128xi32, #tpu.memory_space<hbm>>
      %dma_start3A_78 = tpu.memref_squeeze %dma_start3A_77 : memref<8x1x128xi32, #tpu.memory_space<hbm>> -> memref<8x128xi32, #tpu.memory_space<hbm>>
      %dma_start3A_79 = arith.constant 40 : i32
      %dma_start3A_80 = arith.constant 0 : i32
      %dma_start3A_81 = tpu.memref_slice %arg3[%dma_start3A_79, %add3A_4, %dma_start3A_80] : memref<50x128x128xi32, #tpu.memory_space<hbm>> -> memref<8x1x128xi32, #tpu.memory_space<hbm>>
      %dma_start3A_82 = tpu.memref_squeeze %dma_start3A_81 : memref<8x1x128xi32, #tpu.memory_space<hbm>> -> memref<8x128xi32, #tpu.memory_space<hbm>>
      %dma_start3A_83 = arith.constant 0 : i32
      %dma_start3A_84 = arith.constant 0 : i32
      %dma_start3A_85 = tpu.memref_slice %arg4[%dma_start3A_83, %dma_start3A_84] : memref<8x128xi32, #tpu.memory_space<vmem>> -> memref<8x128xi32, #tpu.memory_space<vmem>>
      tpu.enqueue_dma source(%dma_start3A_85 : memref<8x128xi32, #tpu.memory_space<vmem>>) target(%dma_start3A_82 : memref<8x128xi32, #tpu.memory_space<hbm>>) target_semaphore(%run_scoped3A : memref<!tpu.dma_semaphore, #tpu.memory_space<semaphore_mem>>)
      %dma_wait3A = arith.constant 0 : i32
      %dma_wait3A_86 = arith.constant 0 : i32
      %dma_wait3A_87 = tpu.memref_slice %arg4[%dma_wait3A, %dma_wait3A_86] : memref<8x128xi32, #tpu.memory_space<vmem>> -> memref<8x128xi32, #tpu.memory_space<vmem>>
      %dma_wait3A_88 = arith.constant 40 : i32
      %dma_wait3A_89 = arith.constant 0 : i32
      %dma_wait3A_90 = tpu.memref_slice %arg3[%dma_wait3A_88, %add3A_4, %dma_wait3A_89] : memref<50x128x128xi32, #tpu.memory_space<hbm>> -> memref<8x1x128xi32, #tpu.memory_space<hbm>>
      %dma_wait3A_91 = tpu.memref_squeeze %dma_wait3A_90 : memref<8x1x128xi32, #tpu.memory_space<hbm>> -> memref<8x128xi32, #tpu.memory_space<hbm>>
      %dma_wait3A_92 = arith.constant 40 : i32
      %dma_wait3A_93 = arith.constant 0 : i32
      %dma_wait3A_94 = tpu.memref_slice %arg3[%dma_wait3A_92, %add3A_4, %dma_wait3A_93] : memref<50x128x128xi32, #tpu.memory_space<hbm>> -> memref<8x1x128xi32, #tpu.memory_space<hbm>>
      %dma_wait3A_95 = tpu.memref_squeeze %dma_wait3A_94 : memref<8x1x128xi32, #tpu.memory_space<hbm>> -> memref<8x128xi32, #tpu.memory_space<hbm>>
      %dma_wait3A_96 = arith.constant 0 : i32
      %dma_wait3A_97 = arith.constant 0 : i32
      %dma_wait3A_98 = tpu.memref_slice %arg4[%dma_wait3A_96, %dma_wait3A_97] : memref<8x128xi32, #tpu.memory_space<vmem>> -> memref<8x128xi32, #tpu.memory_space<vmem>>
      tpu.wait_dma2 semaphore(%run_scoped3A : memref<!tpu.dma_semaphore, #tpu.memory_space<semaphore_mem>>) src(%dma_wait3A_98 : memref<8x128xi32, #tpu.memory_space<vmem>>) dst(%dma_wait3A_95 : memref<8x128xi32, #tpu.memory_space<hbm>>)
      tpu.yield
    }) : () -> ()
    %mul3A_17 = arith.constant 128 : i32
    %mul3A_18 = arith.muli %add3A_4, %mul3A_17 : i32
    "tpu.region"() ({
      %run_scoped3A = tpu.sem_alloc : memref<!tpu.dma_semaphore, #tpu.memory_space<semaphore_mem>>
      %dma_start3A = arith.constant 0 : i32
      %dma_start3A_73 = arith.constant 0 : i32
      %dma_start3A_74 = tpu.memref_slice %arg4[%dma_start3A, %dma_start3A_73] : memref<8x128xi32, #tpu.memory_space<vmem>> -> memref<2x128xi32, #tpu.memory_space<vmem>>
      %dma_start3A_75 = arith.constant 48 : i32
      %dma_start3A_76 = tpu.memref_slice %arg2[%dma_start3A_75, %mul3A_18] : memref<50x16384xi32, #tpu.memory_space<hbm>> -> memref<2x128xi32, #tpu.memory_space<hbm>>
      %dma_start3A_77 = arith.constant 0 : i32
      %dma_start3A_78 = arith.constant 0 : i32
      %dma_start3A_79 = tpu.memref_slice %arg4[%dma_start3A_77, %dma_start3A_78] : memref<8x128xi32, #tpu.memory_space<vmem>> -> memref<2x128xi32, #tpu.memory_space<vmem>>
      %dma_start3A_80 = arith.constant 48 : i32
      %dma_start3A_81 = tpu.memref_slice %arg2[%dma_start3A_80, %mul3A_18] : memref<50x16384xi32, #tpu.memory_space<hbm>> -> memref<2x128xi32, #tpu.memory_space<hbm>>
      tpu.enqueue_dma source(%dma_start3A_81 : memref<2x128xi32, #tpu.memory_space<hbm>>) target(%dma_start3A_79 : memref<2x128xi32, #tpu.memory_space<vmem>>) target_semaphore(%run_scoped3A : memref<!tpu.dma_semaphore, #tpu.memory_space<semaphore_mem>>)
      %dma_wait3A = arith.constant 0 : i32
      %dma_wait3A_82 = arith.constant 0 : i32
      %dma_wait3A_83 = tpu.memref_slice %arg4[%dma_wait3A, %dma_wait3A_82] : memref<8x128xi32, #tpu.memory_space<vmem>> -> memref<2x128xi32, #tpu.memory_space<vmem>>
      %dma_wait3A_84 = arith.constant 48 : i32
      %dma_wait3A_85 = tpu.memref_slice %arg2[%dma_wait3A_84, %mul3A_18] : memref<50x16384xi32, #tpu.memory_space<hbm>> -> memref<2x128xi32, #tpu.memory_space<hbm>>
      %dma_wait3A_86 = arith.constant 0 : i32
      %dma_wait3A_87 = arith.constant 0 : i32
      %dma_wait3A_88 = tpu.memref_slice %arg4[%dma_wait3A_86, %dma_wait3A_87] : memref<8x128xi32, #tpu.memory_space<vmem>> -> memref<2x128xi32, #tpu.memory_space<vmem>>
      %dma_wait3A_89 = arith.constant 48 : i32
      %dma_wait3A_90 = tpu.memref_slice %arg2[%dma_wait3A_89, %mul3A_18] : memref<50x16384xi32, #tpu.memory_space<hbm>> -> memref<2x128xi32, #tpu.memory_space<hbm>>
      tpu.wait_dma2 semaphore(%run_scoped3A : memref<!tpu.dma_semaphore, #tpu.memory_space<semaphore_mem>>) src(%dma_wait3A_90 : memref<2x128xi32, #tpu.memory_space<hbm>>) dst(%dma_wait3A_88 : memref<2x128xi32, #tpu.memory_space<vmem>>)
      tpu.yield
    }) : () -> ()
    "tpu.region"() ({
      %run_scoped3A = tpu.sem_alloc : memref<!tpu.dma_semaphore, #tpu.memory_space<semaphore_mem>>
      %dma_start3A = arith.constant 0 : i32
      %dma_start3A_73 = arith.constant 0 : i32
      %dma_start3A_74 = tpu.memref_slice %arg4[%dma_start3A, %dma_start3A_73] : memref<8x128xi32, #tpu.memory_space<vmem>> -> memref<2x128xi32, #tpu.memory_space<vmem>>
      %dma_start3A_75 = arith.constant 48 : i32
      %dma_start3A_76 = arith.constant 0 : i32
      %dma_start3A_77 = tpu.memref_slice %arg3[%dma_start3A_75, %add3A_4, %dma_start3A_76] : memref<50x128x128xi32, #tpu.memory_space<hbm>> -> memref<2x1x128xi32, #tpu.memory_space<hbm>>
      %dma_start3A_78 = tpu.memref_squeeze %dma_start3A_77 : memref<2x1x128xi32, #tpu.memory_space<hbm>> -> memref<2x128xi32, #tpu.memory_space<hbm>>
      %dma_start3A_79 = arith.constant 48 : i32
      %dma_start3A_80 = arith.constant 0 : i32
      %dma_start3A_81 = tpu.memref_slice %arg3[%dma_start3A_79, %add3A_4, %dma_start3A_80] : memref<50x128x128xi32, #tpu.memory_space<hbm>> -> memref<2x1x128xi32, #tpu.memory_space<hbm>>
      %dma_start3A_82 = tpu.memref_squeeze %dma_start3A_81 : memref<2x1x128xi32, #tpu.memory_space<hbm>> -> memref<2x128xi32, #tpu.memory_space<hbm>>
      %dma_start3A_83 = arith.constant 0 : i32
      %dma_start3A_84 = arith.constant 0 : i32
      %dma_start3A_85 = tpu.memref_slice %arg4[%dma_start3A_83, %dma_start3A_84] : memref<8x128xi32, #tpu.memory_space<vmem>> -> memref<2x128xi32, #tpu.memory_space<vmem>>
      tpu.enqueue_dma source(%dma_start3A_85 : memref<2x128xi32, #tpu.memory_space<vmem>>) target(%dma_start3A_82 : memref<2x128xi32, #tpu.memory_space<hbm>>) target_semaphore(%run_scoped3A : memref<!tpu.dma_semaphore, #tpu.memory_space<semaphore_mem>>)
      %dma_wait3A = arith.constant 0 : i32
      %dma_wait3A_86 = arith.constant 0 : i32
      %dma_wait3A_87 = tpu.memref_slice %arg4[%dma_wait3A, %dma_wait3A_86] : memref<8x128xi32, #tpu.memory_space<vmem>> -> memref<2x128xi32, #tpu.memory_space<vmem>>
      %dma_wait3A_88 = arith.constant 48 : i32
      %dma_wait3A_89 = arith.constant 0 : i32
      %dma_wait3A_90 = tpu.memref_slice %arg3[%dma_wait3A_88, %add3A_4, %dma_wait3A_89] : memref<50x128x128xi32, #tpu.memory_space<hbm>> -> memref<2x1x128xi32, #tpu.memory_space<hbm>>
      %dma_wait3A_91 = tpu.memref_squeeze %dma_wait3A_90 : memref<2x1x128xi32, #tpu.memory_space<hbm>> -> memref<2x128xi32, #tpu.memory_space<hbm>>
      %dma_wait3A_92 = arith.constant 48 : i32
      %dma_wait3A_93 = arith.constant 0 : i32
      %dma_wait3A_94 = tpu.memref_slice %arg3[%dma_wait3A_92, %add3A_4, %dma_wait3A_93] : memref<50x128x128xi32, #tpu.memory_space<hbm>> -> memref<2x1x128xi32, #tpu.memory_space<hbm>>
      %dma_wait3A_95 = tpu.memref_squeeze %dma_wait3A_94 : memref<2x1x128xi32, #tpu.memory_space<hbm>> -> memref<2x128xi32, #tpu.memory_space<hbm>>
      %dma_wait3A_96 = arith.constant 0 : i32
      %dma_wait3A_97 = arith.constant 0 : i32
      %dma_wait3A_98 = tpu.memref_slice %arg4[%dma_wait3A_96, %dma_wait3A_97] : memref<8x128xi32, #tpu.memory_space<vmem>> -> memref<2x128xi32, #tpu.memory_space<vmem>>
      tpu.wait_dma2 semaphore(%run_scoped3A : memref<!tpu.dma_semaphore, #tpu.memory_space<semaphore_mem>>) src(%dma_wait3A_98 : memref<2x128xi32, #tpu.memory_space<vmem>>) dst(%dma_wait3A_95 : memref<2x128xi32, #tpu.memory_space<hbm>>)
      tpu.yield
    }) : () -> ()
    %mul3A_19 = arith.constant 4 : i32
    %mul3A_20 = arith.muli %add3A, %mul3A_19 : i32
    %add3A_21 = arith.constant 1 : i32
    %add3A_22 = arith.addi %mul3A_20, %add3A_21 : i32
    %mul3A_23 = arith.constant 128 : i32
    %mul3A_24 = arith.muli %add3A_22, %mul3A_23 : i32
    "tpu.region"() ({
      %run_scoped3A = tpu.sem_alloc : memref<!tpu.dma_semaphore, #tpu.memory_space<semaphore_mem>>
      %dma_start3A = arith.constant 0 : i32
      %dma_start3A_73 = arith.constant 0 : i32
      %dma_start3A_74 = tpu.memref_slice %arg4[%dma_start3A, %dma_start3A_73] : memref<8x128xi32, #tpu.memory_space<vmem>> -> memref<8x128xi32, #tpu.memory_space<vmem>>
      %dma_start3A_75 = arith.constant 0 : i32
      %dma_start3A_76 = tpu.memref_slice %arg2[%dma_start3A_75, %mul3A_24] : memref<50x16384xi32, #tpu.memory_space<hbm>> -> memref<8x128xi32, #tpu.memory_space<hbm>>
      %dma_start3A_77 = arith.constant 0 : i32
      %dma_start3A_78 = arith.constant 0 : i32
      %dma_start3A_79 = tpu.memref_slice %arg4[%dma_start3A_77, %dma_start3A_78] : memref<8x128xi32, #tpu.memory_space<vmem>> -> memref<8x128xi32, #tpu.memory_space<vmem>>
      %dma_start3A_80 = arith.constant 0 : i32
      %dma_start3A_81 = tpu.memref_slice %arg2[%dma_start3A_80, %mul3A_24] : memref<50x16384xi32, #tpu.memory_space<hbm>> -> memref<8x128xi32, #tpu.memory_space<hbm>>
      tpu.enqueue_dma source(%dma_start3A_81 : memref<8x128xi32, #tpu.memory_space<hbm>>) target(%dma_start3A_79 : memref<8x128xi32, #tpu.memory_space<vmem>>) target_semaphore(%run_scoped3A : memref<!tpu.dma_semaphore, #tpu.memory_space<semaphore_mem>>)
      %dma_wait3A = arith.constant 0 : i32
      %dma_wait3A_82 = arith.constant 0 : i32
      %dma_wait3A_83 = tpu.memref_slice %arg4[%dma_wait3A, %dma_wait3A_82] : memref<8x128xi32, #tpu.memory_space<vmem>> -> memref<8x128xi32, #tpu.memory_space<vmem>>
      %dma_wait3A_84 = arith.constant 0 : i32
      %dma_wait3A_85 = tpu.memref_slice %arg2[%dma_wait3A_84, %mul3A_24] : memref<50x16384xi32, #tpu.memory_space<hbm>> -> memref<8x128xi32, #tpu.memory_space<hbm>>
      %dma_wait3A_86 = arith.constant 0 : i32
      %dma_wait3A_87 = arith.constant 0 : i32
      %dma_wait3A_88 = tpu.memref_slice %arg4[%dma_wait3A_86, %dma_wait3A_87] : memref<8x128xi32, #tpu.memory_space<vmem>> -> memref<8x128xi32, #tpu.memory_space<vmem>>
      %dma_wait3A_89 = arith.constant 0 : i32
      %dma_wait3A_90 = tpu.memref_slice %arg2[%dma_wait3A_89, %mul3A_24] : memref<50x16384xi32, #tpu.memory_space<hbm>> -> memref<8x128xi32, #tpu.memory_space<hbm>>
      tpu.wait_dma2 semaphore(%run_scoped3A : memref<!tpu.dma_semaphore, #tpu.memory_space<semaphore_mem>>) src(%dma_wait3A_90 : memref<8x128xi32, #tpu.memory_space<hbm>>) dst(%dma_wait3A_88 : memref<8x128xi32, #tpu.memory_space<vmem>>)
      tpu.yield
    }) : () -> ()
    "tpu.region"() ({
      %run_scoped3A = tpu.sem_alloc : memref<!tpu.dma_semaphore, #tpu.memory_space<semaphore_mem>>
      %dma_start3A = arith.constant 0 : i32
      %dma_start3A_73 = arith.constant 0 : i32
      %dma_start3A_74 = tpu.memref_slice %arg4[%dma_start3A, %dma_start3A_73] : memref<8x128xi32, #tpu.memory_space<vmem>> -> memref<8x128xi32, #tpu.memory_space<vmem>>
      %dma_start3A_75 = arith.constant 0 : i32
      %dma_start3A_76 = arith.constant 0 : i32
      %dma_start3A_77 = tpu.memref_slice %arg3[%dma_start3A_75, %add3A_22, %dma_start3A_76] : memref<50x128x128xi32, #tpu.memory_space<hbm>> -> memref<8x1x128xi32, #tpu.memory_space<hbm>>
      %dma_start3A_78 = tpu.memref_squeeze %dma_start3A_77 : memref<8x1x128xi32, #tpu.memory_space<hbm>> -> memref<8x128xi32, #tpu.memory_space<hbm>>
      %dma_start3A_79 = arith.constant 0 : i32
      %dma_start3A_80 = arith.constant 0 : i32
      %dma_start3A_81 = tpu.memref_slice %arg3[%dma_start3A_79, %add3A_22, %dma_start3A_80] : memref<50x128x128xi32, #tpu.memory_space<hbm>> -> memref<8x1x128xi32, #tpu.memory_space<hbm>>
      %dma_start3A_82 = tpu.memref_squeeze %dma_start3A_81 : memref<8x1x128xi32, #tpu.memory_space<hbm>> -> memref<8x128xi32, #tpu.memory_space<hbm>>
      %dma_start3A_83 = arith.constant 0 : i32
      %dma_start3A_84 = arith.constant 0 : i32
      %dma_start3A_85 = tpu.memref_slice %arg4[%dma_start3A_83, %dma_start3A_84] : memref<8x128xi32, #tpu.memory_space<vmem>> -> memref<8x128xi32, #tpu.memory_space<vmem>>
      tpu.enqueue_dma source(%dma_start3A_85 : memref<8x128xi32, #tpu.memory_space<vmem>>) target(%dma_start3A_82 : memref<8x128xi32, #tpu.memory_space<hbm>>) target_semaphore(%run_scoped3A : memref<!tpu.dma_semaphore, #tpu.memory_space<semaphore_mem>>)
      %dma_wait3A = arith.constant 0 : i32
      %dma_wait3A_86 = arith.constant 0 : i32
      %dma_wait3A_87 = tpu.memref_slice %arg4[%dma_wait3A, %dma_wait3A_86] : memref<8x128xi32, #tpu.memory_space<vmem>> -> memref<8x128xi32, #tpu.memory_space<vmem>>
      %dma_wait3A_88 = arith.constant 0 : i32
      %dma_wait3A_89 = arith.constant 0 : i32
      %dma_wait3A_90 = tpu.memref_slice %arg3[%dma_wait3A_88, %add3A_22, %dma_wait3A_89] : memref<50x128x128xi32, #tpu.memory_space<hbm>> -> memref<8x1x128xi32, #tpu.memory_space<hbm>>
      %dma_wait3A_91 = tpu.memref_squeeze %dma_wait3A_90 : memref<8x1x128xi32, #tpu.memory_space<hbm>> -> memref<8x128xi32, #tpu.memory_space<hbm>>
      %dma_wait3A_92 = arith.constant 0 : i32
      %dma_wait3A_93 = arith.constant 0 : i32
      %dma_wait3A_94 = tpu.memref_slice %arg3[%dma_wait3A_92, %add3A_22, %dma_wait3A_93] : memref<50x128x128xi32, #tpu.memory_space<hbm>> -> memref<8x1x128xi32, #tpu.memory_space<hbm>>
      %dma_wait3A_95 = tpu.memref_squeeze %dma_wait3A_94 : memref<8x1x128xi32, #tpu.memory_space<hbm>> -> memref<8x128xi32, #tpu.memory_space<hbm>>
      %dma_wait3A_96 = arith.constant 0 : i32
      %dma_wait3A_97 = arith.constant 0 : i32
      %dma_wait3A_98 = tpu.memref_slice %arg4[%dma_wait3A_96, %dma_wait3A_97] : memref<8x128xi32, #tpu.memory_space<vmem>> -> memref<8x128xi32, #tpu.memory_space<vmem>>
      tpu.wait_dma2 semaphore(%run_scoped3A : memref<!tpu.dma_semaphore, #tpu.memory_space<semaphore_mem>>) src(%dma_wait3A_98 : memref<8x128xi32, #tpu.memory_space<vmem>>) dst(%dma_wait3A_95 : memref<8x128xi32, #tpu.memory_space<hbm>>)
      tpu.yield
    }) : () -> ()
    %mul3A_25 = arith.constant 128 : i32
    %mul3A_26 = arith.muli %add3A_22, %mul3A_25 : i32
    "tpu.region"() ({
      %run_scoped3A = tpu.sem_alloc : memref<!tpu.dma_semaphore, #tpu.memory_space<semaphore_mem>>
      %dma_start3A = arith.constant 0 : i32
      %dma_start3A_73 = arith.constant 0 : i32
      %dma_start3A_74 = tpu.memref_slice %arg4[%dma_start3A, %dma_start3A_73] : memref<8x128xi32, #tpu.memory_space<vmem>> -> memref<8x128xi32, #tpu.memory_space<vmem>>
      %dma_start3A_75 = arith.constant 8 : i32
      %dma_start3A_76 = tpu.memref_slice %arg2[%dma_start3A_75, %mul3A_26] : memref<50x16384xi32, #tpu.memory_space<hbm>> -> memref<8x128xi32, #tpu.memory_space<hbm>>
      %dma_start3A_77 = arith.constant 0 : i32
      %dma_start3A_78 = arith.constant 0 : i32
      %dma_start3A_79 = tpu.memref_slice %arg4[%dma_start3A_77, %dma_start3A_78] : memref<8x128xi32, #tpu.memory_space<vmem>> -> memref<8x128xi32, #tpu.memory_space<vmem>>
      %dma_start3A_80 = arith.constant 8 : i32
      %dma_start3A_81 = tpu.memref_slice %arg2[%dma_start3A_80, %mul3A_26] : memref<50x16384xi32, #tpu.memory_space<hbm>> -> memref<8x128xi32, #tpu.memory_space<hbm>>
      tpu.enqueue_dma source(%dma_start3A_81 : memref<8x128xi32, #tpu.memory_space<hbm>>) target(%dma_start3A_79 : memref<8x128xi32, #tpu.memory_space<vmem>>) target_semaphore(%run_scoped3A : memref<!tpu.dma_semaphore, #tpu.memory_space<semaphore_mem>>)
      %dma_wait3A = arith.constant 0 : i32
      %dma_wait3A_82 = arith.constant 0 : i32
      %dma_wait3A_83 = tpu.memref_slice %arg4[%dma_wait3A, %dma_wait3A_82] : memref<8x128xi32, #tpu.memory_space<vmem>> -> memref<8x128xi32, #tpu.memory_space<vmem>>
      %dma_wait3A_84 = arith.constant 8 : i32
      %dma_wait3A_85 = tpu.memref_slice %arg2[%dma_wait3A_84, %mul3A_26] : memref<50x16384xi32, #tpu.memory_space<hbm>> -> memref<8x128xi32, #tpu.memory_space<hbm>>
      %dma_wait3A_86 = arith.constant 0 : i32
      %dma_wait3A_87 = arith.constant 0 : i32
      %dma_wait3A_88 = tpu.memref_slice %arg4[%dma_wait3A_86, %dma_wait3A_87] : memref<8x128xi32, #tpu.memory_space<vmem>> -> memref<8x128xi32, #tpu.memory_space<vmem>>
      %dma_wait3A_89 = arith.constant 8 : i32
      %dma_wait3A_90 = tpu.memref_slice %arg2[%dma_wait3A_89, %mul3A_26] : memref<50x16384xi32, #tpu.memory_space<hbm>> -> memref<8x128xi32, #tpu.memory_space<hbm>>
      tpu.wait_dma2 semaphore(%run_scoped3A : memref<!tpu.dma_semaphore, #tpu.memory_space<semaphore_mem>>) src(%dma_wait3A_90 : memref<8x128xi32, #tpu.memory_space<hbm>>) dst(%dma_wait3A_88 : memref<8x128xi32, #tpu.memory_space<vmem>>)
      tpu.yield
    }) : () -> ()
    "tpu.region"() ({
      %run_scoped3A = tpu.sem_alloc : memref<!tpu.dma_semaphore, #tpu.memory_space<semaphore_mem>>
      %dma_start3A = arith.constant 0 : i32
      %dma_start3A_73 = arith.constant 0 : i32
      %dma_start3A_74 = tpu.memref_slice %arg4[%dma_start3A, %dma_start3A_73] : memref<8x128xi32, #tpu.memory_space<vmem>> -> memref<8x128xi32, #tpu.memory_space<vmem>>
      %dma_start3A_75 = arith.constant 8 : i32
      %dma_start3A_76 = arith.constant 0 : i32
      %dma_start3A_77 = tpu.memref_slice %arg3[%dma_start3A_75, %add3A_22, %dma_start3A_76] : memref<50x128x128xi32, #tpu.memory_space<hbm>> -> memref<8x1x128xi32, #tpu.memory_space<hbm>>
      %dma_start3A_78 = tpu.memref_squeeze %dma_start3A_77 : memref<8x1x128xi32, #tpu.memory_space<hbm>> -> memref<8x128xi32, #tpu.memory_space<hbm>>
      %dma_start3A_79 = arith.constant 8 : i32
      %dma_start3A_80 = arith.constant 0 : i32
      %dma_start3A_81 = tpu.memref_slice %arg3[%dma_start3A_79, %add3A_22, %dma_start3A_80] : memref<50x128x128xi32, #tpu.memory_space<hbm>> -> memref<8x1x128xi32, #tpu.memory_space<hbm>>
      %dma_start3A_82 = tpu.memref_squeeze %dma_start3A_81 : memref<8x1x128xi32, #tpu.memory_space<hbm>> -> memref<8x128xi32, #tpu.memory_space<hbm>>
      %dma_start3A_83 = arith.constant 0 : i32
      %dma_start3A_84 = arith.constant 0 : i32
      %dma_start3A_85 = tpu.memref_slice %arg4[%dma_start3A_83, %dma_start3A_84] : memref<8x128xi32, #tpu.memory_space<vmem>> -> memref<8x128xi32, #tpu.memory_space<vmem>>
      tpu.enqueue_dma source(%dma_start3A_85 : memref<8x128xi32, #tpu.memory_space<vmem>>) target(%dma_start3A_82 : memref<8x128xi32, #tpu.memory_space<hbm>>) target_semaphore(%run_scoped3A : memref<!tpu.dma_semaphore, #tpu.memory_space<semaphore_mem>>)
      %dma_wait3A = arith.constant 0 : i32
      %dma_wait3A_86 = arith.constant 0 : i32
      %dma_wait3A_87 = tpu.memref_slice %arg4[%dma_wait3A, %dma_wait3A_86] : memref<8x128xi32, #tpu.memory_space<vmem>> -> memref<8x128xi32, #tpu.memory_space<vmem>>
      %dma_wait3A_88 = arith.constant 8 : i32
      %dma_wait3A_89 = arith.constant 0 : i32
      %dma_wait3A_90 = tpu.memref_slice %arg3[%dma_wait3A_88, %add3A_22, %dma_wait3A_89] : memref<50x128x128xi32, #tpu.memory_space<hbm>> -> memref<8x1x128xi32, #tpu.memory_space<hbm>>
      %dma_wait3A_91 = tpu.memref_squeeze %dma_wait3A_90 : memref<8x1x128xi32, #tpu.memory_space<hbm>> -> memref<8x128xi32, #tpu.memory_space<hbm>>
      %dma_wait3A_92 = arith.constant 8 : i32
      %dma_wait3A_93 = arith.constant 0 : i32
      %dma_wait3A_94 = tpu.memref_slice %arg3[%dma_wait3A_92, %add3A_22, %dma_wait3A_93] : memref<50x128x128xi32, #tpu.memory_space<hbm>> -> memref<8x1x128xi32, #tpu.memory_space<hbm>>
      %dma_wait3A_95 = tpu.memref_squeeze %dma_wait3A_94 : memref<8x1x128xi32, #tpu.memory_space<hbm>> -> memref<8x128xi32, #tpu.memory_space<hbm>>
      %dma_wait3A_96 = arith.constant 0 : i32
      %dma_wait3A_97 = arith.constant 0 : i32
      %dma_wait3A_98 = tpu.memref_slice %arg4[%dma_wait3A_96, %dma_wait3A_97] : memref<8x128xi32, #tpu.memory_space<vmem>> -> memref<8x128xi32, #tpu.memory_space<vmem>>
      tpu.wait_dma2 semaphore(%run_scoped3A : memref<!tpu.dma_semaphore, #tpu.memory_space<semaphore_mem>>) src(%dma_wait3A_98 : memref<8x128xi32, #tpu.memory_space<vmem>>) dst(%dma_wait3A_95 : memref<8x128xi32, #tpu.memory_space<hbm>>)
      tpu.yield
    }) : () -> ()
    %mul3A_27 = arith.constant 128 : i32
    %mul3A_28 = arith.muli %add3A_22, %mul3A_27 : i32
    "tpu.region"() ({
      %run_scoped3A = tpu.sem_alloc : memref<!tpu.dma_semaphore, #tpu.memory_space<semaphore_mem>>
      %dma_start3A = arith.constant 0 : i32
      %dma_start3A_73 = arith.constant 0 : i32
      %dma_start3A_74 = tpu.memref_slice %arg4[%dma_start3A, %dma_start3A_73] : memref<8x128xi32, #tpu.memory_space<vmem>> -> memref<8x128xi32, #tpu.memory_space<vmem>>
      %dma_start3A_75 = arith.constant 16 : i32
      %dma_start3A_76 = tpu.memref_slice %arg2[%dma_start3A_75, %mul3A_28] : memref<50x16384xi32, #tpu.memory_space<hbm>> -> memref<8x128xi32, #tpu.memory_space<hbm>>
      %dma_start3A_77 = arith.constant 0 : i32
      %dma_start3A_78 = arith.constant 0 : i32
      %dma_start3A_79 = tpu.memref_slice %arg4[%dma_start3A_77, %dma_start3A_78] : memref<8x128xi32, #tpu.memory_space<vmem>> -> memref<8x128xi32, #tpu.memory_space<vmem>>
      %dma_start3A_80 = arith.constant 16 : i32
      %dma_start3A_81 = tpu.memref_slice %arg2[%dma_start3A_80, %mul3A_28] : memref<50x16384xi32, #tpu.memory_space<hbm>> -> memref<8x128xi32, #tpu.memory_space<hbm>>
      tpu.enqueue_dma source(%dma_start3A_81 : memref<8x128xi32, #tpu.memory_space<hbm>>) target(%dma_start3A_79 : memref<8x128xi32, #tpu.memory_space<vmem>>) target_semaphore(%run_scoped3A : memref<!tpu.dma_semaphore, #tpu.memory_space<semaphore_mem>>)
      %dma_wait3A = arith.constant 0 : i32
      %dma_wait3A_82 = arith.constant 0 : i32
      %dma_wait3A_83 = tpu.memref_slice %arg4[%dma_wait3A, %dma_wait3A_82] : memref<8x128xi32, #tpu.memory_space<vmem>> -> memref<8x128xi32, #tpu.memory_space<vmem>>
      %dma_wait3A_84 = arith.constant 16 : i32
      %dma_wait3A_85 = tpu.memref_slice %arg2[%dma_wait3A_84, %mul3A_28] : memref<50x16384xi32, #tpu.memory_space<hbm>> -> memref<8x128xi32, #tpu.memory_space<hbm>>
      %dma_wait3A_86 = arith.constant 0 : i32
      %dma_wait3A_87 = arith.constant 0 : i32
      %dma_wait3A_88 = tpu.memref_slice %arg4[%dma_wait3A_86, %dma_wait3A_87] : memref<8x128xi32, #tpu.memory_space<vmem>> -> memref<8x128xi32, #tpu.memory_space<vmem>>
      %dma_wait3A_89 = arith.constant 16 : i32
      %dma_wait3A_90 = tpu.memref_slice %arg2[%dma_wait3A_89, %mul3A_28] : memref<50x16384xi32, #tpu.memory_space<hbm>> -> memref<8x128xi32, #tpu.memory_space<hbm>>
      tpu.wait_dma2 semaphore(%run_scoped3A : memref<!tpu.dma_semaphore, #tpu.memory_space<semaphore_mem>>) src(%dma_wait3A_90 : memref<8x128xi32, #tpu.memory_space<hbm>>) dst(%dma_wait3A_88 : memref<8x128xi32, #tpu.memory_space<vmem>>)
      tpu.yield
    }) : () -> ()
    "tpu.region"() ({
      %run_scoped3A = tpu.sem_alloc : memref<!tpu.dma_semaphore, #tpu.memory_space<semaphore_mem>>
      %dma_start3A = arith.constant 0 : i32
      %dma_start3A_73 = arith.constant 0 : i32
      %dma_start3A_74 = tpu.memref_slice %arg4[%dma_start3A, %dma_start3A_73] : memref<8x128xi32, #tpu.memory_space<vmem>> -> memref<8x128xi32, #tpu.memory_space<vmem>>
      %dma_start3A_75 = arith.constant 16 : i32
      %dma_start3A_76 = arith.constant 0 : i32
      %dma_start3A_77 = tpu.memref_slice %arg3[%dma_start3A_75, %add3A_22, %dma_start3A_76] : memref<50x128x128xi32, #tpu.memory_space<hbm>> -> memref<8x1x128xi32, #tpu.memory_space<hbm>>
      %dma_start3A_78 = tpu.memref_squeeze %dma_start3A_77 : memref<8x1x128xi32, #tpu.memory_space<hbm>> -> memref<8x128xi32, #tpu.memory_space<hbm>>
      %dma_start3A_79 = arith.constant 16 : i32
      %dma_start3A_80 = arith.constant 0 : i32
      %dma_start3A_81 = tpu.memref_slice %arg3[%dma_start3A_79, %add3A_22, %dma_start3A_80] : memref<50x128x128xi32, #tpu.memory_space<hbm>> -> memref<8x1x128xi32, #tpu.memory_space<hbm>>
      %dma_start3A_82 = tpu.memref_squeeze %dma_start3A_81 : memref<8x1x128xi32, #tpu.memory_space<hbm>> -> memref<8x128xi32, #tpu.memory_space<hbm>>
      %dma_start3A_83 = arith.constant 0 : i32
      %dma_start3A_84 = arith.constant 0 : i32
      %dma_start3A_85 = tpu.memref_slice %arg4[%dma_start3A_83, %dma_start3A_84] : memref<8x128xi32, #tpu.memory_space<vmem>> -> memref<8x128xi32, #tpu.memory_space<vmem>>
      tpu.enqueue_dma source(%dma_start3A_85 : memref<8x128xi32, #tpu.memory_space<vmem>>) target(%dma_start3A_82 : memref<8x128xi32, #tpu.memory_space<hbm>>) target_semaphore(%run_scoped3A : memref<!tpu.dma_semaphore, #tpu.memory_space<semaphore_mem>>)
      %dma_wait3A = arith.constant 0 : i32
      %dma_wait3A_86 = arith.constant 0 : i32
      %dma_wait3A_87 = tpu.memref_slice %arg4[%dma_wait3A, %dma_wait3A_86] : memref<8x128xi32, #tpu.memory_space<vmem>> -> memref<8x128xi32, #tpu.memory_space<vmem>>
      %dma_wait3A_88 = arith.constant 16 : i32
      %dma_wait3A_89 = arith.constant 0 : i32
      %dma_wait3A_90 = tpu.memref_slice %arg3[%dma_wait3A_88, %add3A_22, %dma_wait3A_89] : memref<50x128x128xi32, #tpu.memory_space<hbm>> -> memref<8x1x128xi32, #tpu.memory_space<hbm>>
      %dma_wait3A_91 = tpu.memref_squeeze %dma_wait3A_90 : memref<8x1x128xi32, #tpu.memory_space<hbm>> -> memref<8x128xi32, #tpu.memory_space<hbm>>
      %dma_wait3A_92 = arith.constant 16 : i32
      %dma_wait3A_93 = arith.constant 0 : i32
      %dma_wait3A_94 = tpu.memref_slice %arg3[%dma_wait3A_92, %add3A_22, %dma_wait3A_93] : memref<50x128x128xi32, #tpu.memory_space<hbm>> -> memref<8x1x128xi32, #tpu.memory_space<hbm>>
      %dma_wait3A_95 = tpu.memref_squeeze %dma_wait3A_94 : memref<8x1x128xi32, #tpu.memory_space<hbm>> -> memref<8x128xi32, #tpu.memory_space<hbm>>
      %dma_wait3A_96 = arith.constant 0 : i32
      %dma_wait3A_97 = arith.constant 0 : i32
      %dma_wait3A_98 = tpu.memref_slice %arg4[%dma_wait3A_96, %dma_wait3A_97] : memref<8x128xi32, #tpu.memory_space<vmem>> -> memref<8x128xi32, #tpu.memory_space<vmem>>
      tpu.wait_dma2 semaphore(%run_scoped3A : memref<!tpu.dma_semaphore, #tpu.memory_space<semaphore_mem>>) src(%dma_wait3A_98 : memref<8x128xi32, #tpu.memory_space<vmem>>) dst(%dma_wait3A_95 : memref<8x128xi32, #tpu.memory_space<hbm>>)
      tpu.yield
    }) : () -> ()
    %mul3A_29 = arith.constant 128 : i32
    %mul3A_30 = arith.muli %add3A_22, %mul3A_29 : i32
    "tpu.region"() ({
      %run_scoped3A = tpu.sem_alloc : memref<!tpu.dma_semaphore, #tpu.memory_space<semaphore_mem>>
      %dma_start3A = arith.constant 0 : i32
      %dma_start3A_73 = arith.constant 0 : i32
      %dma_start3A_74 = tpu.memref_slice %arg4[%dma_start3A, %dma_start3A_73] : memref<8x128xi32, #tpu.memory_space<vmem>> -> memref<8x128xi32, #tpu.memory_space<vmem>>
      %dma_start3A_75 = arith.constant 24 : i32
      %dma_start3A_76 = tpu.memref_slice %arg2[%dma_start3A_75, %mul3A_30] : memref<50x16384xi32, #tpu.memory_space<hbm>> -> memref<8x128xi32, #tpu.memory_space<hbm>>
      %dma_start3A_77 = arith.constant 0 : i32
      %dma_start3A_78 = arith.constant 0 : i32
      %dma_start3A_79 = tpu.memref_slice %arg4[%dma_start3A_77, %dma_start3A_78] : memref<8x128xi32, #tpu.memory_space<vmem>> -> memref<8x128xi32, #tpu.memory_space<vmem>>
      %dma_start3A_80 = arith.constant 24 : i32
      %dma_start3A_81 = tpu.memref_slice %arg2[%dma_start3A_80, %mul3A_30] : memref<50x16384xi32, #tpu.memory_space<hbm>> -> memref<8x128xi32, #tpu.memory_space<hbm>>
      tpu.enqueue_dma source(%dma_start3A_81 : memref<8x128xi32, #tpu.memory_space<hbm>>) target(%dma_start3A_79 : memref<8x128xi32, #tpu.memory_space<vmem>>) target_semaphore(%run_scoped3A : memref<!tpu.dma_semaphore, #tpu.memory_space<semaphore_mem>>)
      %dma_wait3A = arith.constant 0 : i32
      %dma_wait3A_82 = arith.constant 0 : i32
      %dma_wait3A_83 = tpu.memref_slice %arg4[%dma_wait3A, %dma_wait3A_82] : memref<8x128xi32, #tpu.memory_space<vmem>> -> memref<8x128xi32, #tpu.memory_space<vmem>>
      %dma_wait3A_84 = arith.constant 24 : i32
      %dma_wait3A_85 = tpu.memref_slice %arg2[%dma_wait3A_84, %mul3A_30] : memref<50x16384xi32, #tpu.memory_space<hbm>> -> memref<8x128xi32, #tpu.memory_space<hbm>>
      %dma_wait3A_86 = arith.constant 0 : i32
      %dma_wait3A_87 = arith.constant 0 : i32
      %dma_wait3A_88 = tpu.memref_slice %arg4[%dma_wait3A_86, %dma_wait3A_87] : memref<8x128xi32, #tpu.memory_space<vmem>> -> memref<8x128xi32, #tpu.memory_space<vmem>>
      %dma_wait3A_89 = arith.constant 24 : i32
      %dma_wait3A_90 = tpu.memref_slice %arg2[%dma_wait3A_89, %mul3A_30] : memref<50x16384xi32, #tpu.memory_space<hbm>> -> memref<8x128xi32, #tpu.memory_space<hbm>>
      tpu.wait_dma2 semaphore(%run_scoped3A : memref<!tpu.dma_semaphore, #tpu.memory_space<semaphore_mem>>) src(%dma_wait3A_90 : memref<8x128xi32, #tpu.memory_space<hbm>>) dst(%dma_wait3A_88 : memref<8x128xi32, #tpu.memory_space<vmem>>)
      tpu.yield
    }) : () -> ()
    "tpu.region"() ({
      %run_scoped3A = tpu.sem_alloc : memref<!tpu.dma_semaphore, #tpu.memory_space<semaphore_mem>>
      %dma_start3A = arith.constant 0 : i32
      %dma_start3A_73 = arith.constant 0 : i32
      %dma_start3A_74 = tpu.memref_slice %arg4[%dma_start3A, %dma_start3A_73] : memref<8x128xi32, #tpu.memory_space<vmem>> -> memref<8x128xi32, #tpu.memory_space<vmem>>
      %dma_start3A_75 = arith.constant 24 : i32
      %dma_start3A_76 = arith.constant 0 : i32
      %dma_start3A_77 = tpu.memref_slice %arg3[%dma_start3A_75, %add3A_22, %dma_start3A_76] : memref<50x128x128xi32, #tpu.memory_space<hbm>> -> memref<8x1x128xi32, #tpu.memory_space<hbm>>
      %dma_start3A_78 = tpu.memref_squeeze %dma_start3A_77 : memref<8x1x128xi32, #tpu.memory_space<hbm>> -> memref<8x128xi32, #tpu.memory_space<hbm>>
      %dma_start3A_79 = arith.constant 24 : i32
      %dma_start3A_80 = arith.constant 0 : i32
      %dma_start3A_81 = tpu.memref_slice %arg3[%dma_start3A_79, %add3A_22, %dma_start3A_80] : memref<50x128x128xi32, #tpu.memory_space<hbm>> -> memref<8x1x128xi32, #tpu.memory_space<hbm>>
      %dma_start3A_82 = tpu.memref_squeeze %dma_start3A_81 : memref<8x1x128xi32, #tpu.memory_space<hbm>> -> memref<8x128xi32, #tpu.memory_space<hbm>>
      %dma_start3A_83 = arith.constant 0 : i32
      %dma_start3A_84 = arith.constant 0 : i32
      %dma_start3A_85 = tpu.memref_slice %arg4[%dma_start3A_83, %dma_start3A_84] : memref<8x128xi32, #tpu.memory_space<vmem>> -> memref<8x128xi32, #tpu.memory_space<vmem>>
      tpu.enqueue_dma source(%dma_start3A_85 : memref<8x128xi32, #tpu.memory_space<vmem>>) target(%dma_start3A_82 : memref<8x128xi32, #tpu.memory_space<hbm>>) target_semaphore(%run_scoped3A : memref<!tpu.dma_semaphore, #tpu.memory_space<semaphore_mem>>)
      %dma_wait3A = arith.constant 0 : i32
      %dma_wait3A_86 = arith.constant 0 : i32
      %dma_wait3A_87 = tpu.memref_slice %arg4[%dma_wait3A, %dma_wait3A_86] : memref<8x128xi32, #tpu.memory_space<vmem>> -> memref<8x128xi32, #tpu.memory_space<vmem>>
      %dma_wait3A_88 = arith.constant 24 : i32
      %dma_wait3A_89 = arith.constant 0 : i32
      %dma_wait3A_90 = tpu.memref_slice %arg3[%dma_wait3A_88, %add3A_22, %dma_wait3A_89] : memref<50x128x128xi32, #tpu.memory_space<hbm>> -> memref<8x1x128xi32, #tpu.memory_space<hbm>>
      %dma_wait3A_91 = tpu.memref_squeeze %dma_wait3A_90 : memref<8x1x128xi32, #tpu.memory_space<hbm>> -> memref<8x128xi32, #tpu.memory_space<hbm>>
      %dma_wait3A_92 = arith.constant 24 : i32
      %dma_wait3A_93 = arith.constant 0 : i32
      %dma_wait3A_94 = tpu.memref_slice %arg3[%dma_wait3A_92, %add3A_22, %dma_wait3A_93] : memref<50x128x128xi32, #tpu.memory_space<hbm>> -> memref<8x1x128xi32, #tpu.memory_space<hbm>>
      %dma_wait3A_95 = tpu.memref_squeeze %dma_wait3A_94 : memref<8x1x128xi32, #tpu.memory_space<hbm>> -> memref<8x128xi32, #tpu.memory_space<hbm>>
      %dma_wait3A_96 = arith.constant 0 : i32
      %dma_wait3A_97 = arith.constant 0 : i32
      %dma_wait3A_98 = tpu.memref_slice %arg4[%dma_wait3A_96, %dma_wait3A_97] : memref<8x128xi32, #tpu.memory_space<vmem>> -> memref<8x128xi32, #tpu.memory_space<vmem>>
      tpu.wait_dma2 semaphore(%run_scoped3A : memref<!tpu.dma_semaphore, #tpu.memory_space<semaphore_mem>>) src(%dma_wait3A_98 : memref<8x128xi32, #tpu.memory_space<vmem>>) dst(%dma_wait3A_95 : memref<8x128xi32, #tpu.memory_space<hbm>>)
      tpu.yield
    }) : () -> ()
    %mul3A_31 = arith.constant 128 : i32
    %mul3A_32 = arith.muli %add3A_22, %mul3A_31 : i32
    "tpu.region"() ({
      %run_scoped3A = tpu.sem_alloc : memref<!tpu.dma_semaphore, #tpu.memory_space<semaphore_mem>>
      %dma_start3A = arith.constant 0 : i32
      %dma_start3A_73 = arith.constant 0 : i32
      %dma_start3A_74 = tpu.memref_slice %arg4[%dma_start3A, %dma_start3A_73] : memref<8x128xi32, #tpu.memory_space<vmem>> -> memref<8x128xi32, #tpu.memory_space<vmem>>
      %dma_start3A_75 = arith.constant 32 : i32
      %dma_start3A_76 = tpu.memref_slice %arg2[%dma_start3A_75, %mul3A_32] : memref<50x16384xi32, #tpu.memory_space<hbm>> -> memref<8x128xi32, #tpu.memory_space<hbm>>
      %dma_start3A_77 = arith.constant 0 : i32
      %dma_start3A_78 = arith.constant 0 : i32
      %dma_start3A_79 = tpu.memref_slice %arg4[%dma_start3A_77, %dma_start3A_78] : memref<8x128xi32, #tpu.memory_space<vmem>> -> memref<8x128xi32, #tpu.memory_space<vmem>>
      %dma_start3A_80 = arith.constant 32 : i32
      %dma_start3A_81 = tpu.memref_slice %arg2[%dma_start3A_80, %mul3A_32] : memref<50x16384xi32, #tpu.memory_space<hbm>> -> memref<8x128xi32, #tpu.memory_space<hbm>>
      tpu.enqueue_dma source(%dma_start3A_81 : memref<8x128xi32, #tpu.memory_space<hbm>>) target(%dma_start3A_79 : memref<8x128xi32, #tpu.memory_space<vmem>>) target_semaphore(%run_scoped3A : memref<!tpu.dma_semaphore, #tpu.memory_space<semaphore_mem>>)
      %dma_wait3A = arith.constant 0 : i32
      %dma_wait3A_82 = arith.constant 0 : i32
      %dma_wait3A_83 = tpu.memref_slice %arg4[%dma_wait3A, %dma_wait3A_82] : memref<8x128xi32, #tpu.memory_space<vmem>> -> memref<8x128xi32, #tpu.memory_space<vmem>>
      %dma_wait3A_84 = arith.constant 32 : i32
      %dma_wait3A_85 = tpu.memref_slice %arg2[%dma_wait3A_84, %mul3A_32] : memref<50x16384xi32, #tpu.memory_space<hbm>> -> memref<8x128xi32, #tpu.memory_space<hbm>>
      %dma_wait3A_86 = arith.constant 0 : i32
      %dma_wait3A_87 = arith.constant 0 : i32
      %dma_wait3A_88 = tpu.memref_slice %arg4[%dma_wait3A_86, %dma_wait3A_87] : memref<8x128xi32, #tpu.memory_space<vmem>> -> memref<8x128xi32, #tpu.memory_space<vmem>>
      %dma_wait3A_89 = arith.constant 32 : i32
      %dma_wait3A_90 = tpu.memref_slice %arg2[%dma_wait3A_89, %mul3A_32] : memref<50x16384xi32, #tpu.memory_space<hbm>> -> memref<8x128xi32, #tpu.memory_space<hbm>>
      tpu.wait_dma2 semaphore(%run_scoped3A : memref<!tpu.dma_semaphore, #tpu.memory_space<semaphore_mem>>) src(%dma_wait3A_90 : memref<8x128xi32, #tpu.memory_space<hbm>>) dst(%dma_wait3A_88 : memref<8x128xi32, #tpu.memory_space<vmem>>)
      tpu.yield
    }) : () -> ()
    "tpu.region"() ({
      %run_scoped3A = tpu.sem_alloc : memref<!tpu.dma_semaphore, #tpu.memory_space<semaphore_mem>>
      %dma_start3A = arith.constant 0 : i32
      %dma_start3A_73 = arith.constant 0 : i32
      %dma_start3A_74 = tpu.memref_slice %arg4[%dma_start3A, %dma_start3A_73] : memref<8x128xi32, #tpu.memory_space<vmem>> -> memref<8x128xi32, #tpu.memory_space<vmem>>
      %dma_start3A_75 = arith.constant 32 : i32
      %dma_start3A_76 = arith.constant 0 : i32
      %dma_start3A_77 = tpu.memref_slice %arg3[%dma_start3A_75, %add3A_22, %dma_start3A_76] : memref<50x128x128xi32, #tpu.memory_space<hbm>> -> memref<8x1x128xi32, #tpu.memory_space<hbm>>
      %dma_start3A_78 = tpu.memref_squeeze %dma_start3A_77 : memref<8x1x128xi32, #tpu.memory_space<hbm>> -> memref<8x128xi32, #tpu.memory_space<hbm>>
      %dma_start3A_79 = arith.constant 32 : i32
      %dma_start3A_80 = arith.constant 0 : i32
      %dma_start3A_81 = tpu.memref_slice %arg3[%dma_start3A_79, %add3A_22, %dma_start3A_80] : memref<50x128x128xi32, #tpu.memory_space<hbm>> -> memref<8x1x128xi32, #tpu.memory_space<hbm>>
      %dma_start3A_82 = tpu.memref_squeeze %dma_start3A_81 : memref<8x1x128xi32, #tpu.memory_space<hbm>> -> memref<8x128xi32, #tpu.memory_space<hbm>>
      %dma_start3A_83 = arith.constant 0 : i32
      %dma_start3A_84 = arith.constant 0 : i32
      %dma_start3A_85 = tpu.memref_slice %arg4[%dma_start3A_83, %dma_start3A_84] : memref<8x128xi32, #tpu.memory_space<vmem>> -> memref<8x128xi32, #tpu.memory_space<vmem>>
      tpu.enqueue_dma source(%dma_start3A_85 : memref<8x128xi32, #tpu.memory_space<vmem>>) target(%dma_start3A_82 : memref<8x128xi32, #tpu.memory_space<hbm>>) target_semaphore(%run_scoped3A : memref<!tpu.dma_semaphore, #tpu.memory_space<semaphore_mem>>)
      %dma_wait3A = arith.constant 0 : i32
      %dma_wait3A_86 = arith.constant 0 : i32
      %dma_wait3A_87 = tpu.memref_slice %arg4[%dma_wait3A, %dma_wait3A_86] : memref<8x128xi32, #tpu.memory_space<vmem>> -> memref<8x128xi32, #tpu.memory_space<vmem>>
      %dma_wait3A_88 = arith.constant 32 : i32
      %dma_wait3A_89 = arith.constant 0 : i32
      %dma_wait3A_90 = tpu.memref_slice %arg3[%dma_wait3A_88, %add3A_22, %dma_wait3A_89] : memref<50x128x128xi32, #tpu.memory_space<hbm>> -> memref<8x1x128xi32, #tpu.memory_space<hbm>>
      %dma_wait3A_91 = tpu.memref_squeeze %dma_wait3A_90 : memref<8x1x128xi32, #tpu.memory_space<hbm>> -> memref<8x128xi32, #tpu.memory_space<hbm>>
      %dma_wait3A_92 = arith.constant 32 : i32
      %dma_wait3A_93 = arith.constant 0 : i32
      %dma_wait3A_94 = tpu.memref_slice %arg3[%dma_wait3A_92, %add3A_22, %dma_wait3A_93] : memref<50x128x128xi32, #tpu.memory_space<hbm>> -> memref<8x1x128xi32, #tpu.memory_space<hbm>>
      %dma_wait3A_95 = tpu.memref_squeeze %dma_wait3A_94 : memref<8x1x128xi32, #tpu.memory_space<hbm>> -> memref<8x128xi32, #tpu.memory_space<hbm>>
      %dma_wait3A_96 = arith.constant 0 : i32
      %dma_wait3A_97 = arith.constant 0 : i32
      %dma_wait3A_98 = tpu.memref_slice %arg4[%dma_wait3A_96, %dma_wait3A_97] : memref<8x128xi32, #tpu.memory_space<vmem>> -> memref<8x128xi32, #tpu.memory_space<vmem>>
      tpu.wait_dma2 semaphore(%run_scoped3A : memref<!tpu.dma_semaphore, #tpu.memory_space<semaphore_mem>>) src(%dma_wait3A_98 : memref<8x128xi32, #tpu.memory_space<vmem>>) dst(%dma_wait3A_95 : memref<8x128xi32, #tpu.memory_space<hbm>>)
      tpu.yield
    }) : () -> ()
    %mul3A_33 = arith.constant 128 : i32
    %mul3A_34 = arith.muli %add3A_22, %mul3A_33 : i32
    "tpu.region"() ({
      %run_scoped3A = tpu.sem_alloc : memref<!tpu.dma_semaphore, #tpu.memory_space<semaphore_mem>>
      %dma_start3A = arith.constant 0 : i32
      %dma_start3A_73 = arith.constant 0 : i32
      %dma_start3A_74 = tpu.memref_slice %arg4[%dma_start3A, %dma_start3A_73] : memref<8x128xi32, #tpu.memory_space<vmem>> -> memref<8x128xi32, #tpu.memory_space<vmem>>
      %dma_start3A_75 = arith.constant 40 : i32
      %dma_start3A_76 = tpu.memref_slice %arg2[%dma_start3A_75, %mul3A_34] : memref<50x16384xi32, #tpu.memory_space<hbm>> -> memref<8x128xi32, #tpu.memory_space<hbm>>
      %dma_start3A_77 = arith.constant 0 : i32
      %dma_start3A_78 = arith.constant 0 : i32
      %dma_start3A_79 = tpu.memref_slice %arg4[%dma_start3A_77, %dma_start3A_78] : memref<8x128xi32, #tpu.memory_space<vmem>> -> memref<8x128xi32, #tpu.memory_space<vmem>>
      %dma_start3A_80 = arith.constant 40 : i32
      %dma_start3A_81 = tpu.memref_slice %arg2[%dma_start3A_80, %mul3A_34] : memref<50x16384xi32, #tpu.memory_space<hbm>> -> memref<8x128xi32, #tpu.memory_space<hbm>>
      tpu.enqueue_dma source(%dma_start3A_81 : memref<8x128xi32, #tpu.memory_space<hbm>>) target(%dma_start3A_79 : memref<8x128xi32, #tpu.memory_space<vmem>>) target_semaphore(%run_scoped3A : memref<!tpu.dma_semaphore, #tpu.memory_space<semaphore_mem>>)
      %dma_wait3A = arith.constant 0 : i32
      %dma_wait3A_82 = arith.constant 0 : i32
      %dma_wait3A_83 = tpu.memref_slice %arg4[%dma_wait3A, %dma_wait3A_82] : memref<8x128xi32, #tpu.memory_space<vmem>> -> memref<8x128xi32, #tpu.memory_space<vmem>>
      %dma_wait3A_84 = arith.constant 40 : i32
      %dma_wait3A_85 = tpu.memref_slice %arg2[%dma_wait3A_84, %mul3A_34] : memref<50x16384xi32, #tpu.memory_space<hbm>> -> memref<8x128xi32, #tpu.memory_space<hbm>>
      %dma_wait3A_86 = arith.constant 0 : i32
      %dma_wait3A_87 = arith.constant 0 : i32
      %dma_wait3A_88 = tpu.memref_slice %arg4[%dma_wait3A_86, %dma_wait3A_87] : memref<8x128xi32, #tpu.memory_space<vmem>> -> memref<8x128xi32, #tpu.memory_space<vmem>>
      %dma_wait3A_89 = arith.constant 40 : i32
      %dma_wait3A_90 = tpu.memref_slice %arg2[%dma_wait3A_89, %mul3A_34] : memref<50x16384xi32, #tpu.memory_space<hbm>> -> memref<8x128xi32, #tpu.memory_space<hbm>>
      tpu.wait_dma2 semaphore(%run_scoped3A : memref<!tpu.dma_semaphore, #tpu.memory_space<semaphore_mem>>) src(%dma_wait3A_90 : memref<8x128xi32, #tpu.memory_space<hbm>>) dst(%dma_wait3A_88 : memref<8x128xi32, #tpu.memory_space<vmem>>)
      tpu.yield
    }) : () -> ()
    "tpu.region"() ({
      %run_scoped3A = tpu.sem_alloc : memref<!tpu.dma_semaphore, #tpu.memory_space<semaphore_mem>>
      %dma_start3A = arith.constant 0 : i32
      %dma_start3A_73 = arith.constant 0 : i32
      %dma_start3A_74 = tpu.memref_slice %arg4[%dma_start3A, %dma_start3A_73] : memref<8x128xi32, #tpu.memory_space<vmem>> -> memref<8x128xi32, #tpu.memory_space<vmem>>
      %dma_start3A_75 = arith.constant 40 : i32
      %dma_start3A_76 = arith.constant 0 : i32
      %dma_start3A_77 = tpu.memref_slice %arg3[%dma_start3A_75, %add3A_22, %dma_start3A_76] : memref<50x128x128xi32, #tpu.memory_space<hbm>> -> memref<8x1x128xi32, #tpu.memory_space<hbm>>
      %dma_start3A_78 = tpu.memref_squeeze %dma_start3A_77 : memref<8x1x128xi32, #tpu.memory_space<hbm>> -> memref<8x128xi32, #tpu.memory_space<hbm>>
      %dma_start3A_79 = arith.constant 40 : i32
      %dma_start3A_80 = arith.constant 0 : i32
      %dma_start3A_81 = tpu.memref_slice %arg3[%dma_start3A_79, %add3A_22, %dma_start3A_80] : memref<50x128x128xi32, #tpu.memory_space<hbm>> -> memref<8x1x128xi32, #tpu.memory_space<hbm>>
      %dma_start3A_82 = tpu.memref_squeeze %dma_start3A_81 : memref<8x1x128xi32, #tpu.memory_space<hbm>> -> memref<8x128xi32, #tpu.memory_space<hbm>>
      %dma_start3A_83 = arith.constant 0 : i32
      %dma_start3A_84 = arith.constant 0 : i32
      %dma_start3A_85 = tpu.memref_slice %arg4[%dma_start3A_83, %dma_start3A_84] : memref<8x128xi32, #tpu.memory_space<vmem>> -> memref<8x128xi32, #tpu.memory_space<vmem>>
      tpu.enqueue_dma source(%dma_start3A_85 : memref<8x128xi32, #tpu.memory_space<vmem>>) target(%dma_start3A_82 : memref<8x128xi32, #tpu.memory_space<hbm>>) target_semaphore(%run_scoped3A : memref<!tpu.dma_semaphore, #tpu.memory_space<semaphore_mem>>)
      %dma_wait3A = arith.constant 0 : i32
      %dma_wait3A_86 = arith.constant 0 : i32
      %dma_wait3A_87 = tpu.memref_slice %arg4[%dma_wait3A, %dma_wait3A_86] : memref<8x128xi32, #tpu.memory_space<vmem>> -> memref<8x128xi32, #tpu.memory_space<vmem>>
      %dma_wait3A_88 = arith.constant 40 : i32
      %dma_wait3A_89 = arith.constant 0 : i32
      %dma_wait3A_90 = tpu.memref_slice %arg3[%dma_wait3A_88, %add3A_22, %dma_wait3A_89] : memref<50x128x128xi32, #tpu.memory_space<hbm>> -> memref<8x1x128xi32, #tpu.memory_space<hbm>>
      %dma_wait3A_91 = tpu.memref_squeeze %dma_wait3A_90 : memref<8x1x128xi32, #tpu.memory_space<hbm>> -> memref<8x128xi32, #tpu.memory_space<hbm>>
      %dma_wait3A_92 = arith.constant 40 : i32
      %dma_wait3A_93 = arith.constant 0 : i32
      %dma_wait3A_94 = tpu.memref_slice %arg3[%dma_wait3A_92, %add3A_22, %dma_wait3A_93] : memref<50x128x128xi32, #tpu.memory_space<hbm>> -> memref<8x1x128xi32, #tpu.memory_space<hbm>>
      %dma_wait3A_95 = tpu.memref_squeeze %dma_wait3A_94 : memref<8x1x128xi32, #tpu.memory_space<hbm>> -> memref<8x128xi32, #tpu.memory_space<hbm>>
      %dma_wait3A_96 = arith.constant 0 : i32
      %dma_wait3A_97 = arith.constant 0 : i32
      %dma_wait3A_98 = tpu.memref_slice %arg4[%dma_wait3A_96, %dma_wait3A_97] : memref<8x128xi32, #tpu.memory_space<vmem>> -> memref<8x128xi32, #tpu.memory_space<vmem>>
      tpu.wait_dma2 semaphore(%run_scoped3A : memref<!tpu.dma_semaphore, #tpu.memory_space<semaphore_mem>>) src(%dma_wait3A_98 : memref<8x128xi32, #tpu.memory_space<vmem>>) dst(%dma_wait3A_95 : memref<8x128xi32, #tpu.memory_space<hbm>>)
      tpu.yield
    }) : () -> ()
    %mul3A_35 = arith.constant 128 : i32
    %mul3A_36 = arith.muli %add3A_22, %mul3A_35 : i32
    "tpu.region"() ({
      %run_scoped3A = tpu.sem_alloc : memref<!tpu.dma_semaphore, #tpu.memory_space<semaphore_mem>>
      %dma_start3A = arith.constant 0 : i32
      %dma_start3A_73 = arith.constant 0 : i32
      %dma_start3A_74 = tpu.memref_slice %arg4[%dma_start3A, %dma_start3A_73] : memref<8x128xi32, #tpu.memory_space<vmem>> -> memref<2x128xi32, #tpu.memory_space<vmem>>
      %dma_start3A_75 = arith.constant 48 : i32
      %dma_start3A_76 = tpu.memref_slice %arg2[%dma_start3A_75, %mul3A_36] : memref<50x16384xi32, #tpu.memory_space<hbm>> -> memref<2x128xi32, #tpu.memory_space<hbm>>
      %dma_start3A_77 = arith.constant 0 : i32
      %dma_start3A_78 = arith.constant 0 : i32
      %dma_start3A_79 = tpu.memref_slice %arg4[%dma_start3A_77, %dma_start3A_78] : memref<8x128xi32, #tpu.memory_space<vmem>> -> memref<2x128xi32, #tpu.memory_space<vmem>>
      %dma_start3A_80 = arith.constant 48 : i32
      %dma_start3A_81 = tpu.memref_slice %arg2[%dma_start3A_80, %mul3A_36] : memref<50x16384xi32, #tpu.memory_space<hbm>> -> memref<2x128xi32, #tpu.memory_space<hbm>>
      tpu.enqueue_dma source(%dma_start3A_81 : memref<2x128xi32, #tpu.memory_space<hbm>>) target(%dma_start3A_79 : memref<2x128xi32, #tpu.memory_space<vmem>>) target_semaphore(%run_scoped3A : memref<!tpu.dma_semaphore, #tpu.memory_space<semaphore_mem>>)
      %dma_wait3A = arith.constant 0 : i32
      %dma_wait3A_82 = arith.constant 0 : i32
      %dma_wait3A_83 = tpu.memref_slice %arg4[%dma_wait3A, %dma_wait3A_82] : memref<8x128xi32, #tpu.memory_space<vmem>> -> memref<2x128xi32, #tpu.memory_space<vmem>>
      %dma_wait3A_84 = arith.constant 48 : i32
      %dma_wait3A_85 = tpu.memref_slice %arg2[%dma_wait3A_84, %mul3A_36] : memref<50x16384xi32, #tpu.memory_space<hbm>> -> memref<2x128xi32, #tpu.memory_space<hbm>>
      %dma_wait3A_86 = arith.constant 0 : i32
      %dma_wait3A_87 = arith.constant 0 : i32
      %dma_wait3A_88 = tpu.memref_slice %arg4[%dma_wait3A_86, %dma_wait3A_87] : memref<8x128xi32, #tpu.memory_space<vmem>> -> memref<2x128xi32, #tpu.memory_space<vmem>>
      %dma_wait3A_89 = arith.constant 48 : i32
      %dma_wait3A_90 = tpu.memref_slice %arg2[%dma_wait3A_89, %mul3A_36] : memref<50x16384xi32, #tpu.memory_space<hbm>> -> memref<2x128xi32, #tpu.memory_space<hbm>>
      tpu.wait_dma2 semaphore(%run_scoped3A : memref<!tpu.dma_semaphore, #tpu.memory_space<semaphore_mem>>) src(%dma_wait3A_90 : memref<2x128xi32, #tpu.memory_space<hbm>>) dst(%dma_wait3A_88 : memref<2x128xi32, #tpu.memory_space<vmem>>)
      tpu.yield
    }) : () -> ()
    "tpu.region"() ({
      %run_scoped3A = tpu.sem_alloc : memref<!tpu.dma_semaphore, #tpu.memory_space<semaphore_mem>>
      %dma_start3A = arith.constant 0 : i32
      %dma_start3A_73 = arith.constant 0 : i32
      %dma_start3A_74 = tpu.memref_slice %arg4[%dma_start3A, %dma_start3A_73] : memref<8x128xi32, #tpu.memory_space<vmem>> -> memref<2x128xi32, #tpu.memory_space<vmem>>
      %dma_start3A_75 = arith.constant 48 : i32
      %dma_start3A_76 = arith.constant 0 : i32
      %dma_start3A_77 = tpu.memref_slice %arg3[%dma_start3A_75, %add3A_22, %dma_start3A_76] : memref<50x128x128xi32, #tpu.memory_space<hbm>> -> memref<2x1x128xi32, #tpu.memory_space<hbm>>
      %dma_start3A_78 = tpu.memref_squeeze %dma_start3A_77 : memref<2x1x128xi32, #tpu.memory_space<hbm>> -> memref<2x128xi32, #tpu.memory_space<hbm>>
      %dma_start3A_79 = arith.constant 48 : i32
      %dma_start3A_80 = arith.constant 0 : i32
      %dma_start3A_81 = tpu.memref_slice %arg3[%dma_start3A_79, %add3A_22, %dma_start3A_80] : memref<50x128x128xi32, #tpu.memory_space<hbm>> -> memref<2x1x128xi32, #tpu.memory_space<hbm>>
      %dma_start3A_82 = tpu.memref_squeeze %dma_start3A_81 : memref<2x1x128xi32, #tpu.memory_space<hbm>> -> memref<2x128xi32, #tpu.memory_space<hbm>>
      %dma_start3A_83 = arith.constant 0 : i32
      %dma_start3A_84 = arith.constant 0 : i32
      %dma_start3A_85 = tpu.memref_slice %arg4[%dma_start3A_83, %dma_start3A_84] : memref<8x128xi32, #tpu.memory_space<vmem>> -> memref<2x128xi32, #tpu.memory_space<vmem>>
      tpu.enqueue_dma source(%dma_start3A_85 : memref<2x128xi32, #tpu.memory_space<vmem>>) target(%dma_start3A_82 : memref<2x128xi32, #tpu.memory_space<hbm>>) target_semaphore(%run_scoped3A : memref<!tpu.dma_semaphore, #tpu.memory_space<semaphore_mem>>)
      %dma_wait3A = arith.constant 0 : i32
      %dma_wait3A_86 = arith.constant 0 : i32
      %dma_wait3A_87 = tpu.memref_slice %arg4[%dma_wait3A, %dma_wait3A_86] : memref<8x128xi32, #tpu.memory_space<vmem>> -> memref<2x128xi32, #tpu.memory_space<vmem>>
      %dma_wait3A_88 = arith.constant 48 : i32
      %dma_wait3A_89 = arith.constant 0 : i32
      %dma_wait3A_90 = tpu.memref_slice %arg3[%dma_wait3A_88, %add3A_22, %dma_wait3A_89] : memref<50x128x128xi32, #tpu.memory_space<hbm>> -> memref<2x1x128xi32, #tpu.memory_space<hbm>>
      %dma_wait3A_91 = tpu.memref_squeeze %dma_wait3A_90 : memref<2x1x128xi32, #tpu.memory_space<hbm>> -> memref<2x128xi32, #tpu.memory_space<hbm>>
      %dma_wait3A_92 = arith.constant 48 : i32
      %dma_wait3A_93 = arith.constant 0 : i32
      %dma_wait3A_94 = tpu.memref_slice %arg3[%dma_wait3A_92, %add3A_22, %dma_wait3A_93] : memref<50x128x128xi32, #tpu.memory_space<hbm>> -> memref<2x1x128xi32, #tpu.memory_space<hbm>>
      %dma_wait3A_95 = tpu.memref_squeeze %dma_wait3A_94 : memref<2x1x128xi32, #tpu.memory_space<hbm>> -> memref<2x128xi32, #tpu.memory_space<hbm>>
      %dma_wait3A_96 = arith.constant 0 : i32
      %dma_wait3A_97 = arith.constant 0 : i32
      %dma_wait3A_98 = tpu.memref_slice %arg4[%dma_wait3A_96, %dma_wait3A_97] : memref<8x128xi32, #tpu.memory_space<vmem>> -> memref<2x128xi32, #tpu.memory_space<vmem>>
      tpu.wait_dma2 semaphore(%run_scoped3A : memref<!tpu.dma_semaphore, #tpu.memory_space<semaphore_mem>>) src(%dma_wait3A_98 : memref<2x128xi32, #tpu.memory_space<vmem>>) dst(%dma_wait3A_95 : memref<2x128xi32, #tpu.memory_space<hbm>>)
      tpu.yield
    }) : () -> ()
    %mul3A_37 = arith.constant 4 : i32
    %mul3A_38 = arith.muli %add3A, %mul3A_37 : i32
    %add3A_39 = arith.constant 2 : i32
    %add3A_40 = arith.addi %mul3A_38, %add3A_39 : i32
    %mul3A_41 = arith.constant 128 : i32
    %mul3A_42 = arith.muli %add3A_40, %mul3A_41 : i32
    "tpu.region"() ({
      %run_scoped3A = tpu.sem_alloc : memref<!tpu.dma_semaphore, #tpu.memory_space<semaphore_mem>>
      %dma_start3A = arith.constant 0 : i32
      %dma_start3A_73 = arith.constant 0 : i32
      %dma_start3A_74 = tpu.memref_slice %arg4[%dma_start3A, %dma_start3A_73] : memref<8x128xi32, #tpu.memory_space<vmem>> -> memref<8x128xi32, #tpu.memory_space<vmem>>
      %dma_start3A_75 = arith.constant 0 : i32
      %dma_start3A_76 = tpu.memref_slice %arg2[%dma_start3A_75, %mul3A_42] : memref<50x16384xi32, #tpu.memory_space<hbm>> -> memref<8x128xi32, #tpu.memory_space<hbm>>
      %dma_start3A_77 = arith.constant 0 : i32
      %dma_start3A_78 = arith.constant 0 : i32
      %dma_start3A_79 = tpu.memref_slice %arg4[%dma_start3A_77, %dma_start3A_78] : memref<8x128xi32, #tpu.memory_space<vmem>> -> memref<8x128xi32, #tpu.memory_space<vmem>>
      %dma_start3A_80 = arith.constant 0 : i32
      %dma_start3A_81 = tpu.memref_slice %arg2[%dma_start3A_80, %mul3A_42] : memref<50x16384xi32, #tpu.memory_space<hbm>> -> memref<8x128xi32, #tpu.memory_space<hbm>>
      tpu.enqueue_dma source(%dma_start3A_81 : memref<8x128xi32, #tpu.memory_space<hbm>>) target(%dma_start3A_79 : memref<8x128xi32, #tpu.memory_space<vmem>>) target_semaphore(%run_scoped3A : memref<!tpu.dma_semaphore, #tpu.memory_space<semaphore_mem>>)
      %dma_wait3A = arith.constant 0 : i32
      %dma_wait3A_82 = arith.constant 0 : i32
      %dma_wait3A_83 = tpu.memref_slice %arg4[%dma_wait3A, %dma_wait3A_82] : memref<8x128xi32, #tpu.memory_space<vmem>> -> memref<8x128xi32, #tpu.memory_space<vmem>>
      %dma_wait3A_84 = arith.constant 0 : i32
      %dma_wait3A_85 = tpu.memref_slice %arg2[%dma_wait3A_84, %mul3A_42] : memref<50x16384xi32, #tpu.memory_space<hbm>> -> memref<8x128xi32, #tpu.memory_space<hbm>>
      %dma_wait3A_86 = arith.constant 0 : i32
      %dma_wait3A_87 = arith.constant 0 : i32
      %dma_wait3A_88 = tpu.memref_slice %arg4[%dma_wait3A_86, %dma_wait3A_87] : memref<8x128xi32, #tpu.memory_space<vmem>> -> memref<8x128xi32, #tpu.memory_space<vmem>>
      %dma_wait3A_89 = arith.constant 0 : i32
      %dma_wait3A_90 = tpu.memref_slice %arg2[%dma_wait3A_89, %mul3A_42] : memref<50x16384xi32, #tpu.memory_space<hbm>> -> memref<8x128xi32, #tpu.memory_space<hbm>>
      tpu.wait_dma2 semaphore(%run_scoped3A : memref<!tpu.dma_semaphore, #tpu.memory_space<semaphore_mem>>) src(%dma_wait3A_90 : memref<8x128xi32, #tpu.memory_space<hbm>>) dst(%dma_wait3A_88 : memref<8x128xi32, #tpu.memory_space<vmem>>)
      tpu.yield
    }) : () -> ()
    "tpu.region"() ({
      %run_scoped3A = tpu.sem_alloc : memref<!tpu.dma_semaphore, #tpu.memory_space<semaphore_mem>>
      %dma_start3A = arith.constant 0 : i32
      %dma_start3A_73 = arith.constant 0 : i32
      %dma_start3A_74 = tpu.memref_slice %arg4[%dma_start3A, %dma_start3A_73] : memref<8x128xi32, #tpu.memory_space<vmem>> -> memref<8x128xi32, #tpu.memory_space<vmem>>
      %dma_start3A_75 = arith.constant 0 : i32
      %dma_start3A_76 = arith.constant 0 : i32
      %dma_start3A_77 = tpu.memref_slice %arg3[%dma_start3A_75, %add3A_40, %dma_start3A_76] : memref<50x128x128xi32, #tpu.memory_space<hbm>> -> memref<8x1x128xi32, #tpu.memory_space<hbm>>
      %dma_start3A_78 = tpu.memref_squeeze %dma_start3A_77 : memref<8x1x128xi32, #tpu.memory_space<hbm>> -> memref<8x128xi32, #tpu.memory_space<hbm>>
      %dma_start3A_79 = arith.constant 0 : i32
      %dma_start3A_80 = arith.constant 0 : i32
      %dma_start3A_81 = tpu.memref_slice %arg3[%dma_start3A_79, %add3A_40, %dma_start3A_80] : memref<50x128x128xi32, #tpu.memory_space<hbm>> -> memref<8x1x128xi32, #tpu.memory_space<hbm>>
      %dma_start3A_82 = tpu.memref_squeeze %dma_start3A_81 : memref<8x1x128xi32, #tpu.memory_space<hbm>> -> memref<8x128xi32, #tpu.memory_space<hbm>>
      %dma_start3A_83 = arith.constant 0 : i32
      %dma_start3A_84 = arith.constant 0 : i32
      %dma_start3A_85 = tpu.memref_slice %arg4[%dma_start3A_83, %dma_start3A_84] : memref<8x128xi32, #tpu.memory_space<vmem>> -> memref<8x128xi32, #tpu.memory_space<vmem>>
      tpu.enqueue_dma source(%dma_start3A_85 : memref<8x128xi32, #tpu.memory_space<vmem>>) target(%dma_start3A_82 : memref<8x128xi32, #tpu.memory_space<hbm>>) target_semaphore(%run_scoped3A : memref<!tpu.dma_semaphore, #tpu.memory_space<semaphore_mem>>)
      %dma_wait3A = arith.constant 0 : i32
      %dma_wait3A_86 = arith.constant 0 : i32
      %dma_wait3A_87 = tpu.memref_slice %arg4[%dma_wait3A, %dma_wait3A_86] : memref<8x128xi32, #tpu.memory_space<vmem>> -> memref<8x128xi32, #tpu.memory_space<vmem>>
      %dma_wait3A_88 = arith.constant 0 : i32
      %dma_wait3A_89 = arith.constant 0 : i32
      %dma_wait3A_90 = tpu.memref_slice %arg3[%dma_wait3A_88, %add3A_40, %dma_wait3A_89] : memref<50x128x128xi32, #tpu.memory_space<hbm>> -> memref<8x1x128xi32, #tpu.memory_space<hbm>>
      %dma_wait3A_91 = tpu.memref_squeeze %dma_wait3A_90 : memref<8x1x128xi32, #tpu.memory_space<hbm>> -> memref<8x128xi32, #tpu.memory_space<hbm>>
      %dma_wait3A_92 = arith.constant 0 : i32
      %dma_wait3A_93 = arith.constant 0 : i32
      %dma_wait3A_94 = tpu.memref_slice %arg3[%dma_wait3A_92, %add3A_40, %dma_wait3A_93] : memref<50x128x128xi32, #tpu.memory_space<hbm>> -> memref<8x1x128xi32, #tpu.memory_space<hbm>>
      %dma_wait3A_95 = tpu.memref_squeeze %dma_wait3A_94 : memref<8x1x128xi32, #tpu.memory_space<hbm>> -> memref<8x128xi32, #tpu.memory_space<hbm>>
      %dma_wait3A_96 = arith.constant 0 : i32
      %dma_wait3A_97 = arith.constant 0 : i32
      %dma_wait3A_98 = tpu.memref_slice %arg4[%dma_wait3A_96, %dma_wait3A_97] : memref<8x128xi32, #tpu.memory_space<vmem>> -> memref<8x128xi32, #tpu.memory_space<vmem>>
      tpu.wait_dma2 semaphore(%run_scoped3A : memref<!tpu.dma_semaphore, #tpu.memory_space<semaphore_mem>>) src(%dma_wait3A_98 : memref<8x128xi32, #tpu.memory_space<vmem>>) dst(%dma_wait3A_95 : memref<8x128xi32, #tpu.memory_space<hbm>>)
      tpu.yield
    }) : () -> ()
    %mul3A_43 = arith.constant 128 : i32
    %mul3A_44 = arith.muli %add3A_40, %mul3A_43 : i32
    "tpu.region"() ({
      %run_scoped3A = tpu.sem_alloc : memref<!tpu.dma_semaphore, #tpu.memory_space<semaphore_mem>>
      %dma_start3A = arith.constant 0 : i32
      %dma_start3A_73 = arith.constant 0 : i32
      %dma_start3A_74 = tpu.memref_slice %arg4[%dma_start3A, %dma_start3A_73] : memref<8x128xi32, #tpu.memory_space<vmem>> -> memref<8x128xi32, #tpu.memory_space<vmem>>
      %dma_start3A_75 = arith.constant 8 : i32
      %dma_start3A_76 = tpu.memref_slice %arg2[%dma_start3A_75, %mul3A_44] : memref<50x16384xi32, #tpu.memory_space<hbm>> -> memref<8x128xi32, #tpu.memory_space<hbm>>
      %dma_start3A_77 = arith.constant 0 : i32
      %dma_start3A_78 = arith.constant 0 : i32
      %dma_start3A_79 = tpu.memref_slice %arg4[%dma_start3A_77, %dma_start3A_78] : memref<8x128xi32, #tpu.memory_space<vmem>> -> memref<8x128xi32, #tpu.memory_space<vmem>>
      %dma_start3A_80 = arith.constant 8 : i32
      %dma_start3A_81 = tpu.memref_slice %arg2[%dma_start3A_80, %mul3A_44] : memref<50x16384xi32, #tpu.memory_space<hbm>> -> memref<8x128xi32, #tpu.memory_space<hbm>>
      tpu.enqueue_dma source(%dma_start3A_81 : memref<8x128xi32, #tpu.memory_space<hbm>>) target(%dma_start3A_79 : memref<8x128xi32, #tpu.memory_space<vmem>>) target_semaphore(%run_scoped3A : memref<!tpu.dma_semaphore, #tpu.memory_space<semaphore_mem>>)
      %dma_wait3A = arith.constant 0 : i32
      %dma_wait3A_82 = arith.constant 0 : i32
      %dma_wait3A_83 = tpu.memref_slice %arg4[%dma_wait3A, %dma_wait3A_82] : memref<8x128xi32, #tpu.memory_space<vmem>> -> memref<8x128xi32, #tpu.memory_space<vmem>>
      %dma_wait3A_84 = arith.constant 8 : i32
      %dma_wait3A_85 = tpu.memref_slice %arg2[%dma_wait3A_84, %mul3A_44] : memref<50x16384xi32, #tpu.memory_space<hbm>> -> memref<8x128xi32, #tpu.memory_space<hbm>>
      %dma_wait3A_86 = arith.constant 0 : i32
      %dma_wait3A_87 = arith.constant 0 : i32
      %dma_wait3A_88 = tpu.memref_slice %arg4[%dma_wait3A_86, %dma_wait3A_87] : memref<8x128xi32, #tpu.memory_space<vmem>> -> memref<8x128xi32, #tpu.memory_space<vmem>>
      %dma_wait3A_89 = arith.constant 8 : i32
      %dma_wait3A_90 = tpu.memref_slice %arg2[%dma_wait3A_89, %mul3A_44] : memref<50x16384xi32, #tpu.memory_space<hbm>> -> memref<8x128xi32, #tpu.memory_space<hbm>>
      tpu.wait_dma2 semaphore(%run_scoped3A : memref<!tpu.dma_semaphore, #tpu.memory_space<semaphore_mem>>) src(%dma_wait3A_90 : memref<8x128xi32, #tpu.memory_space<hbm>>) dst(%dma_wait3A_88 : memref<8x128xi32, #tpu.memory_space<vmem>>)
      tpu.yield
    }) : () -> ()
    "tpu.region"() ({
      %run_scoped3A = tpu.sem_alloc : memref<!tpu.dma_semaphore, #tpu.memory_space<semaphore_mem>>
      %dma_start3A = arith.constant 0 : i32
      %dma_start3A_73 = arith.constant 0 : i32
      %dma_start3A_74 = tpu.memref_slice %arg4[%dma_start3A, %dma_start3A_73] : memref<8x128xi32, #tpu.memory_space<vmem>> -> memref<8x128xi32, #tpu.memory_space<vmem>>
      %dma_start3A_75 = arith.constant 8 : i32
      %dma_start3A_76 = arith.constant 0 : i32
      %dma_start3A_77 = tpu.memref_slice %arg3[%dma_start3A_75, %add3A_40, %dma_start3A_76] : memref<50x128x128xi32, #tpu.memory_space<hbm>> -> memref<8x1x128xi32, #tpu.memory_space<hbm>>
      %dma_start3A_78 = tpu.memref_squeeze %dma_start3A_77 : memref<8x1x128xi32, #tpu.memory_space<hbm>> -> memref<8x128xi32, #tpu.memory_space<hbm>>
      %dma_start3A_79 = arith.constant 8 : i32
      %dma_start3A_80 = arith.constant 0 : i32
      %dma_start3A_81 = tpu.memref_slice %arg3[%dma_start3A_79, %add3A_40, %dma_start3A_80] : memref<50x128x128xi32, #tpu.memory_space<hbm>> -> memref<8x1x128xi32, #tpu.memory_space<hbm>>
      %dma_start3A_82 = tpu.memref_squeeze %dma_start3A_81 : memref<8x1x128xi32, #tpu.memory_space<hbm>> -> memref<8x128xi32, #tpu.memory_space<hbm>>
      %dma_start3A_83 = arith.constant 0 : i32
      %dma_start3A_84 = arith.constant 0 : i32
      %dma_start3A_85 = tpu.memref_slice %arg4[%dma_start3A_83, %dma_start3A_84] : memref<8x128xi32, #tpu.memory_space<vmem>> -> memref<8x128xi32, #tpu.memory_space<vmem>>
      tpu.enqueue_dma source(%dma_start3A_85 : memref<8x128xi32, #tpu.memory_space<vmem>>) target(%dma_start3A_82 : memref<8x128xi32, #tpu.memory_space<hbm>>) target_semaphore(%run_scoped3A : memref<!tpu.dma_semaphore, #tpu.memory_space<semaphore_mem>>)
      %dma_wait3A = arith.constant 0 : i32
      %dma_wait3A_86 = arith.constant 0 : i32
      %dma_wait3A_87 = tpu.memref_slice %arg4[%dma_wait3A, %dma_wait3A_86] : memref<8x128xi32, #tpu.memory_space<vmem>> -> memref<8x128xi32, #tpu.memory_space<vmem>>
      %dma_wait3A_88 = arith.constant 8 : i32
      %dma_wait3A_89 = arith.constant 0 : i32
      %dma_wait3A_90 = tpu.memref_slice %arg3[%dma_wait3A_88, %add3A_40, %dma_wait3A_89] : memref<50x128x128xi32, #tpu.memory_space<hbm>> -> memref<8x1x128xi32, #tpu.memory_space<hbm>>
      %dma_wait3A_91 = tpu.memref_squeeze %dma_wait3A_90 : memref<8x1x128xi32, #tpu.memory_space<hbm>> -> memref<8x128xi32, #tpu.memory_space<hbm>>
      %dma_wait3A_92 = arith.constant 8 : i32
      %dma_wait3A_93 = arith.constant 0 : i32
      %dma_wait3A_94 = tpu.memref_slice %arg3[%dma_wait3A_92, %add3A_40, %dma_wait3A_93] : memref<50x128x128xi32, #tpu.memory_space<hbm>> -> memref<8x1x128xi32, #tpu.memory_space<hbm>>
      %dma_wait3A_95 = tpu.memref_squeeze %dma_wait3A_94 : memref<8x1x128xi32, #tpu.memory_space<hbm>> -> memref<8x128xi32, #tpu.memory_space<hbm>>
      %dma_wait3A_96 = arith.constant 0 : i32
      %dma_wait3A_97 = arith.constant 0 : i32
      %dma_wait3A_98 = tpu.memref_slice %arg4[%dma_wait3A_96, %dma_wait3A_97] : memref<8x128xi32, #tpu.memory_space<vmem>> -> memref<8x128xi32, #tpu.memory_space<vmem>>
      tpu.wait_dma2 semaphore(%run_scoped3A : memref<!tpu.dma_semaphore, #tpu.memory_space<semaphore_mem>>) src(%dma_wait3A_98 : memref<8x128xi32, #tpu.memory_space<vmem>>) dst(%dma_wait3A_95 : memref<8x128xi32, #tpu.memory_space<hbm>>)
      tpu.yield
    }) : () -> ()
    %mul3A_45 = arith.constant 128 : i32
    %mul3A_46 = arith.muli %add3A_40, %mul3A_45 : i32
    "tpu.region"() ({
      %run_scoped3A = tpu.sem_alloc : memref<!tpu.dma_semaphore, #tpu.memory_space<semaphore_mem>>
      %dma_start3A = arith.constant 0 : i32
      %dma_start3A_73 = arith.constant 0 : i32
      %dma_start3A_74 = tpu.memref_slice %arg4[%dma_start3A, %dma_start3A_73] : memref<8x128xi32, #tpu.memory_space<vmem>> -> memref<8x128xi32, #tpu.memory_space<vmem>>
      %dma_start3A_75 = arith.constant 16 : i32
      %dma_start3A_76 = tpu.memref_slice %arg2[%dma_start3A_75, %mul3A_46] : memref<50x16384xi32, #tpu.memory_space<hbm>> -> memref<8x128xi32, #tpu.memory_space<hbm>>
      %dma_start3A_77 = arith.constant 0 : i32
      %dma_start3A_78 = arith.constant 0 : i32
      %dma_start3A_79 = tpu.memref_slice %arg4[%dma_start3A_77, %dma_start3A_78] : memref<8x128xi32, #tpu.memory_space<vmem>> -> memref<8x128xi32, #tpu.memory_space<vmem>>
      %dma_start3A_80 = arith.constant 16 : i32
      %dma_start3A_81 = tpu.memref_slice %arg2[%dma_start3A_80, %mul3A_46] : memref<50x16384xi32, #tpu.memory_space<hbm>> -> memref<8x128xi32, #tpu.memory_space<hbm>>
      tpu.enqueue_dma source(%dma_start3A_81 : memref<8x128xi32, #tpu.memory_space<hbm>>) target(%dma_start3A_79 : memref<8x128xi32, #tpu.memory_space<vmem>>) target_semaphore(%run_scoped3A : memref<!tpu.dma_semaphore, #tpu.memory_space<semaphore_mem>>)
      %dma_wait3A = arith.constant 0 : i32
      %dma_wait3A_82 = arith.constant 0 : i32
      %dma_wait3A_83 = tpu.memref_slice %arg4[%dma_wait3A, %dma_wait3A_82] : memref<8x128xi32, #tpu.memory_space<vmem>> -> memref<8x128xi32, #tpu.memory_space<vmem>>
      %dma_wait3A_84 = arith.constant 16 : i32
      %dma_wait3A_85 = tpu.memref_slice %arg2[%dma_wait3A_84, %mul3A_46] : memref<50x16384xi32, #tpu.memory_space<hbm>> -> memref<8x128xi32, #tpu.memory_space<hbm>>
      %dma_wait3A_86 = arith.constant 0 : i32
      %dma_wait3A_87 = arith.constant 0 : i32
      %dma_wait3A_88 = tpu.memref_slice %arg4[%dma_wait3A_86, %dma_wait3A_87] : memref<8x128xi32, #tpu.memory_space<vmem>> -> memref<8x128xi32, #tpu.memory_space<vmem>>
      %dma_wait3A_89 = arith.constant 16 : i32
      %dma_wait3A_90 = tpu.memref_slice %arg2[%dma_wait3A_89, %mul3A_46] : memref<50x16384xi32, #tpu.memory_space<hbm>> -> memref<8x128xi32, #tpu.memory_space<hbm>>
      tpu.wait_dma2 semaphore(%run_scoped3A : memref<!tpu.dma_semaphore, #tpu.memory_space<semaphore_mem>>) src(%dma_wait3A_90 : memref<8x128xi32, #tpu.memory_space<hbm>>) dst(%dma_wait3A_88 : memref<8x128xi32, #tpu.memory_space<vmem>>)
      tpu.yield
    }) : () -> ()
    "tpu.region"() ({
      %run_scoped3A = tpu.sem_alloc : memref<!tpu.dma_semaphore, #tpu.memory_space<semaphore_mem>>
      %dma_start3A = arith.constant 0 : i32
      %dma_start3A_73 = arith.constant 0 : i32
      %dma_start3A_74 = tpu.memref_slice %arg4[%dma_start3A, %dma_start3A_73] : memref<8x128xi32, #tpu.memory_space<vmem>> -> memref<8x128xi32, #tpu.memory_space<vmem>>
      %dma_start3A_75 = arith.constant 16 : i32
      %dma_start3A_76 = arith.constant 0 : i32
      %dma_start3A_77 = tpu.memref_slice %arg3[%dma_start3A_75, %add3A_40, %dma_start3A_76] : memref<50x128x128xi32, #tpu.memory_space<hbm>> -> memref<8x1x128xi32, #tpu.memory_space<hbm>>
      %dma_start3A_78 = tpu.memref_squeeze %dma_start3A_77 : memref<8x1x128xi32, #tpu.memory_space<hbm>> -> memref<8x128xi32, #tpu.memory_space<hbm>>
      %dma_start3A_79 = arith.constant 16 : i32
      %dma_start3A_80 = arith.constant 0 : i32
      %dma_start3A_81 = tpu.memref_slice %arg3[%dma_start3A_79, %add3A_40, %dma_start3A_80] : memref<50x128x128xi32, #tpu.memory_space<hbm>> -> memref<8x1x128xi32, #tpu.memory_space<hbm>>
      %dma_start3A_82 = tpu.memref_squeeze %dma_start3A_81 : memref<8x1x128xi32, #tpu.memory_space<hbm>> -> memref<8x128xi32, #tpu.memory_space<hbm>>
      %dma_start3A_83 = arith.constant 0 : i32
      %dma_start3A_84 = arith.constant 0 : i32
      %dma_start3A_85 = tpu.memref_slice %arg4[%dma_start3A_83, %dma_start3A_84] : memref<8x128xi32, #tpu.memory_space<vmem>> -> memref<8x128xi32, #tpu.memory_space<vmem>>
      tpu.enqueue_dma source(%dma_start3A_85 : memref<8x128xi32, #tpu.memory_space<vmem>>) target(%dma_start3A_82 : memref<8x128xi32, #tpu.memory_space<hbm>>) target_semaphore(%run_scoped3A : memref<!tpu.dma_semaphore, #tpu.memory_space<semaphore_mem>>)
      %dma_wait3A = arith.constant 0 : i32
      %dma_wait3A_86 = arith.constant 0 : i32
      %dma_wait3A_87 = tpu.memref_slice %arg4[%dma_wait3A, %dma_wait3A_86] : memref<8x128xi32, #tpu.memory_space<vmem>> -> memref<8x128xi32, #tpu.memory_space<vmem>>
      %dma_wait3A_88 = arith.constant 16 : i32
      %dma_wait3A_89 = arith.constant 0 : i32
      %dma_wait3A_90 = tpu.memref_slice %arg3[%dma_wait3A_88, %add3A_40, %dma_wait3A_89] : memref<50x128x128xi32, #tpu.memory_space<hbm>> -> memref<8x1x128xi32, #tpu.memory_space<hbm>>
      %dma_wait3A_91 = tpu.memref_squeeze %dma_wait3A_90 : memref<8x1x128xi32, #tpu.memory_space<hbm>> -> memref<8x128xi32, #tpu.memory_space<hbm>>
      %dma_wait3A_92 = arith.constant 16 : i32
      %dma_wait3A_93 = arith.constant 0 : i32
      %dma_wait3A_94 = tpu.memref_slice %arg3[%dma_wait3A_92, %add3A_40, %dma_wait3A_93] : memref<50x128x128xi32, #tpu.memory_space<hbm>> -> memref<8x1x128xi32, #tpu.memory_space<hbm>>
      %dma_wait3A_95 = tpu.memref_squeeze %dma_wait3A_94 : memref<8x1x128xi32, #tpu.memory_space<hbm>> -> memref<8x128xi32, #tpu.memory_space<hbm>>
      %dma_wait3A_96 = arith.constant 0 : i32
      %dma_wait3A_97 = arith.constant 0 : i32
      %dma_wait3A_98 = tpu.memref_slice %arg4[%dma_wait3A_96, %dma_wait3A_97] : memref<8x128xi32, #tpu.memory_space<vmem>> -> memref<8x128xi32, #tpu.memory_space<vmem>>
      tpu.wait_dma2 semaphore(%run_scoped3A : memref<!tpu.dma_semaphore, #tpu.memory_space<semaphore_mem>>) src(%dma_wait3A_98 : memref<8x128xi32, #tpu.memory_space<vmem>>) dst(%dma_wait3A_95 : memref<8x128xi32, #tpu.memory_space<hbm>>)
      tpu.yield
    }) : () -> ()
    %mul3A_47 = arith.constant 128 : i32
    %mul3A_48 = arith.muli %add3A_40, %mul3A_47 : i32
    "tpu.region"() ({
      %run_scoped3A = tpu.sem_alloc : memref<!tpu.dma_semaphore, #tpu.memory_space<semaphore_mem>>
      %dma_start3A = arith.constant 0 : i32
      %dma_start3A_73 = arith.constant 0 : i32
      %dma_start3A_74 = tpu.memref_slice %arg4[%dma_start3A, %dma_start3A_73] : memref<8x128xi32, #tpu.memory_space<vmem>> -> memref<8x128xi32, #tpu.memory_space<vmem>>
      %dma_start3A_75 = arith.constant 24 : i32
      %dma_start3A_76 = tpu.memref_slice %arg2[%dma_start3A_75, %mul3A_48] : memref<50x16384xi32, #tpu.memory_space<hbm>> -> memref<8x128xi32, #tpu.memory_space<hbm>>
      %dma_start3A_77 = arith.constant 0 : i32
      %dma_start3A_78 = arith.constant 0 : i32
      %dma_start3A_79 = tpu.memref_slice %arg4[%dma_start3A_77, %dma_start3A_78] : memref<8x128xi32, #tpu.memory_space<vmem>> -> memref<8x128xi32, #tpu.memory_space<vmem>>
      %dma_start3A_80 = arith.constant 24 : i32
      %dma_start3A_81 = tpu.memref_slice %arg2[%dma_start3A_80, %mul3A_48] : memref<50x16384xi32, #tpu.memory_space<hbm>> -> memref<8x128xi32, #tpu.memory_space<hbm>>
      tpu.enqueue_dma source(%dma_start3A_81 : memref<8x128xi32, #tpu.memory_space<hbm>>) target(%dma_start3A_79 : memref<8x128xi32, #tpu.memory_space<vmem>>) target_semaphore(%run_scoped3A : memref<!tpu.dma_semaphore, #tpu.memory_space<semaphore_mem>>)
      %dma_wait3A = arith.constant 0 : i32
      %dma_wait3A_82 = arith.constant 0 : i32
      %dma_wait3A_83 = tpu.memref_slice %arg4[%dma_wait3A, %dma_wait3A_82] : memref<8x128xi32, #tpu.memory_space<vmem>> -> memref<8x128xi32, #tpu.memory_space<vmem>>
      %dma_wait3A_84 = arith.constant 24 : i32
      %dma_wait3A_85 = tpu.memref_slice %arg2[%dma_wait3A_84, %mul3A_48] : memref<50x16384xi32, #tpu.memory_space<hbm>> -> memref<8x128xi32, #tpu.memory_space<hbm>>
      %dma_wait3A_86 = arith.constant 0 : i32
      %dma_wait3A_87 = arith.constant 0 : i32
      %dma_wait3A_88 = tpu.memref_slice %arg4[%dma_wait3A_86, %dma_wait3A_87] : memref<8x128xi32, #tpu.memory_space<vmem>> -> memref<8x128xi32, #tpu.memory_space<vmem>>
      %dma_wait3A_89 = arith.constant 24 : i32
      %dma_wait3A_90 = tpu.memref_slice %arg2[%dma_wait3A_89, %mul3A_48] : memref<50x16384xi32, #tpu.memory_space<hbm>> -> memref<8x128xi32, #tpu.memory_space<hbm>>
      tpu.wait_dma2 semaphore(%run_scoped3A : memref<!tpu.dma_semaphore, #tpu.memory_space<semaphore_mem>>) src(%dma_wait3A_90 : memref<8x128xi32, #tpu.memory_space<hbm>>) dst(%dma_wait3A_88 : memref<8x128xi32, #tpu.memory_space<vmem>>)
      tpu.yield
    }) : () -> ()
    "tpu.region"() ({
      %run_scoped3A = tpu.sem_alloc : memref<!tpu.dma_semaphore, #tpu.memory_space<semaphore_mem>>
      %dma_start3A = arith.constant 0 : i32
      %dma_start3A_73 = arith.constant 0 : i32
      %dma_start3A_74 = tpu.memref_slice %arg4[%dma_start3A, %dma_start3A_73] : memref<8x128xi32, #tpu.memory_space<vmem>> -> memref<8x128xi32, #tpu.memory_space<vmem>>
      %dma_start3A_75 = arith.constant 24 : i32
      %dma_start3A_76 = arith.constant 0 : i32
      %dma_start3A_77 = tpu.memref_slice %arg3[%dma_start3A_75, %add3A_40, %dma_start3A_76] : memref<50x128x128xi32, #tpu.memory_space<hbm>> -> memref<8x1x128xi32, #tpu.memory_space<hbm>>
      %dma_start3A_78 = tpu.memref_squeeze %dma_start3A_77 : memref<8x1x128xi32, #tpu.memory_space<hbm>> -> memref<8x128xi32, #tpu.memory_space<hbm>>
      %dma_start3A_79 = arith.constant 24 : i32
      %dma_start3A_80 = arith.constant 0 : i32
      %dma_start3A_81 = tpu.memref_slice %arg3[%dma_start3A_79, %add3A_40, %dma_start3A_80] : memref<50x128x128xi32, #tpu.memory_space<hbm>> -> memref<8x1x128xi32, #tpu.memory_space<hbm>>
      %dma_start3A_82 = tpu.memref_squeeze %dma_start3A_81 : memref<8x1x128xi32, #tpu.memory_space<hbm>> -> memref<8x128xi32, #tpu.memory_space<hbm>>
      %dma_start3A_83 = arith.constant 0 : i32
      %dma_start3A_84 = arith.constant 0 : i32
      %dma_start3A_85 = tpu.memref_slice %arg4[%dma_start3A_83, %dma_start3A_84] : memref<8x128xi32, #tpu.memory_space<vmem>> -> memref<8x128xi32, #tpu.memory_space<vmem>>
      tpu.enqueue_dma source(%dma_start3A_85 : memref<8x128xi32, #tpu.memory_space<vmem>>) target(%dma_start3A_82 : memref<8x128xi32, #tpu.memory_space<hbm>>) target_semaphore(%run_scoped3A : memref<!tpu.dma_semaphore, #tpu.memory_space<semaphore_mem>>)
      %dma_wait3A = arith.constant 0 : i32
      %dma_wait3A_86 = arith.constant 0 : i32
      %dma_wait3A_87 = tpu.memref_slice %arg4[%dma_wait3A, %dma_wait3A_86] : memref<8x128xi32, #tpu.memory_space<vmem>> -> memref<8x128xi32, #tpu.memory_space<vmem>>
      %dma_wait3A_88 = arith.constant 24 : i32
      %dma_wait3A_89 = arith.constant 0 : i32
      %dma_wait3A_90 = tpu.memref_slice %arg3[%dma_wait3A_88, %add3A_40, %dma_wait3A_89] : memref<50x128x128xi32, #tpu.memory_space<hbm>> -> memref<8x1x128xi32, #tpu.memory_space<hbm>>
      %dma_wait3A_91 = tpu.memref_squeeze %dma_wait3A_90 : memref<8x1x128xi32, #tpu.memory_space<hbm>> -> memref<8x128xi32, #tpu.memory_space<hbm>>
      %dma_wait3A_92 = arith.constant 24 : i32
      %dma_wait3A_93 = arith.constant 0 : i32
      %dma_wait3A_94 = tpu.memref_slice %arg3[%dma_wait3A_92, %add3A_40, %dma_wait3A_93] : memref<50x128x128xi32, #tpu.memory_space<hbm>> -> memref<8x1x128xi32, #tpu.memory_space<hbm>>
      %dma_wait3A_95 = tpu.memref_squeeze %dma_wait3A_94 : memref<8x1x128xi32, #tpu.memory_space<hbm>> -> memref<8x128xi32, #tpu.memory_space<hbm>>
      %dma_wait3A_96 = arith.constant 0 : i32
      %dma_wait3A_97 = arith.constant 0 : i32
      %dma_wait3A_98 = tpu.memref_slice %arg4[%dma_wait3A_96, %dma_wait3A_97] : memref<8x128xi32, #tpu.memory_space<vmem>> -> memref<8x128xi32, #tpu.memory_space<vmem>>
      tpu.wait_dma2 semaphore(%run_scoped3A : memref<!tpu.dma_semaphore, #tpu.memory_space<semaphore_mem>>) src(%dma_wait3A_98 : memref<8x128xi32, #tpu.memory_space<vmem>>) dst(%dma_wait3A_95 : memref<8x128xi32, #tpu.memory_space<hbm>>)
      tpu.yield
    }) : () -> ()
    %mul3A_49 = arith.constant 128 : i32
    %mul3A_50 = arith.muli %add3A_40, %mul3A_49 : i32
    "tpu.region"() ({
      %run_scoped3A = tpu.sem_alloc : memref<!tpu.dma_semaphore, #tpu.memory_space<semaphore_mem>>
      %dma_start3A = arith.constant 0 : i32
      %dma_start3A_73 = arith.constant 0 : i32
      %dma_start3A_74 = tpu.memref_slice %arg4[%dma_start3A, %dma_start3A_73] : memref<8x128xi32, #tpu.memory_space<vmem>> -> memref<8x128xi32, #tpu.memory_space<vmem>>
      %dma_start3A_75 = arith.constant 32 : i32
      %dma_start3A_76 = tpu.memref_slice %arg2[%dma_start3A_75, %mul3A_50] : memref<50x16384xi32, #tpu.memory_space<hbm>> -> memref<8x128xi32, #tpu.memory_space<hbm>>
      %dma_start3A_77 = arith.constant 0 : i32
      %dma_start3A_78 = arith.constant 0 : i32
      %dma_start3A_79 = tpu.memref_slice %arg4[%dma_start3A_77, %dma_start3A_78] : memref<8x128xi32, #tpu.memory_space<vmem>> -> memref<8x128xi32, #tpu.memory_space<vmem>>
      %dma_start3A_80 = arith.constant 32 : i32
      %dma_start3A_81 = tpu.memref_slice %arg2[%dma_start3A_80, %mul3A_50] : memref<50x16384xi32, #tpu.memory_space<hbm>> -> memref<8x128xi32, #tpu.memory_space<hbm>>
      tpu.enqueue_dma source(%dma_start3A_81 : memref<8x128xi32, #tpu.memory_space<hbm>>) target(%dma_start3A_79 : memref<8x128xi32, #tpu.memory_space<vmem>>) target_semaphore(%run_scoped3A : memref<!tpu.dma_semaphore, #tpu.memory_space<semaphore_mem>>)
      %dma_wait3A = arith.constant 0 : i32
      %dma_wait3A_82 = arith.constant 0 : i32
      %dma_wait3A_83 = tpu.memref_slice %arg4[%dma_wait3A, %dma_wait3A_82] : memref<8x128xi32, #tpu.memory_space<vmem>> -> memref<8x128xi32, #tpu.memory_space<vmem>>
      %dma_wait3A_84 = arith.constant 32 : i32
      %dma_wait3A_85 = tpu.memref_slice %arg2[%dma_wait3A_84, %mul3A_50] : memref<50x16384xi32, #tpu.memory_space<hbm>> -> memref<8x128xi32, #tpu.memory_space<hbm>>
      %dma_wait3A_86 = arith.constant 0 : i32
      %dma_wait3A_87 = arith.constant 0 : i32
      %dma_wait3A_88 = tpu.memref_slice %arg4[%dma_wait3A_86, %dma_wait3A_87] : memref<8x128xi32, #tpu.memory_space<vmem>> -> memref<8x128xi32, #tpu.memory_space<vmem>>
      %dma_wait3A_89 = arith.constant 32 : i32
      %dma_wait3A_90 = tpu.memref_slice %arg2[%dma_wait3A_89, %mul3A_50] : memref<50x16384xi32, #tpu.memory_space<hbm>> -> memref<8x128xi32, #tpu.memory_space<hbm>>
      tpu.wait_dma2 semaphore(%run_scoped3A : memref<!tpu.dma_semaphore, #tpu.memory_space<semaphore_mem>>) src(%dma_wait3A_90 : memref<8x128xi32, #tpu.memory_space<hbm>>) dst(%dma_wait3A_88 : memref<8x128xi32, #tpu.memory_space<vmem>>)
      tpu.yield
    }) : () -> ()
    "tpu.region"() ({
      %run_scoped3A = tpu.sem_alloc : memref<!tpu.dma_semaphore, #tpu.memory_space<semaphore_mem>>
      %dma_start3A = arith.constant 0 : i32
      %dma_start3A_73 = arith.constant 0 : i32
      %dma_start3A_74 = tpu.memref_slice %arg4[%dma_start3A, %dma_start3A_73] : memref<8x128xi32, #tpu.memory_space<vmem>> -> memref<8x128xi32, #tpu.memory_space<vmem>>
      %dma_start3A_75 = arith.constant 32 : i32
      %dma_start3A_76 = arith.constant 0 : i32
      %dma_start3A_77 = tpu.memref_slice %arg3[%dma_start3A_75, %add3A_40, %dma_start3A_76] : memref<50x128x128xi32, #tpu.memory_space<hbm>> -> memref<8x1x128xi32, #tpu.memory_space<hbm>>
      %dma_start3A_78 = tpu.memref_squeeze %dma_start3A_77 : memref<8x1x128xi32, #tpu.memory_space<hbm>> -> memref<8x128xi32, #tpu.memory_space<hbm>>
      %dma_start3A_79 = arith.constant 32 : i32
      %dma_start3A_80 = arith.constant 0 : i32
      %dma_start3A_81 = tpu.memref_slice %arg3[%dma_start3A_79, %add3A_40, %dma_start3A_80] : memref<50x128x128xi32, #tpu.memory_space<hbm>> -> memref<8x1x128xi32, #tpu.memory_space<hbm>>
      %dma_start3A_82 = tpu.memref_squeeze %dma_start3A_81 : memref<8x1x128xi32, #tpu.memory_space<hbm>> -> memref<8x128xi32, #tpu.memory_space<hbm>>
      %dma_start3A_83 = arith.constant 0 : i32
      %dma_start3A_84 = arith.constant 0 : i32
      %dma_start3A_85 = tpu.memref_slice %arg4[%dma_start3A_83, %dma_start3A_84] : memref<8x128xi32, #tpu.memory_space<vmem>> -> memref<8x128xi32, #tpu.memory_space<vmem>>
      tpu.enqueue_dma source(%dma_start3A_85 : memref<8x128xi32, #tpu.memory_space<vmem>>) target(%dma_start3A_82 : memref<8x128xi32, #tpu.memory_space<hbm>>) target_semaphore(%run_scoped3A : memref<!tpu.dma_semaphore, #tpu.memory_space<semaphore_mem>>)
      %dma_wait3A = arith.constant 0 : i32
      %dma_wait3A_86 = arith.constant 0 : i32
      %dma_wait3A_87 = tpu.memref_slice %arg4[%dma_wait3A, %dma_wait3A_86] : memref<8x128xi32, #tpu.memory_space<vmem>> -> memref<8x128xi32, #tpu.memory_space<vmem>>
      %dma_wait3A_88 = arith.constant 32 : i32
      %dma_wait3A_89 = arith.constant 0 : i32
      %dma_wait3A_90 = tpu.memref_slice %arg3[%dma_wait3A_88, %add3A_40, %dma_wait3A_89] : memref<50x128x128xi32, #tpu.memory_space<hbm>> -> memref<8x1x128xi32, #tpu.memory_space<hbm>>
      %dma_wait3A_91 = tpu.memref_squeeze %dma_wait3A_90 : memref<8x1x128xi32, #tpu.memory_space<hbm>> -> memref<8x128xi32, #tpu.memory_space<hbm>>
      %dma_wait3A_92 = arith.constant 32 : i32
      %dma_wait3A_93 = arith.constant 0 : i32
      %dma_wait3A_94 = tpu.memref_slice %arg3[%dma_wait3A_92, %add3A_40, %dma_wait3A_93] : memref<50x128x128xi32, #tpu.memory_space<hbm>> -> memref<8x1x128xi32, #tpu.memory_space<hbm>>
      %dma_wait3A_95 = tpu.memref_squeeze %dma_wait3A_94 : memref<8x1x128xi32, #tpu.memory_space<hbm>> -> memref<8x128xi32, #tpu.memory_space<hbm>>
      %dma_wait3A_96 = arith.constant 0 : i32
      %dma_wait3A_97 = arith.constant 0 : i32
      %dma_wait3A_98 = tpu.memref_slice %arg4[%dma_wait3A_96, %dma_wait3A_97] : memref<8x128xi32, #tpu.memory_space<vmem>> -> memref<8x128xi32, #tpu.memory_space<vmem>>
      tpu.wait_dma2 semaphore(%run_scoped3A : memref<!tpu.dma_semaphore, #tpu.memory_space<semaphore_mem>>) src(%dma_wait3A_98 : memref<8x128xi32, #tpu.memory_space<vmem>>) dst(%dma_wait3A_95 : memref<8x128xi32, #tpu.memory_space<hbm>>)
      tpu.yield
    }) : () -> ()
    %mul3A_51 = arith.constant 128 : i32
    %mul3A_52 = arith.muli %add3A_40, %mul3A_51 : i32
    "tpu.region"() ({
      %run_scoped3A = tpu.sem_alloc : memref<!tpu.dma_semaphore, #tpu.memory_space<semaphore_mem>>
      %dma_start3A = arith.constant 0 : i32
      %dma_start3A_73 = arith.constant 0 : i32
      %dma_start3A_74 = tpu.memref_slice %arg4[%dma_start3A, %dma_start3A_73] : memref<8x128xi32, #tpu.memory_space<vmem>> -> memref<8x128xi32, #tpu.memory_space<vmem>>
      %dma_start3A_75 = arith.constant 40 : i32
      %dma_start3A_76 = tpu.memref_slice %arg2[%dma_start3A_75, %mul3A_52] : memref<50x16384xi32, #tpu.memory_space<hbm>> -> memref<8x128xi32, #tpu.memory_space<hbm>>
      %dma_start3A_77 = arith.constant 0 : i32
      %dma_start3A_78 = arith.constant 0 : i32
      %dma_start3A_79 = tpu.memref_slice %arg4[%dma_start3A_77, %dma_start3A_78] : memref<8x128xi32, #tpu.memory_space<vmem>> -> memref<8x128xi32, #tpu.memory_space<vmem>>
      %dma_start3A_80 = arith.constant 40 : i32
      %dma_start3A_81 = tpu.memref_slice %arg2[%dma_start3A_80, %mul3A_52] : memref<50x16384xi32, #tpu.memory_space<hbm>> -> memref<8x128xi32, #tpu.memory_space<hbm>>
      tpu.enqueue_dma source(%dma_start3A_81 : memref<8x128xi32, #tpu.memory_space<hbm>>) target(%dma_start3A_79 : memref<8x128xi32, #tpu.memory_space<vmem>>) target_semaphore(%run_scoped3A : memref<!tpu.dma_semaphore, #tpu.memory_space<semaphore_mem>>)
      %dma_wait3A = arith.constant 0 : i32
      %dma_wait3A_82 = arith.constant 0 : i32
      %dma_wait3A_83 = tpu.memref_slice %arg4[%dma_wait3A, %dma_wait3A_82] : memref<8x128xi32, #tpu.memory_space<vmem>> -> memref<8x128xi32, #tpu.memory_space<vmem>>
      %dma_wait3A_84 = arith.constant 40 : i32
      %dma_wait3A_85 = tpu.memref_slice %arg2[%dma_wait3A_84, %mul3A_52] : memref<50x16384xi32, #tpu.memory_space<hbm>> -> memref<8x128xi32, #tpu.memory_space<hbm>>
      %dma_wait3A_86 = arith.constant 0 : i32
      %dma_wait3A_87 = arith.constant 0 : i32
      %dma_wait3A_88 = tpu.memref_slice %arg4[%dma_wait3A_86, %dma_wait3A_87] : memref<8x128xi32, #tpu.memory_space<vmem>> -> memref<8x128xi32, #tpu.memory_space<vmem>>
      %dma_wait3A_89 = arith.constant 40 : i32
      %dma_wait3A_90 = tpu.memref_slice %arg2[%dma_wait3A_89, %mul3A_52] : memref<50x16384xi32, #tpu.memory_space<hbm>> -> memref<8x128xi32, #tpu.memory_space<hbm>>
      tpu.wait_dma2 semaphore(%run_scoped3A : memref<!tpu.dma_semaphore, #tpu.memory_space<semaphore_mem>>) src(%dma_wait3A_90 : memref<8x128xi32, #tpu.memory_space<hbm>>) dst(%dma_wait3A_88 : memref<8x128xi32, #tpu.memory_space<vmem>>)
      tpu.yield
    }) : () -> ()
    "tpu.region"() ({
      %run_scoped3A = tpu.sem_alloc : memref<!tpu.dma_semaphore, #tpu.memory_space<semaphore_mem>>
      %dma_start3A = arith.constant 0 : i32
      %dma_start3A_73 = arith.constant 0 : i32
      %dma_start3A_74 = tpu.memref_slice %arg4[%dma_start3A, %dma_start3A_73] : memref<8x128xi32, #tpu.memory_space<vmem>> -> memref<8x128xi32, #tpu.memory_space<vmem>>
      %dma_start3A_75 = arith.constant 40 : i32
      %dma_start3A_76 = arith.constant 0 : i32
      %dma_start3A_77 = tpu.memref_slice %arg3[%dma_start3A_75, %add3A_40, %dma_start3A_76] : memref<50x128x128xi32, #tpu.memory_space<hbm>> -> memref<8x1x128xi32, #tpu.memory_space<hbm>>
      %dma_start3A_78 = tpu.memref_squeeze %dma_start3A_77 : memref<8x1x128xi32, #tpu.memory_space<hbm>> -> memref<8x128xi32, #tpu.memory_space<hbm>>
      %dma_start3A_79 = arith.constant 40 : i32
      %dma_start3A_80 = arith.constant 0 : i32
      %dma_start3A_81 = tpu.memref_slice %arg3[%dma_start3A_79, %add3A_40, %dma_start3A_80] : memref<50x128x128xi32, #tpu.memory_space<hbm>> -> memref<8x1x128xi32, #tpu.memory_space<hbm>>
      %dma_start3A_82 = tpu.memref_squeeze %dma_start3A_81 : memref<8x1x128xi32, #tpu.memory_space<hbm>> -> memref<8x128xi32, #tpu.memory_space<hbm>>
      %dma_start3A_83 = arith.constant 0 : i32
      %dma_start3A_84 = arith.constant 0 : i32
      %dma_start3A_85 = tpu.memref_slice %arg4[%dma_start3A_83, %dma_start3A_84] : memref<8x128xi32, #tpu.memory_space<vmem>> -> memref<8x128xi32, #tpu.memory_space<vmem>>
      tpu.enqueue_dma source(%dma_start3A_85 : memref<8x128xi32, #tpu.memory_space<vmem>>) target(%dma_start3A_82 : memref<8x128xi32, #tpu.memory_space<hbm>>) target_semaphore(%run_scoped3A : memref<!tpu.dma_semaphore, #tpu.memory_space<semaphore_mem>>)
      %dma_wait3A = arith.constant 0 : i32
      %dma_wait3A_86 = arith.constant 0 : i32
      %dma_wait3A_87 = tpu.memref_slice %arg4[%dma_wait3A, %dma_wait3A_86] : memref<8x128xi32, #tpu.memory_space<vmem>> -> memref<8x128xi32, #tpu.memory_space<vmem>>
      %dma_wait3A_88 = arith.constant 40 : i32
      %dma_wait3A_89 = arith.constant 0 : i32
      %dma_wait3A_90 = tpu.memref_slice %arg3[%dma_wait3A_88, %add3A_40, %dma_wait3A_89] : memref<50x128x128xi32, #tpu.memory_space<hbm>> -> memref<8x1x128xi32, #tpu.memory_space<hbm>>
      %dma_wait3A_91 = tpu.memref_squeeze %dma_wait3A_90 : memref<8x1x128xi32, #tpu.memory_space<hbm>> -> memref<8x128xi32, #tpu.memory_space<hbm>>
      %dma_wait3A_92 = arith.constant 40 : i32
      %dma_wait3A_93 = arith.constant 0 : i32
      %dma_wait3A_94 = tpu.memref_slice %arg3[%dma_wait3A_92, %add3A_40, %dma_wait3A_93] : memref<50x128x128xi32, #tpu.memory_space<hbm>> -> memref<8x1x128xi32, #tpu.memory_space<hbm>>
      %dma_wait3A_95 = tpu.memref_squeeze %dma_wait3A_94 : memref<8x1x128xi32, #tpu.memory_space<hbm>> -> memref<8x128xi32, #tpu.memory_space<hbm>>
      %dma_wait3A_96 = arith.constant 0 : i32
      %dma_wait3A_97 = arith.constant 0 : i32
      %dma_wait3A_98 = tpu.memref_slice %arg4[%dma_wait3A_96, %dma_wait3A_97] : memref<8x128xi32, #tpu.memory_space<vmem>> -> memref<8x128xi32, #tpu.memory_space<vmem>>
      tpu.wait_dma2 semaphore(%run_scoped3A : memref<!tpu.dma_semaphore, #tpu.memory_space<semaphore_mem>>) src(%dma_wait3A_98 : memref<8x128xi32, #tpu.memory_space<vmem>>) dst(%dma_wait3A_95 : memref<8x128xi32, #tpu.memory_space<hbm>>)
      tpu.yield
    }) : () -> ()
    %mul3A_53 = arith.constant 128 : i32
    %mul3A_54 = arith.muli %add3A_40, %mul3A_53 : i32
    "tpu.region"() ({
      %run_scoped3A = tpu.sem_alloc : memref<!tpu.dma_semaphore, #tpu.memory_space<semaphore_mem>>
      %dma_start3A = arith.constant 0 : i32
      %dma_start3A_73 = arith.constant 0 : i32
      %dma_start3A_74 = tpu.memref_slice %arg4[%dma_start3A, %dma_start3A_73] : memref<8x128xi32, #tpu.memory_space<vmem>> -> memref<2x128xi32, #tpu.memory_space<vmem>>
      %dma_start3A_75 = arith.constant 48 : i32
      %dma_start3A_76 = tpu.memref_slice %arg2[%dma_start3A_75, %mul3A_54] : memref<50x16384xi32, #tpu.memory_space<hbm>> -> memref<2x128xi32, #tpu.memory_space<hbm>>
      %dma_start3A_77 = arith.constant 0 : i32
      %dma_start3A_78 = arith.constant 0 : i32
      %dma_start3A_79 = tpu.memref_slice %arg4[%dma_start3A_77, %dma_start3A_78] : memref<8x128xi32, #tpu.memory_space<vmem>> -> memref<2x128xi32, #tpu.memory_space<vmem>>
      %dma_start3A_80 = arith.constant 48 : i32
      %dma_start3A_81 = tpu.memref_slice %arg2[%dma_start3A_80, %mul3A_54] : memref<50x16384xi32, #tpu.memory_space<hbm>> -> memref<2x128xi32, #tpu.memory_space<hbm>>
      tpu.enqueue_dma source(%dma_start3A_81 : memref<2x128xi32, #tpu.memory_space<hbm>>) target(%dma_start3A_79 : memref<2x128xi32, #tpu.memory_space<vmem>>) target_semaphore(%run_scoped3A : memref<!tpu.dma_semaphore, #tpu.memory_space<semaphore_mem>>)
      %dma_wait3A = arith.constant 0 : i32
      %dma_wait3A_82 = arith.constant 0 : i32
      %dma_wait3A_83 = tpu.memref_slice %arg4[%dma_wait3A, %dma_wait3A_82] : memref<8x128xi32, #tpu.memory_space<vmem>> -> memref<2x128xi32, #tpu.memory_space<vmem>>
      %dma_wait3A_84 = arith.constant 48 : i32
      %dma_wait3A_85 = tpu.memref_slice %arg2[%dma_wait3A_84, %mul3A_54] : memref<50x16384xi32, #tpu.memory_space<hbm>> -> memref<2x128xi32, #tpu.memory_space<hbm>>
      %dma_wait3A_86 = arith.constant 0 : i32
      %dma_wait3A_87 = arith.constant 0 : i32
      %dma_wait3A_88 = tpu.memref_slice %arg4[%dma_wait3A_86, %dma_wait3A_87] : memref<8x128xi32, #tpu.memory_space<vmem>> -> memref<2x128xi32, #tpu.memory_space<vmem>>
      %dma_wait3A_89 = arith.constant 48 : i32
      %dma_wait3A_90 = tpu.memref_slice %arg2[%dma_wait3A_89, %mul3A_54] : memref<50x16384xi32, #tpu.memory_space<hbm>> -> memref<2x128xi32, #tpu.memory_space<hbm>>
      tpu.wait_dma2 semaphore(%run_scoped3A : memref<!tpu.dma_semaphore, #tpu.memory_space<semaphore_mem>>) src(%dma_wait3A_90 : memref<2x128xi32, #tpu.memory_space<hbm>>) dst(%dma_wait3A_88 : memref<2x128xi32, #tpu.memory_space<vmem>>)
      tpu.yield
    }) : () -> ()
    "tpu.region"() ({
      %run_scoped3A = tpu.sem_alloc : memref<!tpu.dma_semaphore, #tpu.memory_space<semaphore_mem>>
      %dma_start3A = arith.constant 0 : i32
      %dma_start3A_73 = arith.constant 0 : i32
      %dma_start3A_74 = tpu.memref_slice %arg4[%dma_start3A, %dma_start3A_73] : memref<8x128xi32, #tpu.memory_space<vmem>> -> memref<2x128xi32, #tpu.memory_space<vmem>>
      %dma_start3A_75 = arith.constant 48 : i32
      %dma_start3A_76 = arith.constant 0 : i32
      %dma_start3A_77 = tpu.memref_slice %arg3[%dma_start3A_75, %add3A_40, %dma_start3A_76] : memref<50x128x128xi32, #tpu.memory_space<hbm>> -> memref<2x1x128xi32, #tpu.memory_space<hbm>>
      %dma_start3A_78 = tpu.memref_squeeze %dma_start3A_77 : memref<2x1x128xi32, #tpu.memory_space<hbm>> -> memref<2x128xi32, #tpu.memory_space<hbm>>
      %dma_start3A_79 = arith.constant 48 : i32
      %dma_start3A_80 = arith.constant 0 : i32
      %dma_start3A_81 = tpu.memref_slice %arg3[%dma_start3A_79, %add3A_40, %dma_start3A_80] : memref<50x128x128xi32, #tpu.memory_space<hbm>> -> memref<2x1x128xi32, #tpu.memory_space<hbm>>
      %dma_start3A_82 = tpu.memref_squeeze %dma_start3A_81 : memref<2x1x128xi32, #tpu.memory_space<hbm>> -> memref<2x128xi32, #tpu.memory_space<hbm>>
      %dma_start3A_83 = arith.constant 0 : i32
      %dma_start3A_84 = arith.constant 0 : i32
      %dma_start3A_85 = tpu.memref_slice %arg4[%dma_start3A_83, %dma_start3A_84] : memref<8x128xi32, #tpu.memory_space<vmem>> -> memref<2x128xi32, #tpu.memory_space<vmem>>
      tpu.enqueue_dma source(%dma_start3A_85 : memref<2x128xi32, #tpu.memory_space<vmem>>) target(%dma_start3A_82 : memref<2x128xi32, #tpu.memory_space<hbm>>) target_semaphore(%run_scoped3A : memref<!tpu.dma_semaphore, #tpu.memory_space<semaphore_mem>>)
      %dma_wait3A = arith.constant 0 : i32
      %dma_wait3A_86 = arith.constant 0 : i32
      %dma_wait3A_87 = tpu.memref_slice %arg4[%dma_wait3A, %dma_wait3A_86] : memref<8x128xi32, #tpu.memory_space<vmem>> -> memref<2x128xi32, #tpu.memory_space<vmem>>
      %dma_wait3A_88 = arith.constant 48 : i32
      %dma_wait3A_89 = arith.constant 0 : i32
      %dma_wait3A_90 = tpu.memref_slice %arg3[%dma_wait3A_88, %add3A_40, %dma_wait3A_89] : memref<50x128x128xi32, #tpu.memory_space<hbm>> -> memref<2x1x128xi32, #tpu.memory_space<hbm>>
      %dma_wait3A_91 = tpu.memref_squeeze %dma_wait3A_90 : memref<2x1x128xi32, #tpu.memory_space<hbm>> -> memref<2x128xi32, #tpu.memory_space<hbm>>
      %dma_wait3A_92 = arith.constant 48 : i32
      %dma_wait3A_93 = arith.constant 0 : i32
      %dma_wait3A_94 = tpu.memref_slice %arg3[%dma_wait3A_92, %add3A_40, %dma_wait3A_93] : memref<50x128x128xi32, #tpu.memory_space<hbm>> -> memref<2x1x128xi32, #tpu.memory_space<hbm>>
      %dma_wait3A_95 = tpu.memref_squeeze %dma_wait3A_94 : memref<2x1x128xi32, #tpu.memory_space<hbm>> -> memref<2x128xi32, #tpu.memory_space<hbm>>
      %dma_wait3A_96 = arith.constant 0 : i32
      %dma_wait3A_97 = arith.constant 0 : i32
      %dma_wait3A_98 = tpu.memref_slice %arg4[%dma_wait3A_96, %dma_wait3A_97] : memref<8x128xi32, #tpu.memory_space<vmem>> -> memref<2x128xi32, #tpu.memory_space<vmem>>
      tpu.wait_dma2 semaphore(%run_scoped3A : memref<!tpu.dma_semaphore, #tpu.memory_space<semaphore_mem>>) src(%dma_wait3A_98 : memref<2x128xi32, #tpu.memory_space<vmem>>) dst(%dma_wait3A_95 : memref<2x128xi32, #tpu.memory_space<hbm>>)
      tpu.yield
    }) : () -> ()
    %mul3A_55 = arith.constant 4 : i32
    %mul3A_56 = arith.muli %add3A, %mul3A_55 : i32
    %add3A_57 = arith.constant 3 : i32
    %add3A_58 = arith.addi %mul3A_56, %add3A_57 : i32
    %mul3A_59 = arith.constant 128 : i32
    %mul3A_60 = arith.muli %add3A_58, %mul3A_59 : i32
    "tpu.region"() ({
      %run_scoped3A = tpu.sem_alloc : memref<!tpu.dma_semaphore, #tpu.memory_space<semaphore_mem>>
      %dma_start3A = arith.constant 0 : i32
      %dma_start3A_73 = arith.constant 0 : i32
      %dma_start3A_74 = tpu.memref_slice %arg4[%dma_start3A, %dma_start3A_73] : memref<8x128xi32, #tpu.memory_space<vmem>> -> memref<8x128xi32, #tpu.memory_space<vmem>>
      %dma_start3A_75 = arith.constant 0 : i32
      %dma_start3A_76 = tpu.memref_slice %arg2[%dma_start3A_75, %mul3A_60] : memref<50x16384xi32, #tpu.memory_space<hbm>> -> memref<8x128xi32, #tpu.memory_space<hbm>>
      %dma_start3A_77 = arith.constant 0 : i32
      %dma_start3A_78 = arith.constant 0 : i32
      %dma_start3A_79 = tpu.memref_slice %arg4[%dma_start3A_77, %dma_start3A_78] : memref<8x128xi32, #tpu.memory_space<vmem>> -> memref<8x128xi32, #tpu.memory_space<vmem>>
      %dma_start3A_80 = arith.constant 0 : i32
      %dma_start3A_81 = tpu.memref_slice %arg2[%dma_start3A_80, %mul3A_60] : memref<50x16384xi32, #tpu.memory_space<hbm>> -> memref<8x128xi32, #tpu.memory_space<hbm>>
      tpu.enqueue_dma source(%dma_start3A_81 : memref<8x128xi32, #tpu.memory_space<hbm>>) target(%dma_start3A_79 : memref<8x128xi32, #tpu.memory_space<vmem>>) target_semaphore(%run_scoped3A : memref<!tpu.dma_semaphore, #tpu.memory_space<semaphore_mem>>)
      %dma_wait3A = arith.constant 0 : i32
      %dma_wait3A_82 = arith.constant 0 : i32
      %dma_wait3A_83 = tpu.memref_slice %arg4[%dma_wait3A, %dma_wait3A_82] : memref<8x128xi32, #tpu.memory_space<vmem>> -> memref<8x128xi32, #tpu.memory_space<vmem>>
      %dma_wait3A_84 = arith.constant 0 : i32
      %dma_wait3A_85 = tpu.memref_slice %arg2[%dma_wait3A_84, %mul3A_60] : memref<50x16384xi32, #tpu.memory_space<hbm>> -> memref<8x128xi32, #tpu.memory_space<hbm>>
      %dma_wait3A_86 = arith.constant 0 : i32
      %dma_wait3A_87 = arith.constant 0 : i32
      %dma_wait3A_88 = tpu.memref_slice %arg4[%dma_wait3A_86, %dma_wait3A_87] : memref<8x128xi32, #tpu.memory_space<vmem>> -> memref<8x128xi32, #tpu.memory_space<vmem>>
      %dma_wait3A_89 = arith.constant 0 : i32
      %dma_wait3A_90 = tpu.memref_slice %arg2[%dma_wait3A_89, %mul3A_60] : memref<50x16384xi32, #tpu.memory_space<hbm>> -> memref<8x128xi32, #tpu.memory_space<hbm>>
      tpu.wait_dma2 semaphore(%run_scoped3A : memref<!tpu.dma_semaphore, #tpu.memory_space<semaphore_mem>>) src(%dma_wait3A_90 : memref<8x128xi32, #tpu.memory_space<hbm>>) dst(%dma_wait3A_88 : memref<8x128xi32, #tpu.memory_space<vmem>>)
      tpu.yield
    }) : () -> ()
    "tpu.region"() ({
      %run_scoped3A = tpu.sem_alloc : memref<!tpu.dma_semaphore, #tpu.memory_space<semaphore_mem>>
      %dma_start3A = arith.constant 0 : i32
      %dma_start3A_73 = arith.constant 0 : i32
      %dma_start3A_74 = tpu.memref_slice %arg4[%dma_start3A, %dma_start3A_73] : memref<8x128xi32, #tpu.memory_space<vmem>> -> memref<8x128xi32, #tpu.memory_space<vmem>>
      %dma_start3A_75 = arith.constant 0 : i32
      %dma_start3A_76 = arith.constant 0 : i32
      %dma_start3A_77 = tpu.memref_slice %arg3[%dma_start3A_75, %add3A_58, %dma_start3A_76] : memref<50x128x128xi32, #tpu.memory_space<hbm>> -> memref<8x1x128xi32, #tpu.memory_space<hbm>>
      %dma_start3A_78 = tpu.memref_squeeze %dma_start3A_77 : memref<8x1x128xi32, #tpu.memory_space<hbm>> -> memref<8x128xi32, #tpu.memory_space<hbm>>
      %dma_start3A_79 = arith.constant 0 : i32
      %dma_start3A_80 = arith.constant 0 : i32
      %dma_start3A_81 = tpu.memref_slice %arg3[%dma_start3A_79, %add3A_58, %dma_start3A_80] : memref<50x128x128xi32, #tpu.memory_space<hbm>> -> memref<8x1x128xi32, #tpu.memory_space<hbm>>
      %dma_start3A_82 = tpu.memref_squeeze %dma_start3A_81 : memref<8x1x128xi32, #tpu.memory_space<hbm>> -> memref<8x128xi32, #tpu.memory_space<hbm>>
      %dma_start3A_83 = arith.constant 0 : i32
      %dma_start3A_84 = arith.constant 0 : i32
      %dma_start3A_85 = tpu.memref_slice %arg4[%dma_start3A_83, %dma_start3A_84] : memref<8x128xi32, #tpu.memory_space<vmem>> -> memref<8x128xi32, #tpu.memory_space<vmem>>
      tpu.enqueue_dma source(%dma_start3A_85 : memref<8x128xi32, #tpu.memory_space<vmem>>) target(%dma_start3A_82 : memref<8x128xi32, #tpu.memory_space<hbm>>) target_semaphore(%run_scoped3A : memref<!tpu.dma_semaphore, #tpu.memory_space<semaphore_mem>>)
      %dma_wait3A = arith.constant 0 : i32
      %dma_wait3A_86 = arith.constant 0 : i32
      %dma_wait3A_87 = tpu.memref_slice %arg4[%dma_wait3A, %dma_wait3A_86] : memref<8x128xi32, #tpu.memory_space<vmem>> -> memref<8x128xi32, #tpu.memory_space<vmem>>
      %dma_wait3A_88 = arith.constant 0 : i32
      %dma_wait3A_89 = arith.constant 0 : i32
      %dma_wait3A_90 = tpu.memref_slice %arg3[%dma_wait3A_88, %add3A_58, %dma_wait3A_89] : memref<50x128x128xi32, #tpu.memory_space<hbm>> -> memref<8x1x128xi32, #tpu.memory_space<hbm>>
      %dma_wait3A_91 = tpu.memref_squeeze %dma_wait3A_90 : memref<8x1x128xi32, #tpu.memory_space<hbm>> -> memref<8x128xi32, #tpu.memory_space<hbm>>
      %dma_wait3A_92 = arith.constant 0 : i32
      %dma_wait3A_93 = arith.constant 0 : i32
      %dma_wait3A_94 = tpu.memref_slice %arg3[%dma_wait3A_92, %add3A_58, %dma_wait3A_93] : memref<50x128x128xi32, #tpu.memory_space<hbm>> -> memref<8x1x128xi32, #tpu.memory_space<hbm>>
      %dma_wait3A_95 = tpu.memref_squeeze %dma_wait3A_94 : memref<8x1x128xi32, #tpu.memory_space<hbm>> -> memref<8x128xi32, #tpu.memory_space<hbm>>
      %dma_wait3A_96 = arith.constant 0 : i32
      %dma_wait3A_97 = arith.constant 0 : i32
      %dma_wait3A_98 = tpu.memref_slice %arg4[%dma_wait3A_96, %dma_wait3A_97] : memref<8x128xi32, #tpu.memory_space<vmem>> -> memref<8x128xi32, #tpu.memory_space<vmem>>
      tpu.wait_dma2 semaphore(%run_scoped3A : memref<!tpu.dma_semaphore, #tpu.memory_space<semaphore_mem>>) src(%dma_wait3A_98 : memref<8x128xi32, #tpu.memory_space<vmem>>) dst(%dma_wait3A_95 : memref<8x128xi32, #tpu.memory_space<hbm>>)
      tpu.yield
    }) : () -> ()
    %mul3A_61 = arith.constant 128 : i32
    %mul3A_62 = arith.muli %add3A_58, %mul3A_61 : i32
    "tpu.region"() ({
      %run_scoped3A = tpu.sem_alloc : memref<!tpu.dma_semaphore, #tpu.memory_space<semaphore_mem>>
      %dma_start3A = arith.constant 0 : i32
      %dma_start3A_73 = arith.constant 0 : i32
      %dma_start3A_74 = tpu.memref_slice %arg4[%dma_start3A, %dma_start3A_73] : memref<8x128xi32, #tpu.memory_space<vmem>> -> memref<8x128xi32, #tpu.memory_space<vmem>>
      %dma_start3A_75 = arith.constant 8 : i32
      %dma_start3A_76 = tpu.memref_slice %arg2[%dma_start3A_75, %mul3A_62] : memref<50x16384xi32, #tpu.memory_space<hbm>> -> memref<8x128xi32, #tpu.memory_space<hbm>>
      %dma_start3A_77 = arith.constant 0 : i32
      %dma_start3A_78 = arith.constant 0 : i32
      %dma_start3A_79 = tpu.memref_slice %arg4[%dma_start3A_77, %dma_start3A_78] : memref<8x128xi32, #tpu.memory_space<vmem>> -> memref<8x128xi32, #tpu.memory_space<vmem>>
      %dma_start3A_80 = arith.constant 8 : i32
      %dma_start3A_81 = tpu.memref_slice %arg2[%dma_start3A_80, %mul3A_62] : memref<50x16384xi32, #tpu.memory_space<hbm>> -> memref<8x128xi32, #tpu.memory_space<hbm>>
      tpu.enqueue_dma source(%dma_start3A_81 : memref<8x128xi32, #tpu.memory_space<hbm>>) target(%dma_start3A_79 : memref<8x128xi32, #tpu.memory_space<vmem>>) target_semaphore(%run_scoped3A : memref<!tpu.dma_semaphore, #tpu.memory_space<semaphore_mem>>)
      %dma_wait3A = arith.constant 0 : i32
      %dma_wait3A_82 = arith.constant 0 : i32
      %dma_wait3A_83 = tpu.memref_slice %arg4[%dma_wait3A, %dma_wait3A_82] : memref<8x128xi32, #tpu.memory_space<vmem>> -> memref<8x128xi32, #tpu.memory_space<vmem>>
      %dma_wait3A_84 = arith.constant 8 : i32
      %dma_wait3A_85 = tpu.memref_slice %arg2[%dma_wait3A_84, %mul3A_62] : memref<50x16384xi32, #tpu.memory_space<hbm>> -> memref<8x128xi32, #tpu.memory_space<hbm>>
      %dma_wait3A_86 = arith.constant 0 : i32
      %dma_wait3A_87 = arith.constant 0 : i32
      %dma_wait3A_88 = tpu.memref_slice %arg4[%dma_wait3A_86, %dma_wait3A_87] : memref<8x128xi32, #tpu.memory_space<vmem>> -> memref<8x128xi32, #tpu.memory_space<vmem>>
      %dma_wait3A_89 = arith.constant 8 : i32
      %dma_wait3A_90 = tpu.memref_slice %arg2[%dma_wait3A_89, %mul3A_62] : memref<50x16384xi32, #tpu.memory_space<hbm>> -> memref<8x128xi32, #tpu.memory_space<hbm>>
      tpu.wait_dma2 semaphore(%run_scoped3A : memref<!tpu.dma_semaphore, #tpu.memory_space<semaphore_mem>>) src(%dma_wait3A_90 : memref<8x128xi32, #tpu.memory_space<hbm>>) dst(%dma_wait3A_88 : memref<8x128xi32, #tpu.memory_space<vmem>>)
      tpu.yield
    }) : () -> ()
    "tpu.region"() ({
      %run_scoped3A = tpu.sem_alloc : memref<!tpu.dma_semaphore, #tpu.memory_space<semaphore_mem>>
      %dma_start3A = arith.constant 0 : i32
      %dma_start3A_73 = arith.constant 0 : i32
      %dma_start3A_74 = tpu.memref_slice %arg4[%dma_start3A, %dma_start3A_73] : memref<8x128xi32, #tpu.memory_space<vmem>> -> memref<8x128xi32, #tpu.memory_space<vmem>>
      %dma_start3A_75 = arith.constant 8 : i32
      %dma_start3A_76 = arith.constant 0 : i32
      %dma_start3A_77 = tpu.memref_slice %arg3[%dma_start3A_75, %add3A_58, %dma_start3A_76] : memref<50x128x128xi32, #tpu.memory_space<hbm>> -> memref<8x1x128xi32, #tpu.memory_space<hbm>>
      %dma_start3A_78 = tpu.memref_squeeze %dma_start3A_77 : memref<8x1x128xi32, #tpu.memory_space<hbm>> -> memref<8x128xi32, #tpu.memory_space<hbm>>
      %dma_start3A_79 = arith.constant 8 : i32
      %dma_start3A_80 = arith.constant 0 : i32
      %dma_start3A_81 = tpu.memref_slice %arg3[%dma_start3A_79, %add3A_58, %dma_start3A_80] : memref<50x128x128xi32, #tpu.memory_space<hbm>> -> memref<8x1x128xi32, #tpu.memory_space<hbm>>
      %dma_start3A_82 = tpu.memref_squeeze %dma_start3A_81 : memref<8x1x128xi32, #tpu.memory_space<hbm>> -> memref<8x128xi32, #tpu.memory_space<hbm>>
      %dma_start3A_83 = arith.constant 0 : i32
      %dma_start3A_84 = arith.constant 0 : i32
      %dma_start3A_85 = tpu.memref_slice %arg4[%dma_start3A_83, %dma_start3A_84] : memref<8x128xi32, #tpu.memory_space<vmem>> -> memref<8x128xi32, #tpu.memory_space<vmem>>
      tpu.enqueue_dma source(%dma_start3A_85 : memref<8x128xi32, #tpu.memory_space<vmem>>) target(%dma_start3A_82 : memref<8x128xi32, #tpu.memory_space<hbm>>) target_semaphore(%run_scoped3A : memref<!tpu.dma_semaphore, #tpu.memory_space<semaphore_mem>>)
      %dma_wait3A = arith.constant 0 : i32
      %dma_wait3A_86 = arith.constant 0 : i32
      %dma_wait3A_87 = tpu.memref_slice %arg4[%dma_wait3A, %dma_wait3A_86] : memref<8x128xi32, #tpu.memory_space<vmem>> -> memref<8x128xi32, #tpu.memory_space<vmem>>
      %dma_wait3A_88 = arith.constant 8 : i32
      %dma_wait3A_89 = arith.constant 0 : i32
      %dma_wait3A_90 = tpu.memref_slice %arg3[%dma_wait3A_88, %add3A_58, %dma_wait3A_89] : memref<50x128x128xi32, #tpu.memory_space<hbm>> -> memref<8x1x128xi32, #tpu.memory_space<hbm>>
      %dma_wait3A_91 = tpu.memref_squeeze %dma_wait3A_90 : memref<8x1x128xi32, #tpu.memory_space<hbm>> -> memref<8x128xi32, #tpu.memory_space<hbm>>
      %dma_wait3A_92 = arith.constant 8 : i32
      %dma_wait3A_93 = arith.constant 0 : i32
      %dma_wait3A_94 = tpu.memref_slice %arg3[%dma_wait3A_92, %add3A_58, %dma_wait3A_93] : memref<50x128x128xi32, #tpu.memory_space<hbm>> -> memref<8x1x128xi32, #tpu.memory_space<hbm>>
      %dma_wait3A_95 = tpu.memref_squeeze %dma_wait3A_94 : memref<8x1x128xi32, #tpu.memory_space<hbm>> -> memref<8x128xi32, #tpu.memory_space<hbm>>
      %dma_wait3A_96 = arith.constant 0 : i32
      %dma_wait3A_97 = arith.constant 0 : i32
      %dma_wait3A_98 = tpu.memref_slice %arg4[%dma_wait3A_96, %dma_wait3A_97] : memref<8x128xi32, #tpu.memory_space<vmem>> -> memref<8x128xi32, #tpu.memory_space<vmem>>
      tpu.wait_dma2 semaphore(%run_scoped3A : memref<!tpu.dma_semaphore, #tpu.memory_space<semaphore_mem>>) src(%dma_wait3A_98 : memref<8x128xi32, #tpu.memory_space<vmem>>) dst(%dma_wait3A_95 : memref<8x128xi32, #tpu.memory_space<hbm>>)
      tpu.yield
    }) : () -> ()
    %mul3A_63 = arith.constant 128 : i32
    %mul3A_64 = arith.muli %add3A_58, %mul3A_63 : i32
    "tpu.region"() ({
      %run_scoped3A = tpu.sem_alloc : memref<!tpu.dma_semaphore, #tpu.memory_space<semaphore_mem>>
      %dma_start3A = arith.constant 0 : i32
      %dma_start3A_73 = arith.constant 0 : i32
      %dma_start3A_74 = tpu.memref_slice %arg4[%dma_start3A, %dma_start3A_73] : memref<8x128xi32, #tpu.memory_space<vmem>> -> memref<8x128xi32, #tpu.memory_space<vmem>>
      %dma_start3A_75 = arith.constant 16 : i32
      %dma_start3A_76 = tpu.memref_slice %arg2[%dma_start3A_75, %mul3A_64] : memref<50x16384xi32, #tpu.memory_space<hbm>> -> memref<8x128xi32, #tpu.memory_space<hbm>>
      %dma_start3A_77 = arith.constant 0 : i32
      %dma_start3A_78 = arith.constant 0 : i32
      %dma_start3A_79 = tpu.memref_slice %arg4[%dma_start3A_77, %dma_start3A_78] : memref<8x128xi32, #tpu.memory_space<vmem>> -> memref<8x128xi32, #tpu.memory_space<vmem>>
      %dma_start3A_80 = arith.constant 16 : i32
      %dma_start3A_81 = tpu.memref_slice %arg2[%dma_start3A_80, %mul3A_64] : memref<50x16384xi32, #tpu.memory_space<hbm>> -> memref<8x128xi32, #tpu.memory_space<hbm>>
      tpu.enqueue_dma source(%dma_start3A_81 : memref<8x128xi32, #tpu.memory_space<hbm>>) target(%dma_start3A_79 : memref<8x128xi32, #tpu.memory_space<vmem>>) target_semaphore(%run_scoped3A : memref<!tpu.dma_semaphore, #tpu.memory_space<semaphore_mem>>)
      %dma_wait3A = arith.constant 0 : i32
      %dma_wait3A_82 = arith.constant 0 : i32
      %dma_wait3A_83 = tpu.memref_slice %arg4[%dma_wait3A, %dma_wait3A_82] : memref<8x128xi32, #tpu.memory_space<vmem>> -> memref<8x128xi32, #tpu.memory_space<vmem>>
      %dma_wait3A_84 = arith.constant 16 : i32
      %dma_wait3A_85 = tpu.memref_slice %arg2[%dma_wait3A_84, %mul3A_64] : memref<50x16384xi32, #tpu.memory_space<hbm>> -> memref<8x128xi32, #tpu.memory_space<hbm>>
      %dma_wait3A_86 = arith.constant 0 : i32
      %dma_wait3A_87 = arith.constant 0 : i32
      %dma_wait3A_88 = tpu.memref_slice %arg4[%dma_wait3A_86, %dma_wait3A_87] : memref<8x128xi32, #tpu.memory_space<vmem>> -> memref<8x128xi32, #tpu.memory_space<vmem>>
      %dma_wait3A_89 = arith.constant 16 : i32
      %dma_wait3A_90 = tpu.memref_slice %arg2[%dma_wait3A_89, %mul3A_64] : memref<50x16384xi32, #tpu.memory_space<hbm>> -> memref<8x128xi32, #tpu.memory_space<hbm>>
      tpu.wait_dma2 semaphore(%run_scoped3A : memref<!tpu.dma_semaphore, #tpu.memory_space<semaphore_mem>>) src(%dma_wait3A_90 : memref<8x128xi32, #tpu.memory_space<hbm>>) dst(%dma_wait3A_88 : memref<8x128xi32, #tpu.memory_space<vmem>>)
      tpu.yield
    }) : () -> ()
    "tpu.region"() ({
      %run_scoped3A = tpu.sem_alloc : memref<!tpu.dma_semaphore, #tpu.memory_space<semaphore_mem>>
      %dma_start3A = arith.constant 0 : i32
      %dma_start3A_73 = arith.constant 0 : i32
      %dma_start3A_74 = tpu.memref_slice %arg4[%dma_start3A, %dma_start3A_73] : memref<8x128xi32, #tpu.memory_space<vmem>> -> memref<8x128xi32, #tpu.memory_space<vmem>>
      %dma_start3A_75 = arith.constant 16 : i32
      %dma_start3A_76 = arith.constant 0 : i32
      %dma_start3A_77 = tpu.memref_slice %arg3[%dma_start3A_75, %add3A_58, %dma_start3A_76] : memref<50x128x128xi32, #tpu.memory_space<hbm>> -> memref<8x1x128xi32, #tpu.memory_space<hbm>>
      %dma_start3A_78 = tpu.memref_squeeze %dma_start3A_77 : memref<8x1x128xi32, #tpu.memory_space<hbm>> -> memref<8x128xi32, #tpu.memory_space<hbm>>
      %dma_start3A_79 = arith.constant 16 : i32
      %dma_start3A_80 = arith.constant 0 : i32
      %dma_start3A_81 = tpu.memref_slice %arg3[%dma_start3A_79, %add3A_58, %dma_start3A_80] : memref<50x128x128xi32, #tpu.memory_space<hbm>> -> memref<8x1x128xi32, #tpu.memory_space<hbm>>
      %dma_start3A_82 = tpu.memref_squeeze %dma_start3A_81 : memref<8x1x128xi32, #tpu.memory_space<hbm>> -> memref<8x128xi32, #tpu.memory_space<hbm>>
      %dma_start3A_83 = arith.constant 0 : i32
      %dma_start3A_84 = arith.constant 0 : i32
      %dma_start3A_85 = tpu.memref_slice %arg4[%dma_start3A_83, %dma_start3A_84] : memref<8x128xi32, #tpu.memory_space<vmem>> -> memref<8x128xi32, #tpu.memory_space<vmem>>
      tpu.enqueue_dma source(%dma_start3A_85 : memref<8x128xi32, #tpu.memory_space<vmem>>) target(%dma_start3A_82 : memref<8x128xi32, #tpu.memory_space<hbm>>) target_semaphore(%run_scoped3A : memref<!tpu.dma_semaphore, #tpu.memory_space<semaphore_mem>>)
      %dma_wait3A = arith.constant 0 : i32
      %dma_wait3A_86 = arith.constant 0 : i32
      %dma_wait3A_87 = tpu.memref_slice %arg4[%dma_wait3A, %dma_wait3A_86] : memref<8x128xi32, #tpu.memory_space<vmem>> -> memref<8x128xi32, #tpu.memory_space<vmem>>
      %dma_wait3A_88 = arith.constant 16 : i32
      %dma_wait3A_89 = arith.constant 0 : i32
      %dma_wait3A_90 = tpu.memref_slice %arg3[%dma_wait3A_88, %add3A_58, %dma_wait3A_89] : memref<50x128x128xi32, #tpu.memory_space<hbm>> -> memref<8x1x128xi32, #tpu.memory_space<hbm>>
      %dma_wait3A_91 = tpu.memref_squeeze %dma_wait3A_90 : memref<8x1x128xi32, #tpu.memory_space<hbm>> -> memref<8x128xi32, #tpu.memory_space<hbm>>
      %dma_wait3A_92 = arith.constant 16 : i32
      %dma_wait3A_93 = arith.constant 0 : i32
      %dma_wait3A_94 = tpu.memref_slice %arg3[%dma_wait3A_92, %add3A_58, %dma_wait3A_93] : memref<50x128x128xi32, #tpu.memory_space<hbm>> -> memref<8x1x128xi32, #tpu.memory_space<hbm>>
      %dma_wait3A_95 = tpu.memref_squeeze %dma_wait3A_94 : memref<8x1x128xi32, #tpu.memory_space<hbm>> -> memref<8x128xi32, #tpu.memory_space<hbm>>
      %dma_wait3A_96 = arith.constant 0 : i32
      %dma_wait3A_97 = arith.constant 0 : i32
      %dma_wait3A_98 = tpu.memref_slice %arg4[%dma_wait3A_96, %dma_wait3A_97] : memref<8x128xi32, #tpu.memory_space<vmem>> -> memref<8x128xi32, #tpu.memory_space<vmem>>
      tpu.wait_dma2 semaphore(%run_scoped3A : memref<!tpu.dma_semaphore, #tpu.memory_space<semaphore_mem>>) src(%dma_wait3A_98 : memref<8x128xi32, #tpu.memory_space<vmem>>) dst(%dma_wait3A_95 : memref<8x128xi32, #tpu.memory_space<hbm>>)
      tpu.yield
    }) : () -> ()
    %mul3A_65 = arith.constant 128 : i32
    %mul3A_66 = arith.muli %add3A_58, %mul3A_65 : i32
    "tpu.region"() ({
      %run_scoped3A = tpu.sem_alloc : memref<!tpu.dma_semaphore, #tpu.memory_space<semaphore_mem>>
      %dma_start3A = arith.constant 0 : i32
      %dma_start3A_73 = arith.constant 0 : i32
      %dma_start3A_74 = tpu.memref_slice %arg4[%dma_start3A, %dma_start3A_73] : memref<8x128xi32, #tpu.memory_space<vmem>> -> memref<8x128xi32, #tpu.memory_space<vmem>>
      %dma_start3A_75 = arith.constant 24 : i32
      %dma_start3A_76 = tpu.memref_slice %arg2[%dma_start3A_75, %mul3A_66] : memref<50x16384xi32, #tpu.memory_space<hbm>> -> memref<8x128xi32, #tpu.memory_space<hbm>>
      %dma_start3A_77 = arith.constant 0 : i32
      %dma_start3A_78 = arith.constant 0 : i32
      %dma_start3A_79 = tpu.memref_slice %arg4[%dma_start3A_77, %dma_start3A_78] : memref<8x128xi32, #tpu.memory_space<vmem>> -> memref<8x128xi32, #tpu.memory_space<vmem>>
      %dma_start3A_80 = arith.constant 24 : i32
      %dma_start3A_81 = tpu.memref_slice %arg2[%dma_start3A_80, %mul3A_66] : memref<50x16384xi32, #tpu.memory_space<hbm>> -> memref<8x128xi32, #tpu.memory_space<hbm>>
      tpu.enqueue_dma source(%dma_start3A_81 : memref<8x128xi32, #tpu.memory_space<hbm>>) target(%dma_start3A_79 : memref<8x128xi32, #tpu.memory_space<vmem>>) target_semaphore(%run_scoped3A : memref<!tpu.dma_semaphore, #tpu.memory_space<semaphore_mem>>)
      %dma_wait3A = arith.constant 0 : i32
      %dma_wait3A_82 = arith.constant 0 : i32
      %dma_wait3A_83 = tpu.memref_slice %arg4[%dma_wait3A, %dma_wait3A_82] : memref<8x128xi32, #tpu.memory_space<vmem>> -> memref<8x128xi32, #tpu.memory_space<vmem>>
      %dma_wait3A_84 = arith.constant 24 : i32
      %dma_wait3A_85 = tpu.memref_slice %arg2[%dma_wait3A_84, %mul3A_66] : memref<50x16384xi32, #tpu.memory_space<hbm>> -> memref<8x128xi32, #tpu.memory_space<hbm>>
      %dma_wait3A_86 = arith.constant 0 : i32
      %dma_wait3A_87 = arith.constant 0 : i32
      %dma_wait3A_88 = tpu.memref_slice %arg4[%dma_wait3A_86, %dma_wait3A_87] : memref<8x128xi32, #tpu.memory_space<vmem>> -> memref<8x128xi32, #tpu.memory_space<vmem>>
      %dma_wait3A_89 = arith.constant 24 : i32
      %dma_wait3A_90 = tpu.memref_slice %arg2[%dma_wait3A_89, %mul3A_66] : memref<50x16384xi32, #tpu.memory_space<hbm>> -> memref<8x128xi32, #tpu.memory_space<hbm>>
      tpu.wait_dma2 semaphore(%run_scoped3A : memref<!tpu.dma_semaphore, #tpu.memory_space<semaphore_mem>>) src(%dma_wait3A_90 : memref<8x128xi32, #tpu.memory_space<hbm>>) dst(%dma_wait3A_88 : memref<8x128xi32, #tpu.memory_space<vmem>>)
      tpu.yield
    }) : () -> ()
    "tpu.region"() ({
      %run_scoped3A = tpu.sem_alloc : memref<!tpu.dma_semaphore, #tpu.memory_space<semaphore_mem>>
      %dma_start3A = arith.constant 0 : i32
      %dma_start3A_73 = arith.constant 0 : i32
      %dma_start3A_74 = tpu.memref_slice %arg4[%dma_start3A, %dma_start3A_73] : memref<8x128xi32, #tpu.memory_space<vmem>> -> memref<8x128xi32, #tpu.memory_space<vmem>>
      %dma_start3A_75 = arith.constant 24 : i32
      %dma_start3A_76 = arith.constant 0 : i32
      %dma_start3A_77 = tpu.memref_slice %arg3[%dma_start3A_75, %add3A_58, %dma_start3A_76] : memref<50x128x128xi32, #tpu.memory_space<hbm>> -> memref<8x1x128xi32, #tpu.memory_space<hbm>>
      %dma_start3A_78 = tpu.memref_squeeze %dma_start3A_77 : memref<8x1x128xi32, #tpu.memory_space<hbm>> -> memref<8x128xi32, #tpu.memory_space<hbm>>
      %dma_start3A_79 = arith.constant 24 : i32
      %dma_start3A_80 = arith.constant 0 : i32
      %dma_start3A_81 = tpu.memref_slice %arg3[%dma_start3A_79, %add3A_58, %dma_start3A_80] : memref<50x128x128xi32, #tpu.memory_space<hbm>> -> memref<8x1x128xi32, #tpu.memory_space<hbm>>
      %dma_start3A_82 = tpu.memref_squeeze %dma_start3A_81 : memref<8x1x128xi32, #tpu.memory_space<hbm>> -> memref<8x128xi32, #tpu.memory_space<hbm>>
      %dma_start3A_83 = arith.constant 0 : i32
      %dma_start3A_84 = arith.constant 0 : i32
      %dma_start3A_85 = tpu.memref_slice %arg4[%dma_start3A_83, %dma_start3A_84] : memref<8x128xi32, #tpu.memory_space<vmem>> -> memref<8x128xi32, #tpu.memory_space<vmem>>
      tpu.enqueue_dma source(%dma_start3A_85 : memref<8x128xi32, #tpu.memory_space<vmem>>) target(%dma_start3A_82 : memref<8x128xi32, #tpu.memory_space<hbm>>) target_semaphore(%run_scoped3A : memref<!tpu.dma_semaphore, #tpu.memory_space<semaphore_mem>>)
      %dma_wait3A = arith.constant 0 : i32
      %dma_wait3A_86 = arith.constant 0 : i32
      %dma_wait3A_87 = tpu.memref_slice %arg4[%dma_wait3A, %dma_wait3A_86] : memref<8x128xi32, #tpu.memory_space<vmem>> -> memref<8x128xi32, #tpu.memory_space<vmem>>
      %dma_wait3A_88 = arith.constant 24 : i32
      %dma_wait3A_89 = arith.constant 0 : i32
      %dma_wait3A_90 = tpu.memref_slice %arg3[%dma_wait3A_88, %add3A_58, %dma_wait3A_89] : memref<50x128x128xi32, #tpu.memory_space<hbm>> -> memref<8x1x128xi32, #tpu.memory_space<hbm>>
      %dma_wait3A_91 = tpu.memref_squeeze %dma_wait3A_90 : memref<8x1x128xi32, #tpu.memory_space<hbm>> -> memref<8x128xi32, #tpu.memory_space<hbm>>
      %dma_wait3A_92 = arith.constant 24 : i32
      %dma_wait3A_93 = arith.constant 0 : i32
      %dma_wait3A_94 = tpu.memref_slice %arg3[%dma_wait3A_92, %add3A_58, %dma_wait3A_93] : memref<50x128x128xi32, #tpu.memory_space<hbm>> -> memref<8x1x128xi32, #tpu.memory_space<hbm>>
      %dma_wait3A_95 = tpu.memref_squeeze %dma_wait3A_94 : memref<8x1x128xi32, #tpu.memory_space<hbm>> -> memref<8x128xi32, #tpu.memory_space<hbm>>
      %dma_wait3A_96 = arith.constant 0 : i32
      %dma_wait3A_97 = arith.constant 0 : i32
      %dma_wait3A_98 = tpu.memref_slice %arg4[%dma_wait3A_96, %dma_wait3A_97] : memref<8x128xi32, #tpu.memory_space<vmem>> -> memref<8x128xi32, #tpu.memory_space<vmem>>
      tpu.wait_dma2 semaphore(%run_scoped3A : memref<!tpu.dma_semaphore, #tpu.memory_space<semaphore_mem>>) src(%dma_wait3A_98 : memref<8x128xi32, #tpu.memory_space<vmem>>) dst(%dma_wait3A_95 : memref<8x128xi32, #tpu.memory_space<hbm>>)
      tpu.yield
    }) : () -> ()
    %mul3A_67 = arith.constant 128 : i32
    %mul3A_68 = arith.muli %add3A_58, %mul3A_67 : i32
    "tpu.region"() ({
      %run_scoped3A = tpu.sem_alloc : memref<!tpu.dma_semaphore, #tpu.memory_space<semaphore_mem>>
      %dma_start3A = arith.constant 0 : i32
      %dma_start3A_73 = arith.constant 0 : i32
      %dma_start3A_74 = tpu.memref_slice %arg4[%dma_start3A, %dma_start3A_73] : memref<8x128xi32, #tpu.memory_space<vmem>> -> memref<8x128xi32, #tpu.memory_space<vmem>>
      %dma_start3A_75 = arith.constant 32 : i32
      %dma_start3A_76 = tpu.memref_slice %arg2[%dma_start3A_75, %mul3A_68] : memref<50x16384xi32, #tpu.memory_space<hbm>> -> memref<8x128xi32, #tpu.memory_space<hbm>>
      %dma_start3A_77 = arith.constant 0 : i32
      %dma_start3A_78 = arith.constant 0 : i32
      %dma_start3A_79 = tpu.memref_slice %arg4[%dma_start3A_77, %dma_start3A_78] : memref<8x128xi32, #tpu.memory_space<vmem>> -> memref<8x128xi32, #tpu.memory_space<vmem>>
      %dma_start3A_80 = arith.constant 32 : i32
      %dma_start3A_81 = tpu.memref_slice %arg2[%dma_start3A_80, %mul3A_68] : memref<50x16384xi32, #tpu.memory_space<hbm>> -> memref<8x128xi32, #tpu.memory_space<hbm>>
      tpu.enqueue_dma source(%dma_start3A_81 : memref<8x128xi32, #tpu.memory_space<hbm>>) target(%dma_start3A_79 : memref<8x128xi32, #tpu.memory_space<vmem>>) target_semaphore(%run_scoped3A : memref<!tpu.dma_semaphore, #tpu.memory_space<semaphore_mem>>)
      %dma_wait3A = arith.constant 0 : i32
      %dma_wait3A_82 = arith.constant 0 : i32
      %dma_wait3A_83 = tpu.memref_slice %arg4[%dma_wait3A, %dma_wait3A_82] : memref<8x128xi32, #tpu.memory_space<vmem>> -> memref<8x128xi32, #tpu.memory_space<vmem>>
      %dma_wait3A_84 = arith.constant 32 : i32
      %dma_wait3A_85 = tpu.memref_slice %arg2[%dma_wait3A_84, %mul3A_68] : memref<50x16384xi32, #tpu.memory_space<hbm>> -> memref<8x128xi32, #tpu.memory_space<hbm>>
      %dma_wait3A_86 = arith.constant 0 : i32
      %dma_wait3A_87 = arith.constant 0 : i32
      %dma_wait3A_88 = tpu.memref_slice %arg4[%dma_wait3A_86, %dma_wait3A_87] : memref<8x128xi32, #tpu.memory_space<vmem>> -> memref<8x128xi32, #tpu.memory_space<vmem>>
      %dma_wait3A_89 = arith.constant 32 : i32
      %dma_wait3A_90 = tpu.memref_slice %arg2[%dma_wait3A_89, %mul3A_68] : memref<50x16384xi32, #tpu.memory_space<hbm>> -> memref<8x128xi32, #tpu.memory_space<hbm>>
      tpu.wait_dma2 semaphore(%run_scoped3A : memref<!tpu.dma_semaphore, #tpu.memory_space<semaphore_mem>>) src(%dma_wait3A_90 : memref<8x128xi32, #tpu.memory_space<hbm>>) dst(%dma_wait3A_88 : memref<8x128xi32, #tpu.memory_space<vmem>>)
      tpu.yield
    }) : () -> ()
    "tpu.region"() ({
      %run_scoped3A = tpu.sem_alloc : memref<!tpu.dma_semaphore, #tpu.memory_space<semaphore_mem>>
      %dma_start3A = arith.constant 0 : i32
      %dma_start3A_73 = arith.constant 0 : i32
      %dma_start3A_74 = tpu.memref_slice %arg4[%dma_start3A, %dma_start3A_73] : memref<8x128xi32, #tpu.memory_space<vmem>> -> memref<8x128xi32, #tpu.memory_space<vmem>>
      %dma_start3A_75 = arith.constant 32 : i32
      %dma_start3A_76 = arith.constant 0 : i32
      %dma_start3A_77 = tpu.memref_slice %arg3[%dma_start3A_75, %add3A_58, %dma_start3A_76] : memref<50x128x128xi32, #tpu.memory_space<hbm>> -> memref<8x1x128xi32, #tpu.memory_space<hbm>>
      %dma_start3A_78 = tpu.memref_squeeze %dma_start3A_77 : memref<8x1x128xi32, #tpu.memory_space<hbm>> -> memref<8x128xi32, #tpu.memory_space<hbm>>
      %dma_start3A_79 = arith.constant 32 : i32
      %dma_start3A_80 = arith.constant 0 : i32
      %dma_start3A_81 = tpu.memref_slice %arg3[%dma_start3A_79, %add3A_58, %dma_start3A_80] : memref<50x128x128xi32, #tpu.memory_space<hbm>> -> memref<8x1x128xi32, #tpu.memory_space<hbm>>
      %dma_start3A_82 = tpu.memref_squeeze %dma_start3A_81 : memref<8x1x128xi32, #tpu.memory_space<hbm>> -> memref<8x128xi32, #tpu.memory_space<hbm>>
      %dma_start3A_83 = arith.constant 0 : i32
      %dma_start3A_84 = arith.constant 0 : i32
      %dma_start3A_85 = tpu.memref_slice %arg4[%dma_start3A_83, %dma_start3A_84] : memref<8x128xi32, #tpu.memory_space<vmem>> -> memref<8x128xi32, #tpu.memory_space<vmem>>
      tpu.enqueue_dma source(%dma_start3A_85 : memref<8x128xi32, #tpu.memory_space<vmem>>) target(%dma_start3A_82 : memref<8x128xi32, #tpu.memory_space<hbm>>) target_semaphore(%run_scoped3A : memref<!tpu.dma_semaphore, #tpu.memory_space<semaphore_mem>>)
      %dma_wait3A = arith.constant 0 : i32
      %dma_wait3A_86 = arith.constant 0 : i32
      %dma_wait3A_87 = tpu.memref_slice %arg4[%dma_wait3A, %dma_wait3A_86] : memref<8x128xi32, #tpu.memory_space<vmem>> -> memref<8x128xi32, #tpu.memory_space<vmem>>
      %dma_wait3A_88 = arith.constant 32 : i32
      %dma_wait3A_89 = arith.constant 0 : i32
      %dma_wait3A_90 = tpu.memref_slice %arg3[%dma_wait3A_88, %add3A_58, %dma_wait3A_89] : memref<50x128x128xi32, #tpu.memory_space<hbm>> -> memref<8x1x128xi32, #tpu.memory_space<hbm>>
      %dma_wait3A_91 = tpu.memref_squeeze %dma_wait3A_90 : memref<8x1x128xi32, #tpu.memory_space<hbm>> -> memref<8x128xi32, #tpu.memory_space<hbm>>
      %dma_wait3A_92 = arith.constant 32 : i32
      %dma_wait3A_93 = arith.constant 0 : i32
      %dma_wait3A_94 = tpu.memref_slice %arg3[%dma_wait3A_92, %add3A_58, %dma_wait3A_93] : memref<50x128x128xi32, #tpu.memory_space<hbm>> -> memref<8x1x128xi32, #tpu.memory_space<hbm>>
      %dma_wait3A_95 = tpu.memref_squeeze %dma_wait3A_94 : memref<8x1x128xi32, #tpu.memory_space<hbm>> -> memref<8x128xi32, #tpu.memory_space<hbm>>
      %dma_wait3A_96 = arith.constant 0 : i32
      %dma_wait3A_97 = arith.constant 0 : i32
      %dma_wait3A_98 = tpu.memref_slice %arg4[%dma_wait3A_96, %dma_wait3A_97] : memref<8x128xi32, #tpu.memory_space<vmem>> -> memref<8x128xi32, #tpu.memory_space<vmem>>
      tpu.wait_dma2 semaphore(%run_scoped3A : memref<!tpu.dma_semaphore, #tpu.memory_space<semaphore_mem>>) src(%dma_wait3A_98 : memref<8x128xi32, #tpu.memory_space<vmem>>) dst(%dma_wait3A_95 : memref<8x128xi32, #tpu.memory_space<hbm>>)
      tpu.yield
    }) : () -> ()
    %mul3A_69 = arith.constant 128 : i32
    %mul3A_70 = arith.muli %add3A_58, %mul3A_69 : i32
    "tpu.region"() ({
      %run_scoped3A = tpu.sem_alloc : memref<!tpu.dma_semaphore, #tpu.memory_space<semaphore_mem>>
      %dma_start3A = arith.constant 0 : i32
      %dma_start3A_73 = arith.constant 0 : i32
      %dma_start3A_74 = tpu.memref_slice %arg4[%dma_start3A, %dma_start3A_73] : memref<8x128xi32, #tpu.memory_space<vmem>> -> memref<8x128xi32, #tpu.memory_space<vmem>>
      %dma_start3A_75 = arith.constant 40 : i32
      %dma_start3A_76 = tpu.memref_slice %arg2[%dma_start3A_75, %mul3A_70] : memref<50x16384xi32, #tpu.memory_space<hbm>> -> memref<8x128xi32, #tpu.memory_space<hbm>>
      %dma_start3A_77 = arith.constant 0 : i32
      %dma_start3A_78 = arith.constant 0 : i32
      %dma_start3A_79 = tpu.memref_slice %arg4[%dma_start3A_77, %dma_start3A_78] : memref<8x128xi32, #tpu.memory_space<vmem>> -> memref<8x128xi32, #tpu.memory_space<vmem>>
      %dma_start3A_80 = arith.constant 40 : i32
      %dma_start3A_81 = tpu.memref_slice %arg2[%dma_start3A_80, %mul3A_70] : memref<50x16384xi32, #tpu.memory_space<hbm>> -> memref<8x128xi32, #tpu.memory_space<hbm>>
      tpu.enqueue_dma source(%dma_start3A_81 : memref<8x128xi32, #tpu.memory_space<hbm>>) target(%dma_start3A_79 : memref<8x128xi32, #tpu.memory_space<vmem>>) target_semaphore(%run_scoped3A : memref<!tpu.dma_semaphore, #tpu.memory_space<semaphore_mem>>)
      %dma_wait3A = arith.constant 0 : i32
      %dma_wait3A_82 = arith.constant 0 : i32
      %dma_wait3A_83 = tpu.memref_slice %arg4[%dma_wait3A, %dma_wait3A_82] : memref<8x128xi32, #tpu.memory_space<vmem>> -> memref<8x128xi32, #tpu.memory_space<vmem>>
      %dma_wait3A_84 = arith.constant 40 : i32
      %dma_wait3A_85 = tpu.memref_slice %arg2[%dma_wait3A_84, %mul3A_70] : memref<50x16384xi32, #tpu.memory_space<hbm>> -> memref<8x128xi32, #tpu.memory_space<hbm>>
      %dma_wait3A_86 = arith.constant 0 : i32
      %dma_wait3A_87 = arith.constant 0 : i32
      %dma_wait3A_88 = tpu.memref_slice %arg4[%dma_wait3A_86, %dma_wait3A_87] : memref<8x128xi32, #tpu.memory_space<vmem>> -> memref<8x128xi32, #tpu.memory_space<vmem>>
      %dma_wait3A_89 = arith.constant 40 : i32
      %dma_wait3A_90 = tpu.memref_slice %arg2[%dma_wait3A_89, %mul3A_70] : memref<50x16384xi32, #tpu.memory_space<hbm>> -> memref<8x128xi32, #tpu.memory_space<hbm>>
      tpu.wait_dma2 semaphore(%run_scoped3A : memref<!tpu.dma_semaphore, #tpu.memory_space<semaphore_mem>>) src(%dma_wait3A_90 : memref<8x128xi32, #tpu.memory_space<hbm>>) dst(%dma_wait3A_88 : memref<8x128xi32, #tpu.memory_space<vmem>>)
      tpu.yield
    }) : () -> ()
    "tpu.region"() ({
      %run_scoped3A = tpu.sem_alloc : memref<!tpu.dma_semaphore, #tpu.memory_space<semaphore_mem>>
      %dma_start3A = arith.constant 0 : i32
      %dma_start3A_73 = arith.constant 0 : i32
      %dma_start3A_74 = tpu.memref_slice %arg4[%dma_start3A, %dma_start3A_73] : memref<8x128xi32, #tpu.memory_space<vmem>> -> memref<8x128xi32, #tpu.memory_space<vmem>>
      %dma_start3A_75 = arith.constant 40 : i32
      %dma_start3A_76 = arith.constant 0 : i32
      %dma_start3A_77 = tpu.memref_slice %arg3[%dma_start3A_75, %add3A_58, %dma_start3A_76] : memref<50x128x128xi32, #tpu.memory_space<hbm>> -> memref<8x1x128xi32, #tpu.memory_space<hbm>>
      %dma_start3A_78 = tpu.memref_squeeze %dma_start3A_77 : memref<8x1x128xi32, #tpu.memory_space<hbm>> -> memref<8x128xi32, #tpu.memory_space<hbm>>
      %dma_start3A_79 = arith.constant 40 : i32
      %dma_start3A_80 = arith.constant 0 : i32
      %dma_start3A_81 = tpu.memref_slice %arg3[%dma_start3A_79, %add3A_58, %dma_start3A_80] : memref<50x128x128xi32, #tpu.memory_space<hbm>> -> memref<8x1x128xi32, #tpu.memory_space<hbm>>
      %dma_start3A_82 = tpu.memref_squeeze %dma_start3A_81 : memref<8x1x128xi32, #tpu.memory_space<hbm>> -> memref<8x128xi32, #tpu.memory_space<hbm>>
      %dma_start3A_83 = arith.constant 0 : i32
      %dma_start3A_84 = arith.constant 0 : i32
      %dma_start3A_85 = tpu.memref_slice %arg4[%dma_start3A_83, %dma_start3A_84] : memref<8x128xi32, #tpu.memory_space<vmem>> -> memref<8x128xi32, #tpu.memory_space<vmem>>
      tpu.enqueue_dma source(%dma_start3A_85 : memref<8x128xi32, #tpu.memory_space<vmem>>) target(%dma_start3A_82 : memref<8x128xi32, #tpu.memory_space<hbm>>) target_semaphore(%run_scoped3A : memref<!tpu.dma_semaphore, #tpu.memory_space<semaphore_mem>>)
      %dma_wait3A = arith.constant 0 : i32
      %dma_wait3A_86 = arith.constant 0 : i32
      %dma_wait3A_87 = tpu.memref_slice %arg4[%dma_wait3A, %dma_wait3A_86] : memref<8x128xi32, #tpu.memory_space<vmem>> -> memref<8x128xi32, #tpu.memory_space<vmem>>
      %dma_wait3A_88 = arith.constant 40 : i32
      %dma_wait3A_89 = arith.constant 0 : i32
      %dma_wait3A_90 = tpu.memref_slice %arg3[%dma_wait3A_88, %add3A_58, %dma_wait3A_89] : memref<50x128x128xi32, #tpu.memory_space<hbm>> -> memref<8x1x128xi32, #tpu.memory_space<hbm>>
      %dma_wait3A_91 = tpu.memref_squeeze %dma_wait3A_90 : memref<8x1x128xi32, #tpu.memory_space<hbm>> -> memref<8x128xi32, #tpu.memory_space<hbm>>
      %dma_wait3A_92 = arith.constant 40 : i32
      %dma_wait3A_93 = arith.constant 0 : i32
      %dma_wait3A_94 = tpu.memref_slice %arg3[%dma_wait3A_92, %add3A_58, %dma_wait3A_93] : memref<50x128x128xi32, #tpu.memory_space<hbm>> -> memref<8x1x128xi32, #tpu.memory_space<hbm>>
      %dma_wait3A_95 = tpu.memref_squeeze %dma_wait3A_94 : memref<8x1x128xi32, #tpu.memory_space<hbm>> -> memref<8x128xi32, #tpu.memory_space<hbm>>
      %dma_wait3A_96 = arith.constant 0 : i32
      %dma_wait3A_97 = arith.constant 0 : i32
      %dma_wait3A_98 = tpu.memref_slice %arg4[%dma_wait3A_96, %dma_wait3A_97] : memref<8x128xi32, #tpu.memory_space<vmem>> -> memref<8x128xi32, #tpu.memory_space<vmem>>
      tpu.wait_dma2 semaphore(%run_scoped3A : memref<!tpu.dma_semaphore, #tpu.memory_space<semaphore_mem>>) src(%dma_wait3A_98 : memref<8x128xi32, #tpu.memory_space<vmem>>) dst(%dma_wait3A_95 : memref<8x128xi32, #tpu.memory_space<hbm>>)
      tpu.yield
    }) : () -> ()
    %mul3A_71 = arith.constant 128 : i32
    %mul3A_72 = arith.muli %add3A_58, %mul3A_71 : i32
    "tpu.region"() ({
      %run_scoped3A = tpu.sem_alloc : memref<!tpu.dma_semaphore, #tpu.memory_space<semaphore_mem>>
      %dma_start3A = arith.constant 0 : i32
      %dma_start3A_73 = arith.constant 0 : i32
      %dma_start3A_74 = tpu.memref_slice %arg4[%dma_start3A, %dma_start3A_73] : memref<8x128xi32, #tpu.memory_space<vmem>> -> memref<2x128xi32, #tpu.memory_space<vmem>>
      %dma_start3A_75 = arith.constant 48 : i32
      %dma_start3A_76 = tpu.memref_slice %arg2[%dma_start3A_75, %mul3A_72] : memref<50x16384xi32, #tpu.memory_space<hbm>> -> memref<2x128xi32, #tpu.memory_space<hbm>>
      %dma_start3A_77 = arith.constant 0 : i32
      %dma_start3A_78 = arith.constant 0 : i32
      %dma_start3A_79 = tpu.memref_slice %arg4[%dma_start3A_77, %dma_start3A_78] : memref<8x128xi32, #tpu.memory_space<vmem>> -> memref<2x128xi32, #tpu.memory_space<vmem>>
      %dma_start3A_80 = arith.constant 48 : i32
      %dma_start3A_81 = tpu.memref_slice %arg2[%dma_start3A_80, %mul3A_72] : memref<50x16384xi32, #tpu.memory_space<hbm>> -> memref<2x128xi32, #tpu.memory_space<hbm>>
      tpu.enqueue_dma source(%dma_start3A_81 : memref<2x128xi32, #tpu.memory_space<hbm>>) target(%dma_start3A_79 : memref<2x128xi32, #tpu.memory_space<vmem>>) target_semaphore(%run_scoped3A : memref<!tpu.dma_semaphore, #tpu.memory_space<semaphore_mem>>)
      %dma_wait3A = arith.constant 0 : i32
      %dma_wait3A_82 = arith.constant 0 : i32
      %dma_wait3A_83 = tpu.memref_slice %arg4[%dma_wait3A, %dma_wait3A_82] : memref<8x128xi32, #tpu.memory_space<vmem>> -> memref<2x128xi32, #tpu.memory_space<vmem>>
      %dma_wait3A_84 = arith.constant 48 : i32
      %dma_wait3A_85 = tpu.memref_slice %arg2[%dma_wait3A_84, %mul3A_72] : memref<50x16384xi32, #tpu.memory_space<hbm>> -> memref<2x128xi32, #tpu.memory_space<hbm>>
      %dma_wait3A_86 = arith.constant 0 : i32
      %dma_wait3A_87 = arith.constant 0 : i32
      %dma_wait3A_88 = tpu.memref_slice %arg4[%dma_wait3A_86, %dma_wait3A_87] : memref<8x128xi32, #tpu.memory_space<vmem>> -> memref<2x128xi32, #tpu.memory_space<vmem>>
      %dma_wait3A_89 = arith.constant 48 : i32
      %dma_wait3A_90 = tpu.memref_slice %arg2[%dma_wait3A_89, %mul3A_72] : memref<50x16384xi32, #tpu.memory_space<hbm>> -> memref<2x128xi32, #tpu.memory_space<hbm>>
      tpu.wait_dma2 semaphore(%run_scoped3A : memref<!tpu.dma_semaphore, #tpu.memory_space<semaphore_mem>>) src(%dma_wait3A_90 : memref<2x128xi32, #tpu.memory_space<hbm>>) dst(%dma_wait3A_88 : memref<2x128xi32, #tpu.memory_space<vmem>>)
      tpu.yield
    }) : () -> ()
    "tpu.region"() ({
      %run_scoped3A = tpu.sem_alloc : memref<!tpu.dma_semaphore, #tpu.memory_space<semaphore_mem>>
      %dma_start3A = arith.constant 0 : i32
      %dma_start3A_73 = arith.constant 0 : i32
      %dma_start3A_74 = tpu.memref_slice %arg4[%dma_start3A, %dma_start3A_73] : memref<8x128xi32, #tpu.memory_space<vmem>> -> memref<2x128xi32, #tpu.memory_space<vmem>>
      %dma_start3A_75 = arith.constant 48 : i32
      %dma_start3A_76 = arith.constant 0 : i32
      %dma_start3A_77 = tpu.memref_slice %arg3[%dma_start3A_75, %add3A_58, %dma_start3A_76] : memref<50x128x128xi32, #tpu.memory_space<hbm>> -> memref<2x1x128xi32, #tpu.memory_space<hbm>>
      %dma_start3A_78 = tpu.memref_squeeze %dma_start3A_77 : memref<2x1x128xi32, #tpu.memory_space<hbm>> -> memref<2x128xi32, #tpu.memory_space<hbm>>
      %dma_start3A_79 = arith.constant 48 : i32
      %dma_start3A_80 = arith.constant 0 : i32
      %dma_start3A_81 = tpu.memref_slice %arg3[%dma_start3A_79, %add3A_58, %dma_start3A_80] : memref<50x128x128xi32, #tpu.memory_space<hbm>> -> memref<2x1x128xi32, #tpu.memory_space<hbm>>
      %dma_start3A_82 = tpu.memref_squeeze %dma_start3A_81 : memref<2x1x128xi32, #tpu.memory_space<hbm>> -> memref<2x128xi32, #tpu.memory_space<hbm>>
      %dma_start3A_83 = arith.constant 0 : i32
      %dma_start3A_84 = arith.constant 0 : i32
      %dma_start3A_85 = tpu.memref_slice %arg4[%dma_start3A_83, %dma_start3A_84] : memref<8x128xi32, #tpu.memory_space<vmem>> -> memref<2x128xi32, #tpu.memory_space<vmem>>
      tpu.enqueue_dma source(%dma_start3A_85 : memref<2x128xi32, #tpu.memory_space<vmem>>) target(%dma_start3A_82 : memref<2x128xi32, #tpu.memory_space<hbm>>) target_semaphore(%run_scoped3A : memref<!tpu.dma_semaphore, #tpu.memory_space<semaphore_mem>>)
      %dma_wait3A = arith.constant 0 : i32
      %dma_wait3A_86 = arith.constant 0 : i32
      %dma_wait3A_87 = tpu.memref_slice %arg4[%dma_wait3A, %dma_wait3A_86] : memref<8x128xi32, #tpu.memory_space<vmem>> -> memref<2x128xi32, #tpu.memory_space<vmem>>
      %dma_wait3A_88 = arith.constant 48 : i32
      %dma_wait3A_89 = arith.constant 0 : i32
      %dma_wait3A_90 = tpu.memref_slice %arg3[%dma_wait3A_88, %add3A_58, %dma_wait3A_89] : memref<50x128x128xi32, #tpu.memory_space<hbm>> -> memref<2x1x128xi32, #tpu.memory_space<hbm>>
      %dma_wait3A_91 = tpu.memref_squeeze %dma_wait3A_90 : memref<2x1x128xi32, #tpu.memory_space<hbm>> -> memref<2x128xi32, #tpu.memory_space<hbm>>
      %dma_wait3A_92 = arith.constant 48 : i32
      %dma_wait3A_93 = arith.constant 0 : i32
      %dma_wait3A_94 = tpu.memref_slice %arg3[%dma_wait3A_92, %add3A_58, %dma_wait3A_93] : memref<50x128x128xi32, #tpu.memory_space<hbm>> -> memref<2x1x128xi32, #tpu.memory_space<hbm>>
      %dma_wait3A_95 = tpu.memref_squeeze %dma_wait3A_94 : memref<2x1x128xi32, #tpu.memory_space<hbm>> -> memref<2x128xi32, #tpu.memory_space<hbm>>
      %dma_wait3A_96 = arith.constant 0 : i32
      %dma_wait3A_97 = arith.constant 0 : i32
      %dma_wait3A_98 = tpu.memref_slice %arg4[%dma_wait3A_96, %dma_wait3A_97] : memref<8x128xi32, #tpu.memory_space<vmem>> -> memref<2x128xi32, #tpu.memory_space<vmem>>
      tpu.wait_dma2 semaphore(%run_scoped3A : memref<!tpu.dma_semaphore, #tpu.memory_space<semaphore_mem>>) src(%dma_wait3A_98 : memref<2x128xi32, #tpu.memory_space<vmem>>) dst(%dma_wait3A_95 : memref<2x128xi32, #tpu.memory_space<hbm>>)
      tpu.yield
    }) : () -> ()
    return
  }
}

#map = affine_map<(d0, d1) -> (0, 0)>
#map1 = affine_map<(d0, d1) -> (0)>
module attributes {stable_mosaic.version = 14 : i64} {
  func.func @retile(%arg0: i32, %arg1: i32, %arg2: memref<32x1000000xf32, #tpu.memory_space<hbm>>, %arg3: memref<32000000xf32, #tpu.memory_space<hbm>>, %arg4: memref<32x128xf32, #tpu.memory_space<vmem>>, %arg5: memref<32x128xf32, #tpu.memory_space<vmem>>, %arg6: memref<4096xf32, #tpu.memory_space<vmem>>, %arg7: memref<4096xf32, #tpu.memory_space<vmem>>, %arg8: memref<32x64xf32, #tpu.memory_space<vmem>>, %arg9: memref<!tpu.dma_semaphore, #tpu.memory_space<semaphore_mem>>, %arg10: memref<!tpu.dma_semaphore, #tpu.memory_space<semaphore_mem>>, %arg11: memref<!tpu.dma_semaphore, #tpu.memory_space<semaphore_mem>>, %arg12: memref<!tpu.dma_semaphore, #tpu.memory_space<semaphore_mem>>) attributes {dimension_semantics = [#tpu.dimension_semantics<core_parallel>, #tpu.dimension_semantics<subcore_parallel>], iteration_bounds = array<i64: 2, 16>, scalar_prefetch = 0 : i64, scratch_operands = 9 : i64, tpu.core_type = #tpu.core_type<sc_vector_subcore>, window_params = [{transform_indices = #map}, {transform_indices = #map1}]} {
    %mul3A = arith.constant 2 : i32
    %mul3A_0 = arith.muli %arg1, %mul3A : i32
    %add3A = arith.addi %mul3A_0, %arg0 : i32
    %mul3A_1 = arith.constant 244 : i32
    %mul3A_2 = arith.muli %add3A, %mul3A_1 : i32
    %iota3A = tpu.iota {dimensions = array<i32: 0>} : vector<16xi32>
    %add3A_3 = arith.constant 0 : i32
    %add3A_4 = arith.addi %mul3A_2, %add3A_3 : i32
    %mul3A_5 = arith.constant 128 : i32
    %mul3A_6 = arith.muli %add3A_4, %mul3A_5 : i32
    %dma_start3A = arith.constant 0 : i32
    %dma_start3A_7 = tpu.memref_slice %arg2[%dma_start3A, %mul3A_6] : memref<32x1000000xf32, #tpu.memory_space<hbm>> -> memref<32x128xf32, #tpu.memory_space<hbm>>
    %dma_start3A_8 = arith.constant 0 : i32
    %dma_start3A_9 = tpu.memref_slice %arg2[%dma_start3A_8, %mul3A_6] : memref<32x1000000xf32, #tpu.memory_space<hbm>> -> memref<32x128xf32, #tpu.memory_space<hbm>>
    tpu.enqueue_dma source(%dma_start3A_9 : memref<32x128xf32, #tpu.memory_space<hbm>>) target(%arg4 : memref<32x128xf32, #tpu.memory_space<vmem>>) target_semaphore(%arg9 : memref<!tpu.dma_semaphore, #tpu.memory_space<semaphore_mem>>)
    %add3A_10 = arith.constant 1 : i32
    %add3A_11 = arith.addi %mul3A_2, %add3A_10 : i32
    %mul3A_12 = arith.constant 128 : i32
    %mul3A_13 = arith.muli %add3A_11, %mul3A_12 : i32
    %dma_start3A_14 = arith.constant 0 : i32
    %dma_start3A_15 = tpu.memref_slice %arg2[%dma_start3A_14, %mul3A_13] : memref<32x1000000xf32, #tpu.memory_space<hbm>> -> memref<32x128xf32, #tpu.memory_space<hbm>>
    %dma_start3A_16 = arith.constant 0 : i32
    %dma_start3A_17 = tpu.memref_slice %arg2[%dma_start3A_16, %mul3A_13] : memref<32x1000000xf32, #tpu.memory_space<hbm>> -> memref<32x128xf32, #tpu.memory_space<hbm>>
    tpu.enqueue_dma source(%dma_start3A_17 : memref<32x128xf32, #tpu.memory_space<hbm>>) target(%arg5 : memref<32x128xf32, #tpu.memory_space<vmem>>) target_semaphore(%arg10 : memref<!tpu.dma_semaphore, #tpu.memory_space<semaphore_mem>>)
    %scan3A = arith.constant 0 : i32
    %scan3A_18 = arith.constant 0 : i32
    %scan3A_19 = arith.constant 122 : i32
    %scan3A_20 = arith.addi %scan3A_18, %scan3A_19 : i32
    %scan3A_21 = arith.constant 1 : i32
    scf.for %scan3A_36 = %scan3A_18 to %scan3A_20 step %scan3A_21  : i32 {
      %mul3A_37 = arith.constant 2 : i32
      %mul3A_38 = arith.muli %scan3A_36, %mul3A_37 : i32
      %add3A_39 = arith.constant 0 : i32
      %add3A_40 = arith.addi %mul3A_38, %add3A_39 : i32
      %dma_wait3A_41 = arith.constant 0 : i32
      %dma_wait3A_42 = arith.constant 0 : i32
      %dma_wait3A_43 = tpu.memref_slice %arg2[%dma_wait3A_41, %dma_wait3A_42] : memref<32x1000000xf32, #tpu.memory_space<hbm>> -> memref<32x128xf32, #tpu.memory_space<hbm>>
      %dma_wait3A_44 = arith.constant 0 : i32
      %dma_wait3A_45 = arith.constant 0 : i32
      %dma_wait3A_46 = tpu.memref_slice %arg2[%dma_wait3A_44, %dma_wait3A_45] : memref<32x1000000xf32, #tpu.memory_space<hbm>> -> memref<32x128xf32, #tpu.memory_space<hbm>>
      tpu.wait_dma2 semaphore(%arg9 : memref<!tpu.dma_semaphore, #tpu.memory_space<semaphore_mem>>) src(%dma_wait3A_46 : memref<32x128xf32, #tpu.memory_space<hbm>>) dst(%arg4 : memref<32x128xf32, #tpu.memory_space<vmem>>)
      %gt3A = arith.constant 0 : i32
      %gt3A_47 = arith.cmpi sgt, %scan3A_36, %gt3A : i32
      %convert_element_type3A_48 = arith.extui %gt3A_47 : i1 to i32
      %cond3A_49 = arith.constant 0 : i32
      %cond3A_50 = arith.cmpi ne, %convert_element_type3A_48, %cond3A_49 : i32
      scf.if %cond3A_50 {
        %dma_wait3A_97 = arith.constant 0 : i32
        %dma_wait3A_98 = tpu.memref_slice %arg3[%dma_wait3A_97] : memref<32000000xf32, #tpu.memory_space<hbm>> -> memref<4096xf32, #tpu.memory_space<hbm>>
        %dma_wait3A_99 = arith.constant 0 : i32
        %dma_wait3A_100 = tpu.memref_slice %arg3[%dma_wait3A_99] : memref<32000000xf32, #tpu.memory_space<hbm>> -> memref<4096xf32, #tpu.memory_space<hbm>>
        tpu.wait_dma2 semaphore(%arg11 : memref<!tpu.dma_semaphore, #tpu.memory_space<semaphore_mem>>) src(%arg6 : memref<4096xf32, #tpu.memory_space<vmem>>) dst(%dma_wait3A_100 : memref<4096xf32, #tpu.memory_space<hbm>>)
      } else {
      }
      %parallel_loop3A = arith.constant 0 : i32
      %parallel_loop3A_51 = arith.constant 256 : i32
      %parallel_loop3A_52 = arith.constant 1 : i32
      scf.for %parallel_loop3A_97 = %parallel_loop3A to %parallel_loop3A_51 step %parallel_loop3A_52  : i32 {
        %parallel_loop3A_98 = arith.constant 1 : i32
        %parallel_loop3A_99 = arith.andi %parallel_loop3A_97, %parallel_loop3A_98 : i32
        %parallel_loop3A_100 = arith.constant 4 : i32
        %parallel_loop3A_101 = arith.shli %parallel_loop3A_99, %parallel_loop3A_100 : i32
        %parallel_loop3A_102 = vector.broadcast %parallel_loop3A_101 : i32 to vector<16xi32>
        %parallel_loop3A_103 = arith.addi %iota3A, %parallel_loop3A_102 : vector<16xi32>
        %parallel_loop3A_104 = arith.constant 0 : i32
        %parallel_loop3A_105 = vector.broadcast %parallel_loop3A_104 : i32 to vector<16xi32>
        %parallel_loop3A_106 = arith.constant 1 : i32
        %parallel_loop3A_107 = arith.shrsi %parallel_loop3A_97, %parallel_loop3A_106 : i32
        %parallel_loop3A_108 = vector.broadcast %parallel_loop3A_107 : i32 to vector<16xi32>
        %parallel_loop3A_109 = arith.addi %parallel_loop3A_105, %parallel_loop3A_108 : vector<16xi32>
        %parallel_loop3A_110 = tpu.vector_load_idx %arg4[%parallel_loop3A_103, %parallel_loop3A_109] : memref<32x128xf32, #tpu.memory_space<vmem>>[vector<16xi32>, vector<16xi32>], vector<16xf32>,
        %parallel_loop3A_111 = arith.constant 16 : i32
        %parallel_loop3A_112 = arith.muli %parallel_loop3A_97, %parallel_loop3A_111 : i32
        %parallel_loop3A_113 = arith.index_cast %parallel_loop3A_112 : i32 to index
        %parallel_loop3A_114 = tpu.vector_load %arg6[%parallel_loop3A_113] {strides = array<i32>} : memref<4096xf32, #tpu.memory_space<vmem>>, vector<16xf32>,
        tpu.vector_store %arg6[%parallel_loop3A_113], %parallel_loop3A_110 {strides = array<i32>} : memref<4096xf32, #tpu.memory_space<vmem>>, vector<16xf32>,
      } {sc.loop_unroll_factor = 4 : i64, sc.parallel_access}
      %add3A_53 = arith.addi %mul3A_2, %add3A_40 : i32
      %mul3A_54 = arith.constant 128 : i32
      %mul3A_55 = arith.muli %add3A_53, %mul3A_54 : i32
      %mul3A_56 = arith.constant 32 : i32
      %mul3A_57 = arith.muli %mul3A_55, %mul3A_56 : i32
      %dma_start3A_58 = tpu.memref_slice %arg3[%mul3A_57] : memref<32000000xf32, #tpu.memory_space<hbm>> -> memref<4096xf32, #tpu.memory_space<hbm>>
      %dma_start3A_59 = tpu.memref_slice %arg3[%mul3A_57] : memref<32000000xf32, #tpu.memory_space<hbm>> -> memref<4096xf32, #tpu.memory_space<hbm>>
      tpu.enqueue_dma source(%arg6 : memref<4096xf32, #tpu.memory_space<vmem>>) target(%dma_start3A_59 : memref<4096xf32, #tpu.memory_space<hbm>>) target_semaphore(%arg11 : memref<!tpu.dma_semaphore, #tpu.memory_space<semaphore_mem>>)
      %add3A_60 = arith.constant 2 : i32
      %add3A_61 = arith.addi %add3A_40, %add3A_60 : i32
      %lt3A_62 = arith.constant 244 : i32
      %lt3A_63 = arith.cmpi slt, %add3A_61, %lt3A_62 : i32
      %convert_element_type3A_64 = arith.extui %lt3A_63 : i1 to i32
      %cond3A_65 = arith.constant 0 : i32
      %cond3A_66 = arith.cmpi ne, %convert_element_type3A_64, %cond3A_65 : i32
      scf.if %cond3A_66 {
        %add3A_97 = arith.constant 2 : i32
        %add3A_98 = arith.addi %add3A_40, %add3A_97 : i32
        %add3A_99 = arith.addi %mul3A_2, %add3A_98 : i32
        %mul3A_100 = arith.constant 128 : i32
        %mul3A_101 = arith.muli %add3A_99, %mul3A_100 : i32
        %dma_start3A_102 = arith.constant 0 : i32
        %dma_start3A_103 = tpu.memref_slice %arg2[%dma_start3A_102, %mul3A_101] : memref<32x1000000xf32, #tpu.memory_space<hbm>> -> memref<32x128xf32, #tpu.memory_space<hbm>>
        %dma_start3A_104 = arith.constant 0 : i32
        %dma_start3A_105 = tpu.memref_slice %arg2[%dma_start3A_104, %mul3A_101] : memref<32x1000000xf32, #tpu.memory_space<hbm>> -> memref<32x128xf32, #tpu.memory_space<hbm>>
        tpu.enqueue_dma source(%dma_start3A_105 : memref<32x128xf32, #tpu.memory_space<hbm>>) target(%arg4 : memref<32x128xf32, #tpu.memory_space<vmem>>) target_semaphore(%arg9 : memref<!tpu.dma_semaphore, #tpu.memory_space<semaphore_mem>>)
      } else {
      }
      %add3A_67 = arith.constant 1 : i32
      %add3A_68 = arith.addi %mul3A_38, %add3A_67 : i32
      %dma_wait3A_69 = arith.constant 0 : i32
      %dma_wait3A_70 = arith.constant 0 : i32
      %dma_wait3A_71 = tpu.memref_slice %arg2[%dma_wait3A_69, %dma_wait3A_70] : memref<32x1000000xf32, #tpu.memory_space<hbm>> -> memref<32x128xf32, #tpu.memory_space<hbm>>
      %dma_wait3A_72 = arith.constant 0 : i32
      %dma_wait3A_73 = arith.constant 0 : i32
      %dma_wait3A_74 = tpu.memref_slice %arg2[%dma_wait3A_72, %dma_wait3A_73] : memref<32x1000000xf32, #tpu.memory_space<hbm>> -> memref<32x128xf32, #tpu.memory_space<hbm>>
      tpu.wait_dma2 semaphore(%arg10 : memref<!tpu.dma_semaphore, #tpu.memory_space<semaphore_mem>>) src(%dma_wait3A_74 : memref<32x128xf32, #tpu.memory_space<hbm>>) dst(%arg5 : memref<32x128xf32, #tpu.memory_space<vmem>>)
      %gt3A_75 = arith.constant 0 : i32
      %gt3A_76 = arith.cmpi sgt, %scan3A_36, %gt3A_75 : i32
      %convert_element_type3A_77 = arith.extui %gt3A_76 : i1 to i32
      %cond3A_78 = arith.constant 0 : i32
      %cond3A_79 = arith.cmpi ne, %convert_element_type3A_77, %cond3A_78 : i32
      scf.if %cond3A_79 {
        %dma_wait3A_97 = arith.constant 0 : i32
        %dma_wait3A_98 = tpu.memref_slice %arg3[%dma_wait3A_97] : memref<32000000xf32, #tpu.memory_space<hbm>> -> memref<4096xf32, #tpu.memory_space<hbm>>
        %dma_wait3A_99 = arith.constant 0 : i32
        %dma_wait3A_100 = tpu.memref_slice %arg3[%dma_wait3A_99] : memref<32000000xf32, #tpu.memory_space<hbm>> -> memref<4096xf32, #tpu.memory_space<hbm>>
        tpu.wait_dma2 semaphore(%arg12 : memref<!tpu.dma_semaphore, #tpu.memory_space<semaphore_mem>>) src(%arg7 : memref<4096xf32, #tpu.memory_space<vmem>>) dst(%dma_wait3A_100 : memref<4096xf32, #tpu.memory_space<hbm>>)
      } else {
      }
      %parallel_loop3A_80 = arith.constant 0 : i32
      %parallel_loop3A_81 = arith.constant 256 : i32
      %parallel_loop3A_82 = arith.constant 1 : i32
      scf.for %parallel_loop3A_97 = %parallel_loop3A_80 to %parallel_loop3A_81 step %parallel_loop3A_82  : i32 {
        %parallel_loop3A_98 = arith.constant 1 : i32
        %parallel_loop3A_99 = arith.andi %parallel_loop3A_97, %parallel_loop3A_98 : i32
        %parallel_loop3A_100 = arith.constant 4 : i32
        %parallel_loop3A_101 = arith.shli %parallel_loop3A_99, %parallel_loop3A_100 : i32
        %parallel_loop3A_102 = vector.broadcast %parallel_loop3A_101 : i32 to vector<16xi32>
        %parallel_loop3A_103 = arith.addi %iota3A, %parallel_loop3A_102 : vector<16xi32>
        %parallel_loop3A_104 = arith.constant 0 : i32
        %parallel_loop3A_105 = vector.broadcast %parallel_loop3A_104 : i32 to vector<16xi32>
        %parallel_loop3A_106 = arith.constant 1 : i32
        %parallel_loop3A_107 = arith.shrsi %parallel_loop3A_97, %parallel_loop3A_106 : i32
        %parallel_loop3A_108 = vector.broadcast %parallel_loop3A_107 : i32 to vector<16xi32>
        %parallel_loop3A_109 = arith.addi %parallel_loop3A_105, %parallel_loop3A_108 : vector<16xi32>
        %parallel_loop3A_110 = tpu.vector_load_idx %arg5[%parallel_loop3A_103, %parallel_loop3A_109] : memref<32x128xf32, #tpu.memory_space<vmem>>[vector<16xi32>, vector<16xi32>], vector<16xf32>,
        %parallel_loop3A_111 = arith.constant 16 : i32
        %parallel_loop3A_112 = arith.muli %parallel_loop3A_97, %parallel_loop3A_111 : i32
        %parallel_loop3A_113 = arith.index_cast %parallel_loop3A_112 : i32 to index
        %parallel_loop3A_114 = tpu.vector_load %arg7[%parallel_loop3A_113] {strides = array<i32>} : memref<4096xf32, #tpu.memory_space<vmem>>, vector<16xf32>,
        tpu.vector_store %arg7[%parallel_loop3A_113], %parallel_loop3A_110 {strides = array<i32>} : memref<4096xf32, #tpu.memory_space<vmem>>, vector<16xf32>,
      } {sc.loop_unroll_factor = 4 : i64, sc.parallel_access}
      %add3A_83 = arith.addi %mul3A_2, %add3A_68 : i32
      %mul3A_84 = arith.constant 128 : i32
      %mul3A_85 = arith.muli %add3A_83, %mul3A_84 : i32
      %mul3A_86 = arith.constant 32 : i32
      %mul3A_87 = arith.muli %mul3A_85, %mul3A_86 : i32
      %dma_start3A_88 = tpu.memref_slice %arg3[%mul3A_87] : memref<32000000xf32, #tpu.memory_space<hbm>> -> memref<4096xf32, #tpu.memory_space<hbm>>
      %dma_start3A_89 = tpu.memref_slice %arg3[%mul3A_87] : memref<32000000xf32, #tpu.memory_space<hbm>> -> memref<4096xf32, #tpu.memory_space<hbm>>
      tpu.enqueue_dma source(%arg7 : memref<4096xf32, #tpu.memory_space<vmem>>) target(%dma_start3A_89 : memref<4096xf32, #tpu.memory_space<hbm>>) target_semaphore(%arg12 : memref<!tpu.dma_semaphore, #tpu.memory_space<semaphore_mem>>)
      %add3A_90 = arith.constant 2 : i32
      %add3A_91 = arith.addi %add3A_68, %add3A_90 : i32
      %lt3A_92 = arith.constant 244 : i32
      %lt3A_93 = arith.cmpi slt, %add3A_91, %lt3A_92 : i32
      %convert_element_type3A_94 = arith.extui %lt3A_93 : i1 to i32
      %cond3A_95 = arith.constant 0 : i32
      %cond3A_96 = arith.cmpi ne, %convert_element_type3A_94, %cond3A_95 : i32
      scf.if %cond3A_96 {
        %add3A_97 = arith.constant 2 : i32
        %add3A_98 = arith.addi %add3A_68, %add3A_97 : i32
        %add3A_99 = arith.addi %mul3A_2, %add3A_98 : i32
        %mul3A_100 = arith.constant 128 : i32
        %mul3A_101 = arith.muli %add3A_99, %mul3A_100 : i32
        %dma_start3A_102 = arith.constant 0 : i32
        %dma_start3A_103 = tpu.memref_slice %arg2[%dma_start3A_102, %mul3A_101] : memref<32x1000000xf32, #tpu.memory_space<hbm>> -> memref<32x128xf32, #tpu.memory_space<hbm>>
        %dma_start3A_104 = arith.constant 0 : i32
        %dma_start3A_105 = tpu.memref_slice %arg2[%dma_start3A_104, %mul3A_101] : memref<32x1000000xf32, #tpu.memory_space<hbm>> -> memref<32x128xf32, #tpu.memory_space<hbm>>
        tpu.enqueue_dma source(%dma_start3A_105 : memref<32x128xf32, #tpu.memory_space<hbm>>) target(%arg5 : memref<32x128xf32, #tpu.memory_space<vmem>>) target_semaphore(%arg10 : memref<!tpu.dma_semaphore, #tpu.memory_space<semaphore_mem>>)
      } else {
      }
    }
    %scan3A_22 = arith.constant 122 : i32
    %dma_wait3A = arith.constant 0 : i32
    %dma_wait3A_23 = tpu.memref_slice %arg3[%dma_wait3A] : memref<32000000xf32, #tpu.memory_space<hbm>> -> memref<4096xf32, #tpu.memory_space<hbm>>
    %dma_wait3A_24 = arith.constant 0 : i32
    %dma_wait3A_25 = tpu.memref_slice %arg3[%dma_wait3A_24] : memref<32000000xf32, #tpu.memory_space<hbm>> -> memref<4096xf32, #tpu.memory_space<hbm>>
    tpu.wait_dma2 semaphore(%arg11 : memref<!tpu.dma_semaphore, #tpu.memory_space<semaphore_mem>>) src(%arg6 : memref<4096xf32, #tpu.memory_space<vmem>>) dst(%dma_wait3A_25 : memref<4096xf32, #tpu.memory_space<hbm>>)
    %dma_wait3A_26 = arith.constant 0 : i32
    %dma_wait3A_27 = tpu.memref_slice %arg3[%dma_wait3A_26] : memref<32000000xf32, #tpu.memory_space<hbm>> -> memref<4096xf32, #tpu.memory_space<hbm>>
    %dma_wait3A_28 = arith.constant 0 : i32
    %dma_wait3A_29 = tpu.memref_slice %arg3[%dma_wait3A_28] : memref<32000000xf32, #tpu.memory_space<hbm>> -> memref<4096xf32, #tpu.memory_space<hbm>>
    tpu.wait_dma2 semaphore(%arg12 : memref<!tpu.dma_semaphore, #tpu.memory_space<semaphore_mem>>) src(%arg7 : memref<4096xf32, #tpu.memory_space<vmem>>) dst(%dma_wait3A_29 : memref<4096xf32, #tpu.memory_space<hbm>>)
    %lt3A = arith.constant 4 : i32
    %lt3A_30 = arith.cmpi slt, %add3A, %lt3A : i32
    %convert_element_type3A = arith.extui %lt3A_30 : i1 to i32
    %cond3A = arith.constant 0 : i32
    %cond3A_31 = arith.cmpi ne, %convert_element_type3A, %cond3A : i32
    scf.if %cond3A_31 {
      %add3A_36 = arith.constant 7808 : i32
      %add3A_37 = arith.addi %add3A_36, %add3A : i32
      %mul3A_38 = arith.constant 128 : i32
      %mul3A_39 = arith.muli %add3A_37, %mul3A_38 : i32
      "tpu.region"() ({
        %run_scoped3A = tpu.sem_alloc : memref<!tpu.dma_semaphore, #tpu.memory_space<semaphore_mem>>
        %dma_start3A_46 = arith.constant 0 : i32
        %dma_start3A_47 = tpu.memref_slice %arg2[%dma_start3A_46, %mul3A_39] : memref<32x1000000xf32, #tpu.memory_space<hbm>> -> memref<32x128xf32, #tpu.memory_space<hbm>>
        %dma_start3A_48 = arith.constant 0 : i32
        %dma_start3A_49 = tpu.memref_slice %arg2[%dma_start3A_48, %mul3A_39] : memref<32x1000000xf32, #tpu.memory_space<hbm>> -> memref<32x128xf32, #tpu.memory_space<hbm>>
        tpu.enqueue_dma source(%dma_start3A_49 : memref<32x128xf32, #tpu.memory_space<hbm>>) target(%arg4 : memref<32x128xf32, #tpu.memory_space<vmem>>) target_semaphore(%run_scoped3A : memref<!tpu.dma_semaphore, #tpu.memory_space<semaphore_mem>>)
        %dma_wait3A_50 = arith.constant 0 : i32
        %dma_wait3A_51 = tpu.memref_slice %arg2[%dma_wait3A_50, %mul3A_39] : memref<32x1000000xf32, #tpu.memory_space<hbm>> -> memref<32x128xf32, #tpu.memory_space<hbm>>
        %dma_wait3A_52 = arith.constant 0 : i32
        %dma_wait3A_53 = tpu.memref_slice %arg2[%dma_wait3A_52, %mul3A_39] : memref<32x1000000xf32, #tpu.memory_space<hbm>> -> memref<32x128xf32, #tpu.memory_space<hbm>>
        tpu.wait_dma2 semaphore(%run_scoped3A : memref<!tpu.dma_semaphore, #tpu.memory_space<semaphore_mem>>) src(%dma_wait3A_53 : memref<32x128xf32, #tpu.memory_space<hbm>>) dst(%arg4 : memref<32x128xf32, #tpu.memory_space<vmem>>)
        tpu.yield
      }) : () -> ()
      %parallel_loop3A = arith.constant 0 : i32
      %parallel_loop3A_40 = arith.constant 256 : i32
      %parallel_loop3A_41 = arith.constant 1 : i32
      scf.for %parallel_loop3A_46 = %parallel_loop3A to %parallel_loop3A_40 step %parallel_loop3A_41  : i32 {
        %parallel_loop3A_47 = arith.constant 1 : i32
        %parallel_loop3A_48 = arith.andi %parallel_loop3A_46, %parallel_loop3A_47 : i32
        %parallel_loop3A_49 = arith.constant 4 : i32
        %parallel_loop3A_50 = arith.shli %parallel_loop3A_48, %parallel_loop3A_49 : i32
        %parallel_loop3A_51 = vector.broadcast %parallel_loop3A_50 : i32 to vector<16xi32>
        %parallel_loop3A_52 = arith.addi %iota3A, %parallel_loop3A_51 : vector<16xi32>
        %parallel_loop3A_53 = arith.constant 0 : i32
        %parallel_loop3A_54 = vector.broadcast %parallel_loop3A_53 : i32 to vector<16xi32>
        %parallel_loop3A_55 = arith.constant 1 : i32
        %parallel_loop3A_56 = arith.shrsi %parallel_loop3A_46, %parallel_loop3A_55 : i32
        %parallel_loop3A_57 = vector.broadcast %parallel_loop3A_56 : i32 to vector<16xi32>
        %parallel_loop3A_58 = arith.addi %parallel_loop3A_54, %parallel_loop3A_57 : vector<16xi32>
        %parallel_loop3A_59 = tpu.vector_load_idx %arg4[%parallel_loop3A_52, %parallel_loop3A_58] : memref<32x128xf32, #tpu.memory_space<vmem>>[vector<16xi32>, vector<16xi32>], vector<16xf32>,
        %parallel_loop3A_60 = arith.constant 16 : i32
        %parallel_loop3A_61 = arith.muli %parallel_loop3A_46, %parallel_loop3A_60 : i32
        %parallel_loop3A_62 = arith.index_cast %parallel_loop3A_61 : i32 to index
        %parallel_loop3A_63 = tpu.vector_load %arg6[%parallel_loop3A_62] {strides = array<i32>} : memref<4096xf32, #tpu.memory_space<vmem>>, vector<16xf32>,
        tpu.vector_store %arg6[%parallel_loop3A_62], %parallel_loop3A_59 {strides = array<i32>} : memref<4096xf32, #tpu.memory_space<vmem>>, vector<16xf32>,
      } {sc.loop_unroll_factor = 4 : i64, sc.parallel_access}
      %mul3A_42 = arith.constant 128 : i32
      %mul3A_43 = arith.muli %add3A_37, %mul3A_42 : i32
      %mul3A_44 = arith.constant 32 : i32
      %mul3A_45 = arith.muli %mul3A_43, %mul3A_44 : i32
      "tpu.region"() ({
        %run_scoped3A = tpu.sem_alloc : memref<!tpu.dma_semaphore, #tpu.memory_space<semaphore_mem>>
        %dma_start3A_46 = tpu.memref_slice %arg3[%mul3A_45] : memref<32000000xf32, #tpu.memory_space<hbm>> -> memref<4096xf32, #tpu.memory_space<hbm>>
        %dma_start3A_47 = tpu.memref_slice %arg3[%mul3A_45] : memref<32000000xf32, #tpu.memory_space<hbm>> -> memref<4096xf32, #tpu.memory_space<hbm>>
        tpu.enqueue_dma source(%arg6 : memref<4096xf32, #tpu.memory_space<vmem>>) target(%dma_start3A_47 : memref<4096xf32, #tpu.memory_space<hbm>>) target_semaphore(%run_scoped3A : memref<!tpu.dma_semaphore, #tpu.memory_space<semaphore_mem>>)
        %dma_wait3A_48 = tpu.memref_slice %arg3[%mul3A_45] : memref<32000000xf32, #tpu.memory_space<hbm>> -> memref<4096xf32, #tpu.memory_space<hbm>>
        %dma_wait3A_49 = tpu.memref_slice %arg3[%mul3A_45] : memref<32000000xf32, #tpu.memory_space<hbm>> -> memref<4096xf32, #tpu.memory_space<hbm>>
        tpu.wait_dma2 semaphore(%run_scoped3A : memref<!tpu.dma_semaphore, #tpu.memory_space<semaphore_mem>>) src(%arg6 : memref<4096xf32, #tpu.memory_space<vmem>>) dst(%dma_wait3A_49 : memref<4096xf32, #tpu.memory_space<hbm>>)
        tpu.yield
      }) : () -> ()
    } else {
    }
    %eq3A = arith.constant 4 : i32
    %eq3A_32 = arith.cmpi eq, %add3A, %eq3A : i32
    %convert_element_type3A_33 = arith.extui %eq3A_32 : i1 to i32
    %cond3A_34 = arith.constant 0 : i32
    %cond3A_35 = arith.cmpi ne, %convert_element_type3A_33, %cond3A_34 : i32
    scf.if %cond3A_35 {
      "tpu.region"() ({
        %run_scoped3A = tpu.sem_alloc : memref<!tpu.dma_semaphore, #tpu.memory_space<semaphore_mem>>
        %dma_start3A_38 = arith.constant 0 : i32
        %dma_start3A_39 = arith.constant 999936 : i32
        %dma_start3A_40 = tpu.memref_slice %arg2[%dma_start3A_38, %dma_start3A_39] : memref<32x1000000xf32, #tpu.memory_space<hbm>> -> memref<32x64xf32, #tpu.memory_space<hbm>>
        %dma_start3A_41 = arith.constant 0 : i32
        %dma_start3A_42 = arith.constant 999936 : i32
        %dma_start3A_43 = tpu.memref_slice %arg2[%dma_start3A_41, %dma_start3A_42] : memref<32x1000000xf32, #tpu.memory_space<hbm>> -> memref<32x64xf32, #tpu.memory_space<hbm>>
        tpu.enqueue_dma source(%dma_start3A_43 : memref<32x64xf32, #tpu.memory_space<hbm>>) target(%arg8 : memref<32x64xf32, #tpu.memory_space<vmem>>) target_semaphore(%run_scoped3A : memref<!tpu.dma_semaphore, #tpu.memory_space<semaphore_mem>>)
        %dma_wait3A_44 = arith.constant 0 : i32
        %dma_wait3A_45 = arith.constant 999936 : i32
        %dma_wait3A_46 = tpu.memref_slice %arg2[%dma_wait3A_44, %dma_wait3A_45] : memref<32x1000000xf32, #tpu.memory_space<hbm>> -> memref<32x64xf32, #tpu.memory_space<hbm>>
        %dma_wait3A_47 = arith.constant 0 : i32
        %dma_wait3A_48 = arith.constant 999936 : i32
        %dma_wait3A_49 = tpu.memref_slice %arg2[%dma_wait3A_47, %dma_wait3A_48] : memref<32x1000000xf32, #tpu.memory_space<hbm>> -> memref<32x64xf32, #tpu.memory_space<hbm>>
        tpu.wait_dma2 semaphore(%run_scoped3A : memref<!tpu.dma_semaphore, #tpu.memory_space<semaphore_mem>>) src(%dma_wait3A_49 : memref<32x64xf32, #tpu.memory_space<hbm>>) dst(%arg8 : memref<32x64xf32, #tpu.memory_space<vmem>>)
        tpu.yield
      }) : () -> ()
      %parallel_loop3A = arith.constant 0 : i32
      %parallel_loop3A_36 = arith.constant 128 : i32
      %parallel_loop3A_37 = arith.constant 1 : i32
      scf.for %parallel_loop3A_38 = %parallel_loop3A to %parallel_loop3A_36 step %parallel_loop3A_37  : i32 {
        %parallel_loop3A_39 = arith.constant 1 : i32
        %parallel_loop3A_40 = arith.andi %parallel_loop3A_38, %parallel_loop3A_39 : i32
        %parallel_loop3A_41 = arith.constant 4 : i32
        %parallel_loop3A_42 = arith.shli %parallel_loop3A_40, %parallel_loop3A_41 : i32
        %parallel_loop3A_43 = vector.broadcast %parallel_loop3A_42 : i32 to vector<16xi32>
        %parallel_loop3A_44 = arith.addi %iota3A, %parallel_loop3A_43 : vector<16xi32>
        %parallel_loop3A_45 = arith.constant 0 : i32
        %parallel_loop3A_46 = vector.broadcast %parallel_loop3A_45 : i32 to vector<16xi32>
        %parallel_loop3A_47 = arith.constant 1 : i32
        %parallel_loop3A_48 = arith.shrsi %parallel_loop3A_38, %parallel_loop3A_47 : i32
        %parallel_loop3A_49 = vector.broadcast %parallel_loop3A_48 : i32 to vector<16xi32>
        %parallel_loop3A_50 = arith.addi %parallel_loop3A_46, %parallel_loop3A_49 : vector<16xi32>
        %parallel_loop3A_51 = tpu.vector_load_idx %arg8[%parallel_loop3A_44, %parallel_loop3A_50] : memref<32x64xf32, #tpu.memory_space<vmem>>[vector<16xi32>, vector<16xi32>], vector<16xf32>,
        %parallel_loop3A_52 = arith.constant 16 : i32
        %parallel_loop3A_53 = arith.muli %parallel_loop3A_38, %parallel_loop3A_52 : i32
        %parallel_loop3A_54 = arith.index_cast %parallel_loop3A_53 : i32 to index
        %parallel_loop3A_55 = tpu.vector_load %arg6[%parallel_loop3A_54] {strides = array<i32>} : memref<4096xf32, #tpu.memory_space<vmem>>, vector<16xf32>,
        tpu.vector_store %arg6[%parallel_loop3A_54], %parallel_loop3A_51 {strides = array<i32>} : memref<4096xf32, #tpu.memory_space<vmem>>, vector<16xf32>,
      } {sc.loop_unroll_factor = 4 : i64, sc.parallel_access}
      "tpu.region"() ({
        %run_scoped3A = tpu.sem_alloc : memref<!tpu.dma_semaphore, #tpu.memory_space<semaphore_mem>>
        %dma_start3A_38 = arith.constant 0 : i32
        %dma_start3A_39 = tpu.memref_slice %arg6[%dma_start3A_38] : memref<4096xf32, #tpu.memory_space<vmem>> -> memref<2048xf32, #tpu.memory_space<vmem>>
        %dma_start3A_40 = arith.constant 31997952 : i32
        %dma_start3A_41 = tpu.memref_slice %arg3[%dma_start3A_40] : memref<32000000xf32, #tpu.memory_space<hbm>> -> memref<2048xf32, #tpu.memory_space<hbm>>
        %dma_start3A_42 = arith.constant 31997952 : i32
        %dma_start3A_43 = tpu.memref_slice %arg3[%dma_start3A_42] : memref<32000000xf32, #tpu.memory_space<hbm>> -> memref<2048xf32, #tpu.memory_space<hbm>>
        %dma_start3A_44 = arith.constant 0 : i32
        %dma_start3A_45 = tpu.memref_slice %arg6[%dma_start3A_44] : memref<4096xf32, #tpu.memory_space<vmem>> -> memref<2048xf32, #tpu.memory_space<vmem>>
        tpu.enqueue_dma source(%dma_start3A_45 : memref<2048xf32, #tpu.memory_space<vmem>>) target(%dma_start3A_43 : memref<2048xf32, #tpu.memory_space<hbm>>) target_semaphore(%run_scoped3A : memref<!tpu.dma_semaphore, #tpu.memory_space<semaphore_mem>>)
        %dma_wait3A_46 = arith.constant 0 : i32
        %dma_wait3A_47 = tpu.memref_slice %arg6[%dma_wait3A_46] : memref<4096xf32, #tpu.memory_space<vmem>> -> memref<2048xf32, #tpu.memory_space<vmem>>
        %dma_wait3A_48 = arith.constant 31997952 : i32
        %dma_wait3A_49 = tpu.memref_slice %arg3[%dma_wait3A_48] : memref<32000000xf32, #tpu.memory_space<hbm>> -> memref<2048xf32, #tpu.memory_space<hbm>>
        %dma_wait3A_50 = arith.constant 31997952 : i32
        %dma_wait3A_51 = tpu.memref_slice %arg3[%dma_wait3A_50] : memref<32000000xf32, #tpu.memory_space<hbm>> -> memref<2048xf32, #tpu.memory_space<hbm>>
        %dma_wait3A_52 = arith.constant 0 : i32
        %dma_wait3A_53 = tpu.memref_slice %arg6[%dma_wait3A_52] : memref<4096xf32, #tpu.memory_space<vmem>> -> memref<2048xf32, #tpu.memory_space<vmem>>
        tpu.wait_dma2 semaphore(%run_scoped3A : memref<!tpu.dma_semaphore, #tpu.memory_space<semaphore_mem>>) src(%dma_wait3A_53 : memref<2048xf32, #tpu.memory_space<vmem>>) dst(%dma_wait3A_51 : memref<2048xf32, #tpu.memory_space<hbm>>)
        tpu.yield
      }) : () -> ()
    } else {
    }
    return
  }
}

#map = affine_map<(d0, d1) -> (0, 0, 0)>
#map1 = affine_map<(d0, d1) -> (0, 0)>
#map2 = affine_map<(d0, d1) -> (0, 0, 0, 0)>
module attributes {stable_mosaic.version = 14 : i64} {
  func.func @gat(%arg0: i32, %arg1: i32, %arg2: memref<50x128x128xi32, #tpu.memory_space<hbm>>, %arg3: memref<1000000x32xf32, #tpu.memory_space<hbm>>, %arg4: memref<50x4x1024x128xf32, #tpu.memory_space<hbm>>, %arg5: memref<50x4x128xi32, #tpu.memory_space<vmem>>, %arg6: memref<256x32xf32, #tpu.memory_space<vmem>>, %arg7: memref<256x32xf32, #tpu.memory_space<vmem>>, %arg8: memref<64x137xf32, #tpu.memory_space<vmem>>, %arg9: memref<64x137xf32, #tpu.memory_space<vmem>>, %arg10: memref<!tpu.dma_semaphore, #tpu.memory_space<semaphore_mem>>, %arg11: memref<!tpu.dma_semaphore, #tpu.memory_space<semaphore_mem>>, %arg12: memref<!tpu.dma_semaphore, #tpu.memory_space<semaphore_mem>>, %arg13: memref<!tpu.dma_semaphore, #tpu.memory_space<semaphore_mem>>) attributes {dimension_semantics = [#tpu.dimension_semantics<core_parallel>, #tpu.dimension_semantics<subcore_parallel>], iteration_bounds = array<i64: 2, 16>, scalar_prefetch = 0 : i64, scratch_operands = 9 : i64, tpu.core_type = #tpu.core_type<sc_vector_subcore>, window_params = [{transform_indices = #map}, {transform_indices = #map1}, {transform_indices = #map2}]} {
    %mul3A = arith.constant 2 : i32
    %mul3A_0 = arith.muli %arg1, %mul3A : i32
    %add3A = arith.addi %mul3A_0, %arg0 : i32
    %mul3A_1 = arith.constant 4 : i32
    %mul3A_2 = arith.muli %add3A, %mul3A_1 : i32
    %iota3A = tpu.iota {dimensions = array<i32: 0>} : vector<16xi32>
    "tpu.region"() ({
      %run_scoped3A = tpu.sem_alloc : memref<!tpu.dma_semaphore, #tpu.memory_space<semaphore_mem>>
      %dma_start3A_186 = arith.constant 0 : i32
      %dma_start3A_187 = arith.constant 0 : i32
      %dma_start3A_188 = tpu.memref_slice %arg2[%dma_start3A_186, %mul3A_2, %dma_start3A_187] : memref<50x128x128xi32, #tpu.memory_space<hbm>> -> memref<50x4x128xi32, #tpu.memory_space<hbm>>
      %dma_start3A_189 = arith.constant 0 : i32
      %dma_start3A_190 = arith.constant 0 : i32
      %dma_start3A_191 = tpu.memref_slice %arg2[%dma_start3A_189, %mul3A_2, %dma_start3A_190] : memref<50x128x128xi32, #tpu.memory_space<hbm>> -> memref<50x4x128xi32, #tpu.memory_space<hbm>>
      tpu.enqueue_dma source(%dma_start3A_191 : memref<50x4x128xi32, #tpu.memory_space<hbm>>) target(%arg5 : memref<50x4x128xi32, #tpu.memory_space<vmem>>) target_semaphore(%run_scoped3A : memref<!tpu.dma_semaphore, #tpu.memory_space<semaphore_mem>>)
      %dma_wait3A_192 = arith.constant 0 : i32
      %dma_wait3A_193 = arith.constant 0 : i32
      %dma_wait3A_194 = tpu.memref_slice %arg2[%dma_wait3A_192, %mul3A_2, %dma_wait3A_193] : memref<50x128x128xi32, #tpu.memory_space<hbm>> -> memref<50x4x128xi32, #tpu.memory_space<hbm>>
      %dma_wait3A_195 = arith.constant 0 : i32
      %dma_wait3A_196 = arith.constant 0 : i32
      %dma_wait3A_197 = tpu.memref_slice %arg2[%dma_wait3A_195, %mul3A_2, %dma_wait3A_196] : memref<50x128x128xi32, #tpu.memory_space<hbm>> -> memref<50x4x128xi32, #tpu.memory_space<hbm>>
      tpu.wait_dma2 semaphore(%run_scoped3A : memref<!tpu.dma_semaphore, #tpu.memory_space<semaphore_mem>>) src(%dma_wait3A_197 : memref<50x4x128xi32, #tpu.memory_space<hbm>>) dst(%arg5 : memref<50x4x128xi32, #tpu.memory_space<vmem>>)
      tpu.yield
    }) : () -> ()
    %shift_right_logical3A = arith.constant 3 : i32
    %shift_right_logical3A_3 = vector.broadcast %shift_right_logical3A : i32 to vector<16xi32>
    %shift_right_logical3A_4 = arith.shrui %iota3A, %shift_right_logical3A_3 : vector<16xi32>
    %mul3A_5 = arith.constant 16 : i32
    %mul3A_6 = vector.broadcast %mul3A_5 : i32 to vector<16xi32>
    %mul3A_7 = arith.muli %shift_right_logical3A_4, %mul3A_6 : vector<16xi32>
    %and3A = arith.constant 7 : i32
    %and3A_8 = vector.broadcast %and3A : i32 to vector<16xi32>
    %and3A_9 = arith.andi %iota3A, %and3A_8 : vector<16xi32>
    %add3A_10 = arith.addi %mul3A_7, %and3A_9 : vector<16xi32>
    %dma_start3A = arith.constant 0 : i32
    %dma_start3A_11 = arith.constant 0 : i32
    %dma_start3A_12 = arith.constant 0 : i32
    %dma_start3A_13 = arith.constant 0 : i32
    %dma_start3A_14 = tpu.memref_slice %arg6[%dma_start3A_12, %dma_start3A_13] : memref<256x32xf32, #tpu.memory_space<vmem>> -> memref<128x32xf32, #tpu.memory_space<vmem>>
    %dma_start3A_15 = arith.constant 0 : i32
    %dma_start3A_16 = tpu.memref_slice %arg5[%dma_start3A, %dma_start3A_11, %dma_start3A_15] : memref<50x4x128xi32, #tpu.memory_space<vmem>> -> memref<1x1x128xi32, #tpu.memory_space<vmem>>
    %dma_start3A_17 = tpu.memref_squeeze %dma_start3A_16 : memref<1x1x128xi32, #tpu.memory_space<vmem>> -> memref<128xi32, #tpu.memory_space<vmem>>
    %dma_start3A_18 = arith.constant 0 : i32
    %dma_start3A_19 = arith.constant 0 : i32
    %dma_start3A_20 = tpu.memref_slice %arg3[%dma_start3A_18, %dma_start3A_19] : memref<1000000x32xf32, #tpu.memory_space<hbm>> -> memref<1000000x32xf32, #tpu.memory_space<hbm>>
    tpu.enqueue_indirect_dma source(%dma_start3A_20 : memref<1000000x32xf32, #tpu.memory_space<hbm>>) target(%dma_start3A_14 : memref<128x32xf32, #tpu.memory_space<vmem>>) offsets(%dma_start3A_17 : memref<128xi32, #tpu.memory_space<vmem>>) semaphore(%arg10 : memref<!tpu.dma_semaphore, #tpu.memory_space<semaphore_mem>>)
    %dma_start3A_21 = arith.constant 0 : i32
    %dma_start3A_22 = arith.constant 1 : i32
    %dma_start3A_23 = arith.constant 128 : i32
    %dma_start3A_24 = arith.constant 0 : i32
    %dma_start3A_25 = tpu.memref_slice %arg6[%dma_start3A_23, %dma_start3A_24] : memref<256x32xf32, #tpu.memory_space<vmem>> -> memref<128x32xf32, #tpu.memory_space<vmem>>
    %dma_start3A_26 = arith.constant 0 : i32
    %dma_start3A_27 = tpu.memref_slice %arg5[%dma_start3A_21, %dma_start3A_22, %dma_start3A_26] : memref<50x4x128xi32, #tpu.memory_space<vmem>> -> memref<1x1x128xi32, #tpu.memory_space<vmem>>
    %dma_start3A_28 = tpu.memref_squeeze %dma_start3A_27 : memref<1x1x128xi32, #tpu.memory_space<vmem>> -> memref<128xi32, #tpu.memory_space<vmem>>
    %dma_start3A_29 = arith.constant 0 : i32
    %dma_start3A_30 = arith.constant 0 : i32
    %dma_start3A_31 = tpu.memref_slice %arg3[%dma_start3A_29, %dma_start3A_30] : memref<1000000x32xf32, #tpu.memory_space<hbm>> -> memref<1000000x32xf32, #tpu.memory_space<hbm>>
    tpu.enqueue_indirect_dma source(%dma_start3A_31 : memref<1000000x32xf32, #tpu.memory_space<hbm>>) target(%dma_start3A_25 : memref<128x32xf32, #tpu.memory_space<vmem>>) offsets(%dma_start3A_28 : memref<128xi32, #tpu.memory_space<vmem>>) semaphore(%arg10 : memref<!tpu.dma_semaphore, #tpu.memory_space<semaphore_mem>>)
    %dma_start3A_32 = arith.constant 0 : i32
    %dma_start3A_33 = arith.constant 2 : i32
    %dma_start3A_34 = arith.constant 0 : i32
    %dma_start3A_35 = arith.constant 0 : i32
    %dma_start3A_36 = tpu.memref_slice %arg7[%dma_start3A_34, %dma_start3A_35] : memref<256x32xf32, #tpu.memory_space<vmem>> -> memref<128x32xf32, #tpu.memory_space<vmem>>
    %dma_start3A_37 = arith.constant 0 : i32
    %dma_start3A_38 = tpu.memref_slice %arg5[%dma_start3A_32, %dma_start3A_33, %dma_start3A_37] : memref<50x4x128xi32, #tpu.memory_space<vmem>> -> memref<1x1x128xi32, #tpu.memory_space<vmem>>
    %dma_start3A_39 = tpu.memref_squeeze %dma_start3A_38 : memref<1x1x128xi32, #tpu.memory_space<vmem>> -> memref<128xi32, #tpu.memory_space<vmem>>
    %dma_start3A_40 = arith.constant 0 : i32
    %dma_start3A_41 = arith.constant 0 : i32
    %dma_start3A_42 = tpu.memref_slice %arg3[%dma_start3A_40, %dma_start3A_41] : memref<1000000x32xf32, #tpu.memory_space<hbm>> -> memref<1000000x32xf32, #tpu.memory_space<hbm>>
    tpu.enqueue_indirect_dma source(%dma_start3A_42 : memref<1000000x32xf32, #tpu.memory_space<hbm>>) target(%dma_start3A_36 : memref<128x32xf32, #tpu.memory_space<vmem>>) offsets(%dma_start3A_39 : memref<128xi32, #tpu.memory_space<vmem>>) semaphore(%arg11 : memref<!tpu.dma_semaphore, #tpu.memory_space<semaphore_mem>>)
    %dma_start3A_43 = arith.constant 0 : i32
    %dma_start3A_44 = arith.constant 3 : i32
    %dma_start3A_45 = arith.constant 128 : i32
    %dma_start3A_46 = arith.constant 0 : i32
    %dma_start3A_47 = tpu.memref_slice %arg7[%dma_start3A_45, %dma_start3A_46] : memref<256x32xf32, #tpu.memory_space<vmem>> -> memref<128x32xf32, #tpu.memory_space<vmem>>
    %dma_start3A_48 = arith.constant 0 : i32
    %dma_start3A_49 = tpu.memref_slice %arg5[%dma_start3A_43, %dma_start3A_44, %dma_start3A_48] : memref<50x4x128xi32, #tpu.memory_space<vmem>> -> memref<1x1x128xi32, #tpu.memory_space<vmem>>
    %dma_start3A_50 = tpu.memref_squeeze %dma_start3A_49 : memref<1x1x128xi32, #tpu.memory_space<vmem>> -> memref<128xi32, #tpu.memory_space<vmem>>
    %dma_start3A_51 = arith.constant 0 : i32
    %dma_start3A_52 = arith.constant 0 : i32
    %dma_start3A_53 = tpu.memref_slice %arg3[%dma_start3A_51, %dma_start3A_52] : memref<1000000x32xf32, #tpu.memory_space<hbm>> -> memref<1000000x32xf32, #tpu.memory_space<hbm>>
    tpu.enqueue_indirect_dma source(%dma_start3A_53 : memref<1000000x32xf32, #tpu.memory_space<hbm>>) target(%dma_start3A_47 : memref<128x32xf32, #tpu.memory_space<vmem>>) offsets(%dma_start3A_50 : memref<128xi32, #tpu.memory_space<vmem>>) semaphore(%arg11 : memref<!tpu.dma_semaphore, #tpu.memory_space<semaphore_mem>>)
    %scan3A = arith.constant 0 : i32
    %scan3A_54 = arith.constant 0 : i32
    %scan3A_55 = arith.constant 50 : i32
    %scan3A_56 = arith.addi %scan3A_54, %scan3A_55 : i32
    %scan3A_57 = arith.constant 1 : i32
    scf.for %scan3A_186 = %scan3A_54 to %scan3A_56 step %scan3A_57  : i32 {
      %mul3A_187 = arith.constant 2 : i32
      %mul3A_188 = arith.muli %scan3A_186, %mul3A_187 : i32
      %add3A_189 = arith.constant 0 : i32
      %add3A_190 = arith.addi %mul3A_188, %add3A_189 : i32
      %dma_wait3A_191 = arith.constant 0 : i32
      %dma_wait3A_192 = arith.constant 0 : i32
      %dma_wait3A_193 = arith.constant 0 : i32
      %dma_wait3A_194 = arith.constant 0 : i32
      %dma_wait3A_195 = tpu.memref_slice %arg6[%dma_wait3A_193, %dma_wait3A_194] : memref<256x32xf32, #tpu.memory_space<vmem>> -> memref<128x32xf32, #tpu.memory_space<vmem>>
      %dma_wait3A_196 = arith.constant 0 : i32
      %dma_wait3A_197 = tpu.memref_slice %arg5[%dma_wait3A_191, %dma_wait3A_192, %dma_wait3A_196] : memref<50x4x128xi32, #tpu.memory_space<vmem>> -> memref<1x1x128xi32, #tpu.memory_space<vmem>>
      %dma_wait3A_198 = tpu.memref_squeeze %dma_wait3A_197 : memref<1x1x128xi32, #tpu.memory_space<vmem>> -> memref<128xi32, #tpu.memory_space<vmem>>
      %dma_wait3A_199 = arith.constant 0 : i32
      %dma_wait3A_200 = arith.constant 0 : i32
      %dma_wait3A_201 = tpu.memref_slice %arg3[%dma_wait3A_199, %dma_wait3A_200] : memref<1000000x32xf32, #tpu.memory_space<hbm>> -> memref<1000000x32xf32, #tpu.memory_space<hbm>>
      tpu.wait_indirect_dma semaphore(%arg10 : memref<!tpu.dma_semaphore, #tpu.memory_space<semaphore_mem>>) src(%dma_wait3A_201 : memref<1000000x32xf32, #tpu.memory_space<hbm>>) dst(%dma_wait3A_195 : memref<128x32xf32, #tpu.memory_space<vmem>>)
      %dma_wait3A_202 = arith.constant 0 : i32
      %dma_wait3A_203 = arith.constant 0 : i32
      %dma_wait3A_204 = arith.constant 0 : i32
      %dma_wait3A_205 = arith.constant 0 : i32
      %dma_wait3A_206 = tpu.memref_slice %arg6[%dma_wait3A_204, %dma_wait3A_205] : memref<256x32xf32, #tpu.memory_space<vmem>> -> memref<128x32xf32, #tpu.memory_space<vmem>>
      %dma_wait3A_207 = arith.constant 0 : i32
      %dma_wait3A_208 = tpu.memref_slice %arg5[%dma_wait3A_202, %dma_wait3A_203, %dma_wait3A_207] : memref<50x4x128xi32, #tpu.memory_space<vmem>> -> memref<1x1x128xi32, #tpu.memory_space<vmem>>
      %dma_wait3A_209 = tpu.memref_squeeze %dma_wait3A_208 : memref<1x1x128xi32, #tpu.memory_space<vmem>> -> memref<128xi32, #tpu.memory_space<vmem>>
      %dma_wait3A_210 = arith.constant 0 : i32
      %dma_wait3A_211 = arith.constant 0 : i32
      %dma_wait3A_212 = tpu.memref_slice %arg3[%dma_wait3A_210, %dma_wait3A_211] : memref<1000000x32xf32, #tpu.memory_space<hbm>> -> memref<1000000x32xf32, #tpu.memory_space<hbm>>
      tpu.wait_indirect_dma semaphore(%arg10 : memref<!tpu.dma_semaphore, #tpu.memory_space<semaphore_mem>>) src(%dma_wait3A_212 : memref<1000000x32xf32, #tpu.memory_space<hbm>>) dst(%dma_wait3A_206 : memref<128x32xf32, #tpu.memory_space<vmem>>)
      %gt3A = arith.constant 0 : i32
      %gt3A_213 = arith.cmpi sgt, %scan3A_186, %gt3A : i32
      %convert_element_type3A = arith.extui %gt3A_213 : i1 to i32
      %cond3A = arith.constant 0 : i32
      %cond3A_214 = arith.cmpi ne, %convert_element_type3A, %cond3A : i32
      scf.if %cond3A_214 {
        %dma_wait3A_383 = arith.constant 0 : i32
        %dma_wait3A_384 = arith.constant 0 : i32
        %dma_wait3A_385 = arith.constant 0 : i32
        %dma_wait3A_386 = arith.constant 0 : i32
        %dma_wait3A_387 = tpu.memref_slice %arg8[%dma_wait3A_385, %dma_wait3A_386] : memref<64x137xf32, #tpu.memory_space<vmem>> -> memref<16x128xf32, #tpu.memory_space<vmem>>
        %dma_wait3A_388 = arith.constant 0 : i32
        %dma_wait3A_389 = arith.constant 0 : i32
        %dma_wait3A_390 = tpu.memref_slice %arg4[%dma_wait3A_383, %dma_wait3A_384, %dma_wait3A_388, %dma_wait3A_389] : memref<50x4x1024x128xf32, #tpu.memory_space<hbm>> -> memref<1x1x16x128xf32, #tpu.memory_space<hbm>>
        %dma_wait3A_391 = tpu.memref_squeeze %dma_wait3A_390 : memref<1x1x16x128xf32, #tpu.memory_space<hbm>> -> memref<16x128xf32, #tpu.memory_space<hbm>>
        %dma_wait3A_392 = arith.constant 0 : i32
        %dma_wait3A_393 = arith.constant 0 : i32
        %dma_wait3A_394 = tpu.memref_slice %arg4[%dma_wait3A_383, %dma_wait3A_384, %dma_wait3A_392, %dma_wait3A_393] : memref<50x4x1024x128xf32, #tpu.memory_space<hbm>> -> memref<1x1x16x128xf32, #tpu.memory_space<hbm>>
        %dma_wait3A_395 = tpu.memref_squeeze %dma_wait3A_394 : memref<1x1x16x128xf32, #tpu.memory_space<hbm>> -> memref<16x128xf32, #tpu.memory_space<hbm>>
        %dma_wait3A_396 = arith.constant 0 : i32
        %dma_wait3A_397 = arith.constant 0 : i32
        %dma_wait3A_398 = tpu.memref_slice %arg8[%dma_wait3A_396, %dma_wait3A_397] : memref<64x137xf32, #tpu.memory_space<vmem>> -> memref<16x128xf32, #tpu.memory_space<vmem>>
        tpu.wait_dma2 semaphore(%arg12 : memref<!tpu.dma_semaphore, #tpu.memory_space<semaphore_mem>>) src(%dma_wait3A_398 : memref<16x128xf32, #tpu.memory_space<vmem>>) dst(%dma_wait3A_395 : memref<16x128xf32, #tpu.memory_space<hbm>>)
        %dma_wait3A_399 = arith.constant 0 : i32
        %dma_wait3A_400 = arith.constant 0 : i32
        %dma_wait3A_401 = arith.constant 0 : i32
        %dma_wait3A_402 = arith.constant 0 : i32
        %dma_wait3A_403 = tpu.memref_slice %arg8[%dma_wait3A_401, %dma_wait3A_402] : memref<64x137xf32, #tpu.memory_space<vmem>> -> memref<16x128xf32, #tpu.memory_space<vmem>>
        %dma_wait3A_404 = arith.constant 0 : i32
        %dma_wait3A_405 = arith.constant 0 : i32
        %dma_wait3A_406 = tpu.memref_slice %arg4[%dma_wait3A_399, %dma_wait3A_400, %dma_wait3A_404, %dma_wait3A_405] : memref<50x4x1024x128xf32, #tpu.memory_space<hbm>> -> memref<1x1x16x128xf32, #tpu.memory_space<hbm>>
        %dma_wait3A_407 = tpu.memref_squeeze %dma_wait3A_406 : memref<1x1x16x128xf32, #tpu.memory_space<hbm>> -> memref<16x128xf32, #tpu.memory_space<hbm>>
        %dma_wait3A_408 = arith.constant 0 : i32
        %dma_wait3A_409 = arith.constant 0 : i32
        %dma_wait3A_410 = tpu.memref_slice %arg4[%dma_wait3A_399, %dma_wait3A_400, %dma_wait3A_408, %dma_wait3A_409] : memref<50x4x1024x128xf32, #tpu.memory_space<hbm>> -> memref<1x1x16x128xf32, #tpu.memory_space<hbm>>
        %dma_wait3A_411 = tpu.memref_squeeze %dma_wait3A_410 : memref<1x1x16x128xf32, #tpu.memory_space<hbm>> -> memref<16x128xf32, #tpu.memory_space<hbm>>
        %dma_wait3A_412 = arith.constant 0 : i32
        %dma_wait3A_413 = arith.constant 0 : i32
        %dma_wait3A_414 = tpu.memref_slice %arg8[%dma_wait3A_412, %dma_wait3A_413] : memref<64x137xf32, #tpu.memory_space<vmem>> -> memref<16x128xf32, #tpu.memory_space<vmem>>
        tpu.wait_dma2 semaphore(%arg12 : memref<!tpu.dma_semaphore, #tpu.memory_space<semaphore_mem>>) src(%dma_wait3A_414 : memref<16x128xf32, #tpu.memory_space<vmem>>) dst(%dma_wait3A_411 : memref<16x128xf32, #tpu.memory_space<hbm>>)
        %dma_wait3A_415 = arith.constant 0 : i32
        %dma_wait3A_416 = arith.constant 0 : i32
        %dma_wait3A_417 = arith.constant 0 : i32
        %dma_wait3A_418 = arith.constant 0 : i32
        %dma_wait3A_419 = tpu.memref_slice %arg8[%dma_wait3A_417, %dma_wait3A_418] : memref<64x137xf32, #tpu.memory_space<vmem>> -> memref<16x128xf32, #tpu.memory_space<vmem>>
        %dma_wait3A_420 = arith.constant 0 : i32
        %dma_wait3A_421 = arith.constant 0 : i32
        %dma_wait3A_422 = tpu.memref_slice %arg4[%dma_wait3A_415, %dma_wait3A_416, %dma_wait3A_420, %dma_wait3A_421] : memref<50x4x1024x128xf32, #tpu.memory_space<hbm>> -> memref<1x1x16x128xf32, #tpu.memory_space<hbm>>
        %dma_wait3A_423 = tpu.memref_squeeze %dma_wait3A_422 : memref<1x1x16x128xf32, #tpu.memory_space<hbm>> -> memref<16x128xf32, #tpu.memory_space<hbm>>
        %dma_wait3A_424 = arith.constant 0 : i32
        %dma_wait3A_425 = arith.constant 0 : i32
        %dma_wait3A_426 = tpu.memref_slice %arg4[%dma_wait3A_415, %dma_wait3A_416, %dma_wait3A_424, %dma_wait3A_425] : memref<50x4x1024x128xf32, #tpu.memory_space<hbm>> -> memref<1x1x16x128xf32, #tpu.memory_space<hbm>>
        %dma_wait3A_427 = tpu.memref_squeeze %dma_wait3A_426 : memref<1x1x16x128xf32, #tpu.memory_space<hbm>> -> memref<16x128xf32, #tpu.memory_space<hbm>>
        %dma_wait3A_428 = arith.constant 0 : i32
        %dma_wait3A_429 = arith.constant 0 : i32
        %dma_wait3A_430 = tpu.memref_slice %arg8[%dma_wait3A_428, %dma_wait3A_429] : memref<64x137xf32, #tpu.memory_space<vmem>> -> memref<16x128xf32, #tpu.memory_space<vmem>>
        tpu.wait_dma2 semaphore(%arg12 : memref<!tpu.dma_semaphore, #tpu.memory_space<semaphore_mem>>) src(%dma_wait3A_430 : memref<16x128xf32, #tpu.memory_space<vmem>>) dst(%dma_wait3A_427 : memref<16x128xf32, #tpu.memory_space<hbm>>)
        %dma_wait3A_431 = arith.constant 0 : i32
        %dma_wait3A_432 = arith.constant 0 : i32
        %dma_wait3A_433 = arith.constant 0 : i32
        %dma_wait3A_434 = arith.constant 0 : i32
        %dma_wait3A_435 = tpu.memref_slice %arg8[%dma_wait3A_433, %dma_wait3A_434] : memref<64x137xf32, #tpu.memory_space<vmem>> -> memref<16x128xf32, #tpu.memory_space<vmem>>
        %dma_wait3A_436 = arith.constant 0 : i32
        %dma_wait3A_437 = arith.constant 0 : i32
        %dma_wait3A_438 = tpu.memref_slice %arg4[%dma_wait3A_431, %dma_wait3A_432, %dma_wait3A_436, %dma_wait3A_437] : memref<50x4x1024x128xf32, #tpu.memory_space<hbm>> -> memref<1x1x16x128xf32, #tpu.memory_space<hbm>>
        %dma_wait3A_439 = tpu.memref_squeeze %dma_wait3A_438 : memref<1x1x16x128xf32, #tpu.memory_space<hbm>> -> memref<16x128xf32, #tpu.memory_space<hbm>>
        %dma_wait3A_440 = arith.constant 0 : i32
        %dma_wait3A_441 = arith.constant 0 : i32
        %dma_wait3A_442 = tpu.memref_slice %arg4[%dma_wait3A_431, %dma_wait3A_432, %dma_wait3A_440, %dma_wait3A_441] : memref<50x4x1024x128xf32, #tpu.memory_space<hbm>> -> memref<1x1x16x128xf32, #tpu.memory_space<hbm>>
        %dma_wait3A_443 = tpu.memref_squeeze %dma_wait3A_442 : memref<1x1x16x128xf32, #tpu.memory_space<hbm>> -> memref<16x128xf32, #tpu.memory_space<hbm>>
        %dma_wait3A_444 = arith.constant 0 : i32
        %dma_wait3A_445 = arith.constant 0 : i32
        %dma_wait3A_446 = tpu.memref_slice %arg8[%dma_wait3A_444, %dma_wait3A_445] : memref<64x137xf32, #tpu.memory_space<vmem>> -> memref<16x128xf32, #tpu.memory_space<vmem>>
        tpu.wait_dma2 semaphore(%arg12 : memref<!tpu.dma_semaphore, #tpu.memory_space<semaphore_mem>>) src(%dma_wait3A_446 : memref<16x128xf32, #tpu.memory_space<vmem>>) dst(%dma_wait3A_443 : memref<16x128xf32, #tpu.memory_space<hbm>>)
      } else {
      }
      %parallel_loop3A = arith.constant 0 : i32
      %parallel_loop3A_215 = arith.constant 256 : i32
      %parallel_loop3A_216 = arith.constant 1 : i32
      scf.for %parallel_loop3A_383 = %parallel_loop3A to %parallel_loop3A_215 step %parallel_loop3A_216  : i32 {
        %parallel_loop3A_384 = arith.constant 7 : i32
        %parallel_loop3A_385 = arith.shrui %parallel_loop3A_383, %parallel_loop3A_384 : i32
        %parallel_loop3A_386 = arith.constant 127 : i32
        %parallel_loop3A_387 = arith.andi %parallel_loop3A_383, %parallel_loop3A_386 : i32
        %parallel_loop3A_388 = arith.index_cast %parallel_loop3A_383 : i32 to index
        %parallel_loop3A_389 = arith.constant 0 : index
        %parallel_loop3A_390 = tpu.vector_load %arg6[%parallel_loop3A_388, %parallel_loop3A_389] {strides = array<i32>} : memref<256x32xf32, #tpu.memory_space<vmem>>, vector<16xf32>,
        %parallel_loop3A_391 = arith.index_cast %parallel_loop3A_383 : i32 to index
        %parallel_loop3A_392 = arith.constant 16 : index
        %parallel_loop3A_393 = tpu.vector_load %arg6[%parallel_loop3A_391, %parallel_loop3A_392] {strides = array<i32>} : memref<256x32xf32, #tpu.memory_space<vmem>>, vector<16xf32>,
        %parallel_loop3A_394 = arith.constant 8 : i32
        %parallel_loop3A_395 = arith.muli %parallel_loop3A_385, %parallel_loop3A_394 : i32
        %parallel_loop3A_396 = vector.broadcast %parallel_loop3A_395 : i32 to vector<16xi32>
        %parallel_loop3A_397 = arith.addi %add3A_10, %parallel_loop3A_396 : vector<16xi32>
        %parallel_loop3A_398 = arith.constant 0 : i32
        %parallel_loop3A_399 = vector.broadcast %parallel_loop3A_398 : i32 to vector<16xi32>
        %parallel_loop3A_400 = vector.broadcast %parallel_loop3A_387 : i32 to vector<16xi32>
        %parallel_loop3A_401 = arith.addi %parallel_loop3A_399, %parallel_loop3A_400 : vector<16xi32>
        tpu.vector_store_idx %arg8[%parallel_loop3A_397, %parallel_loop3A_401], %parallel_loop3A_390 : memref<64x137xf32, #tpu.memory_space<vmem>>[vector<16xi32>, vector<16xi32>], vector<16xf32>,
        %parallel_loop3A_402 = arith.constant 32 : i32
        %parallel_loop3A_403 = vector.broadcast %parallel_loop3A_402 : i32 to vector<16xi32>
        %parallel_loop3A_404 = arith.addi %parallel_loop3A_397, %parallel_loop3A_403 : vector<16xi32>
        tpu.vector_store_idx %arg8[%parallel_loop3A_404, %parallel_loop3A_401], %parallel_loop3A_393 : memref<64x137xf32, #tpu.memory_space<vmem>>[vector<16xi32>, vector<16xi32>], vector<16xf32>,
      } {sc.loop_unroll_factor = 2 : i64, sc.parallel_access}
      %shift_right_arithmetic3A = arith.constant 1 : i32
      %shift_right_arithmetic3A_217 = arith.shrsi %add3A_190, %shift_right_arithmetic3A : i32
      %and3A_218 = arith.constant 1 : i32
      %and3A_219 = arith.andi %add3A_190, %and3A_218 : i32
      %mul3A_220 = arith.constant 2 : i32
      %mul3A_221 = arith.muli %and3A_219, %mul3A_220 : i32
      %add3A_222 = arith.addi %mul3A_2, %mul3A_221 : i32
      %mul3A_223 = arith.constant 8 : i32
      %mul3A_224 = arith.muli %add3A_222, %mul3A_223 : i32
      %dma_start3A_225 = arith.constant 0 : i32
      %dma_start3A_226 = arith.constant 0 : i32
      %dma_start3A_227 = arith.constant 0 : i32
      %dma_start3A_228 = tpu.memref_slice %arg8[%dma_start3A_226, %dma_start3A_227] : memref<64x137xf32, #tpu.memory_space<vmem>> -> memref<16x128xf32, #tpu.memory_space<vmem>>
      %dma_start3A_229 = arith.constant 0 : i32
      %dma_start3A_230 = tpu.memref_slice %arg4[%shift_right_arithmetic3A_217, %dma_start3A_225, %mul3A_224, %dma_start3A_229] : memref<50x4x1024x128xf32, #tpu.memory_space<hbm>> -> memref<1x1x16x128xf32, #tpu.memory_space<hbm>>
      %dma_start3A_231 = tpu.memref_squeeze %dma_start3A_230 : memref<1x1x16x128xf32, #tpu.memory_space<hbm>> -> memref<16x128xf32, #tpu.memory_space<hbm>>
      %dma_start3A_232 = arith.constant 0 : i32
      %dma_start3A_233 = tpu.memref_slice %arg4[%shift_right_arithmetic3A_217, %dma_start3A_225, %mul3A_224, %dma_start3A_232] : memref<50x4x1024x128xf32, #tpu.memory_space<hbm>> -> memref<1x1x16x128xf32, #tpu.memory_space<hbm>>
      %dma_start3A_234 = tpu.memref_squeeze %dma_start3A_233 : memref<1x1x16x128xf32, #tpu.memory_space<hbm>> -> memref<16x128xf32, #tpu.memory_space<hbm>>
      %dma_start3A_235 = arith.constant 0 : i32
      %dma_start3A_236 = arith.constant 0 : i32
      %dma_start3A_237 = tpu.memref_slice %arg8[%dma_start3A_235, %dma_start3A_236] : memref<64x137xf32, #tpu.memory_space<vmem>> -> memref<16x128xf32, #tpu.memory_space<vmem>>
      tpu.enqueue_dma source(%dma_start3A_237 : memref<16x128xf32, #tpu.memory_space<vmem>>) target(%dma_start3A_234 : memref<16x128xf32, #tpu.memory_space<hbm>>) target_semaphore(%arg12 : memref<!tpu.dma_semaphore, #tpu.memory_space<semaphore_mem>>)
      %dma_start3A_238 = arith.constant 1 : i32
      %dma_start3A_239 = arith.constant 16 : i32
      %dma_start3A_240 = arith.constant 0 : i32
      %dma_start3A_241 = tpu.memref_slice %arg8[%dma_start3A_239, %dma_start3A_240] : memref<64x137xf32, #tpu.memory_space<vmem>> -> memref<16x128xf32, #tpu.memory_space<vmem>>
      %dma_start3A_242 = arith.constant 0 : i32
      %dma_start3A_243 = tpu.memref_slice %arg4[%shift_right_arithmetic3A_217, %dma_start3A_238, %mul3A_224, %dma_start3A_242] : memref<50x4x1024x128xf32, #tpu.memory_space<hbm>> -> memref<1x1x16x128xf32, #tpu.memory_space<hbm>>
      %dma_start3A_244 = tpu.memref_squeeze %dma_start3A_243 : memref<1x1x16x128xf32, #tpu.memory_space<hbm>> -> memref<16x128xf32, #tpu.memory_space<hbm>>
      %dma_start3A_245 = arith.constant 0 : i32
      %dma_start3A_246 = tpu.memref_slice %arg4[%shift_right_arithmetic3A_217, %dma_start3A_238, %mul3A_224, %dma_start3A_245] : memref<50x4x1024x128xf32, #tpu.memory_space<hbm>> -> memref<1x1x16x128xf32, #tpu.memory_space<hbm>>
      %dma_start3A_247 = tpu.memref_squeeze %dma_start3A_246 : memref<1x1x16x128xf32, #tpu.memory_space<hbm>> -> memref<16x128xf32, #tpu.memory_space<hbm>>
      %dma_start3A_248 = arith.constant 16 : i32
      %dma_start3A_249 = arith.constant 0 : i32
      %dma_start3A_250 = tpu.memref_slice %arg8[%dma_start3A_248, %dma_start3A_249] : memref<64x137xf32, #tpu.memory_space<vmem>> -> memref<16x128xf32, #tpu.memory_space<vmem>>
      tpu.enqueue_dma source(%dma_start3A_250 : memref<16x128xf32, #tpu.memory_space<vmem>>) target(%dma_start3A_247 : memref<16x128xf32, #tpu.memory_space<hbm>>) target_semaphore(%arg12 : memref<!tpu.dma_semaphore, #tpu.memory_space<semaphore_mem>>)
      %dma_start3A_251 = arith.constant 2 : i32
      %dma_start3A_252 = arith.constant 32 : i32
      %dma_start3A_253 = arith.constant 0 : i32
      %dma_start3A_254 = tpu.memref_slice %arg8[%dma_start3A_252, %dma_start3A_253] : memref<64x137xf32, #tpu.memory_space<vmem>> -> memref<16x128xf32, #tpu.memory_space<vmem>>
      %dma_start3A_255 = arith.constant 0 : i32
      %dma_start3A_256 = tpu.memref_slice %arg4[%shift_right_arithmetic3A_217, %dma_start3A_251, %mul3A_224, %dma_start3A_255] : memref<50x4x1024x128xf32, #tpu.memory_space<hbm>> -> memref<1x1x16x128xf32, #tpu.memory_space<hbm>>
      %dma_start3A_257 = tpu.memref_squeeze %dma_start3A_256 : memref<1x1x16x128xf32, #tpu.memory_space<hbm>> -> memref<16x128xf32, #tpu.memory_space<hbm>>
      %dma_start3A_258 = arith.constant 0 : i32
      %dma_start3A_259 = tpu.memref_slice %arg4[%shift_right_arithmetic3A_217, %dma_start3A_251, %mul3A_224, %dma_start3A_258] : memref<50x4x1024x128xf32, #tpu.memory_space<hbm>> -> memref<1x1x16x128xf32, #tpu.memory_space<hbm>>
      %dma_start3A_260 = tpu.memref_squeeze %dma_start3A_259 : memref<1x1x16x128xf32, #tpu.memory_space<hbm>> -> memref<16x128xf32, #tpu.memory_space<hbm>>
      %dma_start3A_261 = arith.constant 32 : i32
      %dma_start3A_262 = arith.constant 0 : i32
      %dma_start3A_263 = tpu.memref_slice %arg8[%dma_start3A_261, %dma_start3A_262] : memref<64x137xf32, #tpu.memory_space<vmem>> -> memref<16x128xf32, #tpu.memory_space<vmem>>
      tpu.enqueue_dma source(%dma_start3A_263 : memref<16x128xf32, #tpu.memory_space<vmem>>) target(%dma_start3A_260 : memref<16x128xf32, #tpu.memory_space<hbm>>) target_semaphore(%arg12 : memref<!tpu.dma_semaphore, #tpu.memory_space<semaphore_mem>>)
      %dma_start3A_264 = arith.constant 3 : i32
      %dma_start3A_265 = arith.constant 48 : i32
      %dma_start3A_266 = arith.constant 0 : i32
      %dma_start3A_267 = tpu.memref_slice %arg8[%dma_start3A_265, %dma_start3A_266] : memref<64x137xf32, #tpu.memory_space<vmem>> -> memref<16x128xf32, #tpu.memory_space<vmem>>
      %dma_start3A_268 = arith.constant 0 : i32
      %dma_start3A_269 = tpu.memref_slice %arg4[%shift_right_arithmetic3A_217, %dma_start3A_264, %mul3A_224, %dma_start3A_268] : memref<50x4x1024x128xf32, #tpu.memory_space<hbm>> -> memref<1x1x16x128xf32, #tpu.memory_space<hbm>>
      %dma_start3A_270 = tpu.memref_squeeze %dma_start3A_269 : memref<1x1x16x128xf32, #tpu.memory_space<hbm>> -> memref<16x128xf32, #tpu.memory_space<hbm>>
      %dma_start3A_271 = arith.constant 0 : i32
      %dma_start3A_272 = tpu.memref_slice %arg4[%shift_right_arithmetic3A_217, %dma_start3A_264, %mul3A_224, %dma_start3A_271] : memref<50x4x1024x128xf32, #tpu.memory_space<hbm>> -> memref<1x1x16x128xf32, #tpu.memory_space<hbm>>
      %dma_start3A_273 = tpu.memref_squeeze %dma_start3A_272 : memref<1x1x16x128xf32, #tpu.memory_space<hbm>> -> memref<16x128xf32, #tpu.memory_space<hbm>>
      %dma_start3A_274 = arith.constant 48 : i32
      %dma_start3A_275 = arith.constant 0 : i32
      %dma_start3A_276 = tpu.memref_slice %arg8[%dma_start3A_274, %dma_start3A_275] : memref<64x137xf32, #tpu.memory_space<vmem>> -> memref<16x128xf32, #tpu.memory_space<vmem>>
      tpu.enqueue_dma source(%dma_start3A_276 : memref<16x128xf32, #tpu.memory_space<vmem>>) target(%dma_start3A_273 : memref<16x128xf32, #tpu.memory_space<hbm>>) target_semaphore(%arg12 : memref<!tpu.dma_semaphore, #tpu.memory_space<semaphore_mem>>)
      %add3A_277 = arith.constant 2 : i32
      %add3A_278 = arith.addi %add3A_190, %add3A_277 : i32
      %lt3A = arith.constant 100 : i32
      %lt3A_279 = arith.cmpi slt, %add3A_278, %lt3A : i32
      %convert_element_type3A_280 = arith.extui %lt3A_279 : i1 to i32
      %cond3A_281 = arith.constant 0 : i32
      %cond3A_282 = arith.cmpi ne, %convert_element_type3A_280, %cond3A_281 : i32
      scf.if %cond3A_282 {
        %add3A_383 = arith.constant 2 : i32
        %add3A_384 = arith.addi %add3A_190, %add3A_383 : i32
        %shift_right_arithmetic3A_385 = arith.constant 1 : i32
        %shift_right_arithmetic3A_386 = arith.shrsi %add3A_384, %shift_right_arithmetic3A_385 : i32
        %and3A_387 = arith.constant 1 : i32
        %and3A_388 = arith.andi %add3A_384, %and3A_387 : i32
        %mul3A_389 = arith.constant 2 : i32
        %mul3A_390 = arith.muli %and3A_388, %mul3A_389 : i32
        %add3A_391 = arith.constant 0 : i32
        %add3A_392 = arith.addi %mul3A_390, %add3A_391 : i32
        %dma_start3A_393 = arith.constant 0 : i32
        %dma_start3A_394 = arith.constant 0 : i32
        %dma_start3A_395 = tpu.memref_slice %arg6[%dma_start3A_393, %dma_start3A_394] : memref<256x32xf32, #tpu.memory_space<vmem>> -> memref<128x32xf32, #tpu.memory_space<vmem>>
        %dma_start3A_396 = arith.constant 0 : i32
        %dma_start3A_397 = tpu.memref_slice %arg5[%shift_right_arithmetic3A_386, %add3A_392, %dma_start3A_396] : memref<50x4x128xi32, #tpu.memory_space<vmem>> -> memref<1x1x128xi32, #tpu.memory_space<vmem>>
        %dma_start3A_398 = tpu.memref_squeeze %dma_start3A_397 : memref<1x1x128xi32, #tpu.memory_space<vmem>> -> memref<128xi32, #tpu.memory_space<vmem>>
        %dma_start3A_399 = arith.constant 0 : i32
        %dma_start3A_400 = arith.constant 0 : i32
        %dma_start3A_401 = tpu.memref_slice %arg3[%dma_start3A_399, %dma_start3A_400] : memref<1000000x32xf32, #tpu.memory_space<hbm>> -> memref<1000000x32xf32, #tpu.memory_space<hbm>>
        tpu.enqueue_indirect_dma source(%dma_start3A_401 : memref<1000000x32xf32, #tpu.memory_space<hbm>>) target(%dma_start3A_395 : memref<128x32xf32, #tpu.memory_space<vmem>>) offsets(%dma_start3A_398 : memref<128xi32, #tpu.memory_space<vmem>>) semaphore(%arg10 : memref<!tpu.dma_semaphore, #tpu.memory_space<semaphore_mem>>)
        %mul3A_402 = arith.constant 2 : i32
        %mul3A_403 = arith.muli %and3A_388, %mul3A_402 : i32
        %add3A_404 = arith.constant 1 : i32
        %add3A_405 = arith.addi %mul3A_403, %add3A_404 : i32
        %dma_start3A_406 = arith.constant 128 : i32
        %dma_start3A_407 = arith.constant 0 : i32
        %dma_start3A_408 = tpu.memref_slice %arg6[%dma_start3A_406, %dma_start3A_407] : memref<256x32xf32, #tpu.memory_space<vmem>> -> memref<128x32xf32, #tpu.memory_space<vmem>>
        %dma_start3A_409 = arith.constant 0 : i32
        %dma_start3A_410 = tpu.memref_slice %arg5[%shift_right_arithmetic3A_386, %add3A_405, %dma_start3A_409] : memref<50x4x128xi32, #tpu.memory_space<vmem>> -> memref<1x1x128xi32, #tpu.memory_space<vmem>>
        %dma_start3A_411 = tpu.memref_squeeze %dma_start3A_410 : memref<1x1x128xi32, #tpu.memory_space<vmem>> -> memref<128xi32, #tpu.memory_space<vmem>>
        %dma_start3A_412 = arith.constant 0 : i32
        %dma_start3A_413 = arith.constant 0 : i32
        %dma_start3A_414 = tpu.memref_slice %arg3[%dma_start3A_412, %dma_start3A_413] : memref<1000000x32xf32, #tpu.memory_space<hbm>> -> memref<1000000x32xf32, #tpu.memory_space<hbm>>
        tpu.enqueue_indirect_dma source(%dma_start3A_414 : memref<1000000x32xf32, #tpu.memory_space<hbm>>) target(%dma_start3A_408 : memref<128x32xf32, #tpu.memory_space<vmem>>) offsets(%dma_start3A_411 : memref<128xi32, #tpu.memory_space<vmem>>) semaphore(%arg10 : memref<!tpu.dma_semaphore, #tpu.memory_space<semaphore_mem>>)
      } else {
      }
      %add3A_283 = arith.constant 1 : i32
      %add3A_284 = arith.addi %mul3A_188, %add3A_283 : i32
      %dma_wait3A_285 = arith.constant 0 : i32
      %dma_wait3A_286 = arith.constant 0 : i32
      %dma_wait3A_287 = arith.constant 0 : i32
      %dma_wait3A_288 = arith.constant 0 : i32
      %dma_wait3A_289 = tpu.memref_slice %arg6[%dma_wait3A_287, %dma_wait3A_288] : memref<256x32xf32, #tpu.memory_space<vmem>> -> memref<128x32xf32, #tpu.memory_space<vmem>>
      %dma_wait3A_290 = arith.constant 0 : i32
      %dma_wait3A_291 = tpu.memref_slice %arg5[%dma_wait3A_285, %dma_wait3A_286, %dma_wait3A_290] : memref<50x4x128xi32, #tpu.memory_space<vmem>> -> memref<1x1x128xi32, #tpu.memory_space<vmem>>
      %dma_wait3A_292 = tpu.memref_squeeze %dma_wait3A_291 : memref<1x1x128xi32, #tpu.memory_space<vmem>> -> memref<128xi32, #tpu.memory_space<vmem>>
      %dma_wait3A_293 = arith.constant 0 : i32
      %dma_wait3A_294 = arith.constant 0 : i32
      %dma_wait3A_295 = tpu.memref_slice %arg3[%dma_wait3A_293, %dma_wait3A_294] : memref<1000000x32xf32, #tpu.memory_space<hbm>> -> memref<1000000x32xf32, #tpu.memory_space<hbm>>
      tpu.wait_indirect_dma semaphore(%arg11 : memref<!tpu.dma_semaphore, #tpu.memory_space<semaphore_mem>>) src(%dma_wait3A_295 : memref<1000000x32xf32, #tpu.memory_space<hbm>>) dst(%dma_wait3A_289 : memref<128x32xf32, #tpu.memory_space<vmem>>)
      %dma_wait3A_296 = arith.constant 0 : i32
      %dma_wait3A_297 = arith.constant 0 : i32
      %dma_wait3A_298 = arith.constant 0 : i32
      %dma_wait3A_299 = arith.constant 0 : i32
      %dma_wait3A_300 = tpu.memref_slice %arg6[%dma_wait3A_298, %dma_wait3A_299] : memref<256x32xf32, #tpu.memory_space<vmem>> -> memref<128x32xf32, #tpu.memory_space<vmem>>
      %dma_wait3A_301 = arith.constant 0 : i32
      %dma_wait3A_302 = tpu.memref_slice %arg5[%dma_wait3A_296, %dma_wait3A_297, %dma_wait3A_301] : memref<50x4x128xi32, #tpu.memory_space<vmem>> -> memref<1x1x128xi32, #tpu.memory_space<vmem>>
      %dma_wait3A_303 = tpu.memref_squeeze %dma_wait3A_302 : memref<1x1x128xi32, #tpu.memory_space<vmem>> -> memref<128xi32, #tpu.memory_space<vmem>>
      %dma_wait3A_304 = arith.constant 0 : i32
      %dma_wait3A_305 = arith.constant 0 : i32
      %dma_wait3A_306 = tpu.memref_slice %arg3[%dma_wait3A_304, %dma_wait3A_305] : memref<1000000x32xf32, #tpu.memory_space<hbm>> -> memref<1000000x32xf32, #tpu.memory_space<hbm>>
      tpu.wait_indirect_dma semaphore(%arg11 : memref<!tpu.dma_semaphore, #tpu.memory_space<semaphore_mem>>) src(%dma_wait3A_306 : memref<1000000x32xf32, #tpu.memory_space<hbm>>) dst(%dma_wait3A_300 : memref<128x32xf32, #tpu.memory_space<vmem>>)
      %gt3A_307 = arith.constant 0 : i32
      %gt3A_308 = arith.cmpi sgt, %scan3A_186, %gt3A_307 : i32
      %convert_element_type3A_309 = arith.extui %gt3A_308 : i1 to i32
      %cond3A_310 = arith.constant 0 : i32
      %cond3A_311 = arith.cmpi ne, %convert_element_type3A_309, %cond3A_310 : i32
      scf.if %cond3A_311 {
        %dma_wait3A_383 = arith.constant 0 : i32
        %dma_wait3A_384 = arith.constant 0 : i32
        %dma_wait3A_385 = arith.constant 0 : i32
        %dma_wait3A_386 = arith.constant 0 : i32
        %dma_wait3A_387 = tpu.memref_slice %arg8[%dma_wait3A_385, %dma_wait3A_386] : memref<64x137xf32, #tpu.memory_space<vmem>> -> memref<16x128xf32, #tpu.memory_space<vmem>>
        %dma_wait3A_388 = arith.constant 0 : i32
        %dma_wait3A_389 = arith.constant 0 : i32
        %dma_wait3A_390 = tpu.memref_slice %arg4[%dma_wait3A_383, %dma_wait3A_384, %dma_wait3A_388, %dma_wait3A_389] : memref<50x4x1024x128xf32, #tpu.memory_space<hbm>> -> memref<1x1x16x128xf32, #tpu.memory_space<hbm>>
        %dma_wait3A_391 = tpu.memref_squeeze %dma_wait3A_390 : memref<1x1x16x128xf32, #tpu.memory_space<hbm>> -> memref<16x128xf32, #tpu.memory_space<hbm>>
        %dma_wait3A_392 = arith.constant 0 : i32
        %dma_wait3A_393 = arith.constant 0 : i32
        %dma_wait3A_394 = tpu.memref_slice %arg4[%dma_wait3A_383, %dma_wait3A_384, %dma_wait3A_392, %dma_wait3A_393] : memref<50x4x1024x128xf32, #tpu.memory_space<hbm>> -> memref<1x1x16x128xf32, #tpu.memory_space<hbm>>
        %dma_wait3A_395 = tpu.memref_squeeze %dma_wait3A_394 : memref<1x1x16x128xf32, #tpu.memory_space<hbm>> -> memref<16x128xf32, #tpu.memory_space<hbm>>
        %dma_wait3A_396 = arith.constant 0 : i32
        %dma_wait3A_397 = arith.constant 0 : i32
        %dma_wait3A_398 = tpu.memref_slice %arg8[%dma_wait3A_396, %dma_wait3A_397] : memref<64x137xf32, #tpu.memory_space<vmem>> -> memref<16x128xf32, #tpu.memory_space<vmem>>
        tpu.wait_dma2 semaphore(%arg13 : memref<!tpu.dma_semaphore, #tpu.memory_space<semaphore_mem>>) src(%dma_wait3A_398 : memref<16x128xf32, #tpu.memory_space<vmem>>) dst(%dma_wait3A_395 : memref<16x128xf32, #tpu.memory_space<hbm>>)
        %dma_wait3A_399 = arith.constant 0 : i32
        %dma_wait3A_400 = arith.constant 0 : i32
        %dma_wait3A_401 = arith.constant 0 : i32
        %dma_wait3A_402 = arith.constant 0 : i32
        %dma_wait3A_403 = tpu.memref_slice %arg8[%dma_wait3A_401, %dma_wait3A_402] : memref<64x137xf32, #tpu.memory_space<vmem>> -> memref<16x128xf32, #tpu.memory_space<vmem>>
        %dma_wait3A_404 = arith.constant 0 : i32
        %dma_wait3A_405 = arith.constant 0 : i32
        %dma_wait3A_406 = tpu.memref_slice %arg4[%dma_wait3A_399, %dma_wait3A_400, %dma_wait3A_404, %dma_wait3A_405] : memref<50x4x1024x128xf32, #tpu.memory_space<hbm>> -> memref<1x1x16x128xf32, #tpu.memory_space<hbm>>
        %dma_wait3A_407 = tpu.memref_squeeze %dma_wait3A_406 : memref<1x1x16x128xf32, #tpu.memory_space<hbm>> -> memref<16x128xf32, #tpu.memory_space<hbm>>
        %dma_wait3A_408 = arith.constant 0 : i32
        %dma_wait3A_409 = arith.constant 0 : i32
        %dma_wait3A_410 = tpu.memref_slice %arg4[%dma_wait3A_399, %dma_wait3A_400, %dma_wait3A_408, %dma_wait3A_409] : memref<50x4x1024x128xf32, #tpu.memory_space<hbm>> -> memref<1x1x16x128xf32, #tpu.memory_space<hbm>>
        %dma_wait3A_411 = tpu.memref_squeeze %dma_wait3A_410 : memref<1x1x16x128xf32, #tpu.memory_space<hbm>> -> memref<16x128xf32, #tpu.memory_space<hbm>>
        %dma_wait3A_412 = arith.constant 0 : i32
        %dma_wait3A_413 = arith.constant 0 : i32
        %dma_wait3A_414 = tpu.memref_slice %arg8[%dma_wait3A_412, %dma_wait3A_413] : memref<64x137xf32, #tpu.memory_space<vmem>> -> memref<16x128xf32, #tpu.memory_space<vmem>>
        tpu.wait_dma2 semaphore(%arg13 : memref<!tpu.dma_semaphore, #tpu.memory_space<semaphore_mem>>) src(%dma_wait3A_414 : memref<16x128xf32, #tpu.memory_space<vmem>>) dst(%dma_wait3A_411 : memref<16x128xf32, #tpu.memory_space<hbm>>)
        %dma_wait3A_415 = arith.constant 0 : i32
        %dma_wait3A_416 = arith.constant 0 : i32
        %dma_wait3A_417 = arith.constant 0 : i32
        %dma_wait3A_418 = arith.constant 0 : i32
        %dma_wait3A_419 = tpu.memref_slice %arg8[%dma_wait3A_417, %dma_wait3A_418] : memref<64x137xf32, #tpu.memory_space<vmem>> -> memref<16x128xf32, #tpu.memory_space<vmem>>
        %dma_wait3A_420 = arith.constant 0 : i32
        %dma_wait3A_421 = arith.constant 0 : i32
        %dma_wait3A_422 = tpu.memref_slice %arg4[%dma_wait3A_415, %dma_wait3A_416, %dma_wait3A_420, %dma_wait3A_421] : memref<50x4x1024x128xf32, #tpu.memory_space<hbm>> -> memref<1x1x16x128xf32, #tpu.memory_space<hbm>>
        %dma_wait3A_423 = tpu.memref_squeeze %dma_wait3A_422 : memref<1x1x16x128xf32, #tpu.memory_space<hbm>> -> memref<16x128xf32, #tpu.memory_space<hbm>>
        %dma_wait3A_424 = arith.constant 0 : i32
        %dma_wait3A_425 = arith.constant 0 : i32
        %dma_wait3A_426 = tpu.memref_slice %arg4[%dma_wait3A_415, %dma_wait3A_416, %dma_wait3A_424, %dma_wait3A_425] : memref<50x4x1024x128xf32, #tpu.memory_space<hbm>> -> memref<1x1x16x128xf32, #tpu.memory_space<hbm>>
        %dma_wait3A_427 = tpu.memref_squeeze %dma_wait3A_426 : memref<1x1x16x128xf32, #tpu.memory_space<hbm>> -> memref<16x128xf32, #tpu.memory_space<hbm>>
        %dma_wait3A_428 = arith.constant 0 : i32
        %dma_wait3A_429 = arith.constant 0 : i32
        %dma_wait3A_430 = tpu.memref_slice %arg8[%dma_wait3A_428, %dma_wait3A_429] : memref<64x137xf32, #tpu.memory_space<vmem>> -> memref<16x128xf32, #tpu.memory_space<vmem>>
        tpu.wait_dma2 semaphore(%arg13 : memref<!tpu.dma_semaphore, #tpu.memory_space<semaphore_mem>>) src(%dma_wait3A_430 : memref<16x128xf32, #tpu.memory_space<vmem>>) dst(%dma_wait3A_427 : memref<16x128xf32, #tpu.memory_space<hbm>>)
        %dma_wait3A_431 = arith.constant 0 : i32
        %dma_wait3A_432 = arith.constant 0 : i32
        %dma_wait3A_433 = arith.constant 0 : i32
        %dma_wait3A_434 = arith.constant 0 : i32
        %dma_wait3A_435 = tpu.memref_slice %arg8[%dma_wait3A_433, %dma_wait3A_434] : memref<64x137xf32, #tpu.memory_space<vmem>> -> memref<16x128xf32, #tpu.memory_space<vmem>>
        %dma_wait3A_436 = arith.constant 0 : i32
        %dma_wait3A_437 = arith.constant 0 : i32
        %dma_wait3A_438 = tpu.memref_slice %arg4[%dma_wait3A_431, %dma_wait3A_432, %dma_wait3A_436, %dma_wait3A_437] : memref<50x4x1024x128xf32, #tpu.memory_space<hbm>> -> memref<1x1x16x128xf32, #tpu.memory_space<hbm>>
        %dma_wait3A_439 = tpu.memref_squeeze %dma_wait3A_438 : memref<1x1x16x128xf32, #tpu.memory_space<hbm>> -> memref<16x128xf32, #tpu.memory_space<hbm>>
        %dma_wait3A_440 = arith.constant 0 : i32
        %dma_wait3A_441 = arith.constant 0 : i32
        %dma_wait3A_442 = tpu.memref_slice %arg4[%dma_wait3A_431, %dma_wait3A_432, %dma_wait3A_440, %dma_wait3A_441] : memref<50x4x1024x128xf32, #tpu.memory_space<hbm>> -> memref<1x1x16x128xf32, #tpu.memory_space<hbm>>
        %dma_wait3A_443 = tpu.memref_squeeze %dma_wait3A_442 : memref<1x1x16x128xf32, #tpu.memory_space<hbm>> -> memref<16x128xf32, #tpu.memory_space<hbm>>
        %dma_wait3A_444 = arith.constant 0 : i32
        %dma_wait3A_445 = arith.constant 0 : i32
        %dma_wait3A_446 = tpu.memref_slice %arg8[%dma_wait3A_444, %dma_wait3A_445] : memref<64x137xf32, #tpu.memory_space<vmem>> -> memref<16x128xf32, #tpu.memory_space<vmem>>
        tpu.wait_dma2 semaphore(%arg13 : memref<!tpu.dma_semaphore, #tpu.memory_space<semaphore_mem>>) src(%dma_wait3A_446 : memref<16x128xf32, #tpu.memory_space<vmem>>) dst(%dma_wait3A_443 : memref<16x128xf32, #tpu.memory_space<hbm>>)
      } else {
      }
      %parallel_loop3A_312 = arith.constant 0 : i32
      %parallel_loop3A_313 = arith.constant 256 : i32
      %parallel_loop3A_314 = arith.constant 1 : i32
      scf.for %parallel_loop3A_383 = %parallel_loop3A_312 to %parallel_loop3A_313 step %parallel_loop3A_314  : i32 {
        %parallel_loop3A_384 = arith.constant 7 : i32
        %parallel_loop3A_385 = arith.shrui %parallel_loop3A_383, %parallel_loop3A_384 : i32
        %parallel_loop3A_386 = arith.constant 127 : i32
        %parallel_loop3A_387 = arith.andi %parallel_loop3A_383, %parallel_loop3A_386 : i32
        %parallel_loop3A_388 = arith.index_cast %parallel_loop3A_383 : i32 to index
        %parallel_loop3A_389 = arith.constant 0 : index
        %parallel_loop3A_390 = tpu.vector_load %arg7[%parallel_loop3A_388, %parallel_loop3A_389] {strides = array<i32>} : memref<256x32xf32, #tpu.memory_space<vmem>>, vector<16xf32>,
        %parallel_loop3A_391 = arith.index_cast %parallel_loop3A_383 : i32 to index
        %parallel_loop3A_392 = arith.constant 16 : index
        %parallel_loop3A_393 = tpu.vector_load %arg7[%parallel_loop3A_391, %parallel_loop3A_392] {strides = array<i32>} : memref<256x32xf32, #tpu.memory_space<vmem>>, vector<16xf32>,
        %parallel_loop3A_394 = arith.constant 8 : i32
        %parallel_loop3A_395 = arith.muli %parallel_loop3A_385, %parallel_loop3A_394 : i32
        %parallel_loop3A_396 = vector.broadcast %parallel_loop3A_395 : i32 to vector<16xi32>
        %parallel_loop3A_397 = arith.addi %add3A_10, %parallel_loop3A_396 : vector<16xi32>
        %parallel_loop3A_398 = arith.constant 0 : i32
        %parallel_loop3A_399 = vector.broadcast %parallel_loop3A_398 : i32 to vector<16xi32>
        %parallel_loop3A_400 = vector.broadcast %parallel_loop3A_387 : i32 to vector<16xi32>
        %parallel_loop3A_401 = arith.addi %parallel_loop3A_399, %parallel_loop3A_400 : vector<16xi32>
        tpu.vector_store_idx %arg9[%parallel_loop3A_397, %parallel_loop3A_401], %parallel_loop3A_390 : memref<64x137xf32, #tpu.memory_space<vmem>>[vector<16xi32>, vector<16xi32>], vector<16xf32>,
        %parallel_loop3A_402 = arith.constant 32 : i32
        %parallel_loop3A_403 = vector.broadcast %parallel_loop3A_402 : i32 to vector<16xi32>
        %parallel_loop3A_404 = arith.addi %parallel_loop3A_397, %parallel_loop3A_403 : vector<16xi32>
        tpu.vector_store_idx %arg9[%parallel_loop3A_404, %parallel_loop3A_401], %parallel_loop3A_393 : memref<64x137xf32, #tpu.memory_space<vmem>>[vector<16xi32>, vector<16xi32>], vector<16xf32>,
      } {sc.loop_unroll_factor = 2 : i64, sc.parallel_access}
      %shift_right_arithmetic3A_315 = arith.constant 1 : i32
      %shift_right_arithmetic3A_316 = arith.shrsi %add3A_284, %shift_right_arithmetic3A_315 : i32
      %and3A_317 = arith.constant 1 : i32
      %and3A_318 = arith.andi %add3A_284, %and3A_317 : i32
      %mul3A_319 = arith.constant 2 : i32
      %mul3A_320 = arith.muli %and3A_318, %mul3A_319 : i32
      %add3A_321 = arith.addi %mul3A_2, %mul3A_320 : i32
      %mul3A_322 = arith.constant 8 : i32
      %mul3A_323 = arith.muli %add3A_321, %mul3A_322 : i32
      %dma_start3A_324 = arith.constant 0 : i32
      %dma_start3A_325 = arith.constant 0 : i32
      %dma_start3A_326 = arith.constant 0 : i32
      %dma_start3A_327 = tpu.memref_slice %arg9[%dma_start3A_325, %dma_start3A_326] : memref<64x137xf32, #tpu.memory_space<vmem>> -> memref<16x128xf32, #tpu.memory_space<vmem>>
      %dma_start3A_328 = arith.constant 0 : i32
      %dma_start3A_329 = tpu.memref_slice %arg4[%shift_right_arithmetic3A_316, %dma_start3A_324, %mul3A_323, %dma_start3A_328] : memref<50x4x1024x128xf32, #tpu.memory_space<hbm>> -> memref<1x1x16x128xf32, #tpu.memory_space<hbm>>
      %dma_start3A_330 = tpu.memref_squeeze %dma_start3A_329 : memref<1x1x16x128xf32, #tpu.memory_space<hbm>> -> memref<16x128xf32, #tpu.memory_space<hbm>>
      %dma_start3A_331 = arith.constant 0 : i32
      %dma_start3A_332 = tpu.memref_slice %arg4[%shift_right_arithmetic3A_316, %dma_start3A_324, %mul3A_323, %dma_start3A_331] : memref<50x4x1024x128xf32, #tpu.memory_space<hbm>> -> memref<1x1x16x128xf32, #tpu.memory_space<hbm>>
      %dma_start3A_333 = tpu.memref_squeeze %dma_start3A_332 : memref<1x1x16x128xf32, #tpu.memory_space<hbm>> -> memref<16x128xf32, #tpu.memory_space<hbm>>
      %dma_start3A_334 = arith.constant 0 : i32
      %dma_start3A_335 = arith.constant 0 : i32
      %dma_start3A_336 = tpu.memref_slice %arg9[%dma_start3A_334, %dma_start3A_335] : memref<64x137xf32, #tpu.memory_space<vmem>> -> memref<16x128xf32, #tpu.memory_space<vmem>>
      tpu.enqueue_dma source(%dma_start3A_336 : memref<16x128xf32, #tpu.memory_space<vmem>>) target(%dma_start3A_333 : memref<16x128xf32, #tpu.memory_space<hbm>>) target_semaphore(%arg13 : memref<!tpu.dma_semaphore, #tpu.memory_space<semaphore_mem>>)
      %dma_start3A_337 = arith.constant 1 : i32
      %dma_start3A_338 = arith.constant 16 : i32
      %dma_start3A_339 = arith.constant 0 : i32
      %dma_start3A_340 = tpu.memref_slice %arg9[%dma_start3A_338, %dma_start3A_339] : memref<64x137xf32, #tpu.memory_space<vmem>> -> memref<16x128xf32, #tpu.memory_space<vmem>>
      %dma_start3A_341 = arith.constant 0 : i32
      %dma_start3A_342 = tpu.memref_slice %arg4[%shift_right_arithmetic3A_316, %dma_start3A_337, %mul3A_323, %dma_start3A_341] : memref<50x4x1024x128xf32, #tpu.memory_space<hbm>> -> memref<1x1x16x128xf32, #tpu.memory_space<hbm>>
      %dma_start3A_343 = tpu.memref_squeeze %dma_start3A_342 : memref<1x1x16x128xf32, #tpu.memory_space<hbm>> -> memref<16x128xf32, #tpu.memory_space<hbm>>
      %dma_start3A_344 = arith.constant 0 : i32
      %dma_start3A_345 = tpu.memref_slice %arg4[%shift_right_arithmetic3A_316, %dma_start3A_337, %mul3A_323, %dma_start3A_344] : memref<50x4x1024x128xf32, #tpu.memory_space<hbm>> -> memref<1x1x16x128xf32, #tpu.memory_space<hbm>>
      %dma_start3A_346 = tpu.memref_squeeze %dma_start3A_345 : memref<1x1x16x128xf32, #tpu.memory_space<hbm>> -> memref<16x128xf32, #tpu.memory_space<hbm>>
      %dma_start3A_347 = arith.constant 16 : i32
      %dma_start3A_348 = arith.constant 0 : i32
      %dma_start3A_349 = tpu.memref_slice %arg9[%dma_start3A_347, %dma_start3A_348] : memref<64x137xf32, #tpu.memory_space<vmem>> -> memref<16x128xf32, #tpu.memory_space<vmem>>
      tpu.enqueue_dma source(%dma_start3A_349 : memref<16x128xf32, #tpu.memory_space<vmem>>) target(%dma_start3A_346 : memref<16x128xf32, #tpu.memory_space<hbm>>) target_semaphore(%arg13 : memref<!tpu.dma_semaphore, #tpu.memory_space<semaphore_mem>>)
      %dma_start3A_350 = arith.constant 2 : i32
      %dma_start3A_351 = arith.constant 32 : i32
      %dma_start3A_352 = arith.constant 0 : i32
      %dma_start3A_353 = tpu.memref_slice %arg9[%dma_start3A_351, %dma_start3A_352] : memref<64x137xf32, #tpu.memory_space<vmem>> -> memref<16x128xf32, #tpu.memory_space<vmem>>
      %dma_start3A_354 = arith.constant 0 : i32
      %dma_start3A_355 = tpu.memref_slice %arg4[%shift_right_arithmetic3A_316, %dma_start3A_350, %mul3A_323, %dma_start3A_354] : memref<50x4x1024x128xf32, #tpu.memory_space<hbm>> -> memref<1x1x16x128xf32, #tpu.memory_space<hbm>>
      %dma_start3A_356 = tpu.memref_squeeze %dma_start3A_355 : memref<1x1x16x128xf32, #tpu.memory_space<hbm>> -> memref<16x128xf32, #tpu.memory_space<hbm>>
      %dma_start3A_357 = arith.constant 0 : i32
      %dma_start3A_358 = tpu.memref_slice %arg4[%shift_right_arithmetic3A_316, %dma_start3A_350, %mul3A_323, %dma_start3A_357] : memref<50x4x1024x128xf32, #tpu.memory_space<hbm>> -> memref<1x1x16x128xf32, #tpu.memory_space<hbm>>
      %dma_start3A_359 = tpu.memref_squeeze %dma_start3A_358 : memref<1x1x16x128xf32, #tpu.memory_space<hbm>> -> memref<16x128xf32, #tpu.memory_space<hbm>>
      %dma_start3A_360 = arith.constant 32 : i32
      %dma_start3A_361 = arith.constant 0 : i32
      %dma_start3A_362 = tpu.memref_slice %arg9[%dma_start3A_360, %dma_start3A_361] : memref<64x137xf32, #tpu.memory_space<vmem>> -> memref<16x128xf32, #tpu.memory_space<vmem>>
      tpu.enqueue_dma source(%dma_start3A_362 : memref<16x128xf32, #tpu.memory_space<vmem>>) target(%dma_start3A_359 : memref<16x128xf32, #tpu.memory_space<hbm>>) target_semaphore(%arg13 : memref<!tpu.dma_semaphore, #tpu.memory_space<semaphore_mem>>)
      %dma_start3A_363 = arith.constant 3 : i32
      %dma_start3A_364 = arith.constant 48 : i32
      %dma_start3A_365 = arith.constant 0 : i32
      %dma_start3A_366 = tpu.memref_slice %arg9[%dma_start3A_364, %dma_start3A_365] : memref<64x137xf32, #tpu.memory_space<vmem>> -> memref<16x128xf32, #tpu.memory_space<vmem>>
      %dma_start3A_367 = arith.constant 0 : i32
      %dma_start3A_368 = tpu.memref_slice %arg4[%shift_right_arithmetic3A_316, %dma_start3A_363, %mul3A_323, %dma_start3A_367] : memref<50x4x1024x128xf32, #tpu.memory_space<hbm>> -> memref<1x1x16x128xf32, #tpu.memory_space<hbm>>
      %dma_start3A_369 = tpu.memref_squeeze %dma_start3A_368 : memref<1x1x16x128xf32, #tpu.memory_space<hbm>> -> memref<16x128xf32, #tpu.memory_space<hbm>>
      %dma_start3A_370 = arith.constant 0 : i32
      %dma_start3A_371 = tpu.memref_slice %arg4[%shift_right_arithmetic3A_316, %dma_start3A_363, %mul3A_323, %dma_start3A_370] : memref<50x4x1024x128xf32, #tpu.memory_space<hbm>> -> memref<1x1x16x128xf32, #tpu.memory_space<hbm>>
      %dma_start3A_372 = tpu.memref_squeeze %dma_start3A_371 : memref<1x1x16x128xf32, #tpu.memory_space<hbm>> -> memref<16x128xf32, #tpu.memory_space<hbm>>
      %dma_start3A_373 = arith.constant 48 : i32
      %dma_start3A_374 = arith.constant 0 : i32
      %dma_start3A_375 = tpu.memref_slice %arg9[%dma_start3A_373, %dma_start3A_374] : memref<64x137xf32, #tpu.memory_space<vmem>> -> memref<16x128xf32, #tpu.memory_space<vmem>>
      tpu.enqueue_dma source(%dma_start3A_375 : memref<16x128xf32, #tpu.memory_space<vmem>>) target(%dma_start3A_372 : memref<16x128xf32, #tpu.memory_space<hbm>>) target_semaphore(%arg13 : memref<!tpu.dma_semaphore, #tpu.memory_space<semaphore_mem>>)
      %add3A_376 = arith.constant 2 : i32
      %add3A_377 = arith.addi %add3A_284, %add3A_376 : i32
      %lt3A_378 = arith.constant 100 : i32
      %lt3A_379 = arith.cmpi slt, %add3A_377, %lt3A_378 : i32
      %convert_element_type3A_380 = arith.extui %lt3A_379 : i1 to i32
      %cond3A_381 = arith.constant 0 : i32
      %cond3A_382 = arith.cmpi ne, %convert_element_type3A_380, %cond3A_381 : i32
      scf.if %cond3A_382 {
        %add3A_383 = arith.constant 2 : i32
        %add3A_384 = arith.addi %add3A_284, %add3A_383 : i32
        %shift_right_arithmetic3A_385 = arith.constant 1 : i32
        %shift_right_arithmetic3A_386 = arith.shrsi %add3A_384, %shift_right_arithmetic3A_385 : i32
        %and3A_387 = arith.constant 1 : i32
        %and3A_388 = arith.andi %add3A_384, %and3A_387 : i32
        %mul3A_389 = arith.constant 2 : i32
        %mul3A_390 = arith.muli %and3A_388, %mul3A_389 : i32
        %add3A_391 = arith.constant 0 : i32
        %add3A_392 = arith.addi %mul3A_390, %add3A_391 : i32
        %dma_start3A_393 = arith.constant 0 : i32
        %dma_start3A_394 = arith.constant 0 : i32
        %dma_start3A_395 = tpu.memref_slice %arg7[%dma_start3A_393, %dma_start3A_394] : memref<256x32xf32, #tpu.memory_space<vmem>> -> memref<128x32xf32, #tpu.memory_space<vmem>>
        %dma_start3A_396 = arith.constant 0 : i32
        %dma_start3A_397 = tpu.memref_slice %arg5[%shift_right_arithmetic3A_386, %add3A_392, %dma_start3A_396] : memref<50x4x128xi32, #tpu.memory_space<vmem>> -> memref<1x1x128xi32, #tpu.memory_space<vmem>>
        %dma_start3A_398 = tpu.memref_squeeze %dma_start3A_397 : memref<1x1x128xi32, #tpu.memory_space<vmem>> -> memref<128xi32, #tpu.memory_space<vmem>>
        %dma_start3A_399 = arith.constant 0 : i32
        %dma_start3A_400 = arith.constant 0 : i32
        %dma_start3A_401 = tpu.memref_slice %arg3[%dma_start3A_399, %dma_start3A_400] : memref<1000000x32xf32, #tpu.memory_space<hbm>> -> memref<1000000x32xf32, #tpu.memory_space<hbm>>
        tpu.enqueue_indirect_dma source(%dma_start3A_401 : memref<1000000x32xf32, #tpu.memory_space<hbm>>) target(%dma_start3A_395 : memref<128x32xf32, #tpu.memory_space<vmem>>) offsets(%dma_start3A_398 : memref<128xi32, #tpu.memory_space<vmem>>) semaphore(%arg11 : memref<!tpu.dma_semaphore, #tpu.memory_space<semaphore_mem>>)
        %mul3A_402 = arith.constant 2 : i32
        %mul3A_403 = arith.muli %and3A_388, %mul3A_402 : i32
        %add3A_404 = arith.constant 1 : i32
        %add3A_405 = arith.addi %mul3A_403, %add3A_404 : i32
        %dma_start3A_406 = arith.constant 128 : i32
        %dma_start3A_407 = arith.constant 0 : i32
        %dma_start3A_408 = tpu.memref_slice %arg7[%dma_start3A_406, %dma_start3A_407] : memref<256x32xf32, #tpu.memory_space<vmem>> -> memref<128x32xf32, #tpu.memory_space<vmem>>
        %dma_start3A_409 = arith.constant 0 : i32
        %dma_start3A_410 = tpu.memref_slice %arg5[%shift_right_arithmetic3A_386, %add3A_405, %dma_start3A_409] : memref<50x4x128xi32, #tpu.memory_space<vmem>> -> memref<1x1x128xi32, #tpu.memory_space<vmem>>
        %dma_start3A_411 = tpu.memref_squeeze %dma_start3A_410 : memref<1x1x128xi32, #tpu.memory_space<vmem>> -> memref<128xi32, #tpu.memory_space<vmem>>
        %dma_start3A_412 = arith.constant 0 : i32
        %dma_start3A_413 = arith.constant 0 : i32
        %dma_start3A_414 = tpu.memref_slice %arg3[%dma_start3A_412, %dma_start3A_413] : memref<1000000x32xf32, #tpu.memory_space<hbm>> -> memref<1000000x32xf32, #tpu.memory_space<hbm>>
        tpu.enqueue_indirect_dma source(%dma_start3A_414 : memref<1000000x32xf32, #tpu.memory_space<hbm>>) target(%dma_start3A_408 : memref<128x32xf32, #tpu.memory_space<vmem>>) offsets(%dma_start3A_411 : memref<128xi32, #tpu.memory_space<vmem>>) semaphore(%arg11 : memref<!tpu.dma_semaphore, #tpu.memory_space<semaphore_mem>>)
      } else {
      }
    }
    %scan3A_58 = arith.constant 50 : i32
    %dma_wait3A = arith.constant 0 : i32
    %dma_wait3A_59 = arith.constant 0 : i32
    %dma_wait3A_60 = arith.constant 0 : i32
    %dma_wait3A_61 = arith.constant 0 : i32
    %dma_wait3A_62 = tpu.memref_slice %arg8[%dma_wait3A_60, %dma_wait3A_61] : memref<64x137xf32, #tpu.memory_space<vmem>> -> memref<16x128xf32, #tpu.memory_space<vmem>>
    %dma_wait3A_63 = arith.constant 0 : i32
    %dma_wait3A_64 = arith.constant 0 : i32
    %dma_wait3A_65 = tpu.memref_slice %arg4[%dma_wait3A, %dma_wait3A_59, %dma_wait3A_63, %dma_wait3A_64] : memref<50x4x1024x128xf32, #tpu.memory_space<hbm>> -> memref<1x1x16x128xf32, #tpu.memory_space<hbm>>
    %dma_wait3A_66 = tpu.memref_squeeze %dma_wait3A_65 : memref<1x1x16x128xf32, #tpu.memory_space<hbm>> -> memref<16x128xf32, #tpu.memory_space<hbm>>
    %dma_wait3A_67 = arith.constant 0 : i32
    %dma_wait3A_68 = arith.constant 0 : i32
    %dma_wait3A_69 = tpu.memref_slice %arg4[%dma_wait3A, %dma_wait3A_59, %dma_wait3A_67, %dma_wait3A_68] : memref<50x4x1024x128xf32, #tpu.memory_space<hbm>> -> memref<1x1x16x128xf32, #tpu.memory_space<hbm>>
    %dma_wait3A_70 = tpu.memref_squeeze %dma_wait3A_69 : memref<1x1x16x128xf32, #tpu.memory_space<hbm>> -> memref<16x128xf32, #tpu.memory_space<hbm>>
    %dma_wait3A_71 = arith.constant 0 : i32
    %dma_wait3A_72 = arith.constant 0 : i32
    %dma_wait3A_73 = tpu.memref_slice %arg8[%dma_wait3A_71, %dma_wait3A_72] : memref<64x137xf32, #tpu.memory_space<vmem>> -> memref<16x128xf32, #tpu.memory_space<vmem>>
    tpu.wait_dma2 semaphore(%arg12 : memref<!tpu.dma_semaphore, #tpu.memory_space<semaphore_mem>>) src(%dma_wait3A_73 : memref<16x128xf32, #tpu.memory_space<vmem>>) dst(%dma_wait3A_70 : memref<16x128xf32, #tpu.memory_space<hbm>>)
    %dma_wait3A_74 = arith.constant 0 : i32
    %dma_wait3A_75 = arith.constant 0 : i32
    %dma_wait3A_76 = arith.constant 0 : i32
    %dma_wait3A_77 = arith.constant 0 : i32
    %dma_wait3A_78 = tpu.memref_slice %arg8[%dma_wait3A_76, %dma_wait3A_77] : memref<64x137xf32, #tpu.memory_space<vmem>> -> memref<16x128xf32, #tpu.memory_space<vmem>>
    %dma_wait3A_79 = arith.constant 0 : i32
    %dma_wait3A_80 = arith.constant 0 : i32
    %dma_wait3A_81 = tpu.memref_slice %arg4[%dma_wait3A_74, %dma_wait3A_75, %dma_wait3A_79, %dma_wait3A_80] : memref<50x4x1024x128xf32, #tpu.memory_space<hbm>> -> memref<1x1x16x128xf32, #tpu.memory_space<hbm>>
    %dma_wait3A_82 = tpu.memref_squeeze %dma_wait3A_81 : memref<1x1x16x128xf32, #tpu.memory_space<hbm>> -> memref<16x128xf32, #tpu.memory_space<hbm>>
    %dma_wait3A_83 = arith.constant 0 : i32
    %dma_wait3A_84 = arith.constant 0 : i32
    %dma_wait3A_85 = tpu.memref_slice %arg4[%dma_wait3A_74, %dma_wait3A_75, %dma_wait3A_83, %dma_wait3A_84] : memref<50x4x1024x128xf32, #tpu.memory_space<hbm>> -> memref<1x1x16x128xf32, #tpu.memory_space<hbm>>
    %dma_wait3A_86 = tpu.memref_squeeze %dma_wait3A_85 : memref<1x1x16x128xf32, #tpu.memory_space<hbm>> -> memref<16x128xf32, #tpu.memory_space<hbm>>
    %dma_wait3A_87 = arith.constant 0 : i32
    %dma_wait3A_88 = arith.constant 0 : i32
    %dma_wait3A_89 = tpu.memref_slice %arg8[%dma_wait3A_87, %dma_wait3A_88] : memref<64x137xf32, #tpu.memory_space<vmem>> -> memref<16x128xf32, #tpu.memory_space<vmem>>
    tpu.wait_dma2 semaphore(%arg12 : memref<!tpu.dma_semaphore, #tpu.memory_space<semaphore_mem>>) src(%dma_wait3A_89 : memref<16x128xf32, #tpu.memory_space<vmem>>) dst(%dma_wait3A_86 : memref<16x128xf32, #tpu.memory_space<hbm>>)
    %dma_wait3A_90 = arith.constant 0 : i32
    %dma_wait3A_91 = arith.constant 0 : i32
    %dma_wait3A_92 = arith.constant 0 : i32
    %dma_wait3A_93 = arith.constant 0 : i32
    %dma_wait3A_94 = tpu.memref_slice %arg8[%dma_wait3A_92, %dma_wait3A_93] : memref<64x137xf32, #tpu.memory_space<vmem>> -> memref<16x128xf32, #tpu.memory_space<vmem>>
    %dma_wait3A_95 = arith.constant 0 : i32
    %dma_wait3A_96 = arith.constant 0 : i32
    %dma_wait3A_97 = tpu.memref_slice %arg4[%dma_wait3A_90, %dma_wait3A_91, %dma_wait3A_95, %dma_wait3A_96] : memref<50x4x1024x128xf32, #tpu.memory_space<hbm>> -> memref<1x1x16x128xf32, #tpu.memory_space<hbm>>
    %dma_wait3A_98 = tpu.memref_squeeze %dma_wait3A_97 : memref<1x1x16x128xf32, #tpu.memory_space<hbm>> -> memref<16x128xf32, #tpu.memory_space<hbm>>
    %dma_wait3A_99 = arith.constant 0 : i32
    %dma_wait3A_100 = arith.constant 0 : i32
    %dma_wait3A_101 = tpu.memref_slice %arg4[%dma_wait3A_90, %dma_wait3A_91, %dma_wait3A_99, %dma_wait3A_100] : memref<50x4x1024x128xf32, #tpu.memory_space<hbm>> -> memref<1x1x16x128xf32, #tpu.memory_space<hbm>>
    %dma_wait3A_102 = tpu.memref_squeeze %dma_wait3A_101 : memref<1x1x16x128xf32, #tpu.memory_space<hbm>> -> memref<16x128xf32, #tpu.memory_space<hbm>>
    %dma_wait3A_103 = arith.constant 0 : i32
    %dma_wait3A_104 = arith.constant 0 : i32
    %dma_wait3A_105 = tpu.memref_slice %arg8[%dma_wait3A_103, %dma_wait3A_104] : memref<64x137xf32, #tpu.memory_space<vmem>> -> memref<16x128xf32, #tpu.memory_space<vmem>>
    tpu.wait_dma2 semaphore(%arg12 : memref<!tpu.dma_semaphore, #tpu.memory_space<semaphore_mem>>) src(%dma_wait3A_105 : memref<16x128xf32, #tpu.memory_space<vmem>>) dst(%dma_wait3A_102 : memref<16x128xf32, #tpu.memory_space<hbm>>)
    %dma_wait3A_106 = arith.constant 0 : i32
    %dma_wait3A_107 = arith.constant 0 : i32
    %dma_wait3A_108 = arith.constant 0 : i32
    %dma_wait3A_109 = arith.constant 0 : i32
    %dma_wait3A_110 = tpu.memref_slice %arg8[%dma_wait3A_108, %dma_wait3A_109] : memref<64x137xf32, #tpu.memory_space<vmem>> -> memref<16x128xf32, #tpu.memory_space<vmem>>
    %dma_wait3A_111 = arith.constant 0 : i32
    %dma_wait3A_112 = arith.constant 0 : i32
    %dma_wait3A_113 = tpu.memref_slice %arg4[%dma_wait3A_106, %dma_wait3A_107, %dma_wait3A_111, %dma_wait3A_112] : memref<50x4x1024x128xf32, #tpu.memory_space<hbm>> -> memref<1x1x16x128xf32, #tpu.memory_space<hbm>>
    %dma_wait3A_114 = tpu.memref_squeeze %dma_wait3A_113 : memref<1x1x16x128xf32, #tpu.memory_space<hbm>> -> memref<16x128xf32, #tpu.memory_space<hbm>>
    %dma_wait3A_115 = arith.constant 0 : i32
    %dma_wait3A_116 = arith.constant 0 : i32
    %dma_wait3A_117 = tpu.memref_slice %arg4[%dma_wait3A_106, %dma_wait3A_107, %dma_wait3A_115, %dma_wait3A_116] : memref<50x4x1024x128xf32, #tpu.memory_space<hbm>> -> memref<1x1x16x128xf32, #tpu.memory_space<hbm>>
    %dma_wait3A_118 = tpu.memref_squeeze %dma_wait3A_117 : memref<1x1x16x128xf32, #tpu.memory_space<hbm>> -> memref<16x128xf32, #tpu.memory_space<hbm>>
    %dma_wait3A_119 = arith.constant 0 : i32
    %dma_wait3A_120 = arith.constant 0 : i32
    %dma_wait3A_121 = tpu.memref_slice %arg8[%dma_wait3A_119, %dma_wait3A_120] : memref<64x137xf32, #tpu.memory_space<vmem>> -> memref<16x128xf32, #tpu.memory_space<vmem>>
    tpu.wait_dma2 semaphore(%arg12 : memref<!tpu.dma_semaphore, #tpu.memory_space<semaphore_mem>>) src(%dma_wait3A_121 : memref<16x128xf32, #tpu.memory_space<vmem>>) dst(%dma_wait3A_118 : memref<16x128xf32, #tpu.memory_space<hbm>>)
    %dma_wait3A_122 = arith.constant 0 : i32
    %dma_wait3A_123 = arith.constant 0 : i32
    %dma_wait3A_124 = arith.constant 0 : i32
    %dma_wait3A_125 = arith.constant 0 : i32
    %dma_wait3A_126 = tpu.memref_slice %arg8[%dma_wait3A_124, %dma_wait3A_125] : memref<64x137xf32, #tpu.memory_space<vmem>> -> memref<16x128xf32, #tpu.memory_space<vmem>>
    %dma_wait3A_127 = arith.constant 0 : i32
    %dma_wait3A_128 = arith.constant 0 : i32
    %dma_wait3A_129 = tpu.memref_slice %arg4[%dma_wait3A_122, %dma_wait3A_123, %dma_wait3A_127, %dma_wait3A_128] : memref<50x4x1024x128xf32, #tpu.memory_space<hbm>> -> memref<1x1x16x128xf32, #tpu.memory_space<hbm>>
    %dma_wait3A_130 = tpu.memref_squeeze %dma_wait3A_129 : memref<1x1x16x128xf32, #tpu.memory_space<hbm>> -> memref<16x128xf32, #tpu.memory_space<hbm>>
    %dma_wait3A_131 = arith.constant 0 : i32
    %dma_wait3A_132 = arith.constant 0 : i32
    %dma_wait3A_133 = tpu.memref_slice %arg4[%dma_wait3A_122, %dma_wait3A_123, %dma_wait3A_131, %dma_wait3A_132] : memref<50x4x1024x128xf32, #tpu.memory_space<hbm>> -> memref<1x1x16x128xf32, #tpu.memory_space<hbm>>
    %dma_wait3A_134 = tpu.memref_squeeze %dma_wait3A_133 : memref<1x1x16x128xf32, #tpu.memory_space<hbm>> -> memref<16x128xf32, #tpu.memory_space<hbm>>
    %dma_wait3A_135 = arith.constant 0 : i32
    %dma_wait3A_136 = arith.constant 0 : i32
    %dma_wait3A_137 = tpu.memref_slice %arg8[%dma_wait3A_135, %dma_wait3A_136] : memref<64x137xf32, #tpu.memory_space<vmem>> -> memref<16x128xf32, #tpu.memory_space<vmem>>
    tpu.wait_dma2 semaphore(%arg13 : memref<!tpu.dma_semaphore, #tpu.memory_space<semaphore_mem>>) src(%dma_wait3A_137 : memref<16x128xf32, #tpu.memory_space<vmem>>) dst(%dma_wait3A_134 : memref<16x128xf32, #tpu.memory_space<hbm>>)
    %dma_wait3A_138 = arith.constant 0 : i32
    %dma_wait3A_139 = arith.constant 0 : i32
    %dma_wait3A_140 = arith.constant 0 : i32
    %dma_wait3A_141 = arith.constant 0 : i32
    %dma_wait3A_142 = tpu.memref_slice %arg8[%dma_wait3A_140, %dma_wait3A_141] : memref<64x137xf32, #tpu.memory_space<vmem>> -> memref<16x128xf32, #tpu.memory_space<vmem>>
    %dma_wait3A_143 = arith.constant 0 : i32
    %dma_wait3A_144 = arith.constant 0 : i32
    %dma_wait3A_145 = tpu.memref_slice %arg4[%dma_wait3A_138, %dma_wait3A_139, %dma_wait3A_143, %dma_wait3A_144] : memref<50x4x1024x128xf32, #tpu.memory_space<hbm>> -> memref<1x1x16x128xf32, #tpu.memory_space<hbm>>
    %dma_wait3A_146 = tpu.memref_squeeze %dma_wait3A_145 : memref<1x1x16x128xf32, #tpu.memory_space<hbm>> -> memref<16x128xf32, #tpu.memory_space<hbm>>
    %dma_wait3A_147 = arith.constant 0 : i32
    %dma_wait3A_148 = arith.constant 0 : i32
    %dma_wait3A_149 = tpu.memref_slice %arg4[%dma_wait3A_138, %dma_wait3A_139, %dma_wait3A_147, %dma_wait3A_148] : memref<50x4x1024x128xf32, #tpu.memory_space<hbm>> -> memref<1x1x16x128xf32, #tpu.memory_space<hbm>>
    %dma_wait3A_150 = tpu.memref_squeeze %dma_wait3A_149 : memref<1x1x16x128xf32, #tpu.memory_space<hbm>> -> memref<16x128xf32, #tpu.memory_space<hbm>>
    %dma_wait3A_151 = arith.constant 0 : i32
    %dma_wait3A_152 = arith.constant 0 : i32
    %dma_wait3A_153 = tpu.memref_slice %arg8[%dma_wait3A_151, %dma_wait3A_152] : memref<64x137xf32, #tpu.memory_space<vmem>> -> memref<16x128xf32, #tpu.memory_space<vmem>>
    tpu.wait_dma2 semaphore(%arg13 : memref<!tpu.dma_semaphore, #tpu.memory_space<semaphore_mem>>) src(%dma_wait3A_153 : memref<16x128xf32, #tpu.memory_space<vmem>>) dst(%dma_wait3A_150 : memref<16x128xf32, #tpu.memory_space<hbm>>)
    %dma_wait3A_154 = arith.constant 0 : i32
    %dma_wait3A_155 = arith.constant 0 : i32
    %dma_wait3A_156 = arith.constant 0 : i32
    %dma_wait3A_157 = arith.constant 0 : i32
    %dma_wait3A_158 = tpu.memref_slice %arg8[%dma_wait3A_156, %dma_wait3A_157] : memref<64x137xf32, #tpu.memory_space<vmem>> -> memref<16x128xf32, #tpu.memory_space<vmem>>
    %dma_wait3A_159 = arith.constant 0 : i32
    %dma_wait3A_160 = arith.constant 0 : i32
    %dma_wait3A_161 = tpu.memref_slice %arg4[%dma_wait3A_154, %dma_wait3A_155, %dma_wait3A_159, %dma_wait3A_160] : memref<50x4x1024x128xf32, #tpu.memory_space<hbm>> -> memref<1x1x16x128xf32, #tpu.memory_space<hbm>>
    %dma_wait3A_162 = tpu.memref_squeeze %dma_wait3A_161 : memref<1x1x16x128xf32, #tpu.memory_space<hbm>> -> memref<16x128xf32, #tpu.memory_space<hbm>>
    %dma_wait3A_163 = arith.constant 0 : i32
    %dma_wait3A_164 = arith.constant 0 : i32
    %dma_wait3A_165 = tpu.memref_slice %arg4[%dma_wait3A_154, %dma_wait3A_155, %dma_wait3A_163, %dma_wait3A_164] : memref<50x4x1024x128xf32, #tpu.memory_space<hbm>> -> memref<1x1x16x128xf32, #tpu.memory_space<hbm>>
    %dma_wait3A_166 = tpu.memref_squeeze %dma_wait3A_165 : memref<1x1x16x128xf32, #tpu.memory_space<hbm>> -> memref<16x128xf32, #tpu.memory_space<hbm>>
    %dma_wait3A_167 = arith.constant 0 : i32
    %dma_wait3A_168 = arith.constant 0 : i32
    %dma_wait3A_169 = tpu.memref_slice %arg8[%dma_wait3A_167, %dma_wait3A_168] : memref<64x137xf32, #tpu.memory_space<vmem>> -> memref<16x128xf32, #tpu.memory_space<vmem>>
    tpu.wait_dma2 semaphore(%arg13 : memref<!tpu.dma_semaphore, #tpu.memory_space<semaphore_mem>>) src(%dma_wait3A_169 : memref<16x128xf32, #tpu.memory_space<vmem>>) dst(%dma_wait3A_166 : memref<16x128xf32, #tpu.memory_space<hbm>>)
    %dma_wait3A_170 = arith.constant 0 : i32
    %dma_wait3A_171 = arith.constant 0 : i32
    %dma_wait3A_172 = arith.constant 0 : i32
    %dma_wait3A_173 = arith.constant 0 : i32
    %dma_wait3A_174 = tpu.memref_slice %arg8[%dma_wait3A_172, %dma_wait3A_173] : memref<64x137xf32, #tpu.memory_space<vmem>> -> memref<16x128xf32, #tpu.memory_space<vmem>>
    %dma_wait3A_175 = arith.constant 0 : i32
    %dma_wait3A_176 = arith.constant 0 : i32
    %dma_wait3A_177 = tpu.memref_slice %arg4[%dma_wait3A_170, %dma_wait3A_171, %dma_wait3A_175, %dma_wait3A_176] : memref<50x4x1024x128xf32, #tpu.memory_space<hbm>> -> memref<1x1x16x128xf32, #tpu.memory_space<hbm>>
    %dma_wait3A_178 = tpu.memref_squeeze %dma_wait3A_177 : memref<1x1x16x128xf32, #tpu.memory_space<hbm>> -> memref<16x128xf32, #tpu.memory_space<hbm>>
    %dma_wait3A_179 = arith.constant 0 : i32
    %dma_wait3A_180 = arith.constant 0 : i32
    %dma_wait3A_181 = tpu.memref_slice %arg4[%dma_wait3A_170, %dma_wait3A_171, %dma_wait3A_179, %dma_wait3A_180] : memref<50x4x1024x128xf32, #tpu.memory_space<hbm>> -> memref<1x1x16x128xf32, #tpu.memory_space<hbm>>
    %dma_wait3A_182 = tpu.memref_squeeze %dma_wait3A_181 : memref<1x1x16x128xf32, #tpu.memory_space<hbm>> -> memref<16x128xf32, #tpu.memory_space<hbm>>
    %dma_wait3A_183 = arith.constant 0 : i32
    %dma_wait3A_184 = arith.constant 0 : i32
    %dma_wait3A_185 = tpu.memref_slice %arg8[%dma_wait3A_183, %dma_wait3A_184] : memref<64x137xf32, #tpu.memory_space<vmem>> -> memref<16x128xf32, #tpu.memory_space<vmem>>
    tpu.wait_dma2 semaphore(%arg13 : memref<!tpu.dma_semaphore, #tpu.memory_space<semaphore_mem>>) src(%dma_wait3A_185 : memref<16x128xf32, #tpu.memory_space<vmem>>) dst(%dma_wait3A_182 : memref<16x128xf32, #tpu.memory_space<hbm>>)
    return
  }
}

</mosaic_0001>

<sc_bundles>
// kernel: _embed_impl.11.cloned.1.call-start
scs
__scs_entry_jumppad:
0x0: {  	(pc) =	sbr.rel $0x88, $3  }
0x1: {  	(tag) =	ssettag $0x0;
	lr =	simm.s32 $0x1  }
0x2: {  	[smem:$0x3F9F] =	sst lr;
	_ =	strace $0xD0000000  }
0x3: {  	_ = 	snop  }
0x4: {  	_ = 	snop  }
0x5: {  	_ = 	snop  }
0x6: {  	_ = 	snop  }
0x7: {  	_ = 	snop  }
__scs_overlays_trampoline_lowered:
0x8: {  	[smem:$0x3FAE] =	sst s0  }
0x9: {  	[smem:$0x3FAF] =	sst s1  }
0xa: {  	[smem:$0x3FB0] =	sst s2  }
0xb: {  	[smem:$0x3FB1] =	sst s3  }
0xc: {  	[smem:$0x3FB2] =	sst s4  }
0xd: {  	[smem:$0x3FB3] =	sst s5  }
0xe: {  	[smem:$0x3FB4] =	sst s6  }
0xf: {  	[smem:$0x3FB5] =	sst s7  }
0x10: {  	[smem:$0x3FB6] =	sst s8  }
0x11: {  	[smem:$0x3FB7] =	sst s9;
	s0 =	simm.s32 @!p0 $0x0  }
0x12: {  	s1 =	sld [smem:$0x3F9D];
	s0 =	simm.s32 @p0 $0x1  }
0x13: {  	[smem:$0x3FB8] =	sst s0;
	s0 =	simm.s32 @!p1 $0x0  }
0x14: {  	s2 =	sld [smem:$0x3F9C];
	s0 =	simm.s32 @p1 $0x1  }
0x15: {  	[smem:$0x3FB9] =	sst s0;
	s0 =	simm.s32 @!p2 $0x0  }
0x16: {  	s3 =	sld [smem:$0x3FDB];
	s0 =	simm.s32 @p2 $0x1  }
0x17: {  	s4 =	simm.s32 $0x1BF5;
	[smem:$0x3FBB] =	sst s0  }
0x18: {  	s0 =	sld [smem:$0x3F9E];
	_ =	swait.ge [sflag:s4], $0x0  }
0x19: {  	s7 =	sld [smem:$0x3F9F]  }
0x1a: {  	s8 =	sadd.s32 $0xFFFFE003, lr  }
0x1b: {  	s9 =	sadd.s32 $0xFFFFFEF7, lr;
	s5 =	simm.s32 $0xFFFFFFFF;
	p2 =	slt.u32 s8, $0xFFFFF086  }
0x1c: {  	p1 =	slt.u32 s9, $0xF7A;
	s5 =	simm.s32 @!p2 $0x0  }
0x1d: {  	s5 =	simm.s32 @p1 $0x1;
	p0 =	seq.s32 s7, s2  }
0x1e: {  	s7 =	smul.u32 @!p0 $0xF7A, s2;
	p2 =	seq.s32 @!p0 s5, $0x0  }
0x1f: {  	s9 =	smul.u32 $0xF7A, s1;
	s8 =	simm.s32 @!p0 $0x1BF5;
	p2 =	por !p2, p0  }
0x20: {  	[sflag:s8] =	ssyncset.s32 @!p0 $0xFFFFF086;
	s6 =	sadd.s32 @!p0 s3, s7;
	s7 =	simm.s32 @!p0 $0x108  }
0x21: {  	s3 =	sadd.s32 s3, s9;
	s6 =	sadd.s32 @!p0 $0x88, s6;
	s7 =	simm.s32 @p2 $0x1082  }
0x22: {  	[simem:s7], [sflag:s8] =	dma.local @!p0 [hbm:s6], $0xF7A  }
0x23: {  	s9 =	sor.u32 $0xD0000000, s2;
	s6 =	simm.s32 $0x108;
	_ =	swait.ge @!p0 [sflag:s8], $0x0  }
0x24: {  	s3 =	sadd.s32 $0x88, s3;
	s6 =	simm.s32 @!p1 $0x1082;
	[sflag:s4] =	ssyncset.s32 $0xFFFFF086  }
0x25: {  	[simem:s6], [sflag:s4] =	dma.local [hbm:s3], $0xF7A  }
0x26: {  	[smem:$0x3F9F] =	sst s1;
	(tag) =	ssettag s2;
	_ =	strace s9  }
0x27: {  	s1 =	sld [smem:$0x3FAF]  }
0x28: {  	s2 =	sld [smem:$0x3FB0]  }
0x29: {  	s4 =	sld [smem:$0x3FB2]  }
0x2a: {  	p0 =	seq.s32 s5, $0x0;
	s5 =	sld [smem:$0x3FB3]  }
0x2b: {  	s6 =	sld [smem:$0x3FB4]  }
0x2c: {  	s7 =	sld [smem:$0x3FB5]  }
0x2d: {  	s3 =	simm.s32 $0x108;
	s8 =	sld [smem:$0x3FB6]  }
0x2e: {  	s3 =	simm.s32 @!p0 $0x1082;
	s9 =	sld [smem:$0x3FB7]  }
0x2f: {  	lr =	sadd.s32 s0, s3;
	s0 =	sld [smem:$0x3FAE]  }
0x30: {  	s3 =	sld [smem:$0x3FB1]  }
0x31: {  	[smem:$0x3FBA] =	sst s10  }
0x32: {  	s10 =	sld [smem:$0x3FB8];
	_ =	sdelay $0x3  }
0x33: {  	p0 =	seq.s32 s10, $0x1;
	s10 =	sld [smem:$0x3FBA];
	_ =	sdelay $0x3  }
0x34: {  	[smem:$0x3FBA] =	sst s10  }
0x35: {  	s10 =	sld [smem:$0x3FB9];
	_ =	sdelay $0x3  }
0x36: {  	p1 =	seq.s32 s10, $0x1;
	s10 =	sld [smem:$0x3FBA];
	_ =	sdelay $0x3  }
0x37: {  	[smem:$0x3FBA] =	sst s10  }
0x38: {  	s10 =	sld [smem:$0x3FBB]  }
0x39: {  	_ = 	snop;
	(pc) =	sbr.ind lr, $3  }
0x3a: {  	_ = 	snop  }
0x3b: {  	_ = 	snop  }
0x3c: {  	p2 =	seq.s32 s10, $0x1;
	s10 =	sld [smem:$0x3FBA]  }
0x3d: {  	_ =	shalt  }
0x3e: {  	_ =	shalt  }
0x3f: {  	_ =	shalt  }
0x40: {  	_ =	shalt  }
0x41: {  	_ =	shalt  }
0x42: {  	_ =	shalt  }
0x43: {  	_ =	shalt  }
0x44: {  	_ =	shalt  }
0x45: {  	_ =	shalt  }
0x46: {  	_ =	shalt  }
0x47: {  	_ =	shalt  }
0x48: {  	_ =	shalt  }
0x49: {  	_ =	shalt  }
0x4a: {  	_ =	shalt  }
0x4b: {  	_ =	shalt  }
0x4c: {  	_ =	shalt  }
0x4d: {  	_ =	shalt  }
0x4e: {  	_ =	shalt  }
0x4f: {  	_ =	shalt  }
0x50: {  	_ =	shalt  }
0x51: {  	_ =	shalt  }
0x52: {  	_ =	shalt  }
0x53: {  	_ =	shalt  }
0x54: {  	_ =	shalt  }
0x55: {  	_ =	shalt  }
0x56: {  	_ =	shalt  }
0x57: {  	_ =	shalt  }
0x58: {  	_ =	shalt  }
0x59: {  	_ =	shalt  }
0x5a: {  	_ =	shalt  }
0x5b: {  	_ =	shalt  }
0x5c: {  	_ =	shalt  }
0x5d: {  	_ =	shalt  }
0x5e: {  	_ =	shalt  }
0x5f: {  	_ =	shalt  }
0x60: {  	_ =	shalt  }
0x61: {  	_ =	shalt  }
0x62: {  	_ =	shalt  }
0x63: {  	_ =	shalt  }
0x64: {  	_ =	shalt  }
0x65: {  	_ =	shalt  }
0x66: {  	_ =	shalt  }
0x67: {  	_ =	shalt  }
0x68: {  	_ =	shalt  }
0x69: {  	_ =	shalt  }
0x6a: {  	_ =	shalt  }
0x6b: {  	_ =	shalt  }
0x6c: {  	_ =	shalt  }
0x6d: {  	_ =	shalt  }
0x6e: {  	_ =	shalt  }
0x6f: {  	_ =	shalt  }
0x70: {  	_ =	shalt  }
0x71: {  	_ =	shalt  }
0x72: {  	_ =	shalt  }
0x73: {  	_ =	shalt  }
0x74: {  	_ =	shalt  }
0x75: {  	_ =	shalt  }
0x76: {  	_ =	shalt  }
0x77: {  	_ =	shalt  }
0x78: {  	_ =	shalt  }
0x79: {  	_ =	shalt  }
0x7a: {  	_ =	shalt  }
0x7b: {  	_ =	shalt  }
0x7c: {  	_ =	shalt  }
0x7d: {  	_ =	shalt  }
0x7e: {  	_ =	shalt  }
0x7f: {  	_ =	shalt  }
0x80: {  	_ =	shalt  }
0x81: {  	_ =	shalt  }
0x82: {  	_ =	shalt  }
0x83: {  	_ =	shalt  }
0x84: {  	_ =	shalt  }
0x85: {  	_ =	shalt  }
0x86: {  	_ =	shalt  }
0x87: {  	_ =	shalt  }
.Lfunc_end0:
.L_simem_size_0:
called_computation.2_lowered:
.L_overlay_start_0:
0x88: {  	s2 =	sld [smem:$0x3FD9]  }
0x89: {  	s3 =	sld [smem:$0x3FFE];
	_ =	sdelay $0x1  }
0x8a: {  	s1 =	srdreg.scid  }
0x8b: {  	s0 =	sand.u32 $0x1, s1  }
0x8c: {  	s17 =	sshll.u32 s0, $0xA;
	s2 =	sadd.s32 s3, s2  }
0x8d: {  	s2 =	sadd.s32 s2, s17  }
0x8e: {  	[smem:$0x3FC6] =	sst s2  }
0x8f: {  	_ = 	snop  }
0x90: {  	s2 =	sld [smem:$0x3FD0];
	(tm) =	ssettm $0x1  }
0x91: {  	s18 =	sld [smem:$0x3FFB];
	_ =	sdelay $0x3  }
0x92: {  	_ =	strace s18  }
0x93: {  	s3 =	sld [smem:$0x3FFC];
	_ =	sdelay $0x3  }
0x94: {  	_ =	strace s3  }
0x95: {  	s3 =	sld [smem:$0x3FFD];
	_ =	sdelay $0x3  }
0x96: {  	_ =	strace s3  }
0x97: {  	_ =	strace $0x8FFFFFFF  }
0x98: {  	s19 =	sld [smem:$0x3FDB];
	_ =	sdelay $0x1  }
0x99: {  	s4 =	simm.s32 $_scs_section_size  }
0x9a: {  	s5 =	simm.s32 $_size__tile_overlayer_lowered;
	s6 =	simm.s32 $_tile_overlayer_lowered  }
0x9b: {  	s22 =	simm.s32 $0x1BFF;
	s21 =	sshll.u32 s6, $0x1;
	s3 =	sadd.s32 s4, s19  }
0x9c: {  	s7 =	simm.s32 $0x0;
	s20 =	sshll.u32 s5, $0x1;
	s5 =	sadd.s32 s21, s3  }
0x9d: {  	[timem:s7], [sflag:s22] =	dma.local [hbm:s5], s20  }
0x9e: {  	_ =	swait.ge [sflag:s22], s20  }
0x9f: {  	s4 =	ssub.s32 $0x0, s20;
	[sflag:s22] =	ssyncset.done $0x0  }
0xa0: {  	[sflag:s22] =	ssyncadd.s32 s4;
	_ =	sdelay $0x1  }
0xa1: {  	s23 =	simm.s32 $0x1B8B  }
0xa2: {  	_ =	swait.ge [sflag:s23], $0x1  }
0xa3: {  	[sflag:s23] =	ssyncset.done $0x0  }
0xa4: {  	s25 =	simm.s32 $0x1B8E;
	s24 =	sld [smem:$0x3FFE];
	[sflag:s23] =	ssyncadd.s32 $0xFFFFFFFF  }
0xa5: {  	s26 =	simm.s32 $execute0_lowered;
	[smem:$0x3FD2] =	sst s25  }
0xa6: {  	s5 =	sshll.u32 s26, $0x1;
	_ =	strace $0x8000004C;
	[dreg:$0x1] =	wrdreg $0xFFFFFFFF  }
0xa7: {  	s28 =	simm.s32 $_size_execute0_lowered;
	s3 =	sadd.s32 s3, s5;
	[dreg:$0x0] =	wrdreg $0x0  }
0xa8: {  	s5 =	sshll.u32 s28, $0x1;
	[dreg:$0x2] =	wrdreg s3  }
0xa9: {  	[dreg:$0x3] =	wrdreg s5  }
0xaa: {  	[dreg:$0x4] =	wrdreg $0xC0  }
0xab: {  	_ =	task [dreg:s7], $0x5FFFF  }
0xac: {  	[dreg:$0x1] =	wrdreg $0xFFFFFFFF  }
0xad: {  	[dreg:$0x0] =	wrdreg $0x60  }
0xae: {  	[dreg:$0x2] =	wrdreg s24  }
0xaf: {  	[dreg:$0x3] =	wrdreg s2  }
0xb0: {  	[dreg:$0x4] =	wrdreg $0x9  }
0xb1: {  	_ =	task.clear_ibuf [dreg:s7], $0x5FFFF;
	_ =	strace $0x9000004C  }
0xb2: {  	s29 =	simm.s32 $0x9;
	_ =	strace $0x8000004E  }
0xb3: {  	_ =	swait.ge [sflag:s29], $0x1  }
0xb4: {  	[sflag:s29] =	ssyncadd.s32 $0xFFFFFFFF  }
0xb5: {  	_ =	strace $0x9000004E  }
0xb6: {  	_ =	sfence  }
0xb7: {  	s30 =	sld [smem:$0x0];
	_ =	sdelay $0x2  }
0xb8: {  	s31 =	sshll.u32 s1, $0xD;
	s1 =	sshrl.u32 s1, $0x2  }
0xb9: {  	s3 =	sand.u32 $0x4000, s31;
	s1 =	sadd.s32 s1, s30  }
0xba: {  	s0 =	sor.u32 s3, s0;
	s1 =	sshll.u32 s1, $0x11  }
0xbb: {  	s0 =	sor.u32 s1, s0  }
0xbc: {  	s0 =	sadd.s32 $0x8F2B, s0  }
0xbd: {  	[sflag:s0] =	ssyncadd.remote.s32 $0x1  }
0xbe: {  	_ =	sfence.sel $0xFFFF  }
0xbf: {  	[dreg:$0x0] =	wrdreg $0xFFFFFFFF;
	(pc) =	sbr.abs _section_cstart, $3  }
0xc0: {  	[dreg:$0x1] =	wrdreg $0xFFFFFFFF  }
0xc1: {  	_ =	task.clear_ibuf [dreg:s7], $0x2FFFF;
	_ =	strace $0x9FFFFFFF  }
0xc2: {  	(tm) =	ssettm $0x7FFFFFFF  }
0xc3: {  	_ =	shalt  }
tec
execute0_lowered:
.L_overlay_start_1:
0x0: {  	(tag) =	ssettag $0x1  }
0x1: {  	s0 =	rddreg [dreg:$0x0];
	v0 =	vimm.s32 $0xCF0;
	vm0 =	vcmask $0x300;
	v1 =	vimm.s32 $0x1EF0  }
0x2: {  	s2 =	rddreg [dreg:$0x1];
	vm1 =	vcmask $0x704;
	v0 =	vsel vm0, $0x0, v0;
	v1 =	vsel vm0, $0x1200, v1  }
0x3: {  	s1 =	srdreg.scid;
	s4 =	stileid.u32;
	s3 =	simm.s32 $0x0;
	vm15 =	vcmask $0xB08;
	v0 =	vsel vm1, $0x90, v0;
	v1 =	vsel vm1, $0x1290, v1  }
0x4: {  	s15 =	simm.s32 $0x80;
	s22 =	simm.s32 $0x1;
	s23 =	simm.s32 $0xA400;
	vm4 =	vcmask $0xF0C;
	v0 =	vsel vm15, $0x120, v0;
	v1 =	vsel vm15, $0x1320, v1  }
0x5: {  	s28 =	simm.s32 $0x2;
	s29 =	simm.s32 $0xC800;
	vm5 =	vcmask $0x1310;
	s30 =	simm.s32 $0xE6F0;
	v0 =	vsel vm4, $0x1B0, v0;
	v1 =	vsel vm4, $0x13B0, v1  }
0x6: {  	vm6 =	vcmask $0x1714;
	s31 =	simm.s32 $0xE780;
	s12 =	simm.s32 $0xE930;
	s13 =	simm.s32 $0xE9C0;
	v0 =	vsel vm5, $0x240, v0;
	v1 =	vsel vm5, $0x1440, v1  }
0x7: {  	vm7 =	vcmask $0x1B18;
	s16 =	simm.s32 $0xEA50;
	s17 =	simm.s32 $0xEAE0;
	s18 =	simm.s32 $0xEB70;
	v0 =	vsel vm6, $0x2D0, v0;
	v1 =	vsel vm6, $0x14D0, v1  }
0x8: {  	vm8 =	vcmask $0x1F1C;
	s14 =	simm.s32 $0x0;
	s1 =	sand.u32 $0x1, s1;
	s4 =	sshll.u32 s4, $0x3;
	v0 =	vsel vm7, $0x360, v0;
	v1 =	vsel vm7, $0x1560, v1  }
0x9: {  	vm9 =	vcmask $0x2320;
	[smem:$0x7FF] =	sst s3;
	s8 =	sadd.s32 $0x8000, s2;
	s5 =	sshll.u32 s1, $0x2;
	v0 =	vsel vm8, $0x3F0, v0;
	v1 =	vsel vm8, $0x15F0, v1  }
0xa: {  	vm10 =	vcmask $0x2724;
	s9 =	sadd.s32 $0xC000, s2;
	s1 =	ssub.s32 $0x2, s1;
	s5 =	sor.u32 s5, s4;
	v0 =	vsel vm9, $0x900, v0;
	v1 =	vsel vm9, $0x1B00, v1  }
0xb: {  	vm11 =	vcmask $0x2B28;
	_ =	strace $0x8000004D;
	s6 =	sshrl.u32 s1, $0x1;
	s4 =	sshll.u32 s5, $0x4;
	v0 =	vsel vm10, $0x990, v0;
	v1 =	vsel vm10, $0x1B90, v1  }
.Ltmp0:
0xc: {  	vm12 =	vcmask $0x2F2C;
	s25 =	ssub.s32 s1, s6;
	s6 =	sshll.u32 s5, $0xA;
	v0 =	vsel vm11, $0xA20, v0;
	v1 =	vsel vm11, $0x1C20, v1;
	(pc) =	sbr.rel .LBB2_1-.Ltmp0, $4  }
0xd: {  	vm13 =	vcmask $0x3330;
	s1 =	simm.s32 $0xE8A0;
	s7 =	sadd.s32 s4, s0;
	s4 =	sadd.s32 $0x19C00, s0;
	v0 =	vsel vm12, $0xAB0, v0;
	v1 =	vsel vm12, $0x1CB0, v1  }
0xe: {  	vm14 =	vcmask $0x3734;
	s10 =	sor.u32 $0x800, s6;
	s0 =	smax.u32 s25, $0x1;
	s25 =	simm.s32 $0xE5D0;
	v0 =	vsel vm13, $0xB40, v0;
	v1 =	vsel vm13, $0x1D40, v1  }
0xf: {  	vm15 =	vcmask $0x3B38;
	s26 =	sadd.s32 $0xC00, s7;
	s7 =	sadd.s32 $0x4000, s2;
	[dreg:$0x4] =	wrdreg s0;
	v0 =	vsel vm14, $0xBD0, v0;
	v1 =	vsel vm14, $0x1DD0, v1  }
0x10: {  	s0 =	simm.s32 $0xE810;
	[dreg:$0x3] =	wrdreg s26;
	s26 =	simm.s32 $0xE660;
	v0 =	vsel vm15, $0xC60, v0;
	v1 =	vsel vm15, $0x1E60, v1  }
.LBB2_8:
0x11: {  	s5 =	simm.s32 $0x3  }
0x12: {  	_ =	swait.ge [sflag:s5], $0x800  }
0x13: {  	[sflag:s5] =	ssyncset.done $0x0  }
0x14: {  	[sflag:s5] =	ssyncadd.s32 $0xFFFFF800  }
0x15: {  	_ =	swait.ge [sflag:s5], $0x800  }
0x16: {  	[sflag:s5] =	ssyncset.done $0x0  }
0x17: {  	[sflag:s5] =	ssyncadd.s32 $0xFFFFF800  }
0x18: {  	_ =	swait.ge [sflag:s5], $0x800  }
0x19: {  	[sflag:s5] =	ssyncset.done $0x0  }
0x1a: {  	[sflag:s5] =	ssyncadd.s32 $0xFFFFF800  }
0x1b: {  	_ =	swait.ge [sflag:s5], $0x800  }
0x1c: {  	[sflag:s5] =	ssyncset.done $0x0  }
0x1d: {  	s11 =	simm.s32 $0x4;
	[sflag:s5] =	ssyncadd.s32 $0xFFFFF800  }
0x1e: {  	_ =	swait.ge [sflag:s11], $0x800  }
0x1f: {  	[sflag:s11] =	ssyncset.done $0x0  }
0x20: {  	[sflag:s11] =	ssyncadd.s32 $0xFFFFF800  }
0x21: {  	_ =	swait.ge [sflag:s11], $0x800  }
0x22: {  	[sflag:s11] =	ssyncset.done $0x0  }
0x23: {  	[sflag:s11] =	ssyncadd.s32 $0xFFFFF800  }
0x24: {  	_ =	swait.ge [sflag:s11], $0x800  }
0x25: {  	[sflag:s11] =	ssyncset.done $0x0  }
0x26: {  	[sflag:s11] =	ssyncadd.s32 $0xFFFFF800  }
0x27: {  	_ =	swait.ge [sflag:s11], $0x800  }
0x28: {  	s14 =	rddreg [dreg:$0x5]  }
0x29: {  	s24 =	rddreg [dreg:$0x4];
	s14 =	sadd.s32 $0x1, s14  }
0x2a: {  	p0 =	sne.s32 s14, s24  }
.Ltmp1:
0x2b: {  	_ = 	snop;
	(pc) =	sbr.rel @!p0 .LBB2_9-.Ltmp1, $3  }
0x2c: {  	_ =	sdelay $0x1  }
0x2d: {  	[sflag:s11] =	ssyncset.done $0x0  }
0x2e: {  	[sflag:s11] =	ssyncadd.s32 $0xFFFFF800  }
.LBB2_1:
0x2f: {  	[dreg:$0x5] =	wrdreg s14  }
0x30: {  	s5 =	rddreg [dreg:$0x3]  }
0x31: {  	s11 =	simm.s32 $0x200;
	s21 =	simm.s32 $0x4000;
	s24 =	simm.s32 $0x5  }
0x32: {  	[tilespmem:s3], [sflag:$0x5] =	stream.strided.gather [hbm4b:s5+s11], $0x6400, s21, s11, $0x38;
	[tilespmem:$0xEC00] =	vst v63  }
0x33: {  	_ =	swait.ge [sflag:s24], $0x6400  }
0x34: {  	[sflag:s24] =	ssyncset.done $0x0  }
0x35: {  	s11 =	simm.s32 $0x6400;
	[sflag:s24] =	ssyncadd.s32 $0xFFFF9C00  }
0x36: {  	[tilespmem:s11], [sflag:$0x1] =	stream.indirect.gather [hbm4b:s4+s15], $0x20, s3, s15, $0xb8;
	[tilespmem:$0xEC00] =	vst v63  }
0x37: {  	s14 =	simm.s32 $0x7400  }
0x38: {  	[tilespmem:s14], [sflag:$0x1] =	stream.indirect.gather [hbm4b:s4+s15], $0x20, s15, s15, $0xb8;
	[tilespmem:$0xEC00] =	vst v63  }
0x39: {  	s19 =	simm.s32 $0x100;
	s20 =	simm.s32 $0x8400  }
0x3a: {  	[tilespmem:s20], [sflag:$0x2] =	stream.indirect.gather [hbm4b:s4+s15], $0x20, s19, s15, $0xb8;
	[tilespmem:$0xEC00] =	vst v63  }
0x3b: {  	s21 =	simm.s32 $0x180;
	s24 =	simm.s32 $0x9400;
	s20 =	simm.s32 $0x0  }
0x3c: {  	[tilespmem:s24], [sflag:$0x2] =	stream.indirect.gather [hbm4b:s4+s15], $0x20, s21, s15, $0xb8;
	[tilespmem:$0xEC00] =	vst v63  }
.LBB2_2:
0x3d: {  	_ =	swait.ge [sflag:s22], $0x1000  }
0x3e: {  	[sflag:s22] =	ssyncset.done $0x0  }
0x3f: {  	[sflag:s22] =	ssyncadd.s32 $0xFFFFF000  }
0x40: {  	_ =	swait.ge [sflag:s22], $0x1000  }
0x41: {  	p0 =	seq.s32 s20, $0x0;
	[sflag:s22] =	ssyncset.done $0x0  }
0x42: {  	s5 =	simm.s32 @!p0 $0x3;
	[sflag:s22] =	ssyncadd.s32 $0xFFFFF000  }
0x43: {  	_ =	swait.ge @!p0 [sflag:s5], $0x800  }
0x44: {  	[sflag:s5] =	ssyncset.done @!p0 $0x0  }
0x45: {  	[sflag:s5] =	ssyncadd.s32 @!p0 $0xFFFFF800  }
0x46: {  	s11 =	simm.s32 $0x0;
	_ =	swait.ge @!p0 [sflag:s5], $0x800  }
0x47: {  	s11 =	sand.u32 $0x8, s11;
	[sflag:s5] =	ssyncset.done @!p0 $0x0  }
0x48: {  	v2 =	vmov s11;
	[sflag:s5] =	ssyncadd.s32 @!p0 $0xFFFFF800  }
0x49: {  	v2 =	vmul.u32 $0x90, v2;
	_ =	swait.ge @!p0 [sflag:s5], $0x800  }
0x4a: {  	s19 =	simm.s32 $0x0;
	[sflag:s5] =	ssyncset.done @!p0 $0x0  }
0x4b: {  	s21 =	simm.s32 $0x1;
	v3 =	vmov s19;
	v2 =	vbroadcast v2, $0x0;
	[sflag:s5] =	ssyncadd.s32 @!p0 $0xFFFFF800  }
0x4c: {  	v5 =	vmov s21;
	v4 =	vand.u32 $0x6, v3;
	_ =	swait.ge @!p0 [sflag:s5], $0x800  }
0x4d: {  	s24 =	simm.s32 $0x0;
	v3 =	vand.u32 $0x78, v3;
	v7 =	vand.u32 $0x78, v5;
	v6 =	vadd.s32 v0, v2;
	[sflag:s5] =	ssyncset.done @!p0 $0x0  }
0x4e: {  	s14 =	simm.s32 $0x6420;
	s19 =	sand.u32 $0x8, s24;
	v8 =	vadd.s32 v1, v2;
	v2 =	vand.u32 $0x7, v5;
	v5 =	vadd.s32 v7, v6;
	[sflag:s5] =	ssyncadd.s32 @!p0 $0xFFFFF800  }
0x4f: {  	v9 =	vmov s19;
	v12 =	vor.u32 v2, v5;
	v5 =	vadd.s32 v7, v8;
	v11 =	vld [tilespmem:s14+$0x0]  }
0x50: {  	s21 =	simm.s32 $0x2;
	v6 =	vadd.s32 v3, v6;
	v7 =	vmul.u32 $0x90, v9;
	v14 =	vor.u32 v2, v5;
	v13 =	vld [tilespmem:s14+$0x10]  }
0x51: {  	v3 =	vadd.s32 v3, v8;
	v2 =	vor.u32 v4, v6;
	v6 =	vmov s21  }
0x52: {  	s24 =	simm.s32 $0x3;
	v8 =	vbroadcast v7, $0x0;
	v5 =	vand.u32 $0x6, v6;
	v7 =	vand.u32 $0x78, v6;
	v6 =	vld [tilespmem:s14+$0xFFFFFFE0]  }
0x53: {  	v15 =	vmov s24;
	s19 =	simm.s32 $0x0;
	v4 =	vor.u32 v4, v3;
	v3 =	vld [tilespmem:s14+$0xFFFFFFF0]  }
0x54: {  	s11 =	simm.s32 $0x4;
	v10 =	vand.u32 $0x78, v15;
	s21 =	sand.u32 $0x8, s19;
	v9 =	vadd.s32 v0, v8;
	[tilespmem:v12+s23+$0x0] =	vst.idx.msk $0xffff, v11  }
0x55: {  	s19 =	simm.s32 $0x6;
	v8 =	vadd.s32 v1, v8;
	s5 =	sshll.u32 s20, $0x9;
	s14 =	simm.s32 $0x6460;
	v11 =	vand.u32 $0x7, v15;
	v12 =	vadd.s32 v10, v9;
	[tilespmem:v14+s23+$0x0] =	vst.idx.msk $0xffff, v13  }
.LBB2_3:
0x56: {  	p1 =	slt.u32 s19, $0xFE;
	v13 =	vmov s21;
	v14 =	vld [tilespmem:s14+$0x0];
	v12 =	vor.u32 v11, v12;
	v10 =	vadd.s32 v10, v8  }
0x57: {  	v9 =	vadd.s32 v7, v9;
	v13 =	vmul.u32 $0x90, v13;
	v15 =	vld [tilespmem:s14+$0x10];
	v16 =	vor.u32 v11, v10;
	[tilespmem:v2+s23+$0x0] =	vst.idx.msk $0xffff, v6  }
.Ltmp2:
0x58: {  	v7 =	vadd.s32 v7, v8;
	v2 =	vor.u32 v5, v9;
	[tilespmem:v4+s23+$0x0] =	vst.idx.msk $0xffff, v3;
	v3 =	vld [tilespmem:s14+$0xFFFFFFF0];
	(pc) =	sbr.rel @p1 .LBB2_3-.Ltmp2, $4  }
0x59: {  	v8 =	vmov s11;
	s21 =	sadd.s32 $0x1, s11;
	s11 =	smov.u32 s19;
	v4 =	vor.u32 v5, v7;
	v11 =	vbroadcast v13, $0x0;
	v6 =	vld [tilespmem:s14+$0xFFFFFFE0]  }
0x5a: {  	v5 =	vand.u32 $0x6, v8;
	v13 =	vmov s21  }
0x5b: {  	v7 =	vand.u32 $0x78, v8;
	s21 =	sshrl.u32 s19, $0x4;
	v10 =	vand.u32 $0x78, v13;
	v9 =	vadd.s32 v0, v11;
	[tilespmem:v12+s23+$0x0] =	vst.idx.msk $0xffff, v14  }
0x5c: {  	s19 =	sadd.s32 $0x2, s19;
	s14 =	sadd.s32 $0x40, s14;
	s21 =	sand.u32 $0x8, s21;
	v8 =	vadd.s32 v1, v11;
	v11 =	vand.u32 $0x7, v13;
	v12 =	vadd.s32 v10, v9;
	[tilespmem:v16+s23+$0x0] =	vst.idx.msk $0xffff, v15  }
0x5d: {  	v13 =	vmov s21  }
0x5e: {  	v12 =	vor.u32 v11, v12;
	v13 =	vmul.u32 $0x90, v13  }
0x5f: {  	v10 =	vadd.s32 v10, v8;
	v9 =	vadd.s32 v7, v9;
	v14 =	vld [tilespmem:s14+$0x0];
	v7 =	vadd.s32 v7, v8  }
0x60: {  	s19 =	sadd.s32 $0x1, s11;
	v8 =	vmov s11;
	v10 =	vor.u32 v11, v10;
	v11 =	vbroadcast v13, $0x0  }
0x61: {  	v16 =	vld [tilespmem:s14+$0xFFFFFFE0];
	v9 =	vor.u32 v5, v9;
	v15 =	vmov s19;
	v5 =	vor.u32 v5, v7;
	[tilespmem:v2+s23+$0x0] =	vst.idx.msk $0xffff, v6  }
0x62: {  	v2 =	vld [tilespmem:s14+$0xFFFFFFF0];
	v17 =	vand.u32 $0x78, v15;
	[tilespmem:v4+s23+$0x0] =	vst.idx.msk $0xffff, v3;
	v3 =	vand.u32 $0x78, v8;
	v7 =	vadd.s32 v0, v11  }
0x63: {  	s19 =	sadd.s32 $0x40, s14;
	v13 =	vld [tilespmem:s14+$0x10];
	v6 =	vadd.s32 v1, v11;
	v11 =	vand.u32 $0x7, v15;
	v15 =	vadd.s32 v17, v7  }
0x64: {  	v4 =	vld [tilespmem:s19+$0x0];
	v8 =	vand.u32 $0x6, v8;
	[tilespmem:v12+s23+$0x0] =	vst.idx.msk $0xffff, v14;
	v7 =	vadd.s32 v3, v7;
	v15 =	vor.u32 v11, v15  }
0x65: {  	v17 =	vadd.s32 v17, v6;
	v3 =	vadd.s32 v3, v6;
	v6 =	vld [tilespmem:s19+$0xFFFFFFE0];
	v7 =	vor.u32 v8, v7  }
0x66: {  	v12 =	vld [tilespmem:s19+$0x10];
	[tilespmem:v9+s23+$0x0] =	vst.idx.msk $0xffff, v16;
	v11 =	vor.u32 v11, v17  }
0x67: {  	v9 =	vld [tilespmem:s19+$0xFFFFFFF0];
	v3 =	vor.u32 v8, v3;
	[tilespmem:v5+s23+$0x0] =	vst.idx.msk $0xffff, v2  }
0x68: {  	[tilespmem:v10+s23+$0x0] =	vst.idx.msk $0xffff, v13  }
0x69: {  	s11 =	sshll.u32 s20, $0x13;
	[tilespmem:v15+s23+$0x0] =	vst.idx.msk $0xffff, v4  }
0x6a: {  	s21 =	sor.u32 s6, s11;
	[tilespmem:v7+s23+$0x0] =	vst.idx.msk $0xffff, v6  }
0x6b: {  	s14 =	sshrl.u32 s21, $0x3;
	[tilespmem:v11+s23+$0x0] =	vst.idx.msk $0xffff, v12  }
0x6c: {  	s19 =	sadd.s32 s2, s14;
	[tilespmem:v3+s23+$0x0] =	vst.idx.msk $0xffff, v9  }
0x6d: {  	[hbm4b:s19+s3] =	stream.linear.scatter [tilespmem:s23], [sflag:$0x3], $0x80, $0x38;
	[tilespmem:$0xEC00] =	vst v63  }
0x6e: {  	s24 =	simm.s32 $0xA490;
	s21 =	sadd.s32 $0x10, s19  }
0x6f: {  	[hbm4b:s21+s3] =	stream.linear.scatter [tilespmem:s24], [sflag:$0x3], $0x80, $0x38;
	[tilespmem:$0xEC00] =	vst v63  }
0x70: {  	s21 =	sadd.s32 $0x20, s19;
	s24 =	simm.s32 $0xA520  }
0x71: {  	[hbm4b:s21+s3] =	stream.linear.scatter [tilespmem:s24], [sflag:$0x3], $0x80, $0x38;
	[tilespmem:$0xEC00] =	vst v63  }
0x72: {  	s21 =	sadd.s32 $0x30, s19;
	s24 =	simm.s32 $0xA5B0  }
0x73: {  	[hbm4b:s21+s3] =	stream.linear.scatter [tilespmem:s24], [sflag:$0x3], $0x80, $0x38;
	[tilespmem:$0xEC00] =	vst v63  }
0x74: {  	s21 =	sadd.s32 $0x40, s19;
	s24 =	simm.s32 $0xA640  }
0x75: {  	[hbm4b:s21+s3] =	stream.linear.scatter [tilespmem:s24], [sflag:$0x3], $0x80, $0x38;
	[tilespmem:$0xEC00] =	vst v63  }
0x76: {  	s21 =	sadd.s32 $0x50, s19;
	s24 =	simm.s32 $0xA6D0  }
0x77: {  	[hbm4b:s21+s3] =	stream.linear.scatter [tilespmem:s24], [sflag:$0x3], $0x80, $0x38;
	[tilespmem:$0xEC00] =	vst v63  }
0x78: {  	s21 =	sadd.s32 $0x60, s19;
	s24 =	simm.s32 $0xA760  }
0x79: {  	[hbm4b:s21+s3] =	stream.linear.scatter [tilespmem:s24], [sflag:$0x3], $0x80, $0x38;
	[tilespmem:$0xEC00] =	vst v63  }
0x7a: {  	s21 =	sadd.s32 $0x70, s19;
	s24 =	simm.s32 $0xA7F0  }
0x7b: {  	[hbm4b:s21+s3] =	stream.linear.scatter [tilespmem:s24], [sflag:$0x3], $0x80, $0x38;
	[tilespmem:$0xEC00] =	vst v63  }
0x7c: {  	s21 =	sadd.s32 $0x80, s19;
	s24 =	simm.s32 $0xA880  }
0x7d: {  	[hbm4b:s21+s3] =	stream.linear.scatter [tilespmem:s24], [sflag:$0x3], $0x80, $0x38;
	[tilespmem:$0xEC00] =	vst v63  }
0x7e: {  	s21 =	sadd.s32 $0x90, s19;
	s24 =	simm.s32 $0xA910  }
0x7f: {  	[hbm4b:s21+s3] =	stream.linear.scatter [tilespmem:s24], [sflag:$0x3], $0x80, $0x38;
	[tilespmem:$0xEC00] =	vst v63  }
0x80: {  	s21 =	sadd.s32 $0xA0, s19;
	s24 =	simm.s32 $0xA9A0  }
0x81: {  	[hbm4b:s21+s3] =	stream.linear.scatter [tilespmem:s24], [sflag:$0x3], $0x80, $0x38;
	[tilespmem:$0xEC00] =	vst v63  }
0x82: {  	s21 =	sadd.s32 $0xB0, s19;
	s24 =	simm.s32 $0xAA30  }
0x83: {  	[hbm4b:s21+s3] =	stream.linear.scatter [tilespmem:s24], [sflag:$0x3], $0x80, $0x38;
	[tilespmem:$0xEC00] =	vst v63  }
0x84: {  	s21 =	sadd.s32 $0xC0, s19;
	s24 =	simm.s32 $0xAAC0  }
0x85: {  	[hbm4b:s21+s3] =	stream.linear.scatter [tilespmem:s24], [sflag:$0x3], $0x80, $0x38;
	[tilespmem:$0xEC00] =	vst v63  }
0x86: {  	s21 =	sadd.s32 $0xD0, s19;
	s24 =	simm.s32 $0xAB50  }
0x87: {  	[hbm4b:s21+s3] =	stream.linear.scatter [tilespmem:s24], [sflag:$0x3], $0x80, $0x38;
	[tilespmem:$0xEC00] =	vst v63  }
0x88: {  	s21 =	sadd.s32 $0xE0, s19;
	s24 =	simm.s32 $0xABE0  }
0x89: {  	[hbm4b:s21+s3] =	stream.linear.scatter [tilespmem:s24], [sflag:$0x3], $0x80, $0x38;
	[tilespmem:$0xEC00] =	vst v63  }
0x8a: {  	s19 =	sadd.s32 $0xF0, s19;
	s24 =	simm.s32 $0xAC70  }
0x8b: {  	[hbm4b:s19+s3] =	stream.linear.scatter [tilespmem:s24], [sflag:$0x3], $0x80, $0x38;
	[tilespmem:$0xEC00] =	vst v63  }
0x8c: {  	s19 =	sadd.s32 s14, s7;
	s24 =	simm.s32 $0xAD00  }
0x8d: {  	[hbm4b:s19+s3] =	stream.linear.scatter [tilespmem:s24], [sflag:$0x3], $0x80, $0x38;
	[tilespmem:$0xEC00] =	vst v63  }
0x8e: {  	s21 =	sadd.s32 $0x10, s19;
	s24 =	simm.s32 $0xAD90  }
0x8f: {  	[hbm4b:s21+s3] =	stream.linear.scatter [tilespmem:s24], [sflag:$0x3], $0x80, $0x38;
	[tilespmem:$0xEC00] =	vst v63  }
0x90: {  	s21 =	sadd.s32 $0x20, s19;
	s24 =	simm.s32 $0xAE20  }
0x91: {  	[hbm4b:s21+s3] =	stream.linear.scatter [tilespmem:s24], [sflag:$0x3], $0x80, $0x38;
	[tilespmem:$0xEC00] =	vst v63  }
0x92: {  	s21 =	sadd.s32 $0x30, s19;
	s24 =	simm.s32 $0xAEB0  }
0x93: {  	[hbm4b:s21+s3] =	stream.linear.scatter [tilespmem:s24], [sflag:$0x3], $0x80, $0x38;
	[tilespmem:$0xEC00] =	vst v63  }
0x94: {  	s21 =	sadd.s32 $0x40, s19;
	s24 =	simm.s32 $0xAF40  }
0x95: {  	[hbm4b:s21+s3] =	stream.linear.scatter [tilespmem:s24], [sflag:$0x3], $0x80, $0x38;
	[tilespmem:$0xEC00] =	vst v63  }
0x96: {  	s21 =	sadd.s32 $0x50, s19;
	s24 =	simm.s32 $0xAFD0  }
0x97: {  	[hbm4b:s21+s3] =	stream.linear.scatter [tilespmem:s24], [sflag:$0x3], $0x80, $0x38;
	[tilespmem:$0xEC00] =	vst v63  }
0x98: {  	s21 =	sadd.s32 $0x60, s19;
	s24 =	simm.s32 $0xB060  }
0x99: {  	[hbm4b:s21+s3] =	stream.linear.scatter [tilespmem:s24], [sflag:$0x3], $0x80, $0x38;
	[tilespmem:$0xEC00] =	vst v63  }
0x9a: {  	s21 =	sadd.s32 $0x70, s19;
	s24 =	simm.s32 $0xB0F0  }
0x9b: {  	[hbm4b:s21+s3] =	stream.linear.scatter [tilespmem:s24], [sflag:$0x3], $0x80, $0x38;
	[tilespmem:$0xEC00] =	vst v63  }
0x9c: {  	s21 =	sadd.s32 $0x80, s19;
	s24 =	simm.s32 $0xB180  }
0x9d: {  	[hbm4b:s21+s3] =	stream.linear.scatter [tilespmem:s24], [sflag:$0x3], $0x80, $0x38;
	[tilespmem:$0xEC00] =	vst v63  }
0x9e: {  	s21 =	sadd.s32 $0x90, s19;
	s24 =	simm.s32 $0xB210  }
0x9f: {  	[hbm4b:s21+s3] =	stream.linear.scatter [tilespmem:s24], [sflag:$0x3], $0x80, $0x38;
	[tilespmem:$0xEC00] =	vst v63  }
0xa0: {  	s21 =	sadd.s32 $0xA0, s19;
	s24 =	simm.s32 $0xB2A0  }
0xa1: {  	[hbm4b:s21+s3] =	stream.linear.scatter [tilespmem:s24], [sflag:$0x3], $0x80, $0x38;
	[tilespmem:$0xEC00] =	vst v63  }
0xa2: {  	s21 =	sadd.s32 $0xB0, s19;
	s24 =	simm.s32 $0xB330  }
0xa3: {  	[hbm4b:s21+s3] =	stream.linear.scatter [tilespmem:s24], [sflag:$0x3], $0x80, $0x38;
	[tilespmem:$0xEC00] =	vst v63  }
0xa4: {  	s21 =	sadd.s32 $0xC0, s19;
	s24 =	simm.s32 $0xB3C0  }
0xa5: {  	[hbm4b:s21+s3] =	stream.linear.scatter [tilespmem:s24], [sflag:$0x3], $0x80, $0x38;
	[tilespmem:$0xEC00] =	vst v63  }
0xa6: {  	s21 =	sadd.s32 $0xD0, s19;
	s24 =	simm.s32 $0xB450  }
0xa7: {  	[hbm4b:s21+s3] =	stream.linear.scatter [tilespmem:s24], [sflag:$0x3], $0x80, $0x38;
	[tilespmem:$0xEC00] =	vst v63  }
0xa8: {  	s21 =	sadd.s32 $0xE0, s19;
	s24 =	simm.s32 $0xB4E0  }
0xa9: {  	[hbm4b:s21+s3] =	stream.linear.scatter [tilespmem:s24], [sflag:$0x3], $0x80, $0x38;
	[tilespmem:$0xEC00] =	vst v63  }
0xaa: {  	s19 =	sadd.s32 $0xF0, s19;
	s24 =	simm.s32 $0xB570  }
0xab: {  	[hbm4b:s19+s3] =	stream.linear.scatter [tilespmem:s24], [sflag:$0x3], $0x80, $0x38;
	[tilespmem:$0xEC00] =	vst v63  }
0xac: {  	s19 =	sadd.s32 s14, s8;
	s24 =	simm.s32 $0xB600  }
0xad: {  	[hbm4b:s19+s3] =	stream.linear.scatter [tilespmem:s24], [sflag:$0x3], $0x80, $0x38;
	[tilespmem:$0xEC00] =	vst v63  }
0xae: {  	s21 =	sadd.s32 $0x10, s19;
	s24 =	simm.s32 $0xB690  }
0xaf: {  	[hbm4b:s21+s3] =	stream.linear.scatter [tilespmem:s24], [sflag:$0x3], $0x80, $0x38;
	[tilespmem:$0xEC00] =	vst v63  }
0xb0: {  	s21 =	sadd.s32 $0x20, s19;
	s24 =	simm.s32 $0xB720  }
0xb1: {  	[hbm4b:s21+s3] =	stream.linear.scatter [tilespmem:s24], [sflag:$0x3], $0x80, $0x38;
	[tilespmem:$0xEC00] =	vst v63  }
0xb2: {  	s21 =	sadd.s32 $0x30, s19;
	s24 =	simm.s32 $0xB7B0  }
0xb3: {  	[hbm4b:s21+s3] =	stream.linear.scatter [tilespmem:s24], [sflag:$0x3], $0x80, $0x38;
	[tilespmem:$0xEC00] =	vst v63  }
0xb4: {  	s21 =	sadd.s32 $0x40, s19;
	s24 =	simm.s32 $0xB840  }
0xb5: {  	[hbm4b:s21+s3] =	stream.linear.scatter [tilespmem:s24], [sflag:$0x3], $0x80, $0x38;
	[tilespmem:$0xEC00] =	vst v63  }
0xb6: {  	s21 =	sadd.s32 $0x50, s19;
	s24 =	simm.s32 $0xB8D0  }
0xb7: {  	[hbm4b:s21+s3] =	stream.linear.scatter [tilespmem:s24], [sflag:$0x3], $0x80, $0x38;
	[tilespmem:$0xEC00] =	vst v63  }
0xb8: {  	s21 =	sadd.s32 $0x60, s19;
	s24 =	simm.s32 $0xB960  }
0xb9: {  	[hbm4b:s21+s3] =	stream.linear.scatter [tilespmem:s24], [sflag:$0x3], $0x80, $0x38;
	[tilespmem:$0xEC00] =	vst v63  }
0xba: {  	s21 =	sadd.s32 $0x70, s19;
	s24 =	simm.s32 $0xB9F0  }
0xbb: {  	[hbm4b:s21+s3] =	stream.linear.scatter [tilespmem:s24], [sflag:$0x3], $0x80, $0x38;
	[tilespmem:$0xEC00] =	vst v63  }
0xbc: {  	s21 =	sadd.s32 $0x80, s19;
	s24 =	simm.s32 $0xBA80  }
0xbd: {  	[hbm4b:s21+s3] =	stream.linear.scatter [tilespmem:s24], [sflag:$0x3], $0x80, $0x38;
	[tilespmem:$0xEC00] =	vst v63  }
0xbe: {  	s21 =	sadd.s32 $0x90, s19;
	s24 =	simm.s32 $0xBB10  }
0xbf: {  	[hbm4b:s21+s3] =	stream.linear.scatter [tilespmem:s24], [sflag:$0x3], $0x80, $0x38;
	[tilespmem:$0xEC00] =	vst v63  }
0xc0: {  	s21 =	sadd.s32 $0xA0, s19;
	s24 =	simm.s32 $0xBBA0  }
0xc1: {  	[hbm4b:s21+s3] =	stream.linear.scatter [tilespmem:s24], [sflag:$0x3], $0x80, $0x38;
	[tilespmem:$0xEC00] =	vst v63  }
0xc2: {  	s21 =	sadd.s32 $0xB0, s19;
	s24 =	simm.s32 $0xBC30  }
0xc3: {  	[hbm4b:s21+s3] =	stream.linear.scatter [tilespmem:s24], [sflag:$0x3], $0x80, $0x38;
	[tilespmem:$0xEC00] =	vst v63  }
0xc4: {  	s21 =	sadd.s32 $0xC0, s19;
	s24 =	simm.s32 $0xBCC0  }
0xc5: {  	[hbm4b:s21+s3] =	stream.linear.scatter [tilespmem:s24], [sflag:$0x3], $0x80, $0x38;
	[tilespmem:$0xEC00] =	vst v63  }
0xc6: {  	s21 =	sadd.s32 $0xD0, s19;
	s24 =	simm.s32 $0xBD50  }
0xc7: {  	[hbm4b:s21+s3] =	stream.linear.scatter [tilespmem:s24], [sflag:$0x3], $0x80, $0x38;
	[tilespmem:$0xEC00] =	vst v63  }
0xc8: {  	s21 =	sadd.s32 $0xE0, s19;
	s24 =	simm.s32 $0xBDE0  }
0xc9: {  	[hbm4b:s21+s3] =	stream.linear.scatter [tilespmem:s24], [sflag:$0x3], $0x80, $0x38;
	[tilespmem:$0xEC00] =	vst v63  }
0xca: {  	s19 =	sadd.s32 $0xF0, s19;
	s24 =	simm.s32 $0xBE70  }
0xcb: {  	[hbm4b:s19+s3] =	stream.linear.scatter [tilespmem:s24], [sflag:$0x3], $0x80, $0x38;
	[tilespmem:$0xEC00] =	vst v63  }
0xcc: {  	s14 =	sadd.s32 s14, s9;
	s24 =	simm.s32 $0xBF00  }
0xcd: {  	[hbm4b:s14+s3] =	stream.linear.scatter [tilespmem:s24], [sflag:$0x3], $0x80, $0x38;
	[tilespmem:$0xEC00] =	vst v63  }
0xce: {  	s21 =	sadd.s32 $0x10, s14;
	s24 =	simm.s32 $0xBF90  }
0xcf: {  	[hbm4b:s21+s3] =	stream.linear.scatter [tilespmem:s24], [sflag:$0x3], $0x80, $0x38;
	[tilespmem:$0xEC00] =	vst v63  }
0xd0: {  	s21 =	sadd.s32 $0x20, s14;
	s24 =	simm.s32 $0xC020  }
0xd1: {  	[hbm4b:s21+s3] =	stream.linear.scatter [tilespmem:s24], [sflag:$0x3], $0x80, $0x38;
	[tilespmem:$0xEC00] =	vst v63  }
0xd2: {  	s21 =	sadd.s32 $0x30, s14;
	s24 =	simm.s32 $0xC0B0  }
0xd3: {  	[hbm4b:s21+s3] =	stream.linear.scatter [tilespmem:s24], [sflag:$0x3], $0x80, $0x38;
	[tilespmem:$0xEC00] =	vst v63  }
0xd4: {  	s21 =	sadd.s32 $0x40, s14;
	s24 =	simm.s32 $0xC140  }
0xd5: {  	[hbm4b:s21+s3] =	stream.linear.scatter [tilespmem:s24], [sflag:$0x3], $0x80, $0x38;
	[tilespmem:$0xEC00] =	vst v63  }
0xd6: {  	s21 =	sadd.s32 $0x50, s14;
	s24 =	simm.s32 $0xC1D0  }
0xd7: {  	[hbm4b:s21+s3] =	stream.linear.scatter [tilespmem:s24], [sflag:$0x3], $0x80, $0x38;
	[tilespmem:$0xEC00] =	vst v63  }
0xd8: {  	s21 =	sadd.s32 $0x60, s14;
	s24 =	simm.s32 $0xC260  }
0xd9: {  	[hbm4b:s21+s3] =	stream.linear.scatter [tilespmem:s24], [sflag:$0x3], $0x80, $0x38;
	[tilespmem:$0xEC00] =	vst v63  }
0xda: {  	s21 =	sadd.s32 $0x70, s14;
	s24 =	simm.s32 $0xC2F0  }
0xdb: {  	[hbm4b:s21+s3] =	stream.linear.scatter [tilespmem:s24], [sflag:$0x3], $0x80, $0x38;
	[tilespmem:$0xEC00] =	vst v63  }
0xdc: {  	s21 =	sadd.s32 $0x80, s14;
	s24 =	simm.s32 $0xC380  }
0xdd: {  	[hbm4b:s21+s3] =	stream.linear.scatter [tilespmem:s24], [sflag:$0x3], $0x80, $0x38;
	[tilespmem:$0xEC00] =	vst v63  }
0xde: {  	s21 =	sadd.s32 $0x90, s14;
	s24 =	simm.s32 $0xC410  }
0xdf: {  	[hbm4b:s21+s3] =	stream.linear.scatter [tilespmem:s24], [sflag:$0x3], $0x80, $0x38;
	[tilespmem:$0xEC00] =	vst v63  }
0xe0: {  	s21 =	sadd.s32 $0xA0, s14;
	s24 =	simm.s32 $0xC4A0  }
0xe1: {  	[hbm4b:s21+s3] =	stream.linear.scatter [tilespmem:s24], [sflag:$0x3], $0x80, $0x38;
	[tilespmem:$0xEC00] =	vst v63  }
0xe2: {  	s21 =	sadd.s32 $0xB0, s14;
	s24 =	simm.s32 $0xC530  }
0xe3: {  	[hbm4b:s21+s3] =	stream.linear.scatter [tilespmem:s24], [sflag:$0x3], $0x80, $0x38;
	[tilespmem:$0xEC00] =	vst v63  }
0xe4: {  	s21 =	sadd.s32 $0xC0, s14;
	s24 =	simm.s32 $0xC5C0  }
0xe5: {  	[hbm4b:s21+s3] =	stream.linear.scatter [tilespmem:s24], [sflag:$0x3], $0x80, $0x38;
	[tilespmem:$0xEC00] =	vst v63  }
0xe6: {  	s21 =	sadd.s32 $0xD0, s14;
	s24 =	simm.s32 $0xC650  }
0xe7: {  	[hbm4b:s21+s3] =	stream.linear.scatter [tilespmem:s24], [sflag:$0x3], $0x80, $0x38;
	[tilespmem:$0xEC00] =	vst v63  }
0xe8: {  	s21 =	sadd.s32 $0xE0, s14;
	s24 =	simm.s32 $0xC6E0  }
0xe9: {  	[hbm4b:s21+s3] =	stream.linear.scatter [tilespmem:s24], [sflag:$0x3], $0x80, $0x38;
	[tilespmem:$0xEC00] =	vst v63  }
0xea: {  	p1 =	seq.s32 s20, $0x31;
	s14 =	sadd.s32 $0xF0, s14;
	s21 =	simm.s32 $0xC770  }
0xeb: {  	[hbm4b:s14+s3] =	stream.linear.scatter [tilespmem:s21], [sflag:$0x3], $0x80, $0x38;
	[tilespmem:$0xEC00] =	vst v63  }
0xec: {  	s19 =	simm.s32 @!p1 $0x80;
	s14 =	sadd.s32 @!p1 $0x200, s5;
	s21 =	simm.s32 @!p1 $0x6400  }
0xed: {  	[tilespmem:s21], [sflag:$0x1] =	stream.indirect.gather @!p1 [hbm4b:s4+s19], $0x20, s14, s19, $0xb8;
	[tilespmem:$0xEC00] =	vst v63  }
0xee: {  	s14 =	sadd.s32 @!p1 $0x280, s5;
	s21 =	simm.s32 @!p1 $0x7400  }
0xef: {  	[tilespmem:s21], [sflag:$0x1] =	stream.indirect.gather @!p1 [hbm4b:s4+s19], $0x20, s14, s19, $0xb8;
	[tilespmem:$0xEC00] =	vst v63  }
0xf0: {  	_ =	swait.ge [sflag:s28], $0x1000  }
0xf1: {  	[sflag:s28] =	ssyncset.done $0x0  }
0xf2: {  	[sflag:s28] =	ssyncadd.s32 $0xFFFFF000  }
0xf3: {  	_ =	swait.ge [sflag:s28], $0x1000  }
0xf4: {  	[sflag:s28] =	ssyncset.done $0x0  }
0xf5: {  	s14 =	simm.s32 @!p0 $0x4;
	[sflag:s28] =	ssyncadd.s32 $0xFFFFF000  }
0xf6: {  	_ =	swait.ge @!p0 [sflag:s14], $0x800  }
0xf7: {  	[sflag:s14] =	ssyncset.done @!p0 $0x0  }
0xf8: {  	[sflag:s14] =	ssyncadd.s32 @!p0 $0xFFFFF800  }
0xf9: {  	s24 =	simm.s32 $0x0;
	_ =	swait.ge @!p0 [sflag:s14], $0x800  }
0xfa: {  	s19 =	sand.u32 $0x8, s24;
	[sflag:s14] =	ssyncset.done @!p0 $0x0  }
0xfb: {  	v2 =	vmov s19;
	[sflag:s14] =	ssyncadd.s32 @!p0 $0xFFFFF800  }
0xfc: {  	v2 =	vmul.u32 $0x90, v2;
	_ =	swait.ge @!p0 [sflag:s14], $0x800  }
0xfd: {  	s21 =	simm.s32 $0x0;
	[sflag:s14] =	ssyncset.done @!p0 $0x0  }
0xfe: {  	s24 =	simm.s32 $0x1;
	v3 =	vmov s21;
	v2 =	vbroadcast v2, $0x0;
	[sflag:s14] =	ssyncadd.s32 @!p0 $0xFFFFF800  }
0xff: {  	v5 =	vmov s24;
	v4 =	vand.u32 $0x6, v3;
	_ =	swait.ge @!p0 [sflag:s14], $0x800  }
0x100: {  	s21 =	simm.s32 $0x0;
	v3 =	vand.u32 $0x78, v3;
	v7 =	vand.u32 $0x78, v5;
	v6 =	vadd.s32 v0, v2;
	[sflag:s14] =	ssyncset.done @!p0 $0x0  }
0x101: {  	s19 =	sand.u32 $0x8, s21;
	v8 =	vadd.s32 v1, v2;
	v2 =	vand.u32 $0x7, v5;
	v5 =	vadd.s32 v7, v6;
	[sflag:s14] =	ssyncadd.s32 @!p0 $0xFFFFF800;
	s14 =	simm.s32 $0x8420  }
0x102: {  	v9 =	vmov s19;
	v12 =	vor.u32 v2, v5;
	v5 =	vadd.s32 v7, v8;
	v11 =	vld [tilespmem:s14+$0x0]  }
0x103: {  	s24 =	simm.s32 $0x2;
	v6 =	vadd.s32 v3, v6;
	v7 =	vmul.u32 $0x90, v9;
	v14 =	vor.u32 v2, v5;
	v13 =	vld [tilespmem:s14+$0x10]  }
0x104: {  	v3 =	vadd.s32 v3, v8;
	v2 =	vor.u32 v4, v6;
	v6 =	vmov s24  }
0x105: {  	s21 =	simm.s32 $0x3;
	v8 =	vbroadcast v7, $0x0;
	v5 =	vand.u32 $0x6, v6;
	v7 =	vand.u32 $0x78, v6;
	v6 =	vld [tilespmem:s14+$0xFFFFFFE0]  }
0x106: {  	v15 =	vmov s21;
	v4 =	vor.u32 v4, v3;
	v3 =	vld [tilespmem:s14+$0xFFFFFFF0]  }
0x107: {  	s19 =	simm.s32 $0x4;
	v10 =	vand.u32 $0x78, v15;
	s24 =	simm.s32 $0x0;
	v9 =	vadd.s32 v0, v8;
	[tilespmem:v12+s29+$0x0] =	vst.idx.msk $0xffff, v11  }
0x108: {  	s21 =	simm.s32 $0x6;
	s24 =	sand.u32 $0x8, s24;
	v8 =	vadd.s32 v1, v8;
	s14 =	simm.s32 $0x8460;
	v11 =	vand.u32 $0x7, v15;
	v12 =	vadd.s32 v10, v9;
	[tilespmem:v14+s29+$0x0] =	vst.idx.msk $0xffff, v13  }
.LBB2_5:
0x109: {  	p0 =	slt.u32 s21, $0xFE;
	v13 =	vmov s24;
	v14 =	vld [tilespmem:s14+$0x0];
	v12 =	vor.u32 v11, v12;
	v10 =	vadd.s32 v10, v8  }
0x10a: {  	v9 =	vadd.s32 v7, v9;
	v13 =	vmul.u32 $0x90, v13;
	v15 =	vld [tilespmem:s14+$0x10];
	v16 =	vor.u32 v11, v10;
	[tilespmem:v2+s29+$0x0] =	vst.idx.msk $0xffff, v6  }
.Ltmp3:
0x10b: {  	v7 =	vadd.s32 v7, v8;
	v2 =	vor.u32 v5, v9;
	[tilespmem:v4+s29+$0x0] =	vst.idx.msk $0xffff, v3;
	v3 =	vld [tilespmem:s14+$0xFFFFFFF0];
	(pc) =	sbr.rel @p0 .LBB2_5-.Ltmp3, $4  }
0x10c: {  	v8 =	vmov s19;
	s24 =	sadd.s32 $0x1, s19;
	s19 =	smov.u32 s21;
	v4 =	vor.u32 v5, v7;
	v11 =	vbroadcast v13, $0x0;
	v6 =	vld [tilespmem:s14+$0xFFFFFFE0]  }
0x10d: {  	v5 =	vand.u32 $0x6, v8;
	v13 =	vmov s24  }
0x10e: {  	v7 =	vand.u32 $0x78, v8;
	s24 =	sshrl.u32 s21, $0x4;
	v10 =	vand.u32 $0x78, v13;
	v9 =	vadd.s32 v0, v11;
	[tilespmem:v12+s29+$0x0] =	vst.idx.msk $0xffff, v14  }
0x10f: {  	s21 =	sadd.s32 $0x2, s21;
	s14 =	sadd.s32 $0x40, s14;
	s24 =	sand.u32 $0x8, s24;
	v8 =	vadd.s32 v1, v11;
	v11 =	vand.u32 $0x7, v13;
	v12 =	vadd.s32 v10, v9;
	[tilespmem:v16+s29+$0x0] =	vst.idx.msk $0xffff, v15  }
0x110: {  	v13 =	vmov s24  }
0x111: {  	v12 =	vor.u32 v11, v12;
	v13 =	vmul.u32 $0x90, v13  }
0x112: {  	v10 =	vadd.s32 v10, v8;
	v9 =	vadd.s32 v7, v9;
	v53 =	vmov s19  }
0x113: {  	v14 =	vld [tilespmem:s14+$0x0];
	s24 =	sadd.s32 $0x1, s19;
	v54 =	vadd.s32 v7, v8;
	v10 =	vor.u32 v11, v10;
	v13 =	vbroadcast v13, $0x0  }
0x114: {  	v15 =	vld [tilespmem:s14+$0x10];
	v9 =	vor.u32 v5, v9;
	v55 =	vmov s24;
	v56 =	vor.u32 v5, v54  }
0x115: {  	v16 =	vld [tilespmem:s14+$0xFFFFFFE0];
	[tilespmem:v2+s29+$0x0] =	vst.idx.msk $0xffff, v6;
	v11 =	vand.u32 $0x6, v53;
	v17 =	vand.u32 $0x78, v55;
	v57 =	vadd.s32 v0, v13  }
0x116: {  	s21 =	sadd.s32 $0x40, s14;
	v2 =	vld [tilespmem:s14+$0xFFFFFFF0];
	v8 =	vand.u32 $0x7, v55;
	[tilespmem:v4+s29+$0x0] =	vst.idx.msk $0xffff, v3;
	v3 =	vand.u32 $0x78, v53;
	v59 =	vadd.s32 v17, v57  }
0x117: {  	v60 =	vld [tilespmem:s21+$0x0];
	v58 =	vadd.s32 v1, v13;
	v7 =	vadd.s32 v3, v57;
	v13 =	vor.u32 v8, v59  }
0x118: {  	v62 =	vld [tilespmem:s21+$0xFFFFFFE0];
	[tilespmem:v12+s29+$0x0] =	vst.idx.msk $0xffff, v14;
	v17 =	vadd.s32 v17, v58;
	v7 =	vor.u32 v11, v7  }
0x119: {  	v61 =	vld [tilespmem:s21+$0x10];
	[tilespmem:v10+s29+$0x0] =	vst.idx.msk $0xffff, v15;
	v3 =	vadd.s32 v3, v58;
	v8 =	vor.u32 v8, v17  }
0x11a: {  	v63 =	vld [tilespmem:s21+$0xFFFFFFF0];
	[tilespmem:v9+s29+$0x0] =	vst.idx.msk $0xffff, v16;
	v3 =	vor.u32 v11, v3  }
0x11b: {  	[tilespmem:v56+s29+$0x0] =	vst.idx.msk $0xffff, v2  }
0x11c: {  	[tilespmem:v13+s29+$0x0] =	vst.idx.msk $0xffff, v60  }
0x11d: {  	s11 =	sor.u32 s10, s11;
	[tilespmem:v7+s29+$0x0] =	vst.idx.msk $0xffff, v62  }
0x11e: {  	s11 =	sshrl.u32 s11, $0x3;
	[tilespmem:v8+s29+$0x0] =	vst.idx.msk $0xffff, v61  }
0x11f: {  	s14 =	sadd.s32 s2, s11;
	[tilespmem:v3+s29+$0x0] =	vst.idx.msk $0xffff, v63  }
0x120: {  	[hbm4b:s14+s3] =	stream.linear.scatter [tilespmem:s29], [sflag:$0x4], $0x80, $0x38;
	[tilespmem:$0xEC00] =	vst v63  }
0x121: {  	s21 =	simm.s32 $0xC890;
	s24 =	sadd.s32 $0x10, s14  }
0x122: {  	[hbm4b:s24+s3] =	stream.linear.scatter [tilespmem:s21], [sflag:$0x4], $0x80, $0x38;
	[tilespmem:$0xEC00] =	vst v63  }
0x123: {  	s21 =	sadd.s32 $0x20, s14;
	s24 =	simm.s32 $0xC920  }
0x124: {  	[hbm4b:s21+s3] =	stream.linear.scatter [tilespmem:s24], [sflag:$0x4], $0x80, $0x38;
	[tilespmem:$0xEC00] =	vst v63  }
0x125: {  	s21 =	sadd.s32 $0x30, s14;
	s24 =	simm.s32 $0xC9B0  }
0x126: {  	[hbm4b:s21+s3] =	stream.linear.scatter [tilespmem:s24], [sflag:$0x4], $0x80, $0x38;
	[tilespmem:$0xEC00] =	vst v63  }
0x127: {  	s21 =	sadd.s32 $0x40, s14;
	s24 =	simm.s32 $0xCA40  }
0x128: {  	[hbm4b:s21+s3] =	stream.linear.scatter [tilespmem:s24], [sflag:$0x4], $0x80, $0x38;
	[tilespmem:$0xEC00] =	vst v63  }
0x129: {  	s21 =	sadd.s32 $0x50, s14;
	s24 =	simm.s32 $0xCAD0  }
0x12a: {  	[hbm4b:s21+s3] =	stream.linear.scatter [tilespmem:s24], [sflag:$0x4], $0x80, $0x38;
	[tilespmem:$0xEC00] =	vst v63  }
0x12b: {  	s21 =	sadd.s32 $0x60, s14;
	s24 =	simm.s32 $0xCB60  }
0x12c: {  	[hbm4b:s21+s3] =	stream.linear.scatter [tilespmem:s24], [sflag:$0x4], $0x80, $0x38;
	[tilespmem:$0xEC00] =	vst v63  }
0x12d: {  	s21 =	sadd.s32 $0x70, s14;
	s24 =	simm.s32 $0xCBF0  }
0x12e: {  	[hbm4b:s21+s3] =	stream.linear.scatter [tilespmem:s24], [sflag:$0x4], $0x80, $0x38;
	[tilespmem:$0xEC00] =	vst v63  }
0x12f: {  	s21 =	sadd.s32 $0x80, s14;
	s24 =	simm.s32 $0xCC80  }
0x130: {  	[hbm4b:s21+s3] =	stream.linear.scatter [tilespmem:s24], [sflag:$0x4], $0x80, $0x38;
	[tilespmem:$0xEC00] =	vst v63  }
0x131: {  	s21 =	sadd.s32 $0x90, s14;
	s24 =	simm.s32 $0xCD10  }
0x132: {  	[hbm4b:s21+s3] =	stream.linear.scatter [tilespmem:s24], [sflag:$0x4], $0x80, $0x38;
	[tilespmem:$0xEC00] =	vst v63  }
0x133: {  	s21 =	sadd.s32 $0xA0, s14;
	s24 =	simm.s32 $0xCDA0  }
0x134: {  	[hbm4b:s21+s3] =	stream.linear.scatter [tilespmem:s24], [sflag:$0x4], $0x80, $0x38;
	[tilespmem:$0xEC00] =	vst v63  }
0x135: {  	s21 =	sadd.s32 $0xB0, s14;
	s24 =	simm.s32 $0xCE30  }
0x136: {  	[hbm4b:s21+s3] =	stream.linear.scatter [tilespmem:s24], [sflag:$0x4], $0x80, $0x38;
	[tilespmem:$0xEC00] =	vst v63  }
0x137: {  	s21 =	sadd.s32 $0xC0, s14;
	s24 =	simm.s32 $0xCEC0  }
0x138: {  	[hbm4b:s21+s3] =	stream.linear.scatter [tilespmem:s24], [sflag:$0x4], $0x80, $0x38;
	[tilespmem:$0xEC00] =	vst v63  }
0x139: {  	s21 =	sadd.s32 $0xD0, s14;
	s24 =	simm.s32 $0xCF50  }
0x13a: {  	[hbm4b:s21+s3] =	stream.linear.scatter [tilespmem:s24], [sflag:$0x4], $0x80, $0x38;
	[tilespmem:$0xEC00] =	vst v63  }
0x13b: {  	s21 =	sadd.s32 $0xE0, s14;
	s24 =	simm.s32 $0xCFE0  }
0x13c: {  	[hbm4b:s21+s3] =	stream.linear.scatter [tilespmem:s24], [sflag:$0x4], $0x80, $0x38;
	[tilespmem:$0xEC00] =	vst v63  }
0x13d: {  	s14 =	sadd.s32 $0xF0, s14;
	s24 =	simm.s32 $0xD070;
	s21 =	sor.u32 $0x4000, s11  }
0x13e: {  	[hbm4b:s14+s3] =	stream.linear.scatter [tilespmem:s24], [sflag:$0x4], $0x80, $0x38;
	[tilespmem:$0xEC00] =	vst v63  }
0x13f: {  	s14 =	sadd.s32 s2, s21;
	s24 =	simm.s32 $0xD100  }
0x140: {  	[hbm4b:s14+s3] =	stream.linear.scatter [tilespmem:s24], [sflag:$0x4], $0x80, $0x38;
	[tilespmem:$0xEC00] =	vst v63  }
0x141: {  	s21 =	sadd.s32 $0x10, s14;
	s24 =	simm.s32 $0xD190  }
0x142: {  	[hbm4b:s21+s3] =	stream.linear.scatter [tilespmem:s24], [sflag:$0x4], $0x80, $0x38;
	[tilespmem:$0xEC00] =	vst v63  }
0x143: {  	s21 =	sadd.s32 $0x20, s14;
	s24 =	simm.s32 $0xD220  }
0x144: {  	[hbm4b:s21+s3] =	stream.linear.scatter [tilespmem:s24], [sflag:$0x4], $0x80, $0x38;
	[tilespmem:$0xEC00] =	vst v63  }
0x145: {  	s21 =	sadd.s32 $0x30, s14;
	s24 =	simm.s32 $0xD2B0  }
0x146: {  	[hbm4b:s21+s3] =	stream.linear.scatter [tilespmem:s24], [sflag:$0x4], $0x80, $0x38;
	[tilespmem:$0xEC00] =	vst v63  }
0x147: {  	s21 =	sadd.s32 $0x40, s14;
	s24 =	simm.s32 $0xD340  }
0x148: {  	[hbm4b:s21+s3] =	stream.linear.scatter [tilespmem:s24], [sflag:$0x4], $0x80, $0x38;
	[tilespmem:$0xEC00] =	vst v63  }
0x149: {  	s21 =	sadd.s32 $0x50, s14;
	s24 =	simm.s32 $0xD3D0  }
0x14a: {  	[hbm4b:s21+s3] =	stream.linear.scatter [tilespmem:s24], [sflag:$0x4], $0x80, $0x38;
	[tilespmem:$0xEC00] =	vst v63  }
0x14b: {  	s21 =	sadd.s32 $0x60, s14;
	s24 =	simm.s32 $0xD460  }
0x14c: {  	[hbm4b:s21+s3] =	stream.linear.scatter [tilespmem:s24], [sflag:$0x4], $0x80, $0x38;
	[tilespmem:$0xEC00] =	vst v63  }
0x14d: {  	s21 =	sadd.s32 $0x70, s14;
	s24 =	simm.s32 $0xD4F0  }
0x14e: {  	[hbm4b:s21+s3] =	stream.linear.scatter [tilespmem:s24], [sflag:$0x4], $0x80, $0x38;
	[tilespmem:$0xEC00] =	vst v63  }
0x14f: {  	s21 =	sadd.s32 $0x80, s14;
	s24 =	simm.s32 $0xD580  }
0x150: {  	[hbm4b:s21+s3] =	stream.linear.scatter [tilespmem:s24], [sflag:$0x4], $0x80, $0x38;
	[tilespmem:$0xEC00] =	vst v63  }
0x151: {  	s21 =	sadd.s32 $0x90, s14;
	s24 =	simm.s32 $0xD610  }
0x152: {  	[hbm4b:s21+s3] =	stream.linear.scatter [tilespmem:s24], [sflag:$0x4], $0x80, $0x38;
	[tilespmem:$0xEC00] =	vst v63  }
0x153: {  	s21 =	sadd.s32 $0xA0, s14;
	s24 =	simm.s32 $0xD6A0  }
0x154: {  	[hbm4b:s21+s3] =	stream.linear.scatter [tilespmem:s24], [sflag:$0x4], $0x80, $0x38;
	[tilespmem:$0xEC00] =	vst v63  }
0x155: {  	s21 =	sadd.s32 $0xB0, s14;
	s24 =	simm.s32 $0xD730  }
0x156: {  	[hbm4b:s21+s3] =	stream.linear.scatter [tilespmem:s24], [sflag:$0x4], $0x80, $0x38;
	[tilespmem:$0xEC00] =	vst v63  }
0x157: {  	s21 =	sadd.s32 $0xC0, s14;
	s24 =	simm.s32 $0xD7C0  }
0x158: {  	[hbm4b:s21+s3] =	stream.linear.scatter [tilespmem:s24], [sflag:$0x4], $0x80, $0x38;
	[tilespmem:$0xEC00] =	vst v63  }
0x159: {  	s21 =	sadd.s32 $0xD0, s14;
	s24 =	simm.s32 $0xD850  }
0x15a: {  	[hbm4b:s21+s3] =	stream.linear.scatter [tilespmem:s24], [sflag:$0x4], $0x80, $0x38;
	[tilespmem:$0xEC00] =	vst v63  }
0x15b: {  	s21 =	sadd.s32 $0xE0, s14;
	s24 =	simm.s32 $0xD8E0  }
0x15c: {  	[hbm4b:s21+s3] =	stream.linear.scatter [tilespmem:s24], [sflag:$0x4], $0x80, $0x38;
	[tilespmem:$0xEC00] =	vst v63  }
0x15d: {  	s14 =	sadd.s32 $0xF0, s14;
	s24 =	simm.s32 $0xD970;
	s21 =	sor.u32 $0x8000, s11  }
0x15e: {  	[hbm4b:s14+s3] =	stream.linear.scatter [tilespmem:s24], [sflag:$0x4], $0x80, $0x38;
	[tilespmem:$0xEC00] =	vst v63  }
0x15f: {  	s14 =	sadd.s32 s2, s21;
	s24 =	simm.s32 $0xDA00  }
0x160: {  	[hbm4b:s14+s3] =	stream.linear.scatter [tilespmem:s24], [sflag:$0x4], $0x80, $0x38;
	[tilespmem:$0xEC00] =	vst v63  }
0x161: {  	s21 =	sadd.s32 $0x10, s14;
	s24 =	simm.s32 $0xDA90  }
0x162: {  	[hbm4b:s21+s3] =	stream.linear.scatter [tilespmem:s24], [sflag:$0x4], $0x80, $0x38;
	[tilespmem:$0xEC00] =	vst v63  }
0x163: {  	s21 =	sadd.s32 $0x20, s14;
	s24 =	simm.s32 $0xDB20  }
0x164: {  	[hbm4b:s21+s3] =	stream.linear.scatter [tilespmem:s24], [sflag:$0x4], $0x80, $0x38;
	[tilespmem:$0xEC00] =	vst v63  }
0x165: {  	s21 =	sadd.s32 $0x30, s14;
	s24 =	simm.s32 $0xDBB0  }
0x166: {  	[hbm4b:s21+s3] =	stream.linear.scatter [tilespmem:s24], [sflag:$0x4], $0x80, $0x38;
	[tilespmem:$0xEC00] =	vst v63  }
0x167: {  	s21 =	sadd.s32 $0x40, s14;
	s24 =	simm.s32 $0xDC40  }
0x168: {  	[hbm4b:s21+s3] =	stream.linear.scatter [tilespmem:s24], [sflag:$0x4], $0x80, $0x38;
	[tilespmem:$0xEC00] =	vst v63  }
0x169: {  	s21 =	sadd.s32 $0x50, s14;
	s24 =	simm.s32 $0xDCD0  }
0x16a: {  	[hbm4b:s21+s3] =	stream.linear.scatter [tilespmem:s24], [sflag:$0x4], $0x80, $0x38;
	[tilespmem:$0xEC00] =	vst v63  }
0x16b: {  	s21 =	sadd.s32 $0x60, s14;
	s24 =	simm.s32 $0xDD60  }
0x16c: {  	[hbm4b:s21+s3] =	stream.linear.scatter [tilespmem:s24], [sflag:$0x4], $0x80, $0x38;
	[tilespmem:$0xEC00] =	vst v63  }
0x16d: {  	s21 =	sadd.s32 $0x70, s14;
	s24 =	simm.s32 $0xDDF0  }
0x16e: {  	[hbm4b:s21+s3] =	stream.linear.scatter [tilespmem:s24], [sflag:$0x4], $0x80, $0x38;
	[tilespmem:$0xEC00] =	vst v63  }
0x16f: {  	s21 =	sadd.s32 $0x80, s14;
	s24 =	simm.s32 $0xDE80  }
0x170: {  	[hbm4b:s21+s3] =	stream.linear.scatter [tilespmem:s24], [sflag:$0x4], $0x80, $0x38;
	[tilespmem:$0xEC00] =	vst v63  }
0x171: {  	s21 =	sadd.s32 $0x90, s14;
	s24 =	simm.s32 $0xDF10  }
0x172: {  	[hbm4b:s21+s3] =	stream.linear.scatter [tilespmem:s24], [sflag:$0x4], $0x80, $0x38;
	[tilespmem:$0xEC00] =	vst v63  }
0x173: {  	s21 =	sadd.s32 $0xA0, s14;
	s24 =	simm.s32 $0xDFA0  }
0x174: {  	[hbm4b:s21+s3] =	stream.linear.scatter [tilespmem:s24], [sflag:$0x4], $0x80, $0x38;
	[tilespmem:$0xEC00] =	vst v63  }
0x175: {  	s21 =	sadd.s32 $0xB0, s14;
	s24 =	simm.s32 $0xE030  }
0x176: {  	[hbm4b:s21+s3] =	stream.linear.scatter [tilespmem:s24], [sflag:$0x4], $0x80, $0x38;
	[tilespmem:$0xEC00] =	vst v63  }
0x177: {  	s21 =	sadd.s32 $0xC0, s14;
	s24 =	simm.s32 $0xE0C0  }
0x178: {  	[hbm4b:s21+s3] =	stream.linear.scatter [tilespmem:s24], [sflag:$0x4], $0x80, $0x38;
	[tilespmem:$0xEC00] =	vst v63  }
0x179: {  	s21 =	sadd.s32 $0xD0, s14;
	s24 =	simm.s32 $0xE150  }
0x17a: {  	[hbm4b:s21+s3] =	stream.linear.scatter [tilespmem:s24], [sflag:$0x4], $0x80, $0x38;
	[tilespmem:$0xEC00] =	vst v63  }
0x17b: {  	s21 =	sadd.s32 $0xE0, s14;
	s24 =	simm.s32 $0xE1E0  }
0x17c: {  	[hbm4b:s21+s3] =	stream.linear.scatter [tilespmem:s24], [sflag:$0x4], $0x80, $0x38;
	[tilespmem:$0xEC00] =	vst v63  }
0x17d: {  	s11 =	sor.u32 $0xC000, s11;
	s14 =	sadd.s32 $0xF0, s14;
	s24 =	simm.s32 $0xE270  }
0x17e: {  	[hbm4b:s14+s3] =	stream.linear.scatter [tilespmem:s24], [sflag:$0x4], $0x80, $0x38;
	[tilespmem:$0xEC00] =	vst v63  }
0x17f: {  	s19 =	simm.s32 $0xE300;
	s11 =	sadd.s32 s2, s11  }
0x180: {  	[hbm4b:s11+s3] =	stream.linear.scatter [tilespmem:s19], [sflag:$0x4], $0x80, $0x38;
	[tilespmem:$0xEC00] =	vst v63  }
0x181: {  	s21 =	sadd.s32 $0x10, s11;
	s24 =	simm.s32 $0xE390  }
0x182: {  	[hbm4b:s21+s3] =	stream.linear.scatter [tilespmem:s24], [sflag:$0x4], $0x80, $0x38;
	[tilespmem:$0xEC00] =	vst v63  }
0x183: {  	s21 =	sadd.s32 $0x20, s11;
	s24 =	simm.s32 $0xE420  }
0x184: {  	[hbm4b:s21+s3] =	stream.linear.scatter [tilespmem:s24], [sflag:$0x4], $0x80, $0x38;
	[tilespmem:$0xEC00] =	vst v63  }
0x185: {  	s21 =	sadd.s32 $0x30, s11;
	s24 =	simm.s32 $0xE4B0  }
0x186: {  	[hbm4b:s21+s3] =	stream.linear.scatter [tilespmem:s24], [sflag:$0x4], $0x80, $0x38;
	[tilespmem:$0xEC00] =	vst v63  }
0x187: {  	s19 =	sadd.s32 $0x40, s11;
	s21 =	simm.s32 $0xE540  }
0x188: {  	[hbm4b:s19+s3] =	stream.linear.scatter [tilespmem:s21], [sflag:$0x4], $0x80, $0x38;
	[tilespmem:$0xEC00] =	vst v63  }
0x189: {  	s24 =	sadd.s32 $0x50, s11  }
0x18a: {  	[hbm4b:s24+s3] =	stream.linear.scatter [tilespmem:s25], [sflag:$0x4], $0x80, $0x38;
	[tilespmem:$0xEC00] =	vst v63  }
0x18b: {  	s19 =	sadd.s32 $0x60, s11  }
0x18c: {  	[hbm4b:s19+s3] =	stream.linear.scatter [tilespmem:s26], [sflag:$0x4], $0x80, $0x38;
	[tilespmem:$0xEC00] =	vst v63  }
0x18d: {  	s21 =	sadd.s32 $0x70, s11  }
0x18e: {  	[hbm4b:s21+s3] =	stream.linear.scatter [tilespmem:s30], [sflag:$0x4], $0x80, $0x38;
	[tilespmem:$0xEC00] =	vst v63  }
0x18f: {  	s24 =	sadd.s32 $0x80, s11  }
0x190: {  	[hbm4b:s24+s3] =	stream.linear.scatter [tilespmem:s31], [sflag:$0x4], $0x80, $0x38;
	[tilespmem:$0xEC00] =	vst v63  }
0x191: {  	s19 =	sadd.s32 $0x90, s11  }
0x192: {  	[hbm4b:s19+s3] =	stream.linear.scatter [tilespmem:s0], [sflag:$0x4], $0x80, $0x38;
	[tilespmem:$0xEC00] =	vst v63  }
0x193: {  	s21 =	sadd.s32 $0xA0, s11  }
0x194: {  	[hbm4b:s21+s3] =	stream.linear.scatter [tilespmem:s1], [sflag:$0x4], $0x80, $0x38;
	[tilespmem:$0xEC00] =	vst v63  }
0x195: {  	s24 =	sadd.s32 $0xB0, s11  }
0x196: {  	[hbm4b:s24+s3] =	stream.linear.scatter [tilespmem:s12], [sflag:$0x4], $0x80, $0x38;
	[tilespmem:$0xEC00] =	vst v63  }
0x197: {  	s19 =	sadd.s32 $0xC0, s11  }
0x198: {  	[hbm4b:s19+s3] =	stream.linear.scatter [tilespmem:s13], [sflag:$0x4], $0x80, $0x38;
	[tilespmem:$0xEC00] =	vst v63  }
0x199: {  	s21 =	sadd.s32 $0xD0, s11  }
0x19a: {  	[hbm4b:s21+s3] =	stream.linear.scatter [tilespmem:s16], [sflag:$0x4], $0x80, $0x38;
	[tilespmem:$0xEC00] =	vst v63  }
.Ltmp4:
0x19b: {  	_ = 	snop;
	(pc) =	sbr.rel @p1 .LBB2_8-.Ltmp4, $4  }
0x19c: {  	s24 =	sadd.s32 $0xE0, s11  }
0x19d: {  	[hbm4b:s24+s3] =	stream.linear.scatter [tilespmem:s17], [sflag:$0x4], $0x80, $0x38;
	[tilespmem:$0xEC00] =	vst v63  }
0x19e: {  	s11 =	sadd.s32 $0xF0, s11  }
0x19f: {  	[hbm4b:s11+s3] =	stream.linear.scatter [tilespmem:s18], [sflag:$0x4], $0x80, $0x38;
	[tilespmem:$0xEC00] =	vst v63  }
.Ltmp5:
0x1a0: {  	(pc) =	sbr.rel .LBB2_2-.Ltmp5, $4  }
0x1a1: {  	s5 =	sadd.s32 $0x300, s5;
	s11 =	simm.s32 $0x8400  }
0x1a2: {  	[tilespmem:s11], [sflag:$0x2] =	stream.indirect.gather [hbm4b:s4+s15], $0x20, s5, s15, $0xb8;
	[tilespmem:$0xEC00] =	vst v63  }
0x1a3: {  	s24 =	simm.s32 $0x9400;
	s20 =	sadd.s32 $0x1, s20;
	s5 =	sor.u32 $0x180, s5  }
0x1a4: {  	[tilespmem:s24], [sflag:$0x2] =	stream.indirect.gather [hbm4b:s4+s15], $0x20, s5, s15, $0xb8;
	[tilespmem:$0xEC00] =	vst v63  }
.LBB2_9:
0x1a5: {  	_ =	sfence.sel $0x180000  }
0x1a6: {  	[bflag:$0x0] =	sbarrier.arrive $0xFFFF  }
0x1a7: {  	_ =	strace $0x9000004D  }
0x1a8: {  	s0 =	stileid.u32;
	[bflag:$0x2] =	sbarrier.arrive $0xFFFF  }
0x1a9: {  	p0 =	sne.s32 s0, $0x0;
	s0 =	rddreg [dreg:$0x2]  }
0x1aa: {  	s0 =	sadd.s32 @!p0 $0x100000, s0  }
0x1ab: {  	[sflag:s0] =	ssyncadd.tile.s32 @!p0 $0x1;
	_ =	shalt  }
.Lfunc_end2:
_tile_overlayer_lowered:
.L_overlay_start_2:
0x1ac: {  	(tag) =	ssettag $0x2  }
0x1ad: {  	s0 =	rddreg [dreg:$0x0];
	s2 =	stileid.u32  }
0x1ae: {  	s1 =	rddreg [dreg:$0x1];
	p0 =	sne.s32 s2, $0x0  }
0x1af: {  	s3 =	rddreg [dreg:$0x2];
	[bflag:$0x3] =	sbarrier.arrive $0xFFFF;
	s2 =	simm.s32 @!p0 $0x1C05  }
0x1b0: {  	[timem:s3], [sflag:s2] =	dma.local @!p0 [hbm:s0], s1  }
0x1b1: {  	s0 =	simm.s32 @!p0 $0x5  }
0x1b2: {  	_ =	swait.ge @!p0 [sflag:s0], s1  }
0x1b3: {  	s1 =	ssub.s32 @!p0 $0x0, s1;
	[sflag:s0] =	ssyncset.done @!p0 $0x0  }
0x1b4: {  	[sflag:s0] =	ssyncadd.s32 @!p0 s1  }
0x1b5: {  	[bflag:$0x3] =	sbarrier.arrive $0xFFFF  }
0x1b6: {  	_ =	shalt  }

// kernel: _embed_impl.5.cloned.1.call-start
scs
__scs_entry_jumppad:
0x0: {  	(pc) =	sbr.rel $0x88, $3  }
0x1: {  	(tag) =	ssettag $0x0;
	lr =	simm.s32 $0x1  }
0x2: {  	[smem:$0x3F9F] =	sst lr;
	_ =	strace $0xD0000000  }
0x3: {  	_ = 	snop  }
0x4: {  	_ = 	snop  }
0x5: {  	_ = 	snop  }
0x6: {  	_ = 	snop  }
0x7: {  	_ = 	snop  }
__scs_overlays_trampoline_lowered:
0x8: {  	[smem:$0x3FAE] =	sst s0  }
0x9: {  	[smem:$0x3FAF] =	sst s1  }
0xa: {  	[smem:$0x3FB0] =	sst s2  }
0xb: {  	[smem:$0x3FB1] =	sst s3  }
0xc: {  	[smem:$0x3FB2] =	sst s4  }
0xd: {  	[smem:$0x3FB3] =	sst s5  }
0xe: {  	[smem:$0x3FB4] =	sst s6  }
0xf: {  	[smem:$0x3FB5] =	sst s7  }
0x10: {  	[smem:$0x3FB6] =	sst s8  }
0x11: {  	[smem:$0x3FB7] =	sst s9;
	s0 =	simm.s32 @!p0 $0x0  }
0x12: {  	s1 =	sld [smem:$0x3F9D];
	s0 =	simm.s32 @p0 $0x1  }
0x13: {  	[smem:$0x3FB8] =	sst s0;
	s0 =	simm.s32 @!p1 $0x0  }
0x14: {  	s2 =	sld [smem:$0x3F9C];
	s0 =	simm.s32 @p1 $0x1  }
0x15: {  	[smem:$0x3FB9] =	sst s0;
	s0 =	simm.s32 @!p2 $0x0  }
0x16: {  	s3 =	sld [smem:$0x3FDB];
	s0 =	simm.s32 @p2 $0x1  }
0x17: {  	s4 =	simm.s32 $0x1BF5;
	[smem:$0x3FBB] =	sst s0  }
0x18: {  	s0 =	sld [smem:$0x3F9E];
	_ =	swait.ge [sflag:s4], $0x0  }
0x19: {  	s7 =	sld [smem:$0x3F9F]  }
0x1a: {  	s8 =	sadd.s32 $0xFFFFE003, lr  }
0x1b: {  	s9 =	sadd.s32 $0xFFFFFEF7, lr;
	s5 =	simm.s32 $0xFFFFFFFF;
	p2 =	slt.u32 s8, $0xFFFFF086  }
0x1c: {  	p1 =	slt.u32 s9, $0xF7A;
	s5 =	simm.s32 @!p2 $0x0  }
0x1d: {  	s5 =	simm.s32 @p1 $0x1;
	p0 =	seq.s32 s7, s2  }
0x1e: {  	s7 =	smul.u32 @!p0 $0xF7A, s2;
	p2 =	seq.s32 @!p0 s5, $0x0  }
0x1f: {  	s9 =	smul.u32 $0xF7A, s1;
	s8 =	simm.s32 @!p0 $0x1BF5;
	p2 =	por !p2, p0  }
0x20: {  	[sflag:s8] =	ssyncset.s32 @!p0 $0xFFFFF086;
	s6 =	sadd.s32 @!p0 s3, s7;
	s7 =	simm.s32 @!p0 $0x108  }
0x21: {  	s3 =	sadd.s32 s3, s9;
	s6 =	sadd.s32 @!p0 $0x88, s6;
	s7 =	simm.s32 @p2 $0x1082  }
0x22: {  	[simem:s7], [sflag:s8] =	dma.local @!p0 [hbm:s6], $0xF7A  }
0x23: {  	s9 =	sor.u32 $0xD0000000, s2;
	s6 =	simm.s32 $0x108;
	_ =	swait.ge @!p0 [sflag:s8], $0x0  }
0x24: {  	s3 =	sadd.s32 $0x88, s3;
	s6 =	simm.s32 @!p1 $0x1082;
	[sflag:s4] =	ssyncset.s32 $0xFFFFF086  }
0x25: {  	[simem:s6], [sflag:s4] =	dma.local [hbm:s3], $0xF7A  }
0x26: {  	[smem:$0x3F9F] =	sst s1;
	(tag) =	ssettag s2;
	_ =	strace s9  }
0x27: {  	s1 =	sld [smem:$0x3FAF]  }
0x28: {  	s2 =	sld [smem:$0x3FB0]  }
0x29: {  	s4 =	sld [smem:$0x3FB2]  }
0x2a: {  	p0 =	seq.s32 s5, $0x0;
	s5 =	sld [smem:$0x3FB3]  }
0x2b: {  	s6 =	sld [smem:$0x3FB4]  }
0x2c: {  	s7 =	sld [smem:$0x3FB5]  }
0x2d: {  	s3 =	simm.s32 $0x108;
	s8 =	sld [smem:$0x3FB6]  }
0x2e: {  	s3 =	simm.s32 @!p0 $0x1082;
	s9 =	sld [smem:$0x3FB7]  }
0x2f: {  	lr =	sadd.s32 s0, s3;
	s0 =	sld [smem:$0x3FAE]  }
0x30: {  	s3 =	sld [smem:$0x3FB1]  }
0x31: {  	[smem:$0x3FBA] =	sst s10  }
0x32: {  	s10 =	sld [smem:$0x3FB8];
	_ =	sdelay $0x3  }
0x33: {  	p0 =	seq.s32 s10, $0x1;
	s10 =	sld [smem:$0x3FBA];
	_ =	sdelay $0x3  }
0x34: {  	[smem:$0x3FBA] =	sst s10  }
0x35: {  	s10 =	sld [smem:$0x3FB9];
	_ =	sdelay $0x3  }
0x36: {  	p1 =	seq.s32 s10, $0x1;
	s10 =	sld [smem:$0x3FBA];
	_ =	sdelay $0x3  }
0x37: {  	[smem:$0x3FBA] =	sst s10  }
0x38: {  	s10 =	sld [smem:$0x3FBB]  }
0x39: {  	_ = 	snop;
	(pc) =	sbr.ind lr, $3  }
0x3a: {  	_ = 	snop  }
0x3b: {  	_ = 	snop  }
0x3c: {  	p2 =	seq.s32 s10, $0x1;
	s10 =	sld [smem:$0x3FBA]  }
0x3d: {  	_ =	shalt  }
0x3e: {  	_ =	shalt  }
0x3f: {  	_ =	shalt  }
0x40: {  	_ =	shalt  }
0x41: {  	_ =	shalt  }
0x42: {  	_ =	shalt  }
0x43: {  	_ =	shalt  }
0x44: {  	_ =	shalt  }
0x45: {  	_ =	shalt  }
0x46: {  	_ =	shalt  }
0x47: {  	_ =	shalt  }
0x48: {  	_ =	shalt  }
0x49: {  	_ =	shalt  }
0x4a: {  	_ =	shalt  }
0x4b: {  	_ =	shalt  }
0x4c: {  	_ =	shalt  }
0x4d: {  	_ =	shalt  }
0x4e: {  	_ =	shalt  }
0x4f: {  	_ =	shalt  }
0x50: {  	_ =	shalt  }
0x51: {  	_ =	shalt  }
0x52: {  	_ =	shalt  }
0x53: {  	_ =	shalt  }
0x54: {  	_ =	shalt  }
0x55: {  	_ =	shalt  }
0x56: {  	_ =	shalt  }
0x57: {  	_ =	shalt  }
0x58: {  	_ =	shalt  }
0x59: {  	_ =	shalt  }
0x5a: {  	_ =	shalt  }
0x5b: {  	_ =	shalt  }
0x5c: {  	_ =	shalt  }
0x5d: {  	_ =	shalt  }
0x5e: {  	_ =	shalt  }
0x5f: {  	_ =	shalt  }
0x60: {  	_ =	shalt  }
0x61: {  	_ =	shalt  }
0x62: {  	_ =	shalt  }
0x63: {  	_ =	shalt  }
0x64: {  	_ =	shalt  }
0x65: {  	_ =	shalt  }
0x66: {  	_ =	shalt  }
0x67: {  	_ =	shalt  }
0x68: {  	_ =	shalt  }
0x69: {  	_ =	shalt  }
0x6a: {  	_ =	shalt  }
0x6b: {  	_ =	shalt  }
0x6c: {  	_ =	shalt  }
0x6d: {  	_ =	shalt  }
0x6e: {  	_ =	shalt  }
0x6f: {  	_ =	shalt  }
0x70: {  	_ =	shalt  }
0x71: {  	_ =	shalt  }
0x72: {  	_ =	shalt  }
0x73: {  	_ =	shalt  }
0x74: {  	_ =	shalt  }
0x75: {  	_ =	shalt  }
0x76: {  	_ =	shalt  }
0x77: {  	_ =	shalt  }
0x78: {  	_ =	shalt  }
0x79: {  	_ =	shalt  }
0x7a: {  	_ =	shalt  }
0x7b: {  	_ =	shalt  }
0x7c: {  	_ =	shalt  }
0x7d: {  	_ =	shalt  }
0x7e: {  	_ =	shalt  }
0x7f: {  	_ =	shalt  }
0x80: {  	_ =	shalt  }
0x81: {  	_ =	shalt  }
0x82: {  	_ =	shalt  }
0x83: {  	_ =	shalt  }
0x84: {  	_ =	shalt  }
0x85: {  	_ =	shalt  }
0x86: {  	_ =	shalt  }
0x87: {  	_ =	shalt  }
.Lfunc_end0:
.L_simem_size_0:
called_computation_lowered:
.L_overlay_start_0:
0x88: {  	s2 =	sld [smem:$0x3FD9]  }
0x89: {  	s3 =	sld [smem:$0x3FFE];
	_ =	sdelay $0x1  }
0x8a: {  	s1 =	srdreg.scid  }
0x8b: {  	s0 =	sand.u32 $0x1, s1  }
0x8c: {  	s17 =	sshll.u32 s0, $0xA;
	s2 =	sadd.s32 s3, s2  }
0x8d: {  	s2 =	sadd.s32 s2, s17  }
0x8e: {  	[smem:$0x3FC6] =	sst s2  }
0x8f: {  	_ = 	snop  }
0x90: {  	s2 =	sld [smem:$0x3FC9];
	(tm) =	ssettm $0x1  }
0x91: {  	s18 =	sld [smem:$0x3FFB];
	_ =	sdelay $0x3  }
0x92: {  	_ =	strace s18  }
0x93: {  	s3 =	sld [smem:$0x3FFC];
	_ =	sdelay $0x3  }
0x94: {  	_ =	strace s3  }
0x95: {  	s3 =	sld [smem:$0x3FFD];
	_ =	sdelay $0x3  }
0x96: {  	_ =	strace s3  }
0x97: {  	_ =	strace $0x8FFFFFFF  }
0x98: {  	s19 =	sld [smem:$0x3FDB];
	_ =	sdelay $0x1  }
0x99: {  	s4 =	simm.s32 $_scs_section_size  }
0x9a: {  	s5 =	simm.s32 $_size__tile_overlayer_lowered;
	s6 =	simm.s32 $_tile_overlayer_lowered  }
0x9b: {  	s22 =	simm.s32 $0x1BFF;
	s21 =	sshll.u32 s6, $0x1;
	s3 =	sadd.s32 s4, s19  }
0x9c: {  	s7 =	simm.s32 $0x0;
	s20 =	sshll.u32 s5, $0x1;
	s5 =	sadd.s32 s21, s3  }
0x9d: {  	[timem:s7], [sflag:s22] =	dma.local [hbm:s5], s20  }
0x9e: {  	_ =	swait.ge [sflag:s22], s20  }
0x9f: {  	s4 =	ssub.s32 $0x0, s20;
	[sflag:s22] =	ssyncset.done $0x0  }
0xa0: {  	[sflag:s22] =	ssyncadd.s32 s4;
	_ =	sdelay $0x1  }
0xa1: {  	s23 =	simm.s32 $0x1B8B  }
0xa2: {  	_ =	swait.ge [sflag:s23], $0x1  }
0xa3: {  	[sflag:s23] =	ssyncset.done $0x0  }
0xa4: {  	s25 =	simm.s32 $0x1B8E;
	s24 =	sld [smem:$0x3FFE];
	[sflag:s23] =	ssyncadd.s32 $0xFFFFFFFF  }
0xa5: {  	s26 =	simm.s32 $execute0_lowered;
	[smem:$0x3FD2] =	sst s25  }
0xa6: {  	s5 =	sshll.u32 s26, $0x1;
	_ =	strace $0x80000046;
	[dreg:$0x1] =	wrdreg $0xFFFFFFFF  }
0xa7: {  	s28 =	simm.s32 $_size_execute0_lowered;
	s3 =	sadd.s32 s3, s5;
	[dreg:$0x0] =	wrdreg $0x0  }
0xa8: {  	s5 =	sshll.u32 s28, $0x1;
	[dreg:$0x2] =	wrdreg s3  }
0xa9: {  	[dreg:$0x3] =	wrdreg s5  }
0xaa: {  	[dreg:$0x4] =	wrdreg $0xC0  }
0xab: {  	_ =	task [dreg:s7], $0x5FFFF  }
0xac: {  	[dreg:$0x1] =	wrdreg $0xFFFFFFFF  }
0xad: {  	[dreg:$0x0] =	wrdreg $0x60  }
0xae: {  	[dreg:$0x2] =	wrdreg s2  }
0xaf: {  	[dreg:$0x3] =	wrdreg s24  }
0xb0: {  	[dreg:$0x4] =	wrdreg $0x9  }
0xb1: {  	_ =	task.clear_ibuf [dreg:s7], $0x5FFFF;
	_ =	strace $0x90000046  }
0xb2: {  	s29 =	simm.s32 $0x9;
	_ =	strace $0x80000048  }
0xb3: {  	_ =	swait.ge [sflag:s29], $0x1  }
0xb4: {  	[sflag:s29] =	ssyncadd.s32 $0xFFFFFFFF  }
0xb5: {  	_ =	strace $0x90000048  }
0xb6: {  	_ =	sfence  }
0xb7: {  	s30 =	sld [smem:$0x0];
	_ =	sdelay $0x2  }
0xb8: {  	s31 =	sshll.u32 s1, $0xD;
	s1 =	sshrl.u32 s1, $0x2  }
0xb9: {  	s3 =	sand.u32 $0x4000, s31;
	s1 =	sadd.s32 s1, s30  }
0xba: {  	s0 =	sor.u32 s3, s0;
	s1 =	sshll.u32 s1, $0x11  }
0xbb: {  	s0 =	sor.u32 s1, s0  }
0xbc: {  	s0 =	sadd.s32 $0x8F2B, s0  }
0xbd: {  	[sflag:s0] =	ssyncadd.remote.s32 $0x1  }
0xbe: {  	_ =	sfence.sel $0xFFFF  }
0xbf: {  	[dreg:$0x0] =	wrdreg $0xFFFFFFFF;
	(pc) =	sbr.abs _section_cstart, $3  }
0xc0: {  	[dreg:$0x1] =	wrdreg $0xFFFFFFFF  }
0xc1: {  	_ =	task.clear_ibuf [dreg:s7], $0x2FFFF;
	_ =	strace $0x9FFFFFFF  }
0xc2: {  	(tm) =	ssettm $0x7FFFFFFF  }
0xc3: {  	_ =	shalt  }
tec
execute0_lowered:
.L_overlay_start_1:
0x0: {  	(tag) =	ssettag $0x1  }
0x1: {  	s3 =	rddreg [dreg:$0x0]  }
0x2: {  	s0 =	rddreg [dreg:$0x1]  }
0x3: {  	s1 =	srdreg.scid;
	s4 =	stileid.u32  }
0x4: {  	s2 =	simm.s32 $0x0;
	s9 =	sand.u32 $0x1, s1;
	s7 =	sshll.u32 s4, $0xA  }
0x5: {  	[smem:$0x7FF] =	sst s2;
	s0 =	sadd.s32 $0xC00, s0;
	s1 =	sshll.u32 s9, $0x9  }
0x6: {  	s20 =	sadd.s32 $0x14000, s3;
	s8 =	sor.u32 $0x20000, s7;
	s4 =	sor.u32 s1, s7  }
0x7: {  	_ =	strace $0x80000047;
	s10 =	sor.u32 s1, s8;
	s5 =	sadd.s32 s3, s4  }
0x8: {  	s12 =	sshrl.u32 s4, $0x3;
	s14 =	sshrl.u32 s10, $0x3;
	s10 =	sor.u32 $0x40000, s7  }
0x9: {  	s21 =	sadd.s32 s4, s20;
	[dreg:$0x3] =	wrdreg s5;
	s6 =	sadd.s32 s0, s12  }
0xa: {  	s5 =	sadd.s32 $0x4000, s3;
	s11 =	sadd.s32 s0, s14;
	[dreg:$0xd] =	wrdreg s21  }
0xb: {  	s12 =	sor.u32 s1, s10;
	s14 =	sadd.s32 $0xC000, s3;
	[dreg:$0x4] =	wrdreg s6  }
0xc: {  	s13 =	sadd.s32 s4, s5;
	s6 =	sadd.s32 $0x8000, s3;
	[dreg:$0x6] =	wrdreg s11  }
0xd: {  	s16 =	sshrl.u32 s12, $0x3;
	s17 =	sadd.s32 s4, s14;
	[dreg:$0x5] =	wrdreg s13  }
0xe: {  	s11 =	sor.u32 $0x60000, s7;
	s15 =	sadd.s32 s4, s6;
	[dreg:$0x9] =	wrdreg s17  }
0xf: {  	s12 =	sadd.s32 s0, s16;
	s13 =	sor.u32 s1, s11;
	[dreg:$0x7] =	wrdreg s15  }
0x10: {  	[dreg:$0x8] =	wrdreg s12;
	s13 =	sshrl.u32 s13, $0x3  }
0x11: {  	s12 =	sor.u32 $0x80000, s7;
	s15 =	sadd.s32 $0x10000, s3;
	s13 =	sadd.s32 s0, s13  }
0x12: {  	s16 =	sor.u32 s1, s12;
	s18 =	sadd.s32 s4, s15;
	[dreg:$0xa] =	wrdreg s13  }
0x13: {  	s9 =	ssub.s32 $0x2, s9;
	s16 =	sshrl.u32 s16, $0x3;
	[dreg:$0xb] =	wrdreg s18  }
0x14: {  	s13 =	sor.u32 $0x80, s4;
	s19 =	sadd.s32 s0, s16;
	s16 =	sor.u32 $0xA0000, s7  }
0x15: {  	s18 =	sand.u32 $0x280, s13;
	s24 =	sadd.s32 s3, s13;
	[dreg:$0xc] =	wrdreg s19  }
0x16: {  	s21 =	sadd.s32 s13, s5;
	s22 =	sor.u32 s1, s16;
	[dreg:$0x10] =	wrdreg s24  }
0x17: {  	s19 =	sor.u32 $0xC0000, s7;
	[dreg:$0x12] =	wrdreg s21;
	s24 =	sadd.s32 s13, s6  }
0x18: {  	s23 =	sor.u32 s7, s18;
	s21 =	sadd.s32 s13, s14;
	[dreg:$0x14] =	wrdreg s24  }
0x19: {  	s26 =	sor.u32 s8, s18;
	[dreg:$0x16] =	wrdreg s21;
	s24 =	sadd.s32 s13, s15  }
0x1a: {  	s17 =	sshrl.u32 s22, $0x3;
	s21 =	sadd.s32 s13, s20;
	[dreg:$0x18] =	wrdreg s24  }
0x1b: {  	s1 =	sor.u32 s1, s19;
	s17 =	sadd.s32 s0, s17;
	[dreg:$0x1a] =	wrdreg s21  }
0x1c: {  	s1 =	sshrl.u32 s1, $0x3;
	s24 =	sor.u32 s19, s18;
	[dreg:$0xe] =	wrdreg s17  }
0x1d: {  	s1 =	sadd.s32 s0, s1;
	s17 =	sshrl.u32 s23, $0x3;
	s23 =	sor.u32 s10, s18  }
0x1e: {  	[dreg:$0xf] =	wrdreg s1;
	s25 =	sadd.s32 s0, s17;
	s17 =	sshrl.u32 s26, $0x3  }
0x1f: {  	s26 =	sor.u32 s11, s18;
	[dreg:$0x11] =	wrdreg s25;
	s22 =	sadd.s32 s0, s17  }
0x20: {  	s17 =	sshrl.u32 s23, $0x3;
	s23 =	sor.u32 s12, s18;
	[dreg:$0x13] =	wrdreg s22  }
0x21: {  	s25 =	sadd.s32 s0, s17;
	s17 =	sshrl.u32 s26, $0x3;
	s26 =	sshrl.u32 s9, $0x1  }
0x22: {  	[dreg:$0x15] =	wrdreg s25;
	s22 =	sadd.s32 s0, s17;
	s17 =	sshrl.u32 s23, $0x3  }
0x23: {  	s23 =	sor.u32 s16, s18;
	[dreg:$0x17] =	wrdreg s22;
	s25 =	sadd.s32 s0, s17  }
0x24: {  	s18 =	sor.u32 $0x100, s4;
	s22 =	ssub.s32 s9, s26;
	[dreg:$0x19] =	wrdreg s25  }
0x25: {  	s9 =	sshrl.u32 s23, $0x3;
	s1 =	sadd.s32 s3, s18;
	[smem:$0x7FD] =	sst s22  }
0x26: {  	s17 =	sshrl.u32 s24, $0x3;
	s24 =	sadd.s32 s18, s5;
	[dreg:$0x1d] =	wrdreg s1  }
0x27: {  	s9 =	sadd.s32 s0, s9;
	s22 =	sand.u32 $0x300, s18;
	[dreg:$0x1f] =	wrdreg s24  }
0x28: {  	s25 =	sadd.s32 s0, s17;
	s1 =	sadd.s32 s18, s6;
	[dreg:$0x1b] =	wrdreg s9  }
0x29: {  	s24 =	sadd.s32 $0x18000, s3;
	s26 =	sor.u32 s7, s22;
	[dreg:$0x1c] =	wrdreg s25  }
0x2a: {  	s23 =	sor.u32 s8, s22;
	[smem:$0x7FA] =	sst s1;
	s31 =	sadd.s32 s4, s24  }
0x2b: {  	s30 =	sadd.s32 s13, s24;
	s28 =	sor.u32 s12, s22;
	s1 =	sor.u32 s16, s22  }
0x2c: {  	s17 =	sshrl.u32 s26, $0x3;
	s26 =	sor.u32 s10, s22;
	s1 =	sshrl.u32 s1, $0x3  }
0x2d: {  	s21 =	sadd.s32 s0, s17;
	s17 =	sshrl.u32 s23, $0x3;
	s23 =	sadd.s32 s18, s14  }
0x2e: {  	[dreg:$0x1e] =	wrdreg s21;
	s25 =	sadd.s32 s0, s17;
	s17 =	sshrl.u32 s26, $0x3  }
0x2f: {  	[smem:$0x7FC] =	sst s23;
	s23 =	sadd.s32 s18, s15;
	s26 =	sor.u32 s11, s22  }
0x30: {  	s22 =	sor.u32 s19, s22;
	[smem:$0x7F9] =	sst s25;
	s21 =	sadd.s32 s0, s17  }
0x31: {  	s25 =	sor.u32 $0x180, s4;
	[smem:$0x7FB] =	sst s21;
	s21 =	sadd.s32 s18, s20  }
0x32: {  	s18 =	sadd.s32 s18, s24;
	s17 =	sadd.s32 s3, s25;
	s13 =	sadd.s32 s25, s5  }
0x33: {  	s9 =	sadd.s32 s25, s6;
	s6 =	sadd.s32 s25, s14;
	s5 =	sadd.s32 s25, s15  }
0x34: {  	s4 =	sadd.s32 s25, s20;
	s3 =	sadd.s32 s25, s24;
	s25 =	sand.u32 $0x380, s25  }
0x35: {  	s20 =	sshrl.u32 s26, $0x3;
	s24 =	sshrl.u32 s28, $0x3;
	s26 =	sadd.s32 s0, s1  }
0x36: {  	s7 =	sor.u32 s7, s25;
	s8 =	sor.u32 s8, s25;
	s10 =	sor.u32 s10, s25  }
0x37: {  	s11 =	sor.u32 s11, s25;
	s12 =	sor.u32 s12, s25;
	s15 =	sor.u32 s16, s25  }
0x38: {  	s16 =	sor.u32 s19, s25;
	s28 =	sadd.s32 s0, s24;
	s7 =	sshrl.u32 s7, $0x3  }
0x39: {  	s25 =	sshrl.u32 s22, $0x3;
	s24 =	sadd.s32 s0, s7;
	s7 =	sshrl.u32 s8, $0x3  }
0x3a: {  	s8 =	sshrl.u32 s10, $0x3;
	s10 =	sshrl.u32 s11, $0x3;
	s11 =	sshrl.u32 s12, $0x3  }
0x3b: {  	s12 =	sshrl.u32 s15, $0x3;
	s15 =	sshrl.u32 s16, $0x3;
	s16 =	sld [smem:$0x7FD]  }
0x3c: {  	s29 =	sadd.s32 s0, s20;
	s25 =	sadd.s32 s0, s25;
	s22 =	sadd.s32 s0, s7  }
0x3d: {  	s20 =	sadd.s32 s0, s8;
	s19 =	sadd.s32 s0, s10;
	s14 =	sadd.s32 s0, s11  }
0x3e: {  	s12 =	sadd.s32 s0, s12;
	s7 =	sadd.s32 s0, s15;
	s0 =	smax.u32 s16, $0x1  }
0x3f: {  	p1 =	sne.s32 s0, $0x1  }
.Ltmp0:
0x40: {  	_ = 	snop;
	(pc) =	sbr.rel @!p1 .LBB2_3-.Ltmp0, $4  }
0x41: {  	_ = 	snop  }
0x42: {  	p0 =	por $0x0, $0x0;
	s1 =	rddreg [dreg:$0x3]  }
0x43: {  	s8 =	simm.s32 $0x1;
	s10 =	simm.s32 $0x80;
	s11 =	simm.s32 $0x4000  }
0x44: {  	s15 =	simm.s32 $0x400;
	s16 =	simm.s32 $0x20000;
	s0 =	sadd.s32 $0xFFFFFFFF, s0  }
0x45: {  	[tilespmem:s2], [sflag:$0x1] =	stream.linear.gather [hbm4b:s1+s2], $0x400, $0x38;
	[tilespmem:$0x400] =	vst v63  }
0x46: {  	_ =	swait.ge [sflag:s8], $0x400  }
0x47: {  	[sflag:s8] =	ssyncset.done $0x0  }
0x48: {  	s1 =	rddreg [dreg:$0x4];
	[sflag:s8] =	ssyncadd.s32 $0xFFFFFC00  }
0x49: {  	[hbm4b:s1+s10] =	stream.strided.scatter [tilespmem:s2], [sflag:$0x1], $0x400, s11, s10, $0x38;
	[tilespmem:$0x400] =	vst v63  }
0x4a: {  	_ =	swait.ge [sflag:s8], $0x400  }
0x4b: {  	[sflag:s8] =	ssyncset.done $0x0  }
0x4c: {  	s1 =	rddreg [dreg:$0x5];
	[sflag:s8] =	ssyncadd.s32 $0xFFFFFC00  }
0x4d: {  	[tilespmem:s2], [sflag:$0x1] =	stream.linear.gather [hbm4b:s1+s2], $0x400, $0x38;
	[tilespmem:$0x400] =	vst v63  }
0x4e: {  	_ =	swait.ge [sflag:s8], $0x400  }
0x4f: {  	[sflag:s8] =	ssyncset.done $0x0  }
0x50: {  	s1 =	rddreg [dreg:$0x6];
	[sflag:s8] =	ssyncadd.s32 $0xFFFFFC00  }
0x51: {  	[hbm4b:s1+s10] =	stream.strided.scatter [tilespmem:s2], [sflag:$0x1], $0x400, s11, s10, $0x38;
	[tilespmem:$0x400] =	vst v63  }
0x52: {  	_ =	swait.ge [sflag:s8], $0x400  }
0x53: {  	[sflag:s8] =	ssyncset.done $0x0  }
0x54: {  	s1 =	rddreg [dreg:$0x7];
	[sflag:s8] =	ssyncadd.s32 $0xFFFFFC00  }
0x55: {  	[tilespmem:s2], [sflag:$0x1] =	stream.linear.gather [hbm4b:s1+s2], $0x400, $0x38;
	[tilespmem:$0x400] =	vst v63  }
0x56: {  	_ =	swait.ge [sflag:s8], $0x400  }
0x57: {  	[sflag:s8] =	ssyncset.done $0x0  }
0x58: {  	s1 =	rddreg [dreg:$0x8];
	[sflag:s8] =	ssyncadd.s32 $0xFFFFFC00  }
0x59: {  	[hbm4b:s1+s10] =	stream.strided.scatter [tilespmem:s2], [sflag:$0x1], $0x400, s11, s10, $0x38;
	[tilespmem:$0x400] =	vst v63  }
0x5a: {  	_ =	swait.ge [sflag:s8], $0x400  }
0x5b: {  	[sflag:s8] =	ssyncset.done $0x0  }
0x5c: {  	s1 =	rddreg [dreg:$0x9];
	[sflag:s8] =	ssyncadd.s32 $0xFFFFFC00  }
0x5d: {  	[tilespmem:s2], [sflag:$0x1] =	stream.linear.gather [hbm4b:s1+s2], $0x400, $0x38;
	[tilespmem:$0x400] =	vst v63  }
0x5e: {  	_ =	swait.ge [sflag:s8], $0x400  }
0x5f: {  	[sflag:s8] =	ssyncset.done $0x0  }
0x60: {  	s1 =	rddreg [dreg:$0xa];
	[sflag:s8] =	ssyncadd.s32 $0xFFFFFC00  }
0x61: {  	[hbm4b:s1+s10] =	stream.strided.scatter [tilespmem:s2], [sflag:$0x1], $0x400, s11, s10, $0x38;
	[tilespmem:$0x400] =	vst v63  }
0x62: {  	_ =	swait.ge [sflag:s8], $0x400  }
0x63: {  	[sflag:s8] =	ssyncset.done $0x0  }
0x64: {  	s1 =	rddreg [dreg:$0xb];
	[sflag:s8] =	ssyncadd.s32 $0xFFFFFC00  }
0x65: {  	[tilespmem:s2], [sflag:$0x1] =	stream.linear.gather [hbm4b:s1+s2], $0x400, $0x38;
	[tilespmem:$0x400] =	vst v63  }
0x66: {  	_ =	swait.ge [sflag:s8], $0x400  }
0x67: {  	[sflag:s8] =	ssyncset.done $0x0  }
0x68: {  	s1 =	rddreg [dreg:$0xc];
	[sflag:s8] =	ssyncadd.s32 $0xFFFFFC00  }
0x69: {  	[hbm4b:s1+s10] =	stream.strided.scatter [tilespmem:s2], [sflag:$0x1], $0x400, s11, s10, $0x38;
	[tilespmem:$0x400] =	vst v63  }
0x6a: {  	_ =	swait.ge [sflag:s8], $0x400  }
0x6b: {  	[sflag:s8] =	ssyncset.done $0x0  }
0x6c: {  	s1 =	rddreg [dreg:$0xd];
	[sflag:s8] =	ssyncadd.s32 $0xFFFFFC00  }
0x6d: {  	[tilespmem:s2], [sflag:$0x1] =	stream.linear.gather [hbm4b:s1+s2], $0x400, $0x38;
	[tilespmem:$0x400] =	vst v63  }
0x6e: {  	_ =	swait.ge [sflag:s8], $0x400  }
0x6f: {  	[sflag:s8] =	ssyncset.done $0x0  }
0x70: {  	s1 =	rddreg [dreg:$0xe];
	[sflag:s8] =	ssyncadd.s32 $0xFFFFFC00  }
0x71: {  	[hbm4b:s1+s10] =	stream.strided.scatter [tilespmem:s2], [sflag:$0x1], $0x400, s11, s10, $0x38;
	[tilespmem:$0x400] =	vst v63  }
0x72: {  	_ =	swait.ge [sflag:s8], $0x400  }
0x73: {  	[sflag:s8] =	ssyncset.done $0x0  }
0x74: {  	[sflag:s8] =	ssyncadd.s32 $0xFFFFFC00  }
0x75: {  	[tilespmem:s2], [sflag:$0x1] =	stream.strided.gather [hbm4b:s31+s15], $0x0, s16, s15, $0x38;
	[tilespmem:$0x400] =	vst v63  }
0x76: {  	_ = 	snop  }
0x77: {  	[tilespmem:s2], [sflag:$0x1] =	stream.linear.gather [hbm4b:s31+s2], $0x100, $0x38;
	[tilespmem:$0x400] =	vst v63  }
0x78: {  	_ =	swait.ge [sflag:s8], $0x100  }
0x79: {  	[sflag:s8] =	ssyncset.done $0x0  }
0x7a: {  	s1 =	rddreg [dreg:$0xf];
	[sflag:s8] =	ssyncadd.s32 $0xFFFFFF00  }
0x7b: {  	[hbm4b:s1+s10] =	stream.strided.scatter [tilespmem:s2], [sflag:$0x1], $0x100, s11, s10, $0x38;
	[tilespmem:$0x400] =	vst v63  }
0x7c: {  	_ =	swait.ge [sflag:s8], $0x100  }
0x7d: {  	[sflag:s8] =	ssyncset.done $0x0  }
0x7e: {  	s1 =	rddreg [dreg:$0x10];
	[sflag:s8] =	ssyncadd.s32 $0xFFFFFF00  }
0x7f: {  	[tilespmem:s2], [sflag:$0x1] =	stream.linear.gather [hbm4b:s1+s2], $0x400, $0x38;
	[tilespmem:$0x400] =	vst v63  }
0x80: {  	_ =	swait.ge [sflag:s8], $0x400  }
0x81: {  	[sflag:s8] =	ssyncset.done $0x0  }
0x82: {  	s1 =	rddreg [dreg:$0x11];
	[sflag:s8] =	ssyncadd.s32 $0xFFFFFC00  }
0x83: {  	[hbm4b:s1+s10] =	stream.strided.scatter [tilespmem:s2], [sflag:$0x1], $0x400, s11, s10, $0x38;
	[tilespmem:$0x400] =	vst v63  }
0x84: {  	_ =	swait.ge [sflag:s8], $0x400  }
0x85: {  	[sflag:s8] =	ssyncset.done $0x0  }
0x86: {  	s1 =	rddreg [dreg:$0x12];
	[sflag:s8] =	ssyncadd.s32 $0xFFFFFC00  }
0x87: {  	[tilespmem:s2], [sflag:$0x1] =	stream.linear.gather [hbm4b:s1+s2], $0x400, $0x38;
	[tilespmem:$0x400] =	vst v63  }
0x88: {  	_ =	swait.ge [sflag:s8], $0x400  }
0x89: {  	[sflag:s8] =	ssyncset.done $0x0  }
0x8a: {  	s1 =	rddreg [dreg:$0x13];
	[sflag:s8] =	ssyncadd.s32 $0xFFFFFC00  }
0x8b: {  	[hbm4b:s1+s10] =	stream.strided.scatter [tilespmem:s2], [sflag:$0x1], $0x400, s11, s10, $0x38;
	[tilespmem:$0x400] =	vst v63  }
0x8c: {  	_ =	swait.ge [sflag:s8], $0x400  }
0x8d: {  	[sflag:s8] =	ssyncset.done $0x0  }
0x8e: {  	s1 =	rddreg [dreg:$0x14];
	[sflag:s8] =	ssyncadd.s32 $0xFFFFFC00  }
0x8f: {  	[tilespmem:s2], [sflag:$0x1] =	stream.linear.gather [hbm4b:s1+s2], $0x400, $0x38;
	[tilespmem:$0x400] =	vst v63  }
0x90: {  	_ =	swait.ge [sflag:s8], $0x400  }
0x91: {  	[sflag:s8] =	ssyncset.done $0x0  }
0x92: {  	s1 =	rddreg [dreg:$0x15];
	[sflag:s8] =	ssyncadd.s32 $0xFFFFFC00  }
0x93: {  	[hbm4b:s1+s10] =	stream.strided.scatter [tilespmem:s2], [sflag:$0x1], $0x400, s11, s10, $0x38;
	[tilespmem:$0x400] =	vst v63  }
0x94: {  	_ =	swait.ge [sflag:s8], $0x400  }
0x95: {  	[sflag:s8] =	ssyncset.done $0x0  }
0x96: {  	s1 =	rddreg [dreg:$0x16];
	[sflag:s8] =	ssyncadd.s32 $0xFFFFFC00  }
0x97: {  	[tilespmem:s2], [sflag:$0x1] =	stream.linear.gather [hbm4b:s1+s2], $0x400, $0x38;
	[tilespmem:$0x400] =	vst v63  }
0x98: {  	_ =	swait.ge [sflag:s8], $0x400  }
0x99: {  	[sflag:s8] =	ssyncset.done $0x0  }
0x9a: {  	s1 =	rddreg [dreg:$0x17];
	[sflag:s8] =	ssyncadd.s32 $0xFFFFFC00  }
0x9b: {  	[hbm4b:s1+s10] =	stream.strided.scatter [tilespmem:s2], [sflag:$0x1], $0x400, s11, s10, $0x38;
	[tilespmem:$0x400] =	vst v63  }
0x9c: {  	_ =	swait.ge [sflag:s8], $0x400  }
0x9d: {  	[sflag:s8] =	ssyncset.done $0x0  }
0x9e: {  	s1 =	rddreg [dreg:$0x18];
	[sflag:s8] =	ssyncadd.s32 $0xFFFFFC00  }
0x9f: {  	[tilespmem:s2], [sflag:$0x1] =	stream.linear.gather [hbm4b:s1+s2], $0x400, $0x38;
	[tilespmem:$0x400] =	vst v63  }
0xa0: {  	_ =	swait.ge [sflag:s8], $0x400  }
0xa1: {  	[sflag:s8] =	ssyncset.done $0x0  }
0xa2: {  	s1 =	rddreg [dreg:$0x19];
	[sflag:s8] =	ssyncadd.s32 $0xFFFFFC00  }
0xa3: {  	[hbm4b:s1+s10] =	stream.strided.scatter [tilespmem:s2], [sflag:$0x1], $0x400, s11, s10, $0x38;
	[tilespmem:$0x400] =	vst v63  }
0xa4: {  	_ =	swait.ge [sflag:s8], $0x400  }
0xa5: {  	[sflag:s8] =	ssyncset.done $0x0  }
0xa6: {  	s1 =	rddreg [dreg:$0x1a];
	[sflag:s8] =	ssyncadd.s32 $0xFFFFFC00  }
0xa7: {  	[tilespmem:s2], [sflag:$0x1] =	stream.linear.gather [hbm4b:s1+s2], $0x400, $0x38;
	[tilespmem:$0x400] =	vst v63  }
0xa8: {  	_ =	swait.ge [sflag:s8], $0x400  }
0xa9: {  	[sflag:s8] =	ssyncset.done $0x0  }
0xaa: {  	s1 =	rddreg [dreg:$0x1b];
	[sflag:s8] =	ssyncadd.s32 $0xFFFFFC00  }
0xab: {  	[hbm4b:s1+s10] =	stream.strided.scatter [tilespmem:s2], [sflag:$0x1], $0x400, s11, s10, $0x38;
	[tilespmem:$0x400] =	vst v63  }
0xac: {  	_ =	swait.ge [sflag:s8], $0x400  }
0xad: {  	[sflag:s8] =	ssyncset.done $0x0  }
0xae: {  	[sflag:s8] =	ssyncadd.s32 $0xFFFFFC00  }
0xaf: {  	[tilespmem:s2], [sflag:$0x1] =	stream.strided.gather [hbm4b:s30+s15], $0x0, s16, s15, $0x38;
	[tilespmem:$0x400] =	vst v63  }
0xb0: {  	_ = 	snop  }
0xb1: {  	[tilespmem:s2], [sflag:$0x1] =	stream.linear.gather [hbm4b:s30+s2], $0x100, $0x38;
	[tilespmem:$0x400] =	vst v63  }
0xb2: {  	_ =	swait.ge [sflag:s8], $0x100  }
0xb3: {  	[sflag:s8] =	ssyncset.done $0x0  }
0xb4: {  	s1 =	rddreg [dreg:$0x1c];
	[sflag:s8] =	ssyncadd.s32 $0xFFFFFF00  }
0xb5: {  	[hbm4b:s1+s10] =	stream.strided.scatter [tilespmem:s2], [sflag:$0x1], $0x100, s11, s10, $0x38;
	[tilespmem:$0x400] =	vst v63  }
0xb6: {  	_ =	swait.ge [sflag:s8], $0x100  }
0xb7: {  	[sflag:s8] =	ssyncset.done $0x0  }
0xb8: {  	s1 =	rddreg [dreg:$0x1d];
	[sflag:s8] =	ssyncadd.s32 $0xFFFFFF00  }
0xb9: {  	[tilespmem:s2], [sflag:$0x1] =	stream.linear.gather [hbm4b:s1+s2], $0x400, $0x38;
	[tilespmem:$0x400] =	vst v63  }
0xba: {  	_ =	swait.ge [sflag:s8], $0x400  }
0xbb: {  	[sflag:s8] =	ssyncset.done $0x0  }
0xbc: {  	s1 =	rddreg [dreg:$0x1e];
	[sflag:s8] =	ssyncadd.s32 $0xFFFFFC00  }
0xbd: {  	[hbm4b:s1+s10] =	stream.strided.scatter [tilespmem:s2], [sflag:$0x1], $0x400, s11, s10, $0x38;
	[tilespmem:$0x400] =	vst v63  }
0xbe: {  	_ =	swait.ge [sflag:s8], $0x400  }
0xbf: {  	[sflag:s8] =	ssyncset.done $0x0  }
0xc0: {  	s1 =	rddreg [dreg:$0x1f];
	[sflag:s8] =	ssyncadd.s32 $0xFFFFFC00  }
0xc1: {  	[tilespmem:s2], [sflag:$0x1] =	stream.linear.gather [hbm4b:s1+s2], $0x400, $0x38;
	[tilespmem:$0x400] =	vst v63  }
0xc2: {  	_ =	swait.ge [sflag:s8], $0x400  }
0xc3: {  	s1 =	sld [smem:$0x7F9]  }
0xc4: {  	[sflag:s8] =	ssyncset.done $0x0  }
0xc5: {  	[sflag:s8] =	ssyncadd.s32 $0xFFFFFC00  }
0xc6: {  	[hbm4b:s1+s10] =	stream.strided.scatter [tilespmem:s2], [sflag:$0x1], $0x400, s11, s10, $0x38;
	[tilespmem:$0x400] =	vst v63  }
0xc7: {  	_ =	swait.ge [sflag:s8], $0x400  }
0xc8: {  	s1 =	sld [smem:$0x7FA]  }
0xc9: {  	[sflag:s8] =	ssyncset.done $0x0  }
0xca: {  	[sflag:s8] =	ssyncadd.s32 $0xFFFFFC00  }
0xcb: {  	[tilespmem:s2], [sflag:$0x1] =	stream.linear.gather [hbm4b:s1+s2], $0x400, $0x38;
	[tilespmem:$0x400] =	vst v63  }
0xcc: {  	_ =	swait.ge [sflag:s8], $0x400  }
0xcd: {  	s1 =	sld [smem:$0x7FB]  }
0xce: {  	[sflag:s8] =	ssyncset.done $0x0  }
0xcf: {  	[sflag:s8] =	ssyncadd.s32 $0xFFFFFC00  }
0xd0: {  	[hbm4b:s1+s10] =	stream.strided.scatter [tilespmem:s2], [sflag:$0x1], $0x400, s11, s10, $0x38;
	[tilespmem:$0x400] =	vst v63  }
0xd1: {  	_ =	swait.ge [sflag:s8], $0x400  }
0xd2: {  	s1 =	sld [smem:$0x7FC]  }
0xd3: {  	[sflag:s8] =	ssyncset.done $0x0  }
0xd4: {  	[sflag:s8] =	ssyncadd.s32 $0xFFFFFC00  }
0xd5: {  	[tilespmem:s2], [sflag:$0x1] =	stream.linear.gather [hbm4b:s1+s2], $0x400, $0x38;
	[tilespmem:$0x400] =	vst v63  }
0xd6: {  	_ =	swait.ge [sflag:s8], $0x400  }
0xd7: {  	[sflag:s8] =	ssyncset.done $0x0  }
0xd8: {  	[sflag:s8] =	ssyncadd.s32 $0xFFFFFC00  }
0xd9: {  	[hbm4b:s29+s10] =	stream.strided.scatter [tilespmem:s2], [sflag:$0x1], $0x400, s11, s10, $0x38;
	[tilespmem:$0x400] =	vst v63  }
0xda: {  	_ =	swait.ge [sflag:s8], $0x400  }
0xdb: {  	[sflag:s8] =	ssyncset.done $0x0  }
0xdc: {  	[sflag:s8] =	ssyncadd.s32 $0xFFFFFC00  }
0xdd: {  	[tilespmem:s2], [sflag:$0x1] =	stream.linear.gather [hbm4b:s23+s2], $0x400, $0x38;
	[tilespmem:$0x400] =	vst v63  }
0xde: {  	_ =	swait.ge [sflag:s8], $0x400  }
0xdf: {  	[sflag:s8] =	ssyncset.done $0x0  }
0xe0: {  	[sflag:s8] =	ssyncadd.s32 $0xFFFFFC00  }
0xe1: {  	[hbm4b:s28+s10] =	stream.strided.scatter [tilespmem:s2], [sflag:$0x1], $0x400, s11, s10, $0x38;
	[tilespmem:$0x400] =	vst v63  }
0xe2: {  	_ =	swait.ge [sflag:s8], $0x400  }
0xe3: {  	[sflag:s8] =	ssyncset.done $0x0  }
0xe4: {  	[sflag:s8] =	ssyncadd.s32 $0xFFFFFC00  }
0xe5: {  	[tilespmem:s2], [sflag:$0x1] =	stream.linear.gather [hbm4b:s21+s2], $0x400, $0x38;
	[tilespmem:$0x400] =	vst v63  }
0xe6: {  	_ =	swait.ge [sflag:s8], $0x400  }
0xe7: {  	[sflag:s8] =	ssyncset.done $0x0  }
0xe8: {  	[sflag:s8] =	ssyncadd.s32 $0xFFFFFC00  }
0xe9: {  	[hbm4b:s26+s10] =	stream.strided.scatter [tilespmem:s2], [sflag:$0x1], $0x400, s11, s10, $0x38;
	[tilespmem:$0x400] =	vst v63  }
0xea: {  	_ =	swait.ge [sflag:s8], $0x400  }
0xeb: {  	[sflag:s8] =	ssyncset.done $0x0  }
0xec: {  	[sflag:s8] =	ssyncadd.s32 $0xFFFFFC00  }
0xed: {  	[tilespmem:s2], [sflag:$0x1] =	stream.strided.gather [hbm4b:s18+s15], $0x0, s16, s15, $0x38;
	[tilespmem:$0x400] =	vst v63  }
0xee: {  	_ = 	snop  }
0xef: {  	[tilespmem:s2], [sflag:$0x1] =	stream.linear.gather [hbm4b:s18+s2], $0x100, $0x38;
	[tilespmem:$0x400] =	vst v63  }
0xf0: {  	_ =	swait.ge [sflag:s8], $0x100  }
0xf1: {  	[sflag:s8] =	ssyncset.done $0x0  }
0xf2: {  	[sflag:s8] =	ssyncadd.s32 $0xFFFFFF00  }
0xf3: {  	[hbm4b:s25+s10] =	stream.strided.scatter [tilespmem:s2], [sflag:$0x1], $0x100, s11, s10, $0x38;
	[tilespmem:$0x400] =	vst v63  }
0xf4: {  	_ =	swait.ge [sflag:s8], $0x100  }
0xf5: {  	[sflag:s8] =	ssyncset.done $0x0  }
0xf6: {  	[sflag:s8] =	ssyncadd.s32 $0xFFFFFF00  }
0xf7: {  	[tilespmem:s2], [sflag:$0x1] =	stream.linear.gather [hbm4b:s17+s2], $0x400, $0x38;
	[tilespmem:$0x400] =	vst v63  }
0xf8: {  	_ =	swait.ge [sflag:s8], $0x400  }
0xf9: {  	[sflag:s8] =	ssyncset.done $0x0  }
0xfa: {  	[sflag:s8] =	ssyncadd.s32 $0xFFFFFC00  }
0xfb: {  	[hbm4b:s24+s10] =	stream.strided.scatter [tilespmem:s2], [sflag:$0x1], $0x400, s11, s10, $0x38;
	[tilespmem:$0x400] =	vst v63  }
0xfc: {  	_ =	swait.ge [sflag:s8], $0x400  }
0xfd: {  	[sflag:s8] =	ssyncset.done $0x0  }
0xfe: {  	[sflag:s8] =	ssyncadd.s32 $0xFFFFFC00  }
0xff: {  	[tilespmem:s2], [sflag:$0x1] =	stream.linear.gather [hbm4b:s13+s2], $0x400, $0x38;
	[tilespmem:$0x400] =	vst v63  }
0x100: {  	_ =	swait.ge [sflag:s8], $0x400  }
0x101: {  	[sflag:s8] =	ssyncset.done $0x0  }
0x102: {  	[sflag:s8] =	ssyncadd.s32 $0xFFFFFC00  }
0x103: {  	[hbm4b:s22+s10] =	stream.strided.scatter [tilespmem:s2], [sflag:$0x1], $0x400, s11, s10, $0x38;
	[tilespmem:$0x400] =	vst v63  }
0x104: {  	_ =	swait.ge [sflag:s8], $0x400  }
0x105: {  	[sflag:s8] =	ssyncset.done $0x0  }
0x106: {  	[sflag:s8] =	ssyncadd.s32 $0xFFFFFC00  }
0x107: {  	[tilespmem:s2], [sflag:$0x1] =	stream.linear.gather [hbm4b:s9+s2], $0x400, $0x38;
	[tilespmem:$0x400] =	vst v63  }
0x108: {  	_ =	swait.ge [sflag:s8], $0x400  }
0x109: {  	[sflag:s8] =	ssyncset.done $0x0  }
0x10a: {  	[sflag:s8] =	ssyncadd.s32 $0xFFFFFC00  }
0x10b: {  	[hbm4b:s20+s10] =	stream.strided.scatter [tilespmem:s2], [sflag:$0x1], $0x400, s11, s10, $0x38;
	[tilespmem:$0x400] =	vst v63  }
0x10c: {  	_ =	swait.ge [sflag:s8], $0x400  }
0x10d: {  	[sflag:s8] =	ssyncset.done $0x0  }
0x10e: {  	[sflag:s8] =	ssyncadd.s32 $0xFFFFFC00  }
0x10f: {  	[tilespmem:s2], [sflag:$0x1] =	stream.linear.gather [hbm4b:s6+s2], $0x400, $0x38;
	[tilespmem:$0x400] =	vst v63  }
0x110: {  	_ =	swait.ge [sflag:s8], $0x400  }
0x111: {  	[sflag:s8] =	ssyncset.done $0x0  }
0x112: {  	[sflag:s8] =	ssyncadd.s32 $0xFFFFFC00  }
0x113: {  	[hbm4b:s19+s10] =	stream.strided.scatter [tilespmem:s2], [sflag:$0x1], $0x400, s11, s10, $0x38;
	[tilespmem:$0x400] =	vst v63  }
0x114: {  	_ =	swait.ge [sflag:s8], $0x400  }
0x115: {  	[sflag:s8] =	ssyncset.done $0x0  }
0x116: {  	[sflag:s8] =	ssyncadd.s32 $0xFFFFFC00  }
0x117: {  	[tilespmem:s2], [sflag:$0x1] =	stream.linear.gather [hbm4b:s5+s2], $0x400, $0x38;
	[tilespmem:$0x400] =	vst v63  }
0x118: {  	_ =	swait.ge [sflag:s8], $0x400  }
0x119: {  	[sflag:s8] =	ssyncset.done $0x0  }
0x11a: {  	[sflag:s8] =	ssyncadd.s32 $0xFFFFFC00  }
0x11b: {  	[hbm4b:s14+s10] =	stream.strided.scatter [tilespmem:s2], [sflag:$0x1], $0x400, s11, s10, $0x38;
	[tilespmem:$0x400] =	vst v63  }
0x11c: {  	_ =	swait.ge [sflag:s8], $0x400  }
0x11d: {  	[sflag:s8] =	ssyncset.done $0x0  }
0x11e: {  	[sflag:s8] =	ssyncadd.s32 $0xFFFFFC00  }
0x11f: {  	[tilespmem:s2], [sflag:$0x1] =	stream.linear.gather [hbm4b:s4+s2], $0x400, $0x38;
	[tilespmem:$0x400] =	vst v63  }
0x120: {  	_ =	swait.ge [sflag:s8], $0x400  }
0x121: {  	[sflag:s8] =	ssyncset.done $0x0  }
0x122: {  	[sflag:s8] =	ssyncadd.s32 $0xFFFFFC00  }
0x123: {  	[hbm4b:s12+s10] =	stream.strided.scatter [tilespmem:s2], [sflag:$0x1], $0x400, s11, s10, $0x38;
	[tilespmem:$0x400] =	vst v63  }
0x124: {  	_ =	swait.ge [sflag:s8], $0x400  }
0x125: {  	[sflag:s8] =	ssyncset.done $0x0  }
0x126: {  	[sflag:s8] =	ssyncadd.s32 $0xFFFFFC00  }
0x127: {  	[tilespmem:s2], [sflag:$0x1] =	stream.strided.gather [hbm4b:s3+s15], $0x0, s16, s15, $0x38;
	[tilespmem:$0x400] =	vst v63  }
0x128: {  	_ = 	snop  }
0x129: {  	[tilespmem:s2], [sflag:$0x1] =	stream.linear.gather [hbm4b:s3+s2], $0x100, $0x38;
	[tilespmem:$0x400] =	vst v63  }
0x12a: {  	p1 =	sne.s32 s0, $0x1;
	_ =	swait.ge [sflag:s8], $0x100  }
.Ltmp1:
0x12b: {  	[sflag:s8] =	ssyncset.done $0x0;
	(pc) =	sbr.rel @!p1 .LBB2_3-.Ltmp1, $4  }
0x12c: {  	[sflag:s8] =	ssyncadd.s32 $0xFFFFFF00  }
0x12d: {  	[hbm4b:s7+s10] =	stream.strided.scatter [tilespmem:s2], [sflag:$0x1], $0x100, s11, s10, $0x38;
	[tilespmem:$0x400] =	vst v63  }
0x12e: {  	s0 =	sadd.s32 $0xFFFFFFFF, s0;
	_ =	swait.ge [sflag:s8], $0x100  }
0x12f: {  	p0 =	por $0x1, $0x1;
	s1 =	rddreg [dreg:$0x3];
	[sflag:s8] =	ssyncset.done $0x0  }
.LBB2_2:
0x130: {  	[sflag:s8] =	ssyncadd.s32 $0xFFFFFF00  }
0x131: {  	[tilespmem:s2], [sflag:$0x1] =	stream.linear.gather [hbm4b:s1+s2], $0x400, $0x38;
	[tilespmem:$0x400] =	vst v63  }
0x132: {  	_ =	swait.ge [sflag:s8], $0x400  }
0x133: {  	[sflag:s8] =	ssyncset.done $0x0  }
0x134: {  	s1 =	rddreg [dreg:$0x4];
	[sflag:s8] =	ssyncadd.s32 $0xFFFFFC00  }
0x135: {  	[hbm4b:s1+s10] =	stream.strided.scatter [tilespmem:s2], [sflag:$0x1], $0x400, s11, s10, $0x38;
	[tilespmem:$0x400] =	vst v63  }
0x136: {  	_ =	swait.ge [sflag:s8], $0x400  }
0x137: {  	[sflag:s8] =	ssyncset.done $0x0  }
0x138: {  	s1 =	rddreg [dreg:$0x5];
	[sflag:s8] =	ssyncadd.s32 $0xFFFFFC00  }
0x139: {  	[tilespmem:s2], [sflag:$0x1] =	stream.linear.gather [hbm4b:s1+s2], $0x400, $0x38;
	[tilespmem:$0x400] =	vst v63  }
0x13a: {  	_ =	swait.ge [sflag:s8], $0x400  }
0x13b: {  	[sflag:s8] =	ssyncset.done $0x0  }
0x13c: {  	s1 =	rddreg [dreg:$0x6];
	[sflag:s8] =	ssyncadd.s32 $0xFFFFFC00  }
0x13d: {  	[hbm4b:s1+s10] =	stream.strided.scatter [tilespmem:s2], [sflag:$0x1], $0x400, s11, s10, $0x38;
	[tilespmem:$0x400] =	vst v63  }
0x13e: {  	_ =	swait.ge [sflag:s8], $0x400  }
0x13f: {  	[sflag:s8] =	ssyncset.done $0x0  }
0x140: {  	s1 =	rddreg [dreg:$0x7];
	[sflag:s8] =	ssyncadd.s32 $0xFFFFFC00  }
0x141: {  	[tilespmem:s2], [sflag:$0x1] =	stream.linear.gather [hbm4b:s1+s2], $0x400, $0x38;
	[tilespmem:$0x400] =	vst v63  }
0x142: {  	_ =	swait.ge [sflag:s8], $0x400  }
0x143: {  	[sflag:s8] =	ssyncset.done $0x0  }
0x144: {  	s1 =	rddreg [dreg:$0x8];
	[sflag:s8] =	ssyncadd.s32 $0xFFFFFC00  }
0x145: {  	[hbm4b:s1+s10] =	stream.strided.scatter [tilespmem:s2], [sflag:$0x1], $0x400, s11, s10, $0x38;
	[tilespmem:$0x400] =	vst v63  }
0x146: {  	_ =	swait.ge [sflag:s8], $0x400  }
0x147: {  	[sflag:s8] =	ssyncset.done $0x0  }
0x148: {  	s1 =	rddreg [dreg:$0x9];
	[sflag:s8] =	ssyncadd.s32 $0xFFFFFC00  }
0x149: {  	[tilespmem:s2], [sflag:$0x1] =	stream.linear.gather [hbm4b:s1+s2], $0x400, $0x38;
	[tilespmem:$0x400] =	vst v63  }
0x14a: {  	_ =	swait.ge [sflag:s8], $0x400  }
0x14b: {  	[sflag:s8] =	ssyncset.done $0x0  }
0x14c: {  	s1 =	rddreg [dreg:$0xa];
	[sflag:s8] =	ssyncadd.s32 $0xFFFFFC00  }
0x14d: {  	[hbm4b:s1+s10] =	stream.strided.scatter [tilespmem:s2], [sflag:$0x1], $0x400, s11, s10, $0x38;
	[tilespmem:$0x400] =	vst v63  }
0x14e: {  	_ =	swait.ge [sflag:s8], $0x400  }
0x14f: {  	[sflag:s8] =	ssyncset.done $0x0  }
0x150: {  	s1 =	rddreg [dreg:$0xb];
	[sflag:s8] =	ssyncadd.s32 $0xFFFFFC00  }
0x151: {  	[tilespmem:s2], [sflag:$0x1] =	stream.linear.gather [hbm4b:s1+s2], $0x400, $0x38;
	[tilespmem:$0x400] =	vst v63  }
0x152: {  	_ =	swait.ge [sflag:s8], $0x400  }
0x153: {  	[sflag:s8] =	ssyncset.done $0x0  }
0x154: {  	s1 =	rddreg [dreg:$0xc];
	[sflag:s8] =	ssyncadd.s32 $0xFFFFFC00  }
0x155: {  	[hbm4b:s1+s10] =	stream.strided.scatter [tilespmem:s2], [sflag:$0x1], $0x400, s11, s10, $0x38;
	[tilespmem:$0x400] =	vst v63  }
0x156: {  	_ =	swait.ge [sflag:s8], $0x400  }
0x157: {  	[sflag:s8] =	ssyncset.done $0x0  }
0x158: {  	s1 =	rddreg [dreg:$0xd];
	[sflag:s8] =	ssyncadd.s32 $0xFFFFFC00  }
0x159: {  	[tilespmem:s2], [sflag:$0x1] =	stream.linear.gather [hbm4b:s1+s2], $0x400, $0x38;
	[tilespmem:$0x400] =	vst v63  }
0x15a: {  	_ =	swait.ge [sflag:s8], $0x400  }
0x15b: {  	[sflag:s8] =	ssyncset.done $0x0  }
0x15c: {  	s1 =	rddreg [dreg:$0xe];
	[sflag:s8] =	ssyncadd.s32 $0xFFFFFC00  }
0x15d: {  	[hbm4b:s1+s10] =	stream.strided.scatter [tilespmem:s2], [sflag:$0x1], $0x400, s11, s10, $0x38;
	[tilespmem:$0x400] =	vst v63  }
0x15e: {  	_ =	swait.ge [sflag:s8], $0x400  }
0x15f: {  	[sflag:s8] =	ssyncset.done $0x0  }
0x160: {  	[sflag:s8] =	ssyncadd.s32 $0xFFFFFC00  }
0x161: {  	[tilespmem:s2], [sflag:$0x1] =	stream.strided.gather [hbm4b:s31+s15], $0x0, s16, s15, $0x38;
	[tilespmem:$0x400] =	vst v63  }
0x162: {  	_ = 	snop  }
0x163: {  	[tilespmem:s2], [sflag:$0x1] =	stream.linear.gather [hbm4b:s31+s2], $0x100, $0x38;
	[tilespmem:$0x400] =	vst v63  }
0x164: {  	_ =	swait.ge [sflag:s8], $0x100  }
0x165: {  	[sflag:s8] =	ssyncset.done $0x0  }
0x166: {  	s1 =	rddreg [dreg:$0xf];
	[sflag:s8] =	ssyncadd.s32 $0xFFFFFF00  }
0x167: {  	[hbm4b:s1+s10] =	stream.strided.scatter [tilespmem:s2], [sflag:$0x1], $0x100, s11, s10, $0x38;
	[tilespmem:$0x400] =	vst v63  }
0x168: {  	_ =	swait.ge [sflag:s8], $0x100  }
0x169: {  	[sflag:s8] =	ssyncset.done $0x0  }
0x16a: {  	s1 =	rddreg [dreg:$0x10];
	[sflag:s8] =	ssyncadd.s32 $0xFFFFFF00  }
0x16b: {  	[tilespmem:s2], [sflag:$0x1] =	stream.linear.gather [hbm4b:s1+s2], $0x400, $0x38;
	[tilespmem:$0x400] =	vst v63  }
0x16c: {  	_ =	swait.ge [sflag:s8], $0x400  }
0x16d: {  	[sflag:s8] =	ssyncset.done $0x0  }
0x16e: {  	s1 =	rddreg [dreg:$0x11];
	[sflag:s8] =	ssyncadd.s32 $0xFFFFFC00  }
0x16f: {  	[hbm4b:s1+s10] =	stream.strided.scatter [tilespmem:s2], [sflag:$0x1], $0x400, s11, s10, $0x38;
	[tilespmem:$0x400] =	vst v63  }
0x170: {  	_ =	swait.ge [sflag:s8], $0x400  }
0x171: {  	[sflag:s8] =	ssyncset.done $0x0  }
0x172: {  	s1 =	rddreg [dreg:$0x12];
	[sflag:s8] =	ssyncadd.s32 $0xFFFFFC00  }
0x173: {  	[tilespmem:s2], [sflag:$0x1] =	stream.linear.gather [hbm4b:s1+s2], $0x400, $0x38;
	[tilespmem:$0x400] =	vst v63  }
0x174: {  	_ =	swait.ge [sflag:s8], $0x400  }
0x175: {  	[sflag:s8] =	ssyncset.done $0x0  }
0x176: {  	s1 =	rddreg [dreg:$0x13];
	[sflag:s8] =	ssyncadd.s32 $0xFFFFFC00  }
0x177: {  	[hbm4b:s1+s10] =	stream.strided.scatter [tilespmem:s2], [sflag:$0x1], $0x400, s11, s10, $0x38;
	[tilespmem:$0x400] =	vst v63  }
0x178: {  	_ =	swait.ge [sflag:s8], $0x400  }
0x179: {  	[sflag:s8] =	ssyncset.done $0x0  }
0x17a: {  	s1 =	rddreg [dreg:$0x14];
	[sflag:s8] =	ssyncadd.s32 $0xFFFFFC00  }
0x17b: {  	[tilespmem:s2], [sflag:$0x1] =	stream.linear.gather [hbm4b:s1+s2], $0x400, $0x38;
	[tilespmem:$0x400] =	vst v63  }
0x17c: {  	_ =	swait.ge [sflag:s8], $0x400  }
0x17d: {  	[sflag:s8] =	ssyncset.done $0x0  }
0x17e: {  	s1 =	rddreg [dreg:$0x15];
	[sflag:s8] =	ssyncadd.s32 $0xFFFFFC00  }
0x17f: {  	[hbm4b:s1+s10] =	stream.strided.scatter [tilespmem:s2], [sflag:$0x1], $0x400, s11, s10, $0x38;
	[tilespmem:$0x400] =	vst v63  }
0x180: {  	_ =	swait.ge [sflag:s8], $0x400  }
0x181: {  	[sflag:s8] =	ssyncset.done $0x0  }
0x182: {  	s1 =	rddreg [dreg:$0x16];
	[sflag:s8] =	ssyncadd.s32 $0xFFFFFC00  }
0x183: {  	[tilespmem:s2], [sflag:$0x1] =	stream.linear.gather [hbm4b:s1+s2], $0x400, $0x38;
	[tilespmem:$0x400] =	vst v63  }
0x184: {  	_ =	swait.ge [sflag:s8], $0x400  }
0x185: {  	[sflag:s8] =	ssyncset.done $0x0  }
0x186: {  	s1 =	rddreg [dreg:$0x17];
	[sflag:s8] =	ssyncadd.s32 $0xFFFFFC00  }
0x187: {  	[hbm4b:s1+s10] =	stream.strided.scatter [tilespmem:s2], [sflag:$0x1], $0x400, s11, s10, $0x38;
	[tilespmem:$0x400] =	vst v63  }
0x188: {  	_ =	swait.ge [sflag:s8], $0x400  }
0x189: {  	[sflag:s8] =	ssyncset.done $0x0  }
0x18a: {  	s1 =	rddreg [dreg:$0x18];
	[sflag:s8] =	ssyncadd.s32 $0xFFFFFC00  }
0x18b: {  	[tilespmem:s2], [sflag:$0x1] =	stream.linear.gather [hbm4b:s1+s2], $0x400, $0x38;
	[tilespmem:$0x400] =	vst v63  }
0x18c: {  	_ =	swait.ge [sflag:s8], $0x400  }
0x18d: {  	[sflag:s8] =	ssyncset.done $0x0  }
0x18e: {  	s1 =	rddreg [dreg:$0x19];
	[sflag:s8] =	ssyncadd.s32 $0xFFFFFC00  }
0x18f: {  	[hbm4b:s1+s10] =	stream.strided.scatter [tilespmem:s2], [sflag:$0x1], $0x400, s11, s10, $0x38;
	[tilespmem:$0x400] =	vst v63  }
0x190: {  	_ =	swait.ge [sflag:s8], $0x400  }
0x191: {  	[sflag:s8] =	ssyncset.done $0x0  }
0x192: {  	s1 =	rddreg [dreg:$0x1a];
	[sflag:s8] =	ssyncadd.s32 $0xFFFFFC00  }
0x193: {  	[tilespmem:s2], [sflag:$0x1] =	stream.linear.gather [hbm4b:s1+s2], $0x400, $0x38;
	[tilespmem:$0x400] =	vst v63  }
0x194: {  	_ =	swait.ge [sflag:s8], $0x400  }
0x195: {  	[sflag:s8] =	ssyncset.done $0x0  }
0x196: {  	s1 =	rddreg [dreg:$0x1b];
	[sflag:s8] =	ssyncadd.s32 $0xFFFFFC00  }
0x197: {  	[hbm4b:s1+s10] =	stream.strided.scatter [tilespmem:s2], [sflag:$0x1], $0x400, s11, s10, $0x38;
	[tilespmem:$0x400] =	vst v63  }
0x198: {  	_ =	swait.ge [sflag:s8], $0x400  }
0x199: {  	[sflag:s8] =	ssyncset.done $0x0  }
0x19a: {  	[sflag:s8] =	ssyncadd.s32 $0xFFFFFC00  }
0x19b: {  	[tilespmem:s2], [sflag:$0x1] =	stream.strided.gather [hbm4b:s30+s15], $0x0, s16, s15, $0x38;
	[tilespmem:$0x400] =	vst v63  }
0x19c: {  	_ = 	snop  }
0x19d: {  	[tilespmem:s2], [sflag:$0x1] =	stream.linear.gather [hbm4b:s30+s2], $0x100, $0x38;
	[tilespmem:$0x400] =	vst v63  }
0x19e: {  	_ =	swait.ge [sflag:s8], $0x100  }
0x19f: {  	[sflag:s8] =	ssyncset.done $0x0  }
0x1a0: {  	s1 =	rddreg [dreg:$0x1c];
	[sflag:s8] =	ssyncadd.s32 $0xFFFFFF00  }
0x1a1: {  	[hbm4b:s1+s10] =	stream.strided.scatter [tilespmem:s2], [sflag:$0x1], $0x100, s11, s10, $0x38;
	[tilespmem:$0x400] =	vst v63  }
0x1a2: {  	_ =	swait.ge [sflag:s8], $0x100  }
0x1a3: {  	[sflag:s8] =	ssyncset.done $0x0  }
0x1a4: {  	s1 =	rddreg [dreg:$0x1d];
	[sflag:s8] =	ssyncadd.s32 $0xFFFFFF00  }
0x1a5: {  	[tilespmem:s2], [sflag:$0x1] =	stream.linear.gather [hbm4b:s1+s2], $0x400, $0x38;
	[tilespmem:$0x400] =	vst v63  }
0x1a6: {  	_ =	swait.ge [sflag:s8], $0x400  }
0x1a7: {  	[sflag:s8] =	ssyncset.done $0x0  }
0x1a8: {  	s1 =	rddreg [dreg:$0x1e];
	[sflag:s8] =	ssyncadd.s32 $0xFFFFFC00  }
0x1a9: {  	[hbm4b:s1+s10] =	stream.strided.scatter [tilespmem:s2], [sflag:$0x1], $0x400, s11, s10, $0x38;
	[tilespmem:$0x400] =	vst v63  }
0x1aa: {  	_ =	swait.ge [sflag:s8], $0x400  }
0x1ab: {  	[sflag:s8] =	ssyncset.done $0x0  }
0x1ac: {  	s1 =	rddreg [dreg:$0x1f];
	[sflag:s8] =	ssyncadd.s32 $0xFFFFFC00  }
0x1ad: {  	[tilespmem:s2], [sflag:$0x1] =	stream.linear.gather [hbm4b:s1+s2], $0x400, $0x38;
	[tilespmem:$0x400] =	vst v63  }
0x1ae: {  	_ =	swait.ge [sflag:s8], $0x400  }
0x1af: {  	s1 =	sld [smem:$0x7F9]  }
0x1b0: {  	[sflag:s8] =	ssyncset.done $0x0  }
0x1b1: {  	[sflag:s8] =	ssyncadd.s32 $0xFFFFFC00  }
0x1b2: {  	[hbm4b:s1+s10] =	stream.strided.scatter [tilespmem:s2], [sflag:$0x1], $0x400, s11, s10, $0x38;
	[tilespmem:$0x400] =	vst v63  }
0x1b3: {  	_ =	swait.ge [sflag:s8], $0x400  }
0x1b4: {  	s1 =	sld [smem:$0x7FA]  }
0x1b5: {  	[sflag:s8] =	ssyncset.done $0x0  }
0x1b6: {  	[sflag:s8] =	ssyncadd.s32 $0xFFFFFC00  }
0x1b7: {  	[tilespmem:s2], [sflag:$0x1] =	stream.linear.gather [hbm4b:s1+s2], $0x400, $0x38;
	[tilespmem:$0x400] =	vst v63  }
0x1b8: {  	_ =	swait.ge [sflag:s8], $0x400  }
0x1b9: {  	s1 =	sld [smem:$0x7FB]  }
0x1ba: {  	[sflag:s8] =	ssyncset.done $0x0  }
0x1bb: {  	[sflag:s8] =	ssyncadd.s32 $0xFFFFFC00  }
0x1bc: {  	[hbm4b:s1+s10] =	stream.strided.scatter [tilespmem:s2], [sflag:$0x1], $0x400, s11, s10, $0x38;
	[tilespmem:$0x400] =	vst v63  }
0x1bd: {  	_ =	swait.ge [sflag:s8], $0x400  }
0x1be: {  	s1 =	sld [smem:$0x7FC]  }
0x1bf: {  	[sflag:s8] =	ssyncset.done $0x0  }
0x1c0: {  	[sflag:s8] =	ssyncadd.s32 $0xFFFFFC00  }
0x1c1: {  	[tilespmem:s2], [sflag:$0x1] =	stream.linear.gather [hbm4b:s1+s2], $0x400, $0x38;
	[tilespmem:$0x400] =	vst v63  }
0x1c2: {  	_ =	swait.ge [sflag:s8], $0x400  }
0x1c3: {  	[sflag:s8] =	ssyncset.done $0x0  }
0x1c4: {  	[sflag:s8] =	ssyncadd.s32 $0xFFFFFC00  }
0x1c5: {  	[hbm4b:s29+s10] =	stream.strided.scatter [tilespmem:s2], [sflag:$0x1], $0x400, s11, s10, $0x38;
	[tilespmem:$0x400] =	vst v63  }
0x1c6: {  	_ =	swait.ge [sflag:s8], $0x400  }
0x1c7: {  	[sflag:s8] =	ssyncset.done $0x0  }
0x1c8: {  	[sflag:s8] =	ssyncadd.s32 $0xFFFFFC00  }
0x1c9: {  	[tilespmem:s2], [sflag:$0x1] =	stream.linear.gather [hbm4b:s23+s2], $0x400, $0x38;
	[tilespmem:$0x400] =	vst v63  }
0x1ca: {  	_ =	swait.ge [sflag:s8], $0x400  }
0x1cb: {  	[sflag:s8] =	ssyncset.done $0x0  }
0x1cc: {  	[sflag:s8] =	ssyncadd.s32 $0xFFFFFC00  }
0x1cd: {  	[hbm4b:s28+s10] =	stream.strided.scatter [tilespmem:s2], [sflag:$0x1], $0x400, s11, s10, $0x38;
	[tilespmem:$0x400] =	vst v63  }
0x1ce: {  	_ =	swait.ge [sflag:s8], $0x400  }
0x1cf: {  	[sflag:s8] =	ssyncset.done $0x0  }
0x1d0: {  	[sflag:s8] =	ssyncadd.s32 $0xFFFFFC00  }
0x1d1: {  	[tilespmem:s2], [sflag:$0x1] =	stream.linear.gather [hbm4b:s21+s2], $0x400, $0x38;
	[tilespmem:$0x400] =	vst v63  }
0x1d2: {  	_ =	swait.ge [sflag:s8], $0x400  }
0x1d3: {  	[sflag:s8] =	ssyncset.done $0x0  }
0x1d4: {  	[sflag:s8] =	ssyncadd.s32 $0xFFFFFC00  }
0x1d5: {  	[hbm4b:s26+s10] =	stream.strided.scatter [tilespmem:s2], [sflag:$0x1], $0x400, s11, s10, $0x38;
	[tilespmem:$0x400] =	vst v63  }
0x1d6: {  	_ =	swait.ge [sflag:s8], $0x400  }
0x1d7: {  	[sflag:s8] =	ssyncset.done $0x0  }
0x1d8: {  	[sflag:s8] =	ssyncadd.s32 $0xFFFFFC00  }
0x1d9: {  	[tilespmem:s2], [sflag:$0x1] =	stream.strided.gather [hbm4b:s18+s15], $0x0, s16, s15, $0x38;
	[tilespmem:$0x400] =	vst v63  }
0x1da: {  	_ = 	snop  }
0x1db: {  	[tilespmem:s2], [sflag:$0x1] =	stream.linear.gather [hbm4b:s18+s2], $0x100, $0x38;
	[tilespmem:$0x400] =	vst v63  }
0x1dc: {  	_ =	swait.ge [sflag:s8], $0x100  }
0x1dd: {  	[sflag:s8] =	ssyncset.done $0x0  }
0x1de: {  	[sflag:s8] =	ssyncadd.s32 $0xFFFFFF00  }
0x1df: {  	[hbm4b:s25+s10] =	stream.strided.scatter [tilespmem:s2], [sflag:$0x1], $0x100, s11, s10, $0x38;
	[tilespmem:$0x400] =	vst v63  }
0x1e0: {  	_ =	swait.ge [sflag:s8], $0x100  }
0x1e1: {  	[sflag:s8] =	ssyncset.done $0x0  }
0x1e2: {  	[sflag:s8] =	ssyncadd.s32 $0xFFFFFF00  }
0x1e3: {  	[tilespmem:s2], [sflag:$0x1] =	stream.linear.gather [hbm4b:s17+s2], $0x400, $0x38;
	[tilespmem:$0x400] =	vst v63  }
0x1e4: {  	_ =	swait.ge [sflag:s8], $0x400  }
0x1e5: {  	[sflag:s8] =	ssyncset.done $0x0  }
0x1e6: {  	[sflag:s8] =	ssyncadd.s32 $0xFFFFFC00  }
0x1e7: {  	[hbm4b:s24+s10] =	stream.strided.scatter [tilespmem:s2], [sflag:$0x1], $0x400, s11, s10, $0x38;
	[tilespmem:$0x400] =	vst v63  }
0x1e8: {  	_ =	swait.ge [sflag:s8], $0x400  }
0x1e9: {  	[sflag:s8] =	ssyncset.done $0x0  }
0x1ea: {  	[sflag:s8] =	ssyncadd.s32 $0xFFFFFC00  }
0x1eb: {  	[tilespmem:s2], [sflag:$0x1] =	stream.linear.gather [hbm4b:s13+s2], $0x400, $0x38;
	[tilespmem:$0x400] =	vst v63  }
0x1ec: {  	_ =	swait.ge [sflag:s8], $0x400  }
0x1ed: {  	[sflag:s8] =	ssyncset.done $0x0  }
0x1ee: {  	[sflag:s8] =	ssyncadd.s32 $0xFFFFFC00  }
0x1ef: {  	[hbm4b:s22+s10] =	stream.strided.scatter [tilespmem:s2], [sflag:$0x1], $0x400, s11, s10, $0x38;
	[tilespmem:$0x400] =	vst v63  }
0x1f0: {  	_ =	swait.ge [sflag:s8], $0x400  }
0x1f1: {  	[sflag:s8] =	ssyncset.done $0x0  }
0x1f2: {  	[sflag:s8] =	ssyncadd.s32 $0xFFFFFC00  }
0x1f3: {  	[tilespmem:s2], [sflag:$0x1] =	stream.linear.gather [hbm4b:s9+s2], $0x400, $0x38;
	[tilespmem:$0x400] =	vst v63  }
0x1f4: {  	_ =	swait.ge [sflag:s8], $0x400  }
0x1f5: {  	[sflag:s8] =	ssyncset.done $0x0  }
0x1f6: {  	[sflag:s8] =	ssyncadd.s32 $0xFFFFFC00  }
0x1f7: {  	[hbm4b:s20+s10] =	stream.strided.scatter [tilespmem:s2], [sflag:$0x1], $0x400, s11, s10, $0x38;
	[tilespmem:$0x400] =	vst v63  }
0x1f8: {  	_ =	swait.ge [sflag:s8], $0x400  }
0x1f9: {  	[sflag:s8] =	ssyncset.done $0x0  }
0x1fa: {  	[sflag:s8] =	ssyncadd.s32 $0xFFFFFC00  }
0x1fb: {  	[tilespmem:s2], [sflag:$0x1] =	stream.linear.gather [hbm4b:s6+s2], $0x400, $0x38;
	[tilespmem:$0x400] =	vst v63  }
0x1fc: {  	_ =	swait.ge [sflag:s8], $0x400  }
0x1fd: {  	[sflag:s8] =	ssyncset.done $0x0  }
0x1fe: {  	[sflag:s8] =	ssyncadd.s32 $0xFFFFFC00  }
0x1ff: {  	[hbm4b:s19+s10] =	stream.strided.scatter [tilespmem:s2], [sflag:$0x1], $0x400, s11, s10, $0x38;
	[tilespmem:$0x400] =	vst v63  }
0x200: {  	_ =	swait.ge [sflag:s8], $0x400  }
0x201: {  	[sflag:s8] =	ssyncset.done $0x0  }
0x202: {  	[sflag:s8] =	ssyncadd.s32 $0xFFFFFC00  }
0x203: {  	[tilespmem:s2], [sflag:$0x1] =	stream.linear.gather [hbm4b:s5+s2], $0x400, $0x38;
	[tilespmem:$0x400] =	vst v63  }
0x204: {  	_ =	swait.ge [sflag:s8], $0x400  }
0x205: {  	[sflag:s8] =	ssyncset.done $0x0  }
0x206: {  	[sflag:s8] =	ssyncadd.s32 $0xFFFFFC00  }
0x207: {  	[hbm4b:s14+s10] =	stream.strided.scatter [tilespmem:s2], [sflag:$0x1], $0x400, s11, s10, $0x38;
	[tilespmem:$0x400] =	vst v63  }
0x208: {  	_ =	swait.ge [sflag:s8], $0x400  }
0x209: {  	[sflag:s8] =	ssyncset.done $0x0  }
0x20a: {  	[sflag:s8] =	ssyncadd.s32 $0xFFFFFC00  }
0x20b: {  	[tilespmem:s2], [sflag:$0x1] =	stream.linear.gather [hbm4b:s4+s2], $0x400, $0x38;
	[tilespmem:$0x400] =	vst v63  }
0x20c: {  	_ =	swait.ge [sflag:s8], $0x400  }
0x20d: {  	[sflag:s8] =	ssyncset.done $0x0  }
0x20e: {  	[sflag:s8] =	ssyncadd.s32 $0xFFFFFC00  }
0x20f: {  	[hbm4b:s12+s10] =	stream.strided.scatter [tilespmem:s2], [sflag:$0x1], $0x400, s11, s10, $0x38;
	[tilespmem:$0x400] =	vst v63  }
0x210: {  	_ =	swait.ge [sflag:s8], $0x400  }
0x211: {  	[sflag:s8] =	ssyncset.done $0x0  }
0x212: {  	[sflag:s8] =	ssyncadd.s32 $0xFFFFFC00  }
0x213: {  	[tilespmem:s2], [sflag:$0x1] =	stream.strided.gather [hbm4b:s3+s15], $0x0, s16, s15, $0x38;
	[tilespmem:$0x400] =	vst v63  }
0x214: {  	_ = 	snop  }
0x215: {  	[tilespmem:s2], [sflag:$0x1] =	stream.linear.gather [hbm4b:s3+s2], $0x100, $0x38;
	[tilespmem:$0x400] =	vst v63  }
0x216: {  	p1 =	sne.s32 s0, $0x1;
	_ =	swait.ge [sflag:s8], $0x100  }
.Ltmp2:
0x217: {  	[sflag:s8] =	ssyncset.done $0x0;
	(pc) =	sbr.rel @p1 .LBB2_2-.Ltmp2, $4  }
0x218: {  	[sflag:s8] =	ssyncadd.s32 $0xFFFFFF00  }
0x219: {  	[hbm4b:s7+s10] =	stream.strided.scatter [tilespmem:s2], [sflag:$0x1], $0x100, s11, s10, $0x38;
	[tilespmem:$0x400] =	vst v63  }
0x21a: {  	_ =	swait.ge [sflag:s8], $0x100  }
0x21b: {  	s0 =	sadd.s32 $0xFFFFFFFF, s0;
	s1 =	rddreg [dreg:$0x3];
	[sflag:s8] =	ssyncset.done $0x0  }
.LBB2_3:
0x21c: {  	[sflag:s8] =	ssyncadd.s32 @p0 $0xFFFFFF00  }
0x21d: {  	[tilespmem:s2], [sflag:$0x1] =	stream.linear.gather [hbm4b:s1+s2], $0x400, $0x38;
	[tilespmem:$0x400] =	vst v63  }
0x21e: {  	_ =	swait.ge [sflag:s8], $0x400  }
0x21f: {  	[sflag:s8] =	ssyncset.done $0x0  }
0x220: {  	s0 =	rddreg [dreg:$0x4];
	[sflag:s8] =	ssyncadd.s32 $0xFFFFFC00  }
0x221: {  	[hbm4b:s0+s10] =	stream.strided.scatter [tilespmem:s2], [sflag:$0x1], $0x400, s11, s10, $0x38;
	[tilespmem:$0x400] =	vst v63  }
0x222: {  	_ =	swait.ge [sflag:s8], $0x400  }
0x223: {  	[sflag:s8] =	ssyncset.done $0x0  }
0x224: {  	s1 =	rddreg [dreg:$0x5];
	[sflag:s8] =	ssyncadd.s32 $0xFFFFFC00  }
0x225: {  	[tilespmem:s2], [sflag:$0x1] =	stream.linear.gather [hbm4b:s1+s2], $0x400, $0x38;
	[tilespmem:$0x400] =	vst v63  }
0x226: {  	_ =	swait.ge [sflag:s8], $0x400  }
0x227: {  	[sflag:s8] =	ssyncset.done $0x0  }
0x228: {  	s1 =	rddreg [dreg:$0x6];
	[sflag:s8] =	ssyncadd.s32 $0xFFFFFC00  }
0x229: {  	[hbm4b:s1+s10] =	stream.strided.scatter [tilespmem:s2], [sflag:$0x1], $0x400, s11, s10, $0x38;
	[tilespmem:$0x400] =	vst v63  }
0x22a: {  	_ =	swait.ge [sflag:s8], $0x400  }
0x22b: {  	[sflag:s8] =	ssyncset.done $0x0  }
0x22c: {  	s1 =	rddreg [dreg:$0x7];
	[sflag:s8] =	ssyncadd.s32 $0xFFFFFC00  }
0x22d: {  	[tilespmem:s2], [sflag:$0x1] =	stream.linear.gather [hbm4b:s1+s2], $0x400, $0x38;
	[tilespmem:$0x400] =	vst v63  }
0x22e: {  	_ =	swait.ge [sflag:s8], $0x400  }
0x22f: {  	[sflag:s8] =	ssyncset.done $0x0  }
0x230: {  	s1 =	rddreg [dreg:$0x8];
	[sflag:s8] =	ssyncadd.s32 $0xFFFFFC00  }
0x231: {  	[hbm4b:s1+s10] =	stream.strided.scatter [tilespmem:s2], [sflag:$0x1], $0x400, s11, s10, $0x38;
	[tilespmem:$0x400] =	vst v63  }
0x232: {  	_ =	swait.ge [sflag:s8], $0x400  }
0x233: {  	[sflag:s8] =	ssyncset.done $0x0  }
0x234: {  	s1 =	rddreg [dreg:$0x9];
	[sflag:s8] =	ssyncadd.s32 $0xFFFFFC00  }
0x235: {  	[tilespmem:s2], [sflag:$0x1] =	stream.linear.gather [hbm4b:s1+s2], $0x400, $0x38;
	[tilespmem:$0x400] =	vst v63  }
0x236: {  	_ =	swait.ge [sflag:s8], $0x400  }
0x237: {  	[sflag:s8] =	ssyncset.done $0x0  }
0x238: {  	s1 =	rddreg [dreg:$0xa];
	[sflag:s8] =	ssyncadd.s32 $0xFFFFFC00  }
0x239: {  	[hbm4b:s1+s10] =	stream.strided.scatter [tilespmem:s2], [sflag:$0x1], $0x400, s11, s10, $0x38;
	[tilespmem:$0x400] =	vst v63  }
0x23a: {  	_ =	swait.ge [sflag:s8], $0x400  }
0x23b: {  	[sflag:s8] =	ssyncset.done $0x0  }
0x23c: {  	s1 =	rddreg [dreg:$0xb];
	[sflag:s8] =	ssyncadd.s32 $0xFFFFFC00  }
0x23d: {  	[tilespmem:s2], [sflag:$0x1] =	stream.linear.gather [hbm4b:s1+s2], $0x400, $0x38;
	[tilespmem:$0x400] =	vst v63  }
0x23e: {  	_ =	swait.ge [sflag:s8], $0x400  }
0x23f: {  	[sflag:s8] =	ssyncset.done $0x0  }
0x240: {  	s1 =	rddreg [dreg:$0xc];
	[sflag:s8] =	ssyncadd.s32 $0xFFFFFC00  }
0x241: {  	[hbm4b:s1+s10] =	stream.strided.scatter [tilespmem:s2], [sflag:$0x1], $0x400, s11, s10, $0x38;
	[tilespmem:$0x400] =	vst v63  }
0x242: {  	_ =	swait.ge [sflag:s8], $0x400  }
0x243: {  	[sflag:s8] =	ssyncset.done $0x0  }
0x244: {  	s1 =	rddreg [dreg:$0xd];
	[sflag:s8] =	ssyncadd.s32 $0xFFFFFC00  }
0x245: {  	[tilespmem:s2], [sflag:$0x1] =	stream.linear.gather [hbm4b:s1+s2], $0x400, $0x38;
	[tilespmem:$0x400] =	vst v63  }
0x246: {  	_ =	swait.ge [sflag:s8], $0x400  }
0x247: {  	[sflag:s8] =	ssyncset.done $0x0  }
0x248: {  	s1 =	rddreg [dreg:$0xe];
	[sflag:s8] =	ssyncadd.s32 $0xFFFFFC00  }
0x249: {  	[hbm4b:s1+s10] =	stream.strided.scatter [tilespmem:s2], [sflag:$0x1], $0x400, s11, s10, $0x38;
	[tilespmem:$0x400] =	vst v63  }
0x24a: {  	_ =	swait.ge [sflag:s8], $0x400  }
0x24b: {  	[sflag:s8] =	ssyncset.done $0x0  }
0x24c: {  	[sflag:s8] =	ssyncadd.s32 $0xFFFFFC00  }
0x24d: {  	[tilespmem:s2], [sflag:$0x1] =	stream.strided.gather [hbm4b:s31+s15], $0x0, s16, s15, $0x38;
	[tilespmem:$0x400] =	vst v63  }
0x24e: {  	_ = 	snop  }
0x24f: {  	[tilespmem:s2], [sflag:$0x1] =	stream.linear.gather [hbm4b:s31+s2], $0x100, $0x38;
	[tilespmem:$0x400] =	vst v63  }
0x250: {  	_ =	swait.ge [sflag:s8], $0x100  }
0x251: {  	[sflag:s8] =	ssyncset.done $0x0  }
0x252: {  	s31 =	rddreg [dreg:$0xf];
	[sflag:s8] =	ssyncadd.s32 $0xFFFFFF00  }
0x253: {  	[hbm4b:s31+s10] =	stream.strided.scatter [tilespmem:s2], [sflag:$0x1], $0x100, s11, s10, $0x38;
	[tilespmem:$0x400] =	vst v63  }
0x254: {  	_ =	swait.ge [sflag:s8], $0x100  }
0x255: {  	[sflag:s8] =	ssyncset.done $0x0  }
0x256: {  	s1 =	rddreg [dreg:$0x10];
	[sflag:s8] =	ssyncadd.s32 $0xFFFFFF00  }
0x257: {  	[tilespmem:s2], [sflag:$0x1] =	stream.linear.gather [hbm4b:s1+s2], $0x400, $0x38;
	[tilespmem:$0x400] =	vst v63  }
0x258: {  	_ =	swait.ge [sflag:s8], $0x400  }
0x259: {  	[sflag:s8] =	ssyncset.done $0x0  }
0x25a: {  	s31 =	rddreg [dreg:$0x11];
	[sflag:s8] =	ssyncadd.s32 $0xFFFFFC00  }
0x25b: {  	[hbm4b:s31+s10] =	stream.strided.scatter [tilespmem:s2], [sflag:$0x1], $0x400, s11, s10, $0x38;
	[tilespmem:$0x400] =	vst v63  }
0x25c: {  	_ =	swait.ge [sflag:s8], $0x400  }
0x25d: {  	[sflag:s8] =	ssyncset.done $0x0  }
0x25e: {  	s1 =	rddreg [dreg:$0x12];
	[sflag:s8] =	ssyncadd.s32 $0xFFFFFC00  }
0x25f: {  	[tilespmem:s2], [sflag:$0x1] =	stream.linear.gather [hbm4b:s1+s2], $0x400, $0x38;
	[tilespmem:$0x400] =	vst v63  }
0x260: {  	_ =	swait.ge [sflag:s8], $0x400  }
0x261: {  	[sflag:s8] =	ssyncset.done $0x0  }
0x262: {  	s31 =	rddreg [dreg:$0x13];
	[sflag:s8] =	ssyncadd.s32 $0xFFFFFC00  }
0x263: {  	[hbm4b:s31+s10] =	stream.strided.scatter [tilespmem:s2], [sflag:$0x1], $0x400, s11, s10, $0x38;
	[tilespmem:$0x400] =	vst v63  }
0x264: {  	_ =	swait.ge [sflag:s8], $0x400  }
0x265: {  	[sflag:s8] =	ssyncset.done $0x0  }
0x266: {  	s1 =	rddreg [dreg:$0x14];
	[sflag:s8] =	ssyncadd.s32 $0xFFFFFC00  }
0x267: {  	[tilespmem:s2], [sflag:$0x1] =	stream.linear.gather [hbm4b:s1+s2], $0x400, $0x38;
	[tilespmem:$0x400] =	vst v63  }
0x268: {  	_ =	swait.ge [sflag:s8], $0x400  }
0x269: {  	[sflag:s8] =	ssyncset.done $0x0  }
0x26a: {  	s31 =	rddreg [dreg:$0x15];
	[sflag:s8] =	ssyncadd.s32 $0xFFFFFC00  }
0x26b: {  	[hbm4b:s31+s10] =	stream.strided.scatter [tilespmem:s2], [sflag:$0x1], $0x400, s11, s10, $0x38;
	[tilespmem:$0x400] =	vst v63  }
0x26c: {  	_ =	swait.ge [sflag:s8], $0x400  }
0x26d: {  	[sflag:s8] =	ssyncset.done $0x0  }
0x26e: {  	s1 =	rddreg [dreg:$0x16];
	[sflag:s8] =	ssyncadd.s32 $0xFFFFFC00  }
0x26f: {  	[tilespmem:s2], [sflag:$0x1] =	stream.linear.gather [hbm4b:s1+s2], $0x400, $0x38;
	[tilespmem:$0x400] =	vst v63  }
0x270: {  	_ =	swait.ge [sflag:s8], $0x400  }
0x271: {  	[sflag:s8] =	ssyncset.done $0x0  }
0x272: {  	s31 =	rddreg [dreg:$0x17];
	[sflag:s8] =	ssyncadd.s32 $0xFFFFFC00  }
0x273: {  	[hbm4b:s31+s10] =	stream.strided.scatter [tilespmem:s2], [sflag:$0x1], $0x400, s11, s10, $0x38;
	[tilespmem:$0x400] =	vst v63  }
0x274: {  	_ =	swait.ge [sflag:s8], $0x400  }
0x275: {  	[sflag:s8] =	ssyncset.done $0x0  }
0x276: {  	s1 =	rddreg [dreg:$0x18];
	[sflag:s8] =	ssyncadd.s32 $0xFFFFFC00  }
0x277: {  	[tilespmem:s2], [sflag:$0x1] =	stream.linear.gather [hbm4b:s1+s2], $0x400, $0x38;
	[tilespmem:$0x400] =	vst v63  }
0x278: {  	_ =	swait.ge [sflag:s8], $0x400  }
0x279: {  	[sflag:s8] =	ssyncset.done $0x0  }
0x27a: {  	s31 =	rddreg [dreg:$0x19];
	[sflag:s8] =	ssyncadd.s32 $0xFFFFFC00  }
0x27b: {  	[hbm4b:s31+s10] =	stream.strided.scatter [tilespmem:s2], [sflag:$0x1], $0x400, s11, s10, $0x38;
	[tilespmem:$0x400] =	vst v63  }
0x27c: {  	_ =	swait.ge [sflag:s8], $0x400  }
0x27d: {  	[sflag:s8] =	ssyncset.done $0x0  }
0x27e: {  	s1 =	rddreg [dreg:$0x1a];
	[sflag:s8] =	ssyncadd.s32 $0xFFFFFC00  }
0x27f: {  	[tilespmem:s2], [sflag:$0x1] =	stream.linear.gather [hbm4b:s1+s2], $0x400, $0x38;
	[tilespmem:$0x400] =	vst v63  }
0x280: {  	_ =	swait.ge [sflag:s8], $0x400  }
0x281: {  	[sflag:s8] =	ssyncset.done $0x0  }
0x282: {  	s31 =	rddreg [dreg:$0x1b];
	[sflag:s8] =	ssyncadd.s32 $0xFFFFFC00  }
0x283: {  	[hbm4b:s31+s10] =	stream.strided.scatter [tilespmem:s2], [sflag:$0x1], $0x400, s11, s10, $0x38;
	[tilespmem:$0x400] =	vst v63  }
0x284: {  	_ =	swait.ge [sflag:s8], $0x400  }
0x285: {  	[sflag:s8] =	ssyncset.done $0x0  }
0x286: {  	[sflag:s8] =	ssyncadd.s32 $0xFFFFFC00  }
0x287: {  	[tilespmem:s2], [sflag:$0x1] =	stream.strided.gather [hbm4b:s30+s15], $0x0, s16, s15, $0x38;
	[tilespmem:$0x400] =	vst v63  }
0x288: {  	_ = 	snop  }
0x289: {  	[tilespmem:s2], [sflag:$0x1] =	stream.linear.gather [hbm4b:s30+s2], $0x100, $0x38;
	[tilespmem:$0x400] =	vst v63  }
0x28a: {  	_ =	swait.ge [sflag:s8], $0x100  }
0x28b: {  	[sflag:s8] =	ssyncset.done $0x0  }
0x28c: {  	s1 =	rddreg [dreg:$0x1c];
	[sflag:s8] =	ssyncadd.s32 $0xFFFFFF00  }
0x28d: {  	[hbm4b:s1+s10] =	stream.strided.scatter [tilespmem:s2], [sflag:$0x1], $0x100, s11, s10, $0x38;
	[tilespmem:$0x400] =	vst v63  }
0x28e: {  	_ =	swait.ge [sflag:s8], $0x100  }
0x28f: {  	[sflag:s8] =	ssyncset.done $0x0  }
0x290: {  	s30 =	rddreg [dreg:$0x1d];
	[sflag:s8] =	ssyncadd.s32 $0xFFFFFF00  }
0x291: {  	[tilespmem:s2], [sflag:$0x1] =	stream.linear.gather [hbm4b:s30+s2], $0x400, $0x38;
	[tilespmem:$0x400] =	vst v63  }
0x292: {  	_ =	swait.ge [sflag:s8], $0x400  }
0x293: {  	[sflag:s8] =	ssyncset.done $0x0  }
0x294: {  	s31 =	rddreg [dreg:$0x1e];
	[sflag:s8] =	ssyncadd.s32 $0xFFFFFC00  }
0x295: {  	[hbm4b:s31+s10] =	stream.strided.scatter [tilespmem:s2], [sflag:$0x1], $0x400, s11, s10, $0x38;
	[tilespmem:$0x400] =	vst v63  }
0x296: {  	_ =	swait.ge [sflag:s8], $0x400  }
0x297: {  	[sflag:s8] =	ssyncset.done $0x0  }
0x298: {  	s1 =	rddreg [dreg:$0x1f];
	[sflag:s8] =	ssyncadd.s32 $0xFFFFFC00  }
0x299: {  	[tilespmem:s2], [sflag:$0x1] =	stream.linear.gather [hbm4b:s1+s2], $0x400, $0x38;
	[tilespmem:$0x400] =	vst v63  }
0x29a: {  	_ =	swait.ge [sflag:s8], $0x400  }
0x29b: {  	s30 =	sld [smem:$0x7F9]  }
0x29c: {  	[sflag:s8] =	ssyncset.done $0x0  }
0x29d: {  	[sflag:s8] =	ssyncadd.s32 $0xFFFFFC00  }
0x29e: {  	[hbm4b:s30+s10] =	stream.strided.scatter [tilespmem:s2], [sflag:$0x1], $0x400, s11, s10, $0x38;
	[tilespmem:$0x400] =	vst v63  }
0x29f: {  	_ =	swait.ge [sflag:s8], $0x400  }
0x2a0: {  	s31 =	sld [smem:$0x7FA]  }
0x2a1: {  	[sflag:s8] =	ssyncset.done $0x0  }
0x2a2: {  	[sflag:s8] =	ssyncadd.s32 $0xFFFFFC00  }
0x2a3: {  	[tilespmem:s2], [sflag:$0x1] =	stream.linear.gather [hbm4b:s31+s2], $0x400, $0x38;
	[tilespmem:$0x400] =	vst v63  }
0x2a4: {  	_ =	swait.ge [sflag:s8], $0x400  }
0x2a5: {  	s1 =	sld [smem:$0x7FB]  }
0x2a6: {  	[sflag:s8] =	ssyncset.done $0x0  }
0x2a7: {  	[sflag:s8] =	ssyncadd.s32 $0xFFFFFC00  }
0x2a8: {  	[hbm4b:s1+s10] =	stream.strided.scatter [tilespmem:s2], [sflag:$0x1], $0x400, s11, s10, $0x38;
	[tilespmem:$0x400] =	vst v63  }
0x2a9: {  	_ =	swait.ge [sflag:s8], $0x400  }
0x2aa: {  	s30 =	sld [smem:$0x7FC]  }
0x2ab: {  	[sflag:s8] =	ssyncset.done $0x0  }
0x2ac: {  	[sflag:s8] =	ssyncadd.s32 $0xFFFFFC00  }
0x2ad: {  	[tilespmem:s2], [sflag:$0x1] =	stream.linear.gather [hbm4b:s30+s2], $0x400, $0x38;
	[tilespmem:$0x400] =	vst v63  }
0x2ae: {  	_ =	swait.ge [sflag:s8], $0x400  }
0x2af: {  	[sflag:s8] =	ssyncset.done $0x0  }
0x2b0: {  	[sflag:s8] =	ssyncadd.s32 $0xFFFFFC00  }
0x2b1: {  	[hbm4b:s29+s10] =	stream.strided.scatter [tilespmem:s2], [sflag:$0x1], $0x400, s11, s10, $0x38;
	[tilespmem:$0x400] =	vst v63  }
0x2b2: {  	_ =	swait.ge [sflag:s8], $0x400  }
0x2b3: {  	[sflag:s8] =	ssyncset.done $0x0  }
0x2b4: {  	[sflag:s8] =	ssyncadd.s32 $0xFFFFFC00  }
0x2b5: {  	[tilespmem:s2], [sflag:$0x1] =	stream.linear.gather [hbm4b:s23+s2], $0x400, $0x38;
	[tilespmem:$0x400] =	vst v63  }
0x2b6: {  	_ =	swait.ge [sflag:s8], $0x400  }
0x2b7: {  	[sflag:s8] =	ssyncset.done $0x0  }
0x2b8: {  	[sflag:s8] =	ssyncadd.s32 $0xFFFFFC00  }
0x2b9: {  	[hbm4b:s28+s10] =	stream.strided.scatter [tilespmem:s2], [sflag:$0x1], $0x400, s11, s10, $0x38;
	[tilespmem:$0x400] =	vst v63  }
0x2ba: {  	_ =	swait.ge [sflag:s8], $0x400  }
0x2bb: {  	[sflag:s8] =	ssyncset.done $0x0  }
0x2bc: {  	[sflag:s8] =	ssyncadd.s32 $0xFFFFFC00  }
0x2bd: {  	[tilespmem:s2], [sflag:$0x1] =	stream.linear.gather [hbm4b:s21+s2], $0x400, $0x38;
	[tilespmem:$0x400] =	vst v63  }
0x2be: {  	_ =	swait.ge [sflag:s8], $0x400  }
0x2bf: {  	[sflag:s8] =	ssyncset.done $0x0  }
0x2c0: {  	[sflag:s8] =	ssyncadd.s32 $0xFFFFFC00  }
0x2c1: {  	[hbm4b:s26+s10] =	stream.strided.scatter [tilespmem:s2], [sflag:$0x1], $0x400, s11, s10, $0x38;
	[tilespmem:$0x400] =	vst v63  }
0x2c2: {  	_ =	swait.ge [sflag:s8], $0x400  }
0x2c3: {  	[sflag:s8] =	ssyncset.done $0x0  }
0x2c4: {  	[sflag:s8] =	ssyncadd.s32 $0xFFFFFC00  }
0x2c5: {  	[tilespmem:s2], [sflag:$0x1] =	stream.strided.gather [hbm4b:s18+s15], $0x0, s16, s15, $0x38;
	[tilespmem:$0x400] =	vst v63  }
0x2c6: {  	_ = 	snop  }
0x2c7: {  	[tilespmem:s2], [sflag:$0x1] =	stream.linear.gather [hbm4b:s18+s2], $0x100, $0x38;
	[tilespmem:$0x400] =	vst v63  }
0x2c8: {  	_ =	swait.ge [sflag:s8], $0x100  }
0x2c9: {  	[sflag:s8] =	ssyncset.done $0x0  }
0x2ca: {  	[sflag:s8] =	ssyncadd.s32 $0xFFFFFF00  }
0x2cb: {  	[hbm4b:s25+s10] =	stream.strided.scatter [tilespmem:s2], [sflag:$0x1], $0x100, s11, s10, $0x38;
	[tilespmem:$0x400] =	vst v63  }
0x2cc: {  	_ =	swait.ge [sflag:s8], $0x100  }
0x2cd: {  	[sflag:s8] =	ssyncset.done $0x0  }
0x2ce: {  	[sflag:s8] =	ssyncadd.s32 $0xFFFFFF00  }
0x2cf: {  	[tilespmem:s2], [sflag:$0x1] =	stream.linear.gather [hbm4b:s17+s2], $0x400, $0x38;
	[tilespmem:$0x400] =	vst v63  }
0x2d0: {  	_ =	swait.ge [sflag:s8], $0x400  }
0x2d1: {  	[sflag:s8] =	ssyncset.done $0x0  }
0x2d2: {  	[sflag:s8] =	ssyncadd.s32 $0xFFFFFC00  }
0x2d3: {  	[hbm4b:s24+s10] =	stream.strided.scatter [tilespmem:s2], [sflag:$0x1], $0x400, s11, s10, $0x38;
	[tilespmem:$0x400] =	vst v63  }
0x2d4: {  	_ =	swait.ge [sflag:s8], $0x400  }
0x2d5: {  	[sflag:s8] =	ssyncset.done $0x0  }
0x2d6: {  	[sflag:s8] =	ssyncadd.s32 $0xFFFFFC00  }
0x2d7: {  	[tilespmem:s2], [sflag:$0x1] =	stream.linear.gather [hbm4b:s13+s2], $0x400, $0x38;
	[tilespmem:$0x400] =	vst v63  }
0x2d8: {  	_ =	swait.ge [sflag:s8], $0x400  }
0x2d9: {  	[sflag:s8] =	ssyncset.done $0x0  }
0x2da: {  	[sflag:s8] =	ssyncadd.s32 $0xFFFFFC00  }
0x2db: {  	[hbm4b:s22+s10] =	stream.strided.scatter [tilespmem:s2], [sflag:$0x1], $0x400, s11, s10, $0x38;
	[tilespmem:$0x400] =	vst v63  }
0x2dc: {  	_ =	swait.ge [sflag:s8], $0x400  }
0x2dd: {  	[sflag:s8] =	ssyncset.done $0x0  }
0x2de: {  	[sflag:s8] =	ssyncadd.s32 $0xFFFFFC00  }
0x2df: {  	[tilespmem:s2], [sflag:$0x1] =	stream.linear.gather [hbm4b:s9+s2], $0x400, $0x38;
	[tilespmem:$0x400] =	vst v63  }
0x2e0: {  	_ =	swait.ge [sflag:s8], $0x400  }
0x2e1: {  	[sflag:s8] =	ssyncset.done $0x0  }
0x2e2: {  	[sflag:s8] =	ssyncadd.s32 $0xFFFFFC00  }
0x2e3: {  	[hbm4b:s20+s10] =	stream.strided.scatter [tilespmem:s2], [sflag:$0x1], $0x400, s11, s10, $0x38;
	[tilespmem:$0x400] =	vst v63  }
0x2e4: {  	_ =	swait.ge [sflag:s8], $0x400  }
0x2e5: {  	[sflag:s8] =	ssyncset.done $0x0  }
0x2e6: {  	[sflag:s8] =	ssyncadd.s32 $0xFFFFFC00  }
0x2e7: {  	[tilespmem:s2], [sflag:$0x1] =	stream.linear.gather [hbm4b:s6+s2], $0x400, $0x38;
	[tilespmem:$0x400] =	vst v63  }
0x2e8: {  	_ =	swait.ge [sflag:s8], $0x400  }
0x2e9: {  	[sflag:s8] =	ssyncset.done $0x0  }
0x2ea: {  	[sflag:s8] =	ssyncadd.s32 $0xFFFFFC00  }
0x2eb: {  	[hbm4b:s19+s10] =	stream.strided.scatter [tilespmem:s2], [sflag:$0x1], $0x400, s11, s10, $0x38;
	[tilespmem:$0x400] =	vst v63  }
0x2ec: {  	_ =	swait.ge [sflag:s8], $0x400  }
0x2ed: {  	[sflag:s8] =	ssyncset.done $0x0  }
0x2ee: {  	[sflag:s8] =	ssyncadd.s32 $0xFFFFFC00  }
0x2ef: {  	[tilespmem:s2], [sflag:$0x1] =	stream.linear.gather [hbm4b:s5+s2], $0x400, $0x38;
	[tilespmem:$0x400] =	vst v63  }
0x2f0: {  	_ =	swait.ge [sflag:s8], $0x400  }
0x2f1: {  	[sflag:s8] =	ssyncset.done $0x0  }
0x2f2: {  	[sflag:s8] =	ssyncadd.s32 $0xFFFFFC00  }
0x2f3: {  	[hbm4b:s14+s10] =	stream.strided.scatter [tilespmem:s2], [sflag:$0x1], $0x400, s11, s10, $0x38;
	[tilespmem:$0x400] =	vst v63  }
0x2f4: {  	_ =	swait.ge [sflag:s8], $0x400  }
0x2f5: {  	[sflag:s8] =	ssyncset.done $0x0  }
0x2f6: {  	[sflag:s8] =	ssyncadd.s32 $0xFFFFFC00  }
0x2f7: {  	[tilespmem:s2], [sflag:$0x1] =	stream.linear.gather [hbm4b:s4+s2], $0x400, $0x38;
	[tilespmem:$0x400] =	vst v63  }
0x2f8: {  	_ =	swait.ge [sflag:s8], $0x400  }
0x2f9: {  	[sflag:s8] =	ssyncset.done $0x0  }
0x2fa: {  	[sflag:s8] =	ssyncadd.s32 $0xFFFFFC00  }
0x2fb: {  	[hbm4b:s12+s10] =	stream.strided.scatter [tilespmem:s2], [sflag:$0x1], $0x400, s11, s10, $0x38;
	[tilespmem:$0x400] =	vst v63  }
0x2fc: {  	_ =	swait.ge [sflag:s8], $0x400  }
0x2fd: {  	[sflag:s8] =	ssyncset.done $0x0  }
0x2fe: {  	[sflag:s8] =	ssyncadd.s32 $0xFFFFFC00  }
0x2ff: {  	[tilespmem:s2], [sflag:$0x1] =	stream.strided.gather [hbm4b:s3+s15], $0x0, s16, s15, $0x38;
	[tilespmem:$0x400] =	vst v63  }
0x300: {  	_ = 	snop  }
0x301: {  	[tilespmem:s2], [sflag:$0x1] =	stream.linear.gather [hbm4b:s3+s2], $0x100, $0x38;
	[tilespmem:$0x400] =	vst v63  }
0x302: {  	_ =	swait.ge [sflag:s8], $0x100  }
0x303: {  	[sflag:s8] =	ssyncset.done $0x0  }
0x304: {  	[sflag:s8] =	ssyncadd.s32 $0xFFFFFF00  }
0x305: {  	[hbm4b:s7+s10] =	stream.strided.scatter [tilespmem:s2], [sflag:$0x1], $0x100, s11, s10, $0x38;
	[tilespmem:$0x400] =	vst v63  }
0x306: {  	_ =	swait.ge [sflag:s8], $0x100  }
0x307: {  	[sflag:s8] =	ssyncset.done $0x0  }
0x308: {  	[sflag:s8] =	ssyncadd.s32 $0xFFFFFF00  }
0x309: {  	_ =	sfence.sel $0x180000  }
0x30a: {  	[bflag:$0x0] =	sbarrier.arrive $0xFFFF  }
0x30b: {  	_ =	strace $0x90000047  }
0x30c: {  	s31 =	stileid.u32;
	[bflag:$0x2] =	sbarrier.arrive $0xFFFF  }
0x30d: {  	p0 =	sne.s32 s31, $0x0;
	s0 =	rddreg [dreg:$0x2]  }
0x30e: {  	s0 =	sadd.s32 @!p0 $0x100000, s0  }
0x30f: {  	[sflag:s0] =	ssyncadd.tile.s32 @!p0 $0x1;
	_ =	shalt  }
.Lfunc_end2:
_tile_overlayer_lowered:
.L_overlay_start_2:
0x310: {  	(tag) =	ssettag $0x2  }
0x311: {  	s0 =	rddreg [dreg:$0x0];
	s2 =	stileid.u32  }
0x312: {  	s1 =	rddreg [dreg:$0x1];
	p0 =	sne.s32 s2, $0x0  }
0x313: {  	s3 =	rddreg [dreg:$0x2];
	[bflag:$0x3] =	sbarrier.arrive $0xFFFF;
	s2 =	simm.s32 @!p0 $0x1C01  }
0x314: {  	[timem:s3], [sflag:s2] =	dma.local @!p0 [hbm:s0], s1  }
0x315: {  	s0 =	simm.s32 @!p0 $0x1  }
0x316: {  	_ =	swait.ge @!p0 [sflag:s0], s1  }
0x317: {  	s1 =	ssub.s32 @!p0 $0x0, s1;
	[sflag:s0] =	ssyncset.done @!p0 $0x0  }
0x318: {  	[sflag:s0] =	ssyncadd.s32 @!p0 s1  }
0x319: {  	[bflag:$0x3] =	sbarrier.arrive $0xFFFF  }
0x31a: {  	_ =	shalt  }

// kernel: _embed_impl.8.cloned.1.call-start
scs
__scs_entry_jumppad:
0x0: {  	(pc) =	sbr.rel $0x88, $3  }
0x1: {  	(tag) =	ssettag $0x0;
	lr =	simm.s32 $0x1  }
0x2: {  	[smem:$0x3F9F] =	sst lr;
	_ =	strace $0xD0000000  }
0x3: {  	_ = 	snop  }
0x4: {  	_ = 	snop  }
0x5: {  	_ = 	snop  }
0x6: {  	_ = 	snop  }
0x7: {  	_ = 	snop  }
__scs_overlays_trampoline_lowered:
0x8: {  	[smem:$0x3FAE] =	sst s0  }
0x9: {  	[smem:$0x3FAF] =	sst s1  }
0xa: {  	[smem:$0x3FB0] =	sst s2  }
0xb: {  	[smem:$0x3FB1] =	sst s3  }
0xc: {  	[smem:$0x3FB2] =	sst s4  }
0xd: {  	[smem:$0x3FB3] =	sst s5  }
0xe: {  	[smem:$0x3FB4] =	sst s6  }
0xf: {  	[smem:$0x3FB5] =	sst s7  }
0x10: {  	[smem:$0x3FB6] =	sst s8  }
0x11: {  	[smem:$0x3FB7] =	sst s9;
	s0 =	simm.s32 @!p0 $0x0  }
0x12: {  	s1 =	sld [smem:$0x3F9D];
	s0 =	simm.s32 @p0 $0x1  }
0x13: {  	[smem:$0x3FB8] =	sst s0;
	s0 =	simm.s32 @!p1 $0x0  }
0x14: {  	s2 =	sld [smem:$0x3F9C];
	s0 =	simm.s32 @p1 $0x1  }
0x15: {  	[smem:$0x3FB9] =	sst s0;
	s0 =	simm.s32 @!p2 $0x0  }
0x16: {  	s3 =	sld [smem:$0x3FDB];
	s0 =	simm.s32 @p2 $0x1  }
0x17: {  	s4 =	simm.s32 $0x1BF5;
	[smem:$0x3FBB] =	sst s0  }
0x18: {  	s0 =	sld [smem:$0x3F9E];
	_ =	swait.ge [sflag:s4], $0x0  }
0x19: {  	s7 =	sld [smem:$0x3F9F]  }
0x1a: {  	s8 =	sadd.s32 $0xFFFFE003, lr  }
0x1b: {  	s9 =	sadd.s32 $0xFFFFFEF7, lr;
	s5 =	simm.s32 $0xFFFFFFFF;
	p2 =	slt.u32 s8, $0xFFFFF086  }
0x1c: {  	p1 =	slt.u32 s9, $0xF7A;
	s5 =	simm.s32 @!p2 $0x0  }
0x1d: {  	s5 =	simm.s32 @p1 $0x1;
	p0 =	seq.s32 s7, s2  }
0x1e: {  	s7 =	smul.u32 @!p0 $0xF7A, s2;
	p2 =	seq.s32 @!p0 s5, $0x0  }
0x1f: {  	s9 =	smul.u32 $0xF7A, s1;
	s8 =	simm.s32 @!p0 $0x1BF5;
	p2 =	por !p2, p0  }
0x20: {  	[sflag:s8] =	ssyncset.s32 @!p0 $0xFFFFF086;
	s6 =	sadd.s32 @!p0 s3, s7;
	s7 =	simm.s32 @!p0 $0x108  }
0x21: {  	s3 =	sadd.s32 s3, s9;
	s6 =	sadd.s32 @!p0 $0x88, s6;
	s7 =	simm.s32 @p2 $0x1082  }
0x22: {  	[simem:s7], [sflag:s8] =	dma.local @!p0 [hbm:s6], $0xF7A  }
0x23: {  	s9 =	sor.u32 $0xD0000000, s2;
	s6 =	simm.s32 $0x108;
	_ =	swait.ge @!p0 [sflag:s8], $0x0  }
0x24: {  	s3 =	sadd.s32 $0x88, s3;
	s6 =	simm.s32 @!p1 $0x1082;
	[sflag:s4] =	ssyncset.s32 $0xFFFFF086  }
0x25: {  	[simem:s6], [sflag:s4] =	dma.local [hbm:s3], $0xF7A  }
0x26: {  	[smem:$0x3F9F] =	sst s1;
	(tag) =	ssettag s2;
	_ =	strace s9  }
0x27: {  	s1 =	sld [smem:$0x3FAF]  }
0x28: {  	s2 =	sld [smem:$0x3FB0]  }
0x29: {  	s4 =	sld [smem:$0x3FB2]  }
0x2a: {  	p0 =	seq.s32 s5, $0x0;
	s5 =	sld [smem:$0x3FB3]  }
0x2b: {  	s6 =	sld [smem:$0x3FB4]  }
0x2c: {  	s7 =	sld [smem:$0x3FB5]  }
0x2d: {  	s3 =	simm.s32 $0x108;
	s8 =	sld [smem:$0x3FB6]  }
0x2e: {  	s3 =	simm.s32 @!p0 $0x1082;
	s9 =	sld [smem:$0x3FB7]  }
0x2f: {  	lr =	sadd.s32 s0, s3;
	s0 =	sld [smem:$0x3FAE]  }
0x30: {  	s3 =	sld [smem:$0x3FB1]  }
0x31: {  	[smem:$0x3FBA] =	sst s10  }
0x32: {  	s10 =	sld [smem:$0x3FB8];
	_ =	sdelay $0x3  }
0x33: {  	p0 =	seq.s32 s10, $0x1;
	s10 =	sld [smem:$0x3FBA];
	_ =	sdelay $0x3  }
0x34: {  	[smem:$0x3FBA] =	sst s10  }
0x35: {  	s10 =	sld [smem:$0x3FB9];
	_ =	sdelay $0x3  }
0x36: {  	p1 =	seq.s32 s10, $0x1;
	s10 =	sld [smem:$0x3FBA];
	_ =	sdelay $0x3  }
0x37: {  	[smem:$0x3FBA] =	sst s10  }
0x38: {  	s10 =	sld [smem:$0x3FBB]  }
0x39: {  	_ = 	snop;
	(pc) =	sbr.ind lr, $3  }
0x3a: {  	_ = 	snop  }
0x3b: {  	_ = 	snop  }
0x3c: {  	p2 =	seq.s32 s10, $0x1;
	s10 =	sld [smem:$0x3FBA]  }
0x3d: {  	_ =	shalt  }
0x3e: {  	_ =	shalt  }
0x3f: {  	_ =	shalt  }
0x40: {  	_ =	shalt  }
0x41: {  	_ =	shalt  }
0x42: {  	_ =	shalt  }
0x43: {  	_ =	shalt  }
0x44: {  	_ =	shalt  }
0x45: {  	_ =	shalt  }
0x46: {  	_ =	shalt  }
0x47: {  	_ =	shalt  }
0x48: {  	_ =	shalt  }
0x49: {  	_ =	shalt  }
0x4a: {  	_ =	shalt  }
0x4b: {  	_ =	shalt  }
0x4c: {  	_ =	shalt  }
0x4d: {  	_ =	shalt  }
0x4e: {  	_ =	shalt  }
0x4f: {  	_ =	shalt  }
0x50: {  	_ =	shalt  }
0x51: {  	_ =	shalt  }
0x52: {  	_ =	shalt  }
0x53: {  	_ =	shalt  }
0x54: {  	_ =	shalt  }
0x55: {  	_ =	shalt  }
0x56: {  	_ =	shalt  }
0x57: {  	_ =	shalt  }
0x58: {  	_ =	shalt  }
0x59: {  	_ =	shalt  }
0x5a: {  	_ =	shalt  }
0x5b: {  	_ =	shalt  }
0x5c: {  	_ =	shalt  }
0x5d: {  	_ =	shalt  }
0x5e: {  	_ =	shalt  }
0x5f: {  	_ =	shalt  }
0x60: {  	_ =	shalt  }
0x61: {  	_ =	shalt  }
0x62: {  	_ =	shalt  }
0x63: {  	_ =	shalt  }
0x64: {  	_ =	shalt  }
0x65: {  	_ =	shalt  }
0x66: {  	_ =	shalt  }
0x67: {  	_ =	shalt  }
0x68: {  	_ =	shalt  }
0x69: {  	_ =	shalt  }
0x6a: {  	_ =	shalt  }
0x6b: {  	_ =	shalt  }
0x6c: {  	_ =	shalt  }
0x6d: {  	_ =	shalt  }
0x6e: {  	_ =	shalt  }
0x6f: {  	_ =	shalt  }
0x70: {  	_ =	shalt  }
0x71: {  	_ =	shalt  }
0x72: {  	_ =	shalt  }
0x73: {  	_ =	shalt  }
0x74: {  	_ =	shalt  }
0x75: {  	_ =	shalt  }
0x76: {  	_ =	shalt  }
0x77: {  	_ =	shalt  }
0x78: {  	_ =	shalt  }
0x79: {  	_ =	shalt  }
0x7a: {  	_ =	shalt  }
0x7b: {  	_ =	shalt  }
0x7c: {  	_ =	shalt  }
0x7d: {  	_ =	shalt  }
0x7e: {  	_ =	shalt  }
0x7f: {  	_ =	shalt  }
0x80: {  	_ =	shalt  }
0x81: {  	_ =	shalt  }
0x82: {  	_ =	shalt  }
0x83: {  	_ =	shalt  }
0x84: {  	_ =	shalt  }
0x85: {  	_ =	shalt  }
0x86: {  	_ =	shalt  }
0x87: {  	_ =	shalt  }
.Lfunc_end0:
.L_simem_size_0:
called_computation.1_lowered:
.L_overlay_start_0:
0x88: {  	s2 =	sld [smem:$0x3FD9]  }
0x89: {  	s3 =	sld [smem:$0x3FFE];
	_ =	sdelay $0x1  }
0x8a: {  	s1 =	srdreg.scid  }
0x8b: {  	s0 =	sand.u32 $0x1, s1  }
0x8c: {  	s17 =	sshll.u32 s0, $0xA;
	s2 =	sadd.s32 s3, s2  }
0x8d: {  	s2 =	sadd.s32 s2, s17  }
0x8e: {  	[smem:$0x3FC6] =	sst s2  }
0x8f: {  	_ = 	snop  }
0x90: {  	s18 =	sld [smem:$0x3FC8];
	(tm) =	ssettm $0x1  }
0x91: {  	s19 =	sld [smem:$0x3FFB];
	_ =	sdelay $0x3  }
0x92: {  	_ =	strace s19  }
0x93: {  	s2 =	sld [smem:$0x3FFC];
	_ =	sdelay $0x3  }
0x94: {  	_ =	strace s2  }
0x95: {  	s2 =	sld [smem:$0x3FFD];
	_ =	sdelay $0x3  }
0x96: {  	_ =	strace s2  }
0x97: {  	_ =	strace $0x8FFFFFFF  }
0x98: {  	s20 =	sld [smem:$0x3FDB];
	_ =	sdelay $0x1  }
0x99: {  	s4 =	simm.s32 $_scs_section_size  }
0x9a: {  	s5 =	simm.s32 $_size__tile_overlayer_lowered;
	s6 =	simm.s32 $_tile_overlayer_lowered  }
0x9b: {  	s7 =	simm.s32 $0x1BFF;
	s21 =	sshll.u32 s6, $0x1;
	s4 =	sadd.s32 s4, s20  }
0x9c: {  	s22 =	simm.s32 $0x0;
	s5 =	sshll.u32 s5, $0x1;
	s6 =	sadd.s32 s21, s4  }
0x9d: {  	[timem:s22], [sflag:s7] =	dma.local [hbm:s6], s5  }
0x9e: {  	_ =	swait.ge [sflag:s7], s5  }
0x9f: {  	s5 =	ssub.s32 $0x0, s5;
	[sflag:s7] =	ssyncset.done $0x0  }
0xa0: {  	[sflag:s7] =	ssyncadd.s32 s5;
	_ =	sdelay $0x1  }
0xa1: {  	s23 =	simm.s32 $0x1B8B  }
0xa2: {  	_ =	swait.ge [sflag:s23], $0x1  }
0xa3: {  	[sflag:s23] =	ssyncset.done $0x0  }
0xa4: {  	[sflag:s23] =	ssyncadd.s32 $0xFFFFFFFF  }
0xa5: {  	s5 =	sld [smem:$0x0]  }
0xa6: {  	s6 =	sand.u32 $0xFFFFFFFE, s1  }
0xa7: {  	p0 =	sne.s32 s1, s6  }
0xa8: {  	s6 =	sshll.u32 @p0 s6, $0xE  }
0xa9: {  	s6 =	sadd.s32 @p0 $0x11B8D, s6;
	s7 =	sshll.u32 @p0 s5, $0x11  }
0xaa: {  	s6 =	sor.u32 @p0 s7, s6  }
0xab: {  	[sflag:s6] =	ssyncadd.remote.s32 @p0 $0x1;
	_ =	sdelay $0x1  }
0xac: {  	s6 =	simm.s32 @p0 $0x1B8D  }
0xad: {  	_ =	swait.eq @p0 [sflag:s6], $0x1  }
0xae: {  	[sflag:s6] =	ssyncadd.s32 @p0 $0xFFFFFFFF  }
0xaf: {  	s7 =	sshll.u32 @!p0 s1, $0xE  }
0xb0: {  	s7 =	sor.u32 @!p0 $0x4000, s7;
	s6 =	simm.s32 @!p0 $0x1B8D  }
0xb1: {  	s5 =	sshll.u32 @!p0 s5, $0x11;
	s7 =	sadd.s32 @!p0 $0x11B8D, s7;
	_ =	swait.eq @!p0 [sflag:s6], $0x1  }
0xb2: {  	s5 =	sor.u32 @!p0 s5, s7;
	[sflag:s6] =	ssyncadd.s32 @!p0 $0xFFFFFFFF  }
0xb3: {  	s25 =	simm.s32 $0x1B8E;
	s24 =	sld [smem:$0x3FFE];
	[sflag:s5] =	ssyncadd.remote.s32 @!p0 $0x1  }
0xb4: {  	s26 =	simm.s32 $execute0_lowered;
	[smem:$0x3FD2] =	sst s25  }
0xb5: {  	s6 =	sshll.u32 s26, $0x1;
	_ =	strace $0x80000049;
	[dreg:$0x1] =	wrdreg $0xFFFFFFFF  }
0xb6: {  	s28 =	simm.s32 $_size_execute0_lowered;
	s4 =	sadd.s32 s4, s6;
	[dreg:$0x0] =	wrdreg $0x0  }
0xb7: {  	s6 =	sshll.u32 s28, $0x1;
	[dreg:$0x2] =	wrdreg s4  }
0xb8: {  	[dreg:$0x3] =	wrdreg s6  }
0xb9: {  	[dreg:$0x4] =	wrdreg $0xC0  }
0xba: {  	_ =	task [dreg:s22], $0x5FFFF  }
0xbb: {  	[dreg:$0x1] =	wrdreg $0xFFFFFFFF  }
0xbc: {  	[dreg:$0x0] =	wrdreg $0x60  }
0xbd: {  	[dreg:$0x2] =	wrdreg s18  }
0xbe: {  	[dreg:$0x3] =	wrdreg s24  }
0xbf: {  	[dreg:$0x4] =	wrdreg $0xA  }
0xc0: {  	_ =	task.clear_ibuf [dreg:s22], $0x5FFFF;
	_ =	strace $0x90000049  }
0xc1: {  	s29 =	simm.s32 $0xA;
	_ =	strace $0x8000004B  }
0xc2: {  	_ =	swait.ge [sflag:s29], $0x1  }
0xc3: {  	[sflag:s29] =	ssyncadd.s32 $0xFFFFFFFF  }
0xc4: {  	_ =	strace $0x9000004B  }
0xc5: {  	_ =	sfence  }
0xc6: {  	s30 =	sld [smem:$0x0];
	_ =	sdelay $0x2  }
0xc7: {  	s31 =	sshll.u32 s1, $0xD;
	s1 =	sshrl.u32 s1, $0x2  }
0xc8: {  	s4 =	sand.u32 $0x4000, s31;
	s1 =	sadd.s32 s1, s30  }
0xc9: {  	s0 =	sor.u32 s4, s0;
	s1 =	sshll.u32 s1, $0x11  }
0xca: {  	s0 =	sor.u32 s1, s0  }
0xcb: {  	s0 =	sadd.s32 $0x8F2B, s0  }
0xcc: {  	[sflag:s0] =	ssyncadd.remote.s32 $0x1  }
0xcd: {  	_ =	sfence.sel $0xFFFF  }
0xce: {  	[dreg:$0x0] =	wrdreg $0xFFFFFFFF;
	(pc) =	sbr.abs _section_cstart, $3  }
0xcf: {  	[dreg:$0x1] =	wrdreg $0xFFFFFFFF  }
0xd0: {  	_ =	task.clear_ibuf [dreg:s22], $0x2FFFF;
	_ =	strace $0x9FFFFFFF  }
0xd1: {  	(tm) =	ssettm $0x7FFFFFFF  }
tec
execute0_lowered:
.L_overlay_start_1:
0x0: {  	(tag) =	ssettag $0x1  }
0x1: {  	s2 =	rddreg [dreg:$0x0]  }
0x2: {  	s0 =	srdreg.scid;
	s24 =	stileid.u32  }
0x3: {  	s1 =	rddreg [dreg:$0x1];
	s3 =	simm.s32 $0x0;
	s16 =	simm.s32 $0x400  }
0x4: {  	s17 =	simm.s32 $0x7A1400;
	s18 =	simm.s32 $0x1000;
	s19 =	simm.s32 $0x1  }
0x5: {  	s20 =	simm.s32 $0x2000;
	s21 =	simm.s32 $0x2;
	s22 =	simm.s32 $0x4  }
0x6: {  	s23 =	simm.s32 $0x3000;
	s26 =	simm.s32 $0x4000;
	s28 =	simm.s32 $0x0  }
0x7: {  	s0 =	sand.u32 $0x1, s0;
	s4 =	sshll.u32 s24, $0x1;
	[smem:$0x7FF] =	sst s3  }
0x8: {  	s13 =	sadd.s32 $0xF4200, s2;
	s14 =	sadd.s32 $0x3EA400, s1;
	p0 =	sgt.u32 s24, $0x1  }
0x9: {  	s24 =	simm.s32 $0x3;
	s25 =	sor.u32 s0, s4;
	_ =	strace $0x8000004A  }
0xa: {  	s4 =	sadd.s32 $0x19C00, s1;
	s0 =	ssub.s32 $0x2, s0;
	s6 =	smul.u32 $0x7A00, s25  }
0xb: {  	s7 =	sshrl.u32 s0, $0x1;
	s5 =	smul.u32 $0xF4, s25;
	s12 =	sor.u32 $0x1E80, s25  }
.Ltmp0:
0xc: {  	p1 =	sne.s32 s25, $0x4;
	s25 =	simm.s32 $0x5;
	(pc) =	sbr.rel .LBB2_1-.Ltmp0, $4  }
0xd: {  	v0 =	vlaneseq.u32;
	s0 =	ssub.s32 s0, s7;
	s11 =	sshll.u32 s12, $0x7;
	s12 =	sshll.u32 s12, $0x9  }
0xe: {  	v0 =	vmul.u32 $0x80, v0;
	s6 =	sadd.s32 s2, s6;
	s8 =	sor.u32 $0x2, s5;
	s9 =	sor.u32 $0x1, s5  }
0xf: {  	s10 =	sor.u32 $0x3, s5;
	s11 =	sadd.s32 s2, s11;
	s12 =	sadd.s32 s4, s12  }
0x10: {  	v1 =	vor.u32 $0x800, v0;
	s15 =	smax.u32 s0, $0x1;
	s7 =	sadd.s32 $0x80, s6;
	[dreg:$0x3] =	wrdreg s11  }
.LBB2_20:
0x11: {  	s28 =	sadd.s32 $0x1, s28  }
0x12: {  	p2 =	sne.s32 s28, s15  }
.Ltmp1:
0x13: {  	_ = 	snop;
	(pc) =	sbr.rel @!p2 .LBB2_21-.Ltmp1, $1  }
0x14: {  	_ =	sdelay $0x3  }
.LBB2_1:
0x15: {  	[tilespmem:s3], [sflag:$0x1] =	stream.strided.gather [hbm4b:s6+s16], $0x1000, s17, s16, $0x38;
	[tilespmem:$0x5000] =	vst v63  }
0x16: {  	s29 =	simm.s32 $0x0  }
0x17: {  	[tilespmem:s18], [sflag:$0x2] =	stream.strided.gather [hbm4b:s7+s16], $0x1000, s17, s16, $0x38;
	[tilespmem:$0x5000] =	vst v63  }
.LBB2_2:
0x18: {  	s0 =	simm.s32 $0x0  }
0x19: {  	v2 =	vmov s0  }
0x1a: {  	s1 =	simm.s32 $0x1;
	v2 =	vand.u32 $0x7E, v2  }
0x1b: {  	v3 =	vmov s1;
	v2 =	vbroadcast v2, $0x0  }
0x1c: {  	_ =	swait.ge [sflag:s19], $0x1000;
	v3 =	vand.u32 $0x7F, v3  }
0x1d: {  	p2 =	seq.s32 s29, $0x0;
	s11 =	simm.s32 $0x3;
	[sflag:s19] =	ssyncset.done $0x0;
	v3 =	vbroadcast v3, $0x0;
	v4 =	vor.u32 v1, v2  }
0x1e: {  	s30 =	simm.s32 $0x2;
	s1 =	simm.s32 @!p2 $0x3;
	v5 =	vmov s11;
	[sflag:s19] =	ssyncadd.s32 $0xFFFFF000;
	v2 =	vor.u32 v0, v2  }
0x1f: {  	v7 =	vmov s30;
	v5 =	vand.u32 $0x7F, v5;
	_ =	swait.ge @!p2 [sflag:s1], $0x1000;
	v6 =	vor.u32 v0, v3  }
0x20: {  	v7 =	vand.u32 $0x7E, v7;
	v5 =	vbroadcast v5, $0x0;
	[sflag:s1] =	ssyncset.done @!p2 $0x0;
	v3 =	vor.u32 v1, v3  }
0x21: {  	v7 =	vbroadcast v7, $0x0;
	[sflag:s1] =	ssyncadd.s32 @!p2 $0xFFFFF000  }
0x22: {  	v8 =	vor.u32 v0, v5;
	v4 =	vld.idx.msk [tilespmem:v4+s3+$0x0], $0xffff  }
0x23: {  	v10 =	vor.u32 v1, v7;
	s1 =	simm.s32 $0x5;
	v9 =	vld.idx.msk [tilespmem:v2+s3+$0x0], $0xffff  }
0x24: {  	s11 =	simm.s32 $0x4;
	v11 =	vor.u32 v0, v7;
	v6 =	vld.idx.msk [tilespmem:v6+s3+$0x0], $0xffff;
	v2 =	vmov s1  }
0x25: {  	v12 =	vor.u32 v1, v5;
	v13 =	vld.idx.msk [tilespmem:v3+s3+$0x0], $0xffff;
	v3 =	vmov s11;
	v2 =	vand.u32 $0x7F, v2  }
0x26: {  	s31 =	simm.s32 $0x2020;
	v3 =	vand.u32 $0x7E, v3;
	v5 =	vbroadcast v2, $0x0  }
0x27: {  	v2 =	vld.idx.msk [tilespmem:v8+s3+$0x0], $0xffff;
	v14 =	vbroadcast v3, $0x0;
	[tilespmem:s31+$0xFFFFFFF0] =	vst v4  }
0x28: {  	v7 =	vor.u32 v0, v5;
	v4 =	vld.idx.msk [tilespmem:v10+s3+$0x0], $0xffff;
	[tilespmem:s31+$0xFFFFFFE0] =	vst v9  }
0x29: {  	v3 =	vor.u32 v1, v5;
	v5 =	vld.idx.msk [tilespmem:v11+s3+$0x0], $0xffff;
	[tilespmem:s31+$0x0] =	vst v6;
	v9 =	vor.u32 v1, v14  }
0x2a: {  	s30 =	sshll.u32 s29, $0x1;
	s0 =	simm.s32 $0x7;
	s1 =	simm.s32 $0x8;
	v8 =	vor.u32 v0, v14;
	v6 =	vld.idx.msk [tilespmem:v12+s3+$0x0], $0xffff;
	[tilespmem:s31+$0x10] =	vst v13  }
.LBB2_3:
0x2b: {  	s11 =	sadd.s32 $0xFFFFFFFF, s0;
	v10 =	vmov s0;
	s1 =	sadd.s32 $0x4, s1  }
0x2c: {  	s31 =	sadd.s32 $0x40, s31;
	v12 =	vmov v2;
	v11 =	vmov s11;
	v10 =	vand.u32 $0x7F, v10;
	p3 =	slt.u32 s1, $0xFC  }
.Ltmp2:
0x2d: {  	v11 =	vand.u32 $0x7E, v11;
	v10 =	vbroadcast v10, $0x0;
	v2 =	vld.idx.msk [tilespmem:v7+s3+$0x0], $0xffff;
	[tilespmem:s31+$0xFFFFFFF0] =	vst v4;
	(pc) =	sbr.rel @p3 .LBB2_3-.Ltmp2, $4  }
0x2e: {  	v11 =	vbroadcast v11, $0x0;
	v4 =	vld.idx.msk [tilespmem:v9+s3+$0x0], $0xffff;
	[tilespmem:s31+$0xFFFFFFE0] =	vst v5  }
0x2f: {  	v7 =	vor.u32 v0, v10;
	v10 =	vor.u32 v1, v10;
	v5 =	vld.idx.msk [tilespmem:v8+s3+$0x0], $0xffff;
	[tilespmem:s31+$0x0] =	vst v12  }
0x30: {  	v8 =	vor.u32 v0, v11;
	v9 =	vor.u32 v1, v11;
	[tilespmem:s31+$0x10] =	vst v6;
	v6 =	vld.idx.msk [tilespmem:v3+s3+$0x0], $0xffff;
	v3 =	vmov v10  }
0x31: {  	s0 =	sadd.s32 $0x2, s0  }
0x32: {  	_ =	sdelay $0x3  }
0x33: {  	s0 =	sadd.s32 $0x40, s31;
	v9 =	vld.idx.msk [tilespmem:v9+s3+$0x0], $0xffff  }
0x34: {  	v63 =	vld.idx.msk [tilespmem:v8+s3+$0x0], $0xffff;
	[tilespmem:s0+$0xFFFFFFF0] =	vst v4  }
0x35: {  	v7 =	vld.idx.msk [tilespmem:v7+s3+$0x0], $0xffff;
	[tilespmem:s0+$0x0] =	vst v2  }
0x36: {  	v2 =	vld.idx.msk [tilespmem:v3+s3+$0x0], $0xffff;
	[tilespmem:s0+$0xFFFFFFE0] =	vst v5  }
0x37: {  	p3 =	sne.s32 s29, $0x79;
	[tilespmem:s0+$0x10] =	vst v6;
	s0 =	sadd.s32 $0x40, s0  }
.Ltmp3:
0x38: {  	[tilespmem:s0+$0xFFFFFFF0] =	vst v9;
	(pc) =	sbr.rel @p3 .LBB2_6-.Ltmp3, $4  }
0x39: {  	s1 =	sadd.s32 s5, s30;
	[tilespmem:s0+$0xFFFFFFE0] =	vst v63  }
0x3a: {  	s1 =	sshll.u32 s1, $0x9;
	[tilespmem:s0+$0x0] =	vst v7  }
0x3b: {  	s31 =	sadd.s32 s4, s1;
	[tilespmem:s0+$0x10] =	vst v2  }
0x3c: {  	[hbm4b:s31+s3] =	stream.linear.scatter [tilespmem:s20], [sflag:$0x3], $0x1000, $0x38;
	[tilespmem:$0x5000] =	vst v63  }
.Ltmp4:
0x3d: {  	(pc) =	sbr.rel .LBB2_7-.Ltmp4, $4  }
0x3e: {  	_ = 	snop  }
0x3f: {  	_ =	swait.ge [sflag:s21], $0x1000  }
0x40: {  	[sflag:s21] =	ssyncset.done $0x0  }
0x41: {  	[sflag:s21] =	ssyncadd.s32 $0xFFFFF000  }
.LBB2_6:
0x42: {  	s0 =	sadd.s32 s30, s8  }
0x43: {  	s0 =	sshll.u32 s0, $0x7  }
0x44: {  	s0 =	sand.u32 $0x1FFFFF00, s0  }
.Ltmp5:
0x45: {  	s0 =	sadd.s32 s2, s0;
	(pc) =	sbr.rel @p2 .LBB2_8-.Ltmp5, $4  }
0x46: {  	[tilespmem:s3], [sflag:$0x1] =	stream.strided.gather [hbm4b:s0+s16], $0x1000, s17, s16, $0x38;
	[tilespmem:$0x5000] =	vst v63  }
0x47: {  	_ =	swait.ge [sflag:s21], $0x1000  }
0x48: {  	[sflag:s21] =	ssyncset.done $0x0  }
0x49: {  	[sflag:s21] =	ssyncadd.s32 $0xFFFFF000  }
.LBB2_7:
0x4a: {  	_ =	swait.ge [sflag:s22], $0x1000  }
0x4b: {  	[sflag:s22] =	ssyncset.done $0x0  }
0x4c: {  	[sflag:s22] =	ssyncadd.s32 $0xFFFFF000  }
.LBB2_8:
0x4d: {  	s0 =	simm.s32 $0x0  }
0x4e: {  	v2 =	vmov s0  }
0x4f: {  	s1 =	simm.s32 $0x1;
	v2 =	vand.u32 $0x7E, v2  }
0x50: {  	v3 =	vmov s1;
	v2 =	vbroadcast v2, $0x0  }
0x51: {  	v3 =	vand.u32 $0x7F, v3  }
0x52: {  	s11 =	simm.s32 $0x3;
	v3 =	vbroadcast v3, $0x0;
	v4 =	vor.u32 v1, v2  }
0x53: {  	s1 =	simm.s32 $0x2;
	v5 =	vmov s11;
	v2 =	vor.u32 v0, v2  }
0x54: {  	v7 =	vmov s1;
	v5 =	vand.u32 $0x7F, v5;
	v6 =	vor.u32 v0, v3  }
0x55: {  	v7 =	vand.u32 $0x7E, v7;
	v5 =	vbroadcast v5, $0x0;
	v3 =	vor.u32 v1, v3  }
0x56: {  	v7 =	vbroadcast v7, $0x0  }
0x57: {  	v8 =	vor.u32 v0, v5;
	v4 =	vld.idx.msk [tilespmem:v4+s18+$0x0], $0xffff  }
0x58: {  	s1 =	simm.s32 $0x5;
	v10 =	vor.u32 v1, v7;
	v9 =	vld.idx.msk [tilespmem:v2+s18+$0x0], $0xffff  }
0x59: {  	s11 =	simm.s32 $0x4;
	v11 =	vld.idx.msk [tilespmem:v6+s18+$0x0], $0xffff;
	v6 =	vor.u32 v0, v7;
	v2 =	vmov s1  }
0x5a: {  	v5 =	vor.u32 v1, v5;
	v12 =	vld.idx.msk [tilespmem:v3+s18+$0x0], $0xffff;
	v3 =	vmov s11;
	v2 =	vand.u32 $0x7F, v2  }
0x5b: {  	s31 =	simm.s32 $0x3020;
	v3 =	vand.u32 $0x7E, v3;
	v13 =	vbroadcast v2, $0x0  }
0x5c: {  	v2 =	vld.idx.msk [tilespmem:v8+s18+$0x0], $0xffff;
	v14 =	vbroadcast v3, $0x0;
	[tilespmem:s31+$0xFFFFFFF0] =	vst v4  }
0x5d: {  	v7 =	vor.u32 v0, v13;
	v4 =	vld.idx.msk [tilespmem:v10+s18+$0x0], $0xffff;
	[tilespmem:s31+$0xFFFFFFE0] =	vst v9  }
0x5e: {  	v6 =	vld.idx.msk [tilespmem:v6+s18+$0x0], $0xffff;
	[tilespmem:s31+$0x0] =	vst v11;
	v9 =	vor.u32 v1, v14  }
0x5f: {  	s0 =	simm.s32 $0x7;
	s1 =	simm.s32 $0x8;
	v5 =	vld.idx.msk [tilespmem:v5+s18+$0x0], $0xffff;
	v3 =	vor.u32 v1, v13;
	v8 =	vor.u32 v0, v14;
	[tilespmem:s31+$0x10] =	vst v12  }
.LBB2_9:
0x60: {  	s11 =	sadd.s32 $0xFFFFFFFF, s0;
	v10 =	vmov s0;
	s1 =	sadd.s32 $0x4, s1  }
0x61: {  	s31 =	sadd.s32 $0x40, s31;
	v12 =	vmov v2;
	v11 =	vmov s11;
	v10 =	vand.u32 $0x7F, v10;
	p2 =	slt.u32 s1, $0xFC  }
.Ltmp6:
0x62: {  	v11 =	vand.u32 $0x7E, v11;
	v10 =	vbroadcast v10, $0x0;
	v2 =	vld.idx.msk [tilespmem:v7+s18+$0x0], $0xffff;
	[tilespmem:s31+$0xFFFFFFF0] =	vst v4;
	(pc) =	sbr.rel @p2 .LBB2_9-.Ltmp6, $4  }
0x63: {  	v11 =	vbroadcast v11, $0x0;
	v4 =	vld.idx.msk [tilespmem:v9+s18+$0x0], $0xffff;
	[tilespmem:s31+$0xFFFFFFE0] =	vst v6  }
0x64: {  	v7 =	vor.u32 v0, v10;
	v10 =	vor.u32 v1, v10;
	v6 =	vld.idx.msk [tilespmem:v8+s18+$0x0], $0xffff;
	[tilespmem:s31+$0x0] =	vst v12  }
0x65: {  	v8 =	vor.u32 v0, v11;
	v9 =	vor.u32 v1, v11;
	[tilespmem:s31+$0x10] =	vst v5;
	v5 =	vld.idx.msk [tilespmem:v3+s18+$0x0], $0xffff;
	v3 =	vmov v10  }
0x66: {  	s0 =	sadd.s32 $0x2, s0  }
0x67: {  	_ =	sdelay $0x3  }
0x68: {  	s0 =	sadd.s32 $0x40, s31;
	v9 =	vld.idx.msk [tilespmem:v9+s18+$0x0], $0xffff  }
0x69: {  	v63 =	vld.idx.msk [tilespmem:v8+s18+$0x0], $0xffff;
	[tilespmem:s0+$0xFFFFFFF0] =	vst v4  }
0x6a: {  	v7 =	vld.idx.msk [tilespmem:v7+s18+$0x0], $0xffff;
	[tilespmem:s0+$0x0] =	vst v2  }
0x6b: {  	v2 =	vld.idx.msk [tilespmem:v3+s18+$0x0], $0xffff;
	[tilespmem:s0+$0xFFFFFFE0] =	vst v6  }
0x6c: {  	p2 =	seq.s32 s29, $0x79;
	[tilespmem:s0+$0x10] =	vst v5;
	s0 =	sadd.s32 $0x40, s0  }
.Ltmp7:
0x6d: {  	s1 =	sadd.s32 s30, s9;
	[tilespmem:s0+$0xFFFFFFF0] =	vst v9;
	(pc) =	sbr.rel @p2 .LBB2_12-.Ltmp7, $4  }
0x6e: {  	s1 =	sshll.u32 s1, $0x9;
	[tilespmem:s0+$0xFFFFFFE0] =	vst v63  }
0x6f: {  	s1 =	sand.u32 $0x1FFFFE00, s1;
	[tilespmem:s0+$0x0] =	vst v7  }
0x70: {  	s31 =	sadd.s32 s4, s1;
	[tilespmem:s0+$0x10] =	vst v2  }
0x71: {  	[hbm4b:s31+s3] =	stream.linear.scatter [tilespmem:s23], [sflag:$0x4], $0x1000, $0x38;
	[tilespmem:$0x5000] =	vst v63  }
.Ltmp8:
0x72: {  	s0 =	sadd.s32 s30, s10;
	(pc) =	sbr.rel .LBB2_2-.Ltmp8, $4  }
0x73: {  	s0 =	sshll.u32 s0, $0x7  }
0x74: {  	s0 =	sand.u32 $0x1FFFFF80, s0  }
0x75: {  	s29 =	sadd.s32 $0x1, s29;
	s0 =	sadd.s32 s2, s0  }
0x76: {  	[tilespmem:s18], [sflag:$0x2] =	stream.strided.gather [hbm4b:s0+s16], $0x1000, s17, s16, $0x38;
	[tilespmem:$0x5000] =	vst v63  }
.LBB2_12:
0x77: {  	_ =	swait.ge [sflag:s24], $0x1000  }
.Ltmp9:
0x78: {  	[sflag:s24] =	ssyncset.done $0x0;
	(pc) =	sbr.rel @p0 .LBB2_16-.Ltmp9, $4  }
0x79: {  	[sflag:s24] =	ssyncadd.s32 $0xFFFFF000  }
0x7a: {  	_ =	swait.ge [sflag:s22], $0x1000  }
0x7b: {  	[sflag:s22] =	ssyncset.done $0x0  }
0x7c: {  	[sflag:s22] =	ssyncadd.s32 $0xFFFFF000  }
0x7d: {  	s0 =	simm.s32 $0x0  }
0x7e: {  	v2 =	vmov s0  }
0x7f: {  	s31 =	simm.s32 $0x1;
	v2 =	vand.u32 $0x7E, v2  }
0x80: {  	v3 =	vmov s31;
	v2 =	vbroadcast v2, $0x0  }
0x81: {  	s1 =	rddreg [dreg:$0x3];
	s11 =	simm.s32 $0x3;
	v3 =	vand.u32 $0x7F, v3  }
0x82: {  	[tilespmem:s3], [sflag:$0x5] =	stream.strided.gather [hbm4b:s1+s16], $0x1000, s17, s16, $0x38;
	v3 =	vbroadcast v3, $0x0;
	v4 =	vor.u32 v1, v2;
	[tilespmem:$0x5000] =	vst v63  }
0x83: {  	s1 =	simm.s32 $0x2;
	v5 =	vmov s11;
	v2 =	vor.u32 v0, v2  }
0x84: {  	_ =	swait.ge [sflag:s25], $0x1000;
	v7 =	vmov s1;
	v5 =	vand.u32 $0x7F, v5;
	v6 =	vor.u32 v0, v3  }
0x85: {  	[sflag:s25] =	ssyncset.done $0x0;
	v7 =	vand.u32 $0x7E, v7;
	v5 =	vbroadcast v5, $0x0;
	v3 =	vor.u32 v1, v3  }
0x86: {  	[sflag:s25] =	ssyncadd.s32 $0xFFFFF000;
	v7 =	vbroadcast v7, $0x0  }
0x87: {  	v8 =	vor.u32 v0, v5;
	v4 =	vld.idx.msk [tilespmem:v4+s3+$0x0], $0xffff  }
0x88: {  	s30 =	simm.s32 $0x5;
	v10 =	vor.u32 v1, v7;
	v9 =	vld.idx.msk [tilespmem:v2+s3+$0x0], $0xffff  }
0x89: {  	s31 =	simm.s32 $0x4;
	v11 =	vld.idx.msk [tilespmem:v6+s3+$0x0], $0xffff;
	v6 =	vor.u32 v0, v7;
	v2 =	vmov s30  }
0x8a: {  	v5 =	vor.u32 v1, v5;
	v12 =	vld.idx.msk [tilespmem:v3+s3+$0x0], $0xffff;
	v3 =	vmov s31;
	v2 =	vand.u32 $0x7F, v2  }
0x8b: {  	s29 =	simm.s32 $0x2020;
	v3 =	vand.u32 $0x7E, v3;
	v13 =	vbroadcast v2, $0x0  }
0x8c: {  	v2 =	vld.idx.msk [tilespmem:v8+s3+$0x0], $0xffff;
	v14 =	vbroadcast v3, $0x0;
	[tilespmem:s29+$0xFFFFFFF0] =	vst v4  }
0x8d: {  	v7 =	vor.u32 v0, v13;
	v4 =	vld.idx.msk [tilespmem:v10+s3+$0x0], $0xffff;
	[tilespmem:s29+$0xFFFFFFE0] =	vst v9  }
0x8e: {  	v6 =	vld.idx.msk [tilespmem:v6+s3+$0x0], $0xffff;
	[tilespmem:s29+$0x0] =	vst v11;
	v9 =	vor.u32 v1, v14  }
0x8f: {  	s0 =	simm.s32 $0x7;
	s1 =	simm.s32 $0x8;
	v5 =	vld.idx.msk [tilespmem:v5+s3+$0x0], $0xffff;
	v3 =	vor.u32 v1, v13;
	v8 =	vor.u32 v0, v14;
	[tilespmem:s29+$0x10] =	vst v12  }
.LBB2_14:
0x90: {  	s11 =	sadd.s32 $0xFFFFFFFF, s0;
	v10 =	vmov s0;
	s1 =	sadd.s32 $0x4, s1  }
0x91: {  	s29 =	sadd.s32 $0x40, s29;
	v12 =	vmov v2;
	v11 =	vmov s11;
	v10 =	vand.u32 $0x7F, v10;
	p2 =	slt.u32 s1, $0xFC  }
.Ltmp10:
0x92: {  	v11 =	vand.u32 $0x7E, v11;
	v10 =	vbroadcast v10, $0x0;
	v2 =	vld.idx.msk [tilespmem:v7+s3+$0x0], $0xffff;
	[tilespmem:s29+$0xFFFFFFF0] =	vst v4;
	(pc) =	sbr.rel @p2 .LBB2_14-.Ltmp10, $4  }
0x93: {  	v11 =	vbroadcast v11, $0x0;
	v4 =	vld.idx.msk [tilespmem:v9+s3+$0x0], $0xffff;
	[tilespmem:s29+$0xFFFFFFE0] =	vst v6  }
0x94: {  	v7 =	vor.u32 v0, v10;
	v10 =	vor.u32 v1, v10;
	v6 =	vld.idx.msk [tilespmem:v8+s3+$0x0], $0xffff;
	[tilespmem:s29+$0x0] =	vst v12  }
0x95: {  	v8 =	vor.u32 v0, v11;
	v9 =	vor.u32 v1, v11;
	[tilespmem:s29+$0x10] =	vst v5;
	v5 =	vld.idx.msk [tilespmem:v3+s3+$0x0], $0xffff;
	v3 =	vmov v10  }
0x96: {  	s0 =	sadd.s32 $0x2, s0  }
0x97: {  	_ =	sdelay $0x3  }
0x98: {  	s0 =	sadd.s32 $0x40, s29;
	v9 =	vld.idx.msk [tilespmem:v9+s3+$0x0], $0xffff  }
0x99: {  	v63 =	vld.idx.msk [tilespmem:v8+s3+$0x0], $0xffff;
	[tilespmem:s0+$0xFFFFFFF0] =	vst v4  }
0x9a: {  	v7 =	vld.idx.msk [tilespmem:v7+s3+$0x0], $0xffff;
	[tilespmem:s0+$0x0] =	vst v2  }
0x9b: {  	v2 =	vld.idx.msk [tilespmem:v3+s3+$0x0], $0xffff;
	[tilespmem:s0+$0xFFFFFFE0] =	vst v6  }
0x9c: {  	[tilespmem:s0+$0x10] =	vst v5;
	s0 =	sadd.s32 $0x40, s0  }
0x9d: {  	[tilespmem:s0+$0xFFFFFFF0] =	vst v9  }
0x9e: {  	[tilespmem:s0+$0xFFFFFFE0] =	vst v63  }
0x9f: {  	[tilespmem:s0+$0x0] =	vst v7  }
0xa0: {  	[tilespmem:s0+$0x10] =	vst v2  }
0xa1: {  	[hbm4b:s12+s3] =	stream.linear.scatter [tilespmem:s20], [sflag:$0x5], $0x1000, $0x38;
	[tilespmem:$0x5000] =	vst v63  }
0xa2: {  	_ =	swait.ge [sflag:s25], $0x1000  }
0xa3: {  	[sflag:s25] =	ssyncset.done $0x0  }
0xa4: {  	[sflag:s25] =	ssyncadd.s32 $0xFFFFF000  }
.LBB2_16:
.Ltmp11:
0xa5: {  	(pc) =	sbr.rel @p1 .LBB2_20-.Ltmp11, $1  }
0xa6: {  	_ =	sdelay $0x3  }
0xa7: {  	s0 =	simm.s32 $0x0  }
0xa8: {  	v2 =	vmov s0  }
0xa9: {  	s1 =	simm.s32 $0x1;
	v2 =	vand.u32 $0x7E, v2  }
0xaa: {  	v3 =	vmov s1;
	v2 =	vbroadcast v2, $0x0  }
0xab: {  	[tilespmem:s26], [sflag:$0x5] =	stream.strided.gather [hbm4b:s13+s16], $0x1000, s17, s16, $0x38;
	v3 =	vand.u32 $0x7F, v3;
	[tilespmem:$0x5000] =	vst v63  }
0xac: {  	s11 =	simm.s32 $0x3;
	v3 =	vbroadcast v3, $0x0;
	v4 =	vor.u32 v1, v2  }
0xad: {  	s1 =	simm.s32 $0x2;
	v5 =	vmov s11;
	v2 =	vor.u32 v0, v2  }
0xae: {  	_ =	swait.ge [sflag:s25], $0x1000;
	v7 =	vmov s1;
	v5 =	vand.u32 $0x7F, v5;
	v6 =	vor.u32 v0, v3  }
0xaf: {  	[sflag:s25] =	ssyncset.done $0x0;
	v7 =	vand.u32 $0x7E, v7;
	v5 =	vbroadcast v5, $0x0;
	v3 =	vor.u32 v1, v3  }
0xb0: {  	[sflag:s25] =	ssyncadd.s32 $0xFFFFF000;
	v7 =	vbroadcast v7, $0x0  }
0xb1: {  	v8 =	vor.u32 v0, v5;
	v4 =	vld.idx.msk [tilespmem:v4+s26+$0x0], $0xffff  }
0xb2: {  	s30 =	simm.s32 $0x5;
	v10 =	vor.u32 v1, v7;
	v9 =	vld.idx.msk [tilespmem:v2+s26+$0x0], $0xffff  }
0xb3: {  	s31 =	simm.s32 $0x4;
	v11 =	vld.idx.msk [tilespmem:v6+s26+$0x0], $0xffff;
	v6 =	vor.u32 v0, v7;
	v2 =	vmov s30  }
0xb4: {  	v5 =	vor.u32 v1, v5;
	v12 =	vld.idx.msk [tilespmem:v3+s26+$0x0], $0xffff;
	v3 =	vmov s31;
	v2 =	vand.u32 $0x7F, v2  }
0xb5: {  	s29 =	simm.s32 $0x2020;
	v3 =	vand.u32 $0x7E, v3;
	v13 =	vbroadcast v2, $0x0  }
0xb6: {  	v2 =	vld.idx.msk [tilespmem:v8+s26+$0x0], $0xffff;
	v14 =	vbroadcast v3, $0x0;
	[tilespmem:s29+$0xFFFFFFF0] =	vst v4  }
0xb7: {  	v7 =	vor.u32 v0, v13;
	v4 =	vld.idx.msk [tilespmem:v10+s26+$0x0], $0xffff;
	[tilespmem:s29+$0xFFFFFFE0] =	vst v9  }
0xb8: {  	v6 =	vld.idx.msk [tilespmem:v6+s26+$0x0], $0xffff;
	[tilespmem:s29+$0x0] =	vst v11;
	v9 =	vor.u32 v1, v14  }
0xb9: {  	s0 =	simm.s32 $0x7;
	s1 =	simm.s32 $0x8;
	v5 =	vld.idx.msk [tilespmem:v5+s26+$0x0], $0xffff;
	v3 =	vor.u32 v1, v13;
	v8 =	vor.u32 v0, v14;
	[tilespmem:s29+$0x10] =	vst v12  }
.LBB2_18:
0xba: {  	s11 =	sadd.s32 $0xFFFFFFFF, s0;
	v10 =	vmov s0;
	s1 =	sadd.s32 $0x4, s1  }
0xbb: {  	s29 =	sadd.s32 $0x40, s29;
	v12 =	vmov v2;
	v11 =	vmov s11;
	v10 =	vand.u32 $0x7F, v10;
	p2 =	slt.u32 s1, $0x7C  }
.Ltmp12:
0xbc: {  	v11 =	vand.u32 $0x7E, v11;
	v10 =	vbroadcast v10, $0x0;
	v2 =	vld.idx.msk [tilespmem:v7+s26+$0x0], $0xffff;
	[tilespmem:s29+$0xFFFFFFF0] =	vst v4;
	(pc) =	sbr.rel @p2 .LBB2_18-.Ltmp12, $4  }
0xbd: {  	v11 =	vbroadcast v11, $0x0;
	v4 =	vld.idx.msk [tilespmem:v9+s26+$0x0], $0xffff;
	[tilespmem:s29+$0xFFFFFFE0] =	vst v6  }
0xbe: {  	v7 =	vor.u32 v0, v10;
	v10 =	vor.u32 v1, v10;
	v6 =	vld.idx.msk [tilespmem:v8+s26+$0x0], $0xffff;
	[tilespmem:s29+$0x0] =	vst v12  }
0xbf: {  	v8 =	vor.u32 v0, v11;
	v9 =	vor.u32 v1, v11;
	[tilespmem:s29+$0x10] =	vst v5;
	v5 =	vld.idx.msk [tilespmem:v3+s26+$0x0], $0xffff;
	v3 =	vmov v10  }
0xc0: {  	s0 =	sadd.s32 $0x2, s0  }
0xc1: {  	_ =	sdelay $0x3  }
0xc2: {  	s0 =	sadd.s32 $0x40, s29;
	v9 =	vld.idx.msk [tilespmem:v9+s26+$0x0], $0xffff  }
0xc3: {  	v63 =	vld.idx.msk [tilespmem:v8+s26+$0x0], $0xffff;
	[tilespmem:s0+$0xFFFFFFF0] =	vst v4  }
0xc4: {  	v7 =	vld.idx.msk [tilespmem:v7+s26+$0x0], $0xffff;
	[tilespmem:s0+$0x0] =	vst v2  }
0xc5: {  	v2 =	vld.idx.msk [tilespmem:v3+s26+$0x0], $0xffff;
	[tilespmem:s0+$0xFFFFFFE0] =	vst v6  }
0xc6: {  	[tilespmem:s0+$0x10] =	vst v5;
	s0 =	sadd.s32 $0x40, s0  }
0xc7: {  	[tilespmem:s0+$0xFFFFFFF0] =	vst v9  }
0xc8: {  	[tilespmem:s0+$0xFFFFFFE0] =	vst v63  }
0xc9: {  	[tilespmem:s0+$0x0] =	vst v7  }
.Ltmp13:
0xca: {  	[tilespmem:s0+$0x10] =	vst v2;
	(pc) =	sbr.rel .LBB2_20-.Ltmp13, $4  }
0xcb: {  	[hbm4b:s14+s3] =	stream.linear.scatter [tilespmem:s20], [sflag:$0x5], $0x800, $0x38;
	[tilespmem:$0x5000] =	vst v63  }
0xcc: {  	_ =	swait.ge [sflag:s25], $0x800  }
0xcd: {  	[sflag:s25] =	ssyncset.done $0x0  }
0xce: {  	[sflag:s25] =	ssyncadd.s32 $0xFFFFF800  }
.LBB2_21:
0xcf: {  	_ =	sfence.sel $0x180000  }
0xd0: {  	[bflag:$0x0] =	sbarrier.arrive $0xFFFF  }
0xd1: {  	_ =	strace $0x9000004A  }
0xd2: {  	s0 =	stileid.u32;
	[bflag:$0x2] =	sbarrier.arrive $0xFFFF  }
0xd3: {  	p0 =	sne.s32 s0, $0x0;
	s0 =	rddreg [dreg:$0x2]  }
0xd4: {  	s0 =	sadd.s32 @!p0 $0x100000, s0  }
0xd5: {  	[sflag:s0] =	ssyncadd.tile.s32 @!p0 $0x1;
	_ =	shalt  }
.Lfunc_end2:
_tile_overlayer_lowered:
.L_overlay_start_2:
0xd6: {  	(tag) =	ssettag $0x2  }
0xd7: {  	s0 =	rddreg [dreg:$0x0];
	s2 =	stileid.u32  }
0xd8: {  	s1 =	rddreg [dreg:$0x1];
	p0 =	sne.s32 s2, $0x0  }
0xd9: {  	s3 =	rddreg [dreg:$0x2];
	[bflag:$0x3] =	sbarrier.arrive $0xFFFF;
	s2 =	simm.s32 @!p0 $0x1C05  }
0xda: {  	[timem:s3], [sflag:s2] =	dma.local @!p0 [hbm:s0], s1  }
0xdb: {  	s0 =	simm.s32 @!p0 $0x5  }
0xdc: {  	_ =	swait.ge @!p0 [sflag:s0], s1  }
0xdd: {  	s1 =	ssub.s32 @!p0 $0x0, s1;
	[sflag:s0] =	ssyncset.done @!p0 $0x0  }
0xde: {  	[sflag:s0] =	ssyncadd.s32 @!p0 s1  }
0xdf: {  	[bflag:$0x3] =	sbarrier.arrive $0xFFFF  }
0xe0: {  	_ =	shalt  }

</sc_bundles>
